<compile_context>
chip_gen: v7x
topology: tpu7x:2x2x1
jax: 0.10.2.dev20260603
libtpu: 0.0.44.dev20260713+nightly
codegen_flags: <defaults>
</compile_context>

<pallas_src>
import functools

import jax
import jax.numpy as jnp
from jax import lax
from jax.experimental import pallas as pl
from jax.experimental.pallas import tpu as pltpu
from jax.experimental.pallas import tpu_sc as plsc

_T = 4
_H = 12
_NB = 1
_NW = 32
_LANES = 16


def _scores_one(xb, wq_ref, wk_ref):
    N, C = xb.shape
    Np = N - _T
    hd = C // _H
    TH = _T * _H
    scale = hd ** -0.5

    xt = xb[:_T, :]
    f = xb[_T:, :]

    q_rows = [
        lax.dot_general(xt[t:t + 1, :], wq_ref[t], (((1,), (1,)), ((), ())))
        for t in range(_T)
    ]
    q = jnp.concatenate(q_rows, axis=0)

    k = lax.dot_general(f, wk_ref, (((1,), (1,)), ((), ())))

    r_iota = lax.broadcasted_iota(jnp.int32, (TH, C), 0)
    c_iota = lax.broadcasted_iota(jnp.int32, (TH, C), 1)
    hmask = (r_iota % _H) == (c_iota // hd)

    q48 = jnp.broadcast_to(q[:, None, :], (_T, _H, C)).reshape(TH, C)
    qm = jnp.where(hmask, q48, 0.0)
    return lax.dot_general(qm, k, (((1,), (1,)), ((), ()))) * scale


def _tc_scores_body(C):
    def body(x_ref, wq_hbm, wkv_hbm, out_ref, wq_ref, wk_ref, sem):
        @pl.when(pl.program_id(0) == 0)
        def _fetch():
            cq = pltpu.make_async_copy(wq_hbm, wq_ref, sem)
            cq.start()
            ck = pltpu.make_async_copy(wkv_hbm.at[pl.ds(0, C)], wk_ref, sem)
            ck.start()
            cq.wait()
            ck.wait()

        for bi in range(_NB):
            out_ref[bi] = _scores_one(x_ref[bi], wq_ref, wk_ref[...])
    return body


def _expert_one(xb, idx_b, w_b, wv_ref, we_ref):
    N, C = xb.shape
    Np = N - _T
    hd = C // _H
    TH = _T * _H

    f = xb[_T:, :]

    n_iota = lax.broadcasted_iota(jnp.int32, (TH, Np), 1)
    idx1 = idx_b[:, 0:1]
    idx2 = idx_b[:, 1:2]
    w1 = w_b[:, 0:1]
    w2 = w_b[:, 1:2]

    s1 = jnp.where(n_iota == idx1, 1.0, 0.0)
    s2 = jnp.where(n_iota == idx2, 1.0, 0.0)
    d1 = s1 * w1
    d2 = s2 * w2

    r_iota = lax.broadcasted_iota(jnp.int32, (TH, C), 0)
    c_iota = lax.broadcasted_iota(jnp.int32, (TH, C), 1)
    hmask = (r_iota % _H) == (c_iota // hd)

    g1 = lax.dot_general(d1, f, (((1,), (0,)), ((), ())))
    g2 = lax.dot_general(d2, f, (((1,), (0,)), ((), ())))
    gm1 = jnp.where(hmask, g1, 0.0)
    gm2 = jnp.where(hmask, g2, 0.0)

    v = lax.dot_general(g1 + g2, wv_ref, (((1,), (1,)), ((), ())))
    vm = jnp.where(hmask, v, 0.0)
    attn = vm.reshape(_T, _H, C).sum(axis=1)

    tok_rows = []
    c1_rows = []
    c2_rows = []
    for t in range(_T):
        we_t = we_ref[t]
        tok_rows.append(
            lax.dot_general(attn[t:t + 1, :], we_t,
                            (((1,), (1,)), ((), ()))))
        gm_t = jnp.concatenate(
            [gm1[t * _H:(t + 1) * _H, :], gm2[t * _H:(t + 1) * _H, :]], axis=0)
        c_t = lax.dot_general(gm_t, we_t, (((1,), (1,)), ((), ())))
        c1_rows.append(c_t[:_H])
        c2_rows.append(c_t[_H:])
    tok = jnp.concatenate(tok_rows, axis=0)

    c1 = jnp.concatenate(c1_rows, axis=0)
    c2 = jnp.concatenate(c2_rows, axis=0)
    feat = (lax.dot_general(s1, c1, (((0,), (0,)), ((), ()))) +
            lax.dot_general(s2, c2, (((0,), (0,)), ((), ()))))
    return jnp.concatenate([tok, feat], axis=0)


def _tc_expert_body(C):
    def body(x_ref, idx_ref, w_ref, wkv_hbm, we_hbm, out_ref,
             wv_ref, we_ref, sem):
        @pl.when(pl.program_id(0) == 0)
        def _fetch():
            cv = pltpu.make_async_copy(wkv_hbm.at[pl.ds(C, C)], wv_ref, sem)
            cv.start()
            ce = pltpu.make_async_copy(we_hbm, we_ref, sem)
            ce.start()
            cv.wait()
            ce.wait()

        for bi in range(_NB):
            out_ref[bi] = _expert_one(x_ref[bi], idx_ref[bi], w_ref[bi],
                                      wv_ref[...], we_ref)
    return body


def _sc_top2_kernel(rows_per_w, Np):
    n_chunks = Np // _LANES
    neg = jnp.float32(-3.4e38)

    @functools.partial(
        pl.kernel,
        mesh=plsc.VectorSubcoreMesh(core_axis_name="c", subcore_axis_name="s"),
        out_type=[
            jax.ShapeDtypeStruct((_NW, rows_per_w, _LANES), jnp.int32),
            jax.ShapeDtypeStruct((_NW, rows_per_w, _LANES), jnp.float32),
        ],
        scratch_types=[
            pltpu.VMEM((rows_per_w, Np), jnp.float32),
            pltpu.VMEM((rows_per_w, _LANES), jnp.int32),
            pltpu.VMEM((rows_per_w, _LANES), jnp.float32),
        ],
    )
    def top2(scores_hbm, iout_hbm, wout_hbm, srow, ibuf, wbuf):
        wid = lax.axis_index("s") * 2 + lax.axis_index("c")
        pltpu.sync_copy(scores_hbm.at[wid], srow)
        lane = lax.broadcasted_iota(jnp.int32, (_LANES,), 0)
        perms = [jnp.bitwise_xor(lane, s) for s in (8, 4, 2, 1)]

        def splat_max(v):
            for p in perms:
                v = jnp.maximum(v, v.at[p].get(mode="promise_in_bounds"))
            return v

        def splat_min(v):
            for p in perms:
                v = jnp.minimum(v, v.at[p].get(mode="promise_in_bounds"))
            return v

        for r in range(rows_per_w):
            def pass_top2(j, carry):
                vm1, vp1, vm2, vp2 = carry
                v = srow[r, pl.ds(j * _LANES, _LANES)]
                pos = lane + j * _LANES
                gt = v > vm1
                upd2 = v > vm2
                vm2n = jnp.where(gt, vm1, jnp.where(upd2, v, vm2))
                vp2n = jnp.where(gt, vp1, jnp.where(upd2, pos, vp2))
                vm1n = jnp.where(gt, v, vm1)
                vp1n = jnp.where(gt, pos, vp1)
                return vm1n, vp1n, vm2n, vp2n

            vm1, vp1, vm2, vp2 = lax.fori_loop(
                0, n_chunks, pass_top2,
                (jnp.full((_LANES,), neg, jnp.float32),
                 jnp.full((_LANES,), Np, jnp.int32),
                 jnp.full((_LANES,), neg, jnp.float32),
                 jnp.full((_LANES,), Np, jnp.int32)))

            m1 = splat_max(vm1)
            i1 = splat_min(jnp.where(vm1 == m1, vp1, Np))
            owner = (vm1 == m1) & (vp1 == i1)
            cand_v = jnp.where(owner, vm2, vm1)
            cand_p = jnp.where(owner, vp2, vp1)
            m2 = splat_max(cand_v)
            i2 = splat_min(jnp.where(cand_v == m2, cand_p, Np))

            e2 = jnp.exp(m2 - m1)
            den = e2 + 1.0
            w1v = 1.0 / den
            w2v = e2 / den
            wrow = jnp.where(lane == 0, w1v,
                             jnp.where(lane == 1, w2v, 0.0))
            irow = jnp.where(lane == 0, i1,
                             jnp.where(lane == 1, i2, 0))
            ibuf[r] = irow
            wbuf[r] = wrow

        pltpu.sync_copy(ibuf, iout_hbm.at[wid])
        pltpu.sync_copy(wbuf, wout_hbm.at[wid])

    return top2


def _scores_call(xh, Wq, Wkv):
    Bh, N, C = xh.shape
    Np = N - _T
    TH = _T * _H
    return pl.pallas_call(
        _tc_scores_body(C),
        grid=(Bh // _NB,),
        in_specs=[
            pl.BlockSpec((_NB, N, C), lambda g: (g, 0, 0)),
            pl.BlockSpec(memory_space=pltpu.MemorySpace.HBM),
            pl.BlockSpec(memory_space=pltpu.MemorySpace.HBM),
        ],
        out_specs=pl.BlockSpec((_NB, TH, Np), lambda g: (g, 0, 0)),
        out_shape=jax.ShapeDtypeStruct((Bh, TH, Np), jnp.float32),
        scratch_shapes=[
            pltpu.VMEM((_T, C, C), jnp.float32),
            pltpu.VMEM((C, C), jnp.float32),
            pltpu.SemaphoreType.DMA,
        ],
    )(xh, Wq, Wkv)


def _routing_call(scores):
    Bh, TH, Np = scores.shape
    rows_per_w = (Bh * TH) // _NW
    s_rows = scores.reshape(_NW, rows_per_w, Np)
    iout, wout = _sc_top2_kernel(rows_per_w, Np)(s_rows)
    return iout.reshape(Bh, TH, _LANES), wout.reshape(Bh, TH, _LANES)


def _expert_call(xh, idx, w, Wkv, We):
    Bh, N, C = xh.shape
    TH = _T * _H
    return pl.pallas_call(
        _tc_expert_body(C),
        grid=(Bh // _NB,),
        in_specs=[
            pl.BlockSpec((_NB, N, C), lambda g: (g, 0, 0)),
            pl.BlockSpec((_NB, TH, _LANES), lambda g: (g, 0, 0)),
            pl.BlockSpec((_NB, TH, _LANES), lambda g: (g, 0, 0)),
            pl.BlockSpec(memory_space=pltpu.MemorySpace.HBM),
            pl.BlockSpec(memory_space=pltpu.MemorySpace.HBM),
        ],
        out_specs=pl.BlockSpec((_NB, N, C), lambda g: (g, 0, 0)),
        out_shape=jax.ShapeDtypeStruct((Bh, N, C), xh.dtype),
        scratch_shapes=[
            pltpu.VMEM((C, C), jnp.float32),
            pltpu.VMEM((_T, C, C), jnp.float32),
            pltpu.SemaphoreType.DMA,
        ],
    )(xh, idx, w, Wkv, We)


def kernel(x, Wq, Wkv, We):
    scores = _scores_call(x, Wq, Wkv)
    idx, w = _routing_call(scores)
    return _expert_call(x, idx, w, Wkv, We)

# --- scband reference (transcript-rebuilt; emitter-appended) ---
"""Pipeline reference for scband-task-attention-72859825209796 (READ-ONLY COPY).

The authoritative reference and input builder live on the scoring server;
editing this copy changes nothing except your own understanding.
"""

import jax, jax.numpy as jnp
import numpy as np

NUM_TASKS = 4
NUM_HEADS = 12
CAPACITY_FACTOR = 2


def setup_inputs(seed: int = 0) -> dict:
    key = jax.random.key(seed)
    ks = jax.random.split(key, 4)
    B, N, C = 8, 1028, 384
    x = jax.random.normal(ks[0], (B, N, C), dtype=jnp.float32)
    # per-task query projections (torch Linear weight layout [out, in], no bias since qkv_bias=False)
    Wq = jax.random.normal(ks[1], (NUM_TASKS, C, C), dtype=jnp.float32) * (C ** -0.5)
    # shared kv projection [2C, C]
    Wkv = jax.random.normal(ks[2], (2 * C, C), dtype=jnp.float32) * (C ** -0.5)
    # per-task expert projections [T, C, C], bias=False
    We = jax.random.normal(ks[3], (NUM_TASKS, C, C), dtype=jnp.float32) * (C ** -0.5)
    return {"x": x, "Wq": Wq, "Wkv": Wkv, "We": We}


def reference(x, Wq, Wkv, We):
    T, H = NUM_TASKS, NUM_HEADS
    B, N, C = x.shape
    hd = C // H
    scale = hd ** (-0.5)

    feature = x[:, T:, :]                                   # [B, Np, C]
    Np = feature.shape[1]
    feature_multihead = feature.reshape(B, Np, H, hd).transpose(0, 2, 1, 3)  # [B,H,Np,hd]

    kv = (feature @ Wkv.T).reshape(B, Np, 2, H, hd).transpose(2, 0, 3, 1, 4)  # [2,B,H,Np,hd]
    k, v = kv[0], kv[1]

    top_k = max(1, min(CAPACITY_FACTOR, Np))

    x_task = x[:, :T, :]                                    # [B,T,C]
    q = jnp.einsum('btc,tdc->btd', x_task, Wq)              # per-task q projections
    q = q.reshape(B, T, H, hd).transpose(0, 2, 1, 3)        # [B,H,T,hd]

    atten_tf = jnp.einsum('bhtd,bhnd->bhtn', q, k) * scale  # [B,H,T,Np]
    # attn_drop ratio = 0.0 -> identity

    top_val, top_idx = jax.lax.top_k(atten_tf, top_k)       # [B,H,T,topk]
    top_sm = jax.nn.softmax(top_val, axis=-1)

    bb = jnp.arange(B)[:, None, None, None]
    hh = jnp.arange(H)[None, :, None, None]
    tt = jnp.arange(T)[None, None, :, None]

    atten_topk = jnp.zeros_like(atten_tf).at[bb, hh, tt, top_idx].set(top_sm)  # scatter
    attn_token = jnp.einsum('bhtn,bhnd->bhtd', atten_topk, v)
    attn_token = attn_token.transpose(0, 2, 1, 3).reshape(B, T, C)             # [B,T,C]

    fm_expand = jnp.broadcast_to(feature_multihead[:, :, None], (B, H, T, Np, hd))
    feature_topk = jnp.take_along_axis(fm_expand, top_idx[..., None], axis=3)  # gather [B,H,T,topk,hd]
    feature_topk = feature_topk * top_sm[..., None]
    feature_pad = jnp.zeros((B, H, T, Np, hd), x.dtype).at[bb, hh, tt, top_idx].set(feature_topk)
    feature_pad = feature_pad.transpose(0, 2, 3, 1, 4).reshape(B, T, Np, C)    # [B,T,Np,C]

    feature_output = jnp.einsum('btnc,tdc->btnd', feature_pad, We)             # per-task experts
    token_output = jnp.einsum('btc,tdc->btd', attn_token, We)

    task_topk_weight = jnp.ones_like(feature_output)
    feature_output = jnp.einsum('btnc,btnc->bnc', feature_output, task_topk_weight)

    output = jnp.concatenate([token_output, feature_output], axis=1)           # [B, N, C]
    return output

if __name__ == "__main__":
    import jax
    _d = setup_inputs()
    print(jax.jit(kernel)(*tuple(_d.values())))

</pallas_src>

<mosaic_0001>
#map = affine_map<(d0, d1) -> (0, 0, 0)>
#map1 = affine_map<(d0, d1) -> (0)>
module attributes {stable_mosaic.version = 14 : i64} {
  func.func @_rewritten_body(%arg0: i32, %arg1: i32, %arg2: memref<32x12x1024xf32, #tpu.memory_space<hbm>>, %arg3: memref<1xf32, #tpu.memory_space<hbm>>, %arg4: memref<32x12x16xi32, #tpu.memory_space<hbm>>, %arg5: memref<32x12x16xf32, #tpu.memory_space<hbm>>, %arg6: memref<12x1024xf32, #tpu.memory_space<vmem>>, %arg7: memref<12x16xi32, #tpu.memory_space<vmem>>, %arg8: memref<12x16xf32, #tpu.memory_space<vmem>>) attributes {dimension_semantics = [#tpu.dimension_semantics<core_parallel>, #tpu.dimension_semantics<subcore_parallel>], iteration_bounds = array<i64: 2, 16>, scalar_prefetch = 0 : i64, scratch_operands = 3 : i64, tpu.core_type = #tpu.core_type<sc_vector_subcore>, window_params = [{transform_indices = #map}, {transform_indices = #map1}, {transform_indices = #map}, {transform_indices = #map}]} {
    %empty_ref3A = memref.alloca() : memref<16xf32, #tpu.memory_space<vmem>>
    "tpu.region"() ({
      %run_scoped3A = tpu.sem_alloc : memref<!tpu.dma_semaphore, #tpu.memory_space<semaphore_mem>>
      %dma_start3A = arith.constant 0 : i32
      %dma_start3A_2904 = tpu.memref_slice %empty_ref3A[%dma_start3A] : memref<16xf32, #tpu.memory_space<vmem>> -> memref<1xf32, #tpu.memory_space<vmem>>
      %dma_start3A_2905 = arith.constant 0 : i32
      %dma_start3A_2906 = tpu.memref_slice %empty_ref3A[%dma_start3A_2905] : memref<16xf32, #tpu.memory_space<vmem>> -> memref<1xf32, #tpu.memory_space<vmem>>
      tpu.enqueue_dma source(%arg3 : memref<1xf32, #tpu.memory_space<hbm>>) target(%dma_start3A_2906 : memref<1xf32, #tpu.memory_space<vmem>>) target_semaphore(%run_scoped3A : memref<!tpu.dma_semaphore, #tpu.memory_space<semaphore_mem>>)
      %dma_wait3A = arith.constant 0 : i32
      %dma_wait3A_2907 = tpu.memref_slice %empty_ref3A[%dma_wait3A] : memref<16xf32, #tpu.memory_space<vmem>> -> memref<1xf32, #tpu.memory_space<vmem>>
      %dma_wait3A_2908 = arith.constant 0 : i32
      %dma_wait3A_2909 = tpu.memref_slice %empty_ref3A[%dma_wait3A_2908] : memref<16xf32, #tpu.memory_space<vmem>> -> memref<1xf32, #tpu.memory_space<vmem>>
      tpu.wait_dma2 semaphore(%run_scoped3A : memref<!tpu.dma_semaphore, #tpu.memory_space<semaphore_mem>>) src(%arg3 : memref<1xf32, #tpu.memory_space<hbm>>) dst(%dma_wait3A_2909 : memref<1xf32, #tpu.memory_space<vmem>>)
      tpu.yield
    }) : () -> ()
    %get3A = arith.constant 0 : index
    %get3A_0 = tpu.vector_load %empty_ref3A[%get3A] {strides = array<i32>} : memref<16xf32, #tpu.memory_space<vmem>>, vector<16xf32>,
    %get3A_1 = vector.shape_cast %get3A_0 : vector<16xf32> to vector<16xf32>
    %slice3A = vector.extract_strided_slice %get3A_1 {offsets = [0], sizes = [1], strides = [1]} : vector<16xf32> to vector<1xf32>
    %squeeze3A = vector.extract %slice3A[0] : f32 from vector<1xf32>
    %mul3A = arith.constant 2 : i32
    %mul3A_2 = arith.muli %arg1, %mul3A : i32
    %add3A = arith.addi %mul3A_2, %arg0 : i32
    "tpu.region"() ({
      %run_scoped3A = tpu.sem_alloc : memref<!tpu.dma_semaphore, #tpu.memory_space<semaphore_mem>>
      %dma_start3A = arith.constant 0 : i32
      %dma_start3A_2904 = arith.constant 0 : i32
      %dma_start3A_2905 = tpu.memref_slice %arg2[%add3A, %dma_start3A, %dma_start3A_2904] : memref<32x12x1024xf32, #tpu.memory_space<hbm>> -> memref<1x12x1024xf32, #tpu.memory_space<hbm>>
      %dma_start3A_2906 = tpu.memref_squeeze %dma_start3A_2905 : memref<1x12x1024xf32, #tpu.memory_space<hbm>> -> memref<12x1024xf32, #tpu.memory_space<hbm>>
      %dma_start3A_2907 = arith.constant 0 : i32
      %dma_start3A_2908 = arith.constant 0 : i32
      %dma_start3A_2909 = tpu.memref_slice %arg2[%add3A, %dma_start3A_2907, %dma_start3A_2908] : memref<32x12x1024xf32, #tpu.memory_space<hbm>> -> memref<1x12x1024xf32, #tpu.memory_space<hbm>>
      %dma_start3A_2910 = tpu.memref_squeeze %dma_start3A_2909 : memref<1x12x1024xf32, #tpu.memory_space<hbm>> -> memref<12x1024xf32, #tpu.memory_space<hbm>>
      tpu.enqueue_dma source(%dma_start3A_2910 : memref<12x1024xf32, #tpu.memory_space<hbm>>) target(%arg6 : memref<12x1024xf32, #tpu.memory_space<vmem>>) target_semaphore(%run_scoped3A : memref<!tpu.dma_semaphore, #tpu.memory_space<semaphore_mem>>)
      %dma_wait3A = arith.constant 0 : i32
      %dma_wait3A_2911 = arith.constant 0 : i32
      %dma_wait3A_2912 = tpu.memref_slice %arg2[%add3A, %dma_wait3A, %dma_wait3A_2911] : memref<32x12x1024xf32, #tpu.memory_space<hbm>> -> memref<1x12x1024xf32, #tpu.memory_space<hbm>>
      %dma_wait3A_2913 = tpu.memref_squeeze %dma_wait3A_2912 : memref<1x12x1024xf32, #tpu.memory_space<hbm>> -> memref<12x1024xf32, #tpu.memory_space<hbm>>
      %dma_wait3A_2914 = arith.constant 0 : i32
      %dma_wait3A_2915 = arith.constant 0 : i32
      %dma_wait3A_2916 = tpu.memref_slice %arg2[%add3A, %dma_wait3A_2914, %dma_wait3A_2915] : memref<32x12x1024xf32, #tpu.memory_space<hbm>> -> memref<1x12x1024xf32, #tpu.memory_space<hbm>>
      %dma_wait3A_2917 = tpu.memref_squeeze %dma_wait3A_2916 : memref<1x12x1024xf32, #tpu.memory_space<hbm>> -> memref<12x1024xf32, #tpu.memory_space<hbm>>
      tpu.wait_dma2 semaphore(%run_scoped3A : memref<!tpu.dma_semaphore, #tpu.memory_space<semaphore_mem>>) src(%dma_wait3A_2917 : memref<12x1024xf32, #tpu.memory_space<hbm>>) dst(%arg6 : memref<12x1024xf32, #tpu.memory_space<vmem>>)
      tpu.yield
    }) : () -> ()
    %iota3A = tpu.iota {dimensions = array<i32: 0>} : vector<16xi32>
    %xor3A = arith.constant 8 : i32
    %xor3A_3 = vector.broadcast %xor3A : i32 to vector<16xi32>
    %xor3A_4 = arith.xori %iota3A, %xor3A_3 : vector<16xi32>
    %xor3A_5 = arith.constant 4 : i32
    %xor3A_6 = vector.broadcast %xor3A_5 : i32 to vector<16xi32>
    %xor3A_7 = arith.xori %iota3A, %xor3A_6 : vector<16xi32>
    %xor3A_8 = arith.constant 2 : i32
    %xor3A_9 = vector.broadcast %xor3A_8 : i32 to vector<16xi32>
    %xor3A_10 = arith.xori %iota3A, %xor3A_9 : vector<16xi32>
    %xor3A_11 = arith.constant 1 : i32
    %xor3A_12 = vector.broadcast %xor3A_11 : i32 to vector<16xi32>
    %xor3A_13 = arith.xori %iota3A, %xor3A_12 : vector<16xi32>
    %broadcast_in_dim3A = vector.broadcast %squeeze3A : f32 to vector<16xf32>
    %broadcast_in_dim3A_14 = arith.constant 1024 : i32
    %broadcast_in_dim3A_15 = vector.broadcast %broadcast_in_dim3A_14 : i32 to vector<16xi32>
    %broadcast_in_dim3A_16 = vector.broadcast %squeeze3A : f32 to vector<16xf32>
    %broadcast_in_dim3A_17 = arith.constant 1024 : i32
    %broadcast_in_dim3A_18 = vector.broadcast %broadcast_in_dim3A_17 : i32 to vector<16xi32>
    %scan3A = arith.constant 0 : i32
    %scan3A_19 = arith.constant 64 : i32
    %scan3A_20 = arith.addi %scan3A, %scan3A_19 : i32
    %scan3A_21 = arith.constant 1 : i32
    %scan3A_22:4 = scf.for %scan3A_2904 = %scan3A to %scan3A_20 step %scan3A_21 iter_args(%scan3A_2905 = %broadcast_in_dim3A, %scan3A_2906 = %broadcast_in_dim3A_15, %scan3A_2907 = %broadcast_in_dim3A_16, %scan3A_2908 = %broadcast_in_dim3A_18) -> (vector<16xf32>, vector<16xi32>, vector<16xf32>, vector<16xi32>)  : i32 {
      %mul3A_2909 = arith.constant 16 : i32
      %mul3A_2910 = arith.muli %scan3A_2904, %mul3A_2909 : i32
      %get3A_2911 = arith.constant 0 : i32
      %get3A_2912 = arith.index_cast %get3A_2911 : i32 to index
      %get3A_2913 = arith.index_cast %mul3A_2910 : i32 to index
      %get3A_2914 = tpu.vector_load %arg6[%get3A_2912, %get3A_2913] {strides = array<i32>} : memref<12x1024xf32, #tpu.memory_space<vmem>>, vector<1x16xf32>,
      %get3A_2915 = vector.shape_cast %get3A_2914 : vector<1x16xf32> to vector<16xf32>
      %mul3A_2916 = arith.constant 16 : i32
      %mul3A_2917 = arith.muli %scan3A_2904, %mul3A_2916 : i32
      %add3A_2918 = vector.broadcast %mul3A_2917 : i32 to vector<16xi32>
      %add3A_2919 = arith.addi %iota3A, %add3A_2918 : vector<16xi32>
      %gt3A = arith.cmpf ogt, %get3A_2915, %scan3A_2905 : vector<16xf32>
      %gt3A_2920 = arith.cmpf ogt, %get3A_2915, %scan3A_2907 : vector<16xf32>
      %select_n3A_2921 = arith.select %gt3A_2920, %get3A_2915, %scan3A_2907 : vector<16xi1>, vector<16xf32>
      %select_n3A_2922 = arith.select %gt3A, %scan3A_2905, %select_n3A_2921 : vector<16xi1>, vector<16xf32>
      %select_n3A_2923 = arith.select %gt3A_2920, %add3A_2919, %scan3A_2908 : vector<16xi1>, vector<16xi32>
      %select_n3A_2924 = arith.select %gt3A, %scan3A_2906, %select_n3A_2923 : vector<16xi1>, vector<16xi32>
      %select_n3A_2925 = arith.select %gt3A, %get3A_2915, %scan3A_2905 : vector<16xi1>, vector<16xf32>
      %select_n3A_2926 = arith.select %gt3A, %add3A_2919, %scan3A_2906 : vector<16xi1>, vector<16xi32>
      scf.yield %select_n3A_2925, %select_n3A_2926, %select_n3A_2922, %select_n3A_2924 : vector<16xf32>, vector<16xi32>, vector<16xf32>, vector<16xi32>
    }
    %scan3A_23 = arith.constant 64 : i32
    %lt3A = arith.constant 0 : i32
    %lt3A_24 = vector.broadcast %lt3A : i32 to vector<16xi32>
    %lt3A_25 = arith.cmpi slt, %xor3A_4, %lt3A_24 : vector<16xi32>
    %add3A_26 = arith.constant 16 : i32
    %add3A_27 = vector.broadcast %add3A_26 : i32 to vector<16xi32>
    %add3A_28 = arith.addi %xor3A_4, %add3A_27 : vector<16xi32>
    %select_n3A = arith.select %lt3A_25, %add3A_28, %xor3A_4 : vector<16xi1>, vector<16xi32>
    %broadcast_in_dim3A_29 = vector.shape_cast %select_n3A : vector<16xi32> to vector<16x1xi32>
    %gather3A = vector.shape_cast %broadcast_in_dim3A_29 : vector<16x1xi32> to vector<16xi32>
    %gather3A_30 = tpu.dynamic_gather %scan3A_22#0[%gather3A] in [0] : vector<16xf32>, vector<16xi32> -> vector<16xf32>
    %max3A = arith.maximumf %scan3A_22#0, %gather3A_30 : vector<16xf32>
    %lt3A_31 = arith.constant 0 : i32
    %lt3A_32 = vector.broadcast %lt3A_31 : i32 to vector<16xi32>
    %lt3A_33 = arith.cmpi slt, %xor3A_7, %lt3A_32 : vector<16xi32>
    %add3A_34 = arith.constant 16 : i32
    %add3A_35 = vector.broadcast %add3A_34 : i32 to vector<16xi32>
    %add3A_36 = arith.addi %xor3A_7, %add3A_35 : vector<16xi32>
    %select_n3A_37 = arith.select %lt3A_33, %add3A_36, %xor3A_7 : vector<16xi1>, vector<16xi32>
    %broadcast_in_dim3A_38 = vector.shape_cast %select_n3A_37 : vector<16xi32> to vector<16x1xi32>
    %gather3A_39 = vector.shape_cast %broadcast_in_dim3A_38 : vector<16x1xi32> to vector<16xi32>
    %gather3A_40 = tpu.dynamic_gather %max3A[%gather3A_39] in [0] : vector<16xf32>, vector<16xi32> -> vector<16xf32>
    %max3A_41 = arith.maximumf %max3A, %gather3A_40 : vector<16xf32>
    %lt3A_42 = arith.constant 0 : i32
    %lt3A_43 = vector.broadcast %lt3A_42 : i32 to vector<16xi32>
    %lt3A_44 = arith.cmpi slt, %xor3A_10, %lt3A_43 : vector<16xi32>
    %add3A_45 = arith.constant 16 : i32
    %add3A_46 = vector.broadcast %add3A_45 : i32 to vector<16xi32>
    %add3A_47 = arith.addi %xor3A_10, %add3A_46 : vector<16xi32>
    %select_n3A_48 = arith.select %lt3A_44, %add3A_47, %xor3A_10 : vector<16xi1>, vector<16xi32>
    %broadcast_in_dim3A_49 = vector.shape_cast %select_n3A_48 : vector<16xi32> to vector<16x1xi32>
    %gather3A_50 = vector.shape_cast %broadcast_in_dim3A_49 : vector<16x1xi32> to vector<16xi32>
    %gather3A_51 = tpu.dynamic_gather %max3A_41[%gather3A_50] in [0] : vector<16xf32>, vector<16xi32> -> vector<16xf32>
    %max3A_52 = arith.maximumf %max3A_41, %gather3A_51 : vector<16xf32>
    %lt3A_53 = arith.constant 0 : i32
    %lt3A_54 = vector.broadcast %lt3A_53 : i32 to vector<16xi32>
    %lt3A_55 = arith.cmpi slt, %xor3A_13, %lt3A_54 : vector<16xi32>
    %add3A_56 = arith.constant 16 : i32
    %add3A_57 = vector.broadcast %add3A_56 : i32 to vector<16xi32>
    %add3A_58 = arith.addi %xor3A_13, %add3A_57 : vector<16xi32>
    %select_n3A_59 = arith.select %lt3A_55, %add3A_58, %xor3A_13 : vector<16xi1>, vector<16xi32>
    %broadcast_in_dim3A_60 = vector.shape_cast %select_n3A_59 : vector<16xi32> to vector<16x1xi32>
    %gather3A_61 = vector.shape_cast %broadcast_in_dim3A_60 : vector<16x1xi32> to vector<16xi32>
    %gather3A_62 = tpu.dynamic_gather %max3A_52[%gather3A_61] in [0] : vector<16xf32>, vector<16xi32> -> vector<16xf32>
    %max3A_63 = arith.maximumf %max3A_52, %gather3A_62 : vector<16xf32>
    %eq3A = arith.cmpf oeq, %scan3A_22#0, %max3A_63 : vector<16xf32>
    %jit3A = arith.constant 1024 : i32
    %broadcast_in_dim3A_64 = vector.broadcast %jit3A : i32 to vector<16xi32>
    %select_n3A_65 = arith.select %eq3A, %scan3A_22#1, %broadcast_in_dim3A_64 : vector<16xi1>, vector<16xi32>
    %lt3A_66 = arith.constant 0 : i32
    %lt3A_67 = vector.broadcast %lt3A_66 : i32 to vector<16xi32>
    %lt3A_68 = arith.cmpi slt, %xor3A_4, %lt3A_67 : vector<16xi32>
    %add3A_69 = arith.constant 16 : i32
    %add3A_70 = vector.broadcast %add3A_69 : i32 to vector<16xi32>
    %add3A_71 = arith.addi %xor3A_4, %add3A_70 : vector<16xi32>
    %select_n3A_72 = arith.select %lt3A_68, %add3A_71, %xor3A_4 : vector<16xi1>, vector<16xi32>
    %broadcast_in_dim3A_73 = vector.shape_cast %select_n3A_72 : vector<16xi32> to vector<16x1xi32>
    %gather3A_74 = vector.shape_cast %broadcast_in_dim3A_73 : vector<16x1xi32> to vector<16xi32>
    %gather3A_75 = tpu.dynamic_gather %select_n3A_65[%gather3A_74] in [0] : vector<16xi32>, vector<16xi32> -> vector<16xi32>
    %min3A = arith.minsi %select_n3A_65, %gather3A_75 : vector<16xi32>
    %lt3A_76 = arith.constant 0 : i32
    %lt3A_77 = vector.broadcast %lt3A_76 : i32 to vector<16xi32>
    %lt3A_78 = arith.cmpi slt, %xor3A_7, %lt3A_77 : vector<16xi32>
    %add3A_79 = arith.constant 16 : i32
    %add3A_80 = vector.broadcast %add3A_79 : i32 to vector<16xi32>
    %add3A_81 = arith.addi %xor3A_7, %add3A_80 : vector<16xi32>
    %select_n3A_82 = arith.select %lt3A_78, %add3A_81, %xor3A_7 : vector<16xi1>, vector<16xi32>
    %broadcast_in_dim3A_83 = vector.shape_cast %select_n3A_82 : vector<16xi32> to vector<16x1xi32>
    %gather3A_84 = vector.shape_cast %broadcast_in_dim3A_83 : vector<16x1xi32> to vector<16xi32>
    %gather3A_85 = tpu.dynamic_gather %min3A[%gather3A_84] in [0] : vector<16xi32>, vector<16xi32> -> vector<16xi32>
    %min3A_86 = arith.minsi %min3A, %gather3A_85 : vector<16xi32>
    %lt3A_87 = arith.constant 0 : i32
    %lt3A_88 = vector.broadcast %lt3A_87 : i32 to vector<16xi32>
    %lt3A_89 = arith.cmpi slt, %xor3A_10, %lt3A_88 : vector<16xi32>
    %add3A_90 = arith.constant 16 : i32
    %add3A_91 = vector.broadcast %add3A_90 : i32 to vector<16xi32>
    %add3A_92 = arith.addi %xor3A_10, %add3A_91 : vector<16xi32>
    %select_n3A_93 = arith.select %lt3A_89, %add3A_92, %xor3A_10 : vector<16xi1>, vector<16xi32>
    %broadcast_in_dim3A_94 = vector.shape_cast %select_n3A_93 : vector<16xi32> to vector<16x1xi32>
    %gather3A_95 = vector.shape_cast %broadcast_in_dim3A_94 : vector<16x1xi32> to vector<16xi32>
    %gather3A_96 = tpu.dynamic_gather %min3A_86[%gather3A_95] in [0] : vector<16xi32>, vector<16xi32> -> vector<16xi32>
    %min3A_97 = arith.minsi %min3A_86, %gather3A_96 : vector<16xi32>
    %lt3A_98 = arith.constant 0 : i32
    %lt3A_99 = vector.broadcast %lt3A_98 : i32 to vector<16xi32>
    %lt3A_100 = arith.cmpi slt, %xor3A_13, %lt3A_99 : vector<16xi32>
    %add3A_101 = arith.constant 16 : i32
    %add3A_102 = vector.broadcast %add3A_101 : i32 to vector<16xi32>
    %add3A_103 = arith.addi %xor3A_13, %add3A_102 : vector<16xi32>
    %select_n3A_104 = arith.select %lt3A_100, %add3A_103, %xor3A_13 : vector<16xi1>, vector<16xi32>
    %broadcast_in_dim3A_105 = vector.shape_cast %select_n3A_104 : vector<16xi32> to vector<16x1xi32>
    %gather3A_106 = vector.shape_cast %broadcast_in_dim3A_105 : vector<16x1xi32> to vector<16xi32>
    %gather3A_107 = tpu.dynamic_gather %min3A_97[%gather3A_106] in [0] : vector<16xi32>, vector<16xi32> -> vector<16xi32>
    %min3A_108 = arith.minsi %min3A_97, %gather3A_107 : vector<16xi32>
    %eq3A_109 = arith.cmpf oeq, %scan3A_22#0, %max3A_63 : vector<16xf32>
    %eq3A_110 = arith.cmpi eq, %scan3A_22#1, %min3A_108 : vector<16xi32>
    %and3A = arith.andi %eq3A_109, %eq3A_110 : vector<16xi1>
    %select_n3A_111 = arith.select %and3A, %scan3A_22#2, %scan3A_22#0 : vector<16xi1>, vector<16xf32>
    %select_n3A_112 = arith.select %and3A, %scan3A_22#3, %scan3A_22#1 : vector<16xi1>, vector<16xi32>
    %lt3A_113 = arith.constant 0 : i32
    %lt3A_114 = vector.broadcast %lt3A_113 : i32 to vector<16xi32>
    %lt3A_115 = arith.cmpi slt, %xor3A_4, %lt3A_114 : vector<16xi32>
    %add3A_116 = arith.constant 16 : i32
    %add3A_117 = vector.broadcast %add3A_116 : i32 to vector<16xi32>
    %add3A_118 = arith.addi %xor3A_4, %add3A_117 : vector<16xi32>
    %select_n3A_119 = arith.select %lt3A_115, %add3A_118, %xor3A_4 : vector<16xi1>, vector<16xi32>
    %broadcast_in_dim3A_120 = vector.shape_cast %select_n3A_119 : vector<16xi32> to vector<16x1xi32>
    %gather3A_121 = vector.shape_cast %broadcast_in_dim3A_120 : vector<16x1xi32> to vector<16xi32>
    %gather3A_122 = tpu.dynamic_gather %select_n3A_111[%gather3A_121] in [0] : vector<16xf32>, vector<16xi32> -> vector<16xf32>
    %max3A_123 = arith.maximumf %select_n3A_111, %gather3A_122 : vector<16xf32>
    %lt3A_124 = arith.constant 0 : i32
    %lt3A_125 = vector.broadcast %lt3A_124 : i32 to vector<16xi32>
    %lt3A_126 = arith.cmpi slt, %xor3A_7, %lt3A_125 : vector<16xi32>
    %add3A_127 = arith.constant 16 : i32
    %add3A_128 = vector.broadcast %add3A_127 : i32 to vector<16xi32>
    %add3A_129 = arith.addi %xor3A_7, %add3A_128 : vector<16xi32>
    %select_n3A_130 = arith.select %lt3A_126, %add3A_129, %xor3A_7 : vector<16xi1>, vector<16xi32>
    %broadcast_in_dim3A_131 = vector.shape_cast %select_n3A_130 : vector<16xi32> to vector<16x1xi32>
    %gather3A_132 = vector.shape_cast %broadcast_in_dim3A_131 : vector<16x1xi32> to vector<16xi32>
    %gather3A_133 = tpu.dynamic_gather %max3A_123[%gather3A_132] in [0] : vector<16xf32>, vector<16xi32> -> vector<16xf32>
    %max3A_134 = arith.maximumf %max3A_123, %gather3A_133 : vector<16xf32>
    %lt3A_135 = arith.constant 0 : i32
    %lt3A_136 = vector.broadcast %lt3A_135 : i32 to vector<16xi32>
    %lt3A_137 = arith.cmpi slt, %xor3A_10, %lt3A_136 : vector<16xi32>
    %add3A_138 = arith.constant 16 : i32
    %add3A_139 = vector.broadcast %add3A_138 : i32 to vector<16xi32>
    %add3A_140 = arith.addi %xor3A_10, %add3A_139 : vector<16xi32>
    %select_n3A_141 = arith.select %lt3A_137, %add3A_140, %xor3A_10 : vector<16xi1>, vector<16xi32>
    %broadcast_in_dim3A_142 = vector.shape_cast %select_n3A_141 : vector<16xi32> to vector<16x1xi32>
    %gather3A_143 = vector.shape_cast %broadcast_in_dim3A_142 : vector<16x1xi32> to vector<16xi32>
    %gather3A_144 = tpu.dynamic_gather %max3A_134[%gather3A_143] in [0] : vector<16xf32>, vector<16xi32> -> vector<16xf32>
    %max3A_145 = arith.maximumf %max3A_134, %gather3A_144 : vector<16xf32>
    %lt3A_146 = arith.constant 0 : i32
    %lt3A_147 = vector.broadcast %lt3A_146 : i32 to vector<16xi32>
    %lt3A_148 = arith.cmpi slt, %xor3A_13, %lt3A_147 : vector<16xi32>
    %add3A_149 = arith.constant 16 : i32
    %add3A_150 = vector.broadcast %add3A_149 : i32 to vector<16xi32>
    %add3A_151 = arith.addi %xor3A_13, %add3A_150 : vector<16xi32>
    %select_n3A_152 = arith.select %lt3A_148, %add3A_151, %xor3A_13 : vector<16xi1>, vector<16xi32>
    %broadcast_in_dim3A_153 = vector.shape_cast %select_n3A_152 : vector<16xi32> to vector<16x1xi32>
    %gather3A_154 = vector.shape_cast %broadcast_in_dim3A_153 : vector<16x1xi32> to vector<16xi32>
    %gather3A_155 = tpu.dynamic_gather %max3A_145[%gather3A_154] in [0] : vector<16xf32>, vector<16xi32> -> vector<16xf32>
    %max3A_156 = arith.maximumf %max3A_145, %gather3A_155 : vector<16xf32>
    %eq3A_157 = arith.cmpf oeq, %select_n3A_111, %max3A_156 : vector<16xf32>
    %jit3A_158 = arith.constant 1024 : i32
    %broadcast_in_dim3A_159 = vector.broadcast %jit3A_158 : i32 to vector<16xi32>
    %select_n3A_160 = arith.select %eq3A_157, %select_n3A_112, %broadcast_in_dim3A_159 : vector<16xi1>, vector<16xi32>
    %lt3A_161 = arith.constant 0 : i32
    %lt3A_162 = vector.broadcast %lt3A_161 : i32 to vector<16xi32>
    %lt3A_163 = arith.cmpi slt, %xor3A_4, %lt3A_162 : vector<16xi32>
    %add3A_164 = arith.constant 16 : i32
    %add3A_165 = vector.broadcast %add3A_164 : i32 to vector<16xi32>
    %add3A_166 = arith.addi %xor3A_4, %add3A_165 : vector<16xi32>
    %select_n3A_167 = arith.select %lt3A_163, %add3A_166, %xor3A_4 : vector<16xi1>, vector<16xi32>
    %broadcast_in_dim3A_168 = vector.shape_cast %select_n3A_167 : vector<16xi32> to vector<16x1xi32>
    %gather3A_169 = vector.shape_cast %broadcast_in_dim3A_168 : vector<16x1xi32> to vector<16xi32>
    %gather3A_170 = tpu.dynamic_gather %select_n3A_160[%gather3A_169] in [0] : vector<16xi32>, vector<16xi32> -> vector<16xi32>
    %min3A_171 = arith.minsi %select_n3A_160, %gather3A_170 : vector<16xi32>
    %lt3A_172 = arith.constant 0 : i32
    %lt3A_173 = vector.broadcast %lt3A_172 : i32 to vector<16xi32>
    %lt3A_174 = arith.cmpi slt, %xor3A_7, %lt3A_173 : vector<16xi32>
    %add3A_175 = arith.constant 16 : i32
    %add3A_176 = vector.broadcast %add3A_175 : i32 to vector<16xi32>
    %add3A_177 = arith.addi %xor3A_7, %add3A_176 : vector<16xi32>
    %select_n3A_178 = arith.select %lt3A_174, %add3A_177, %xor3A_7 : vector<16xi1>, vector<16xi32>
    %broadcast_in_dim3A_179 = vector.shape_cast %select_n3A_178 : vector<16xi32> to vector<16x1xi32>
    %gather3A_180 = vector.shape_cast %broadcast_in_dim3A_179 : vector<16x1xi32> to vector<16xi32>
    %gather3A_181 = tpu.dynamic_gather %min3A_171[%gather3A_180] in [0] : vector<16xi32>, vector<16xi32> -> vector<16xi32>
    %min3A_182 = arith.minsi %min3A_171, %gather3A_181 : vector<16xi32>
    %lt3A_183 = arith.constant 0 : i32
    %lt3A_184 = vector.broadcast %lt3A_183 : i32 to vector<16xi32>
    %lt3A_185 = arith.cmpi slt, %xor3A_10, %lt3A_184 : vector<16xi32>
    %add3A_186 = arith.constant 16 : i32
    %add3A_187 = vector.broadcast %add3A_186 : i32 to vector<16xi32>
    %add3A_188 = arith.addi %xor3A_10, %add3A_187 : vector<16xi32>
    %select_n3A_189 = arith.select %lt3A_185, %add3A_188, %xor3A_10 : vector<16xi1>, vector<16xi32>
    %broadcast_in_dim3A_190 = vector.shape_cast %select_n3A_189 : vector<16xi32> to vector<16x1xi32>
    %gather3A_191 = vector.shape_cast %broadcast_in_dim3A_190 : vector<16x1xi32> to vector<16xi32>
    %gather3A_192 = tpu.dynamic_gather %min3A_182[%gather3A_191] in [0] : vector<16xi32>, vector<16xi32> -> vector<16xi32>
    %min3A_193 = arith.minsi %min3A_182, %gather3A_192 : vector<16xi32>
    %lt3A_194 = arith.constant 0 : i32
    %lt3A_195 = vector.broadcast %lt3A_194 : i32 to vector<16xi32>
    %lt3A_196 = arith.cmpi slt, %xor3A_13, %lt3A_195 : vector<16xi32>
    %add3A_197 = arith.constant 16 : i32
    %add3A_198 = vector.broadcast %add3A_197 : i32 to vector<16xi32>
    %add3A_199 = arith.addi %xor3A_13, %add3A_198 : vector<16xi32>
    %select_n3A_200 = arith.select %lt3A_196, %add3A_199, %xor3A_13 : vector<16xi1>, vector<16xi32>
    %broadcast_in_dim3A_201 = vector.shape_cast %select_n3A_200 : vector<16xi32> to vector<16x1xi32>
    %gather3A_202 = vector.shape_cast %broadcast_in_dim3A_201 : vector<16x1xi32> to vector<16xi32>
    %gather3A_203 = tpu.dynamic_gather %min3A_193[%gather3A_202] in [0] : vector<16xi32>, vector<16xi32> -> vector<16xi32>
    %min3A_204 = arith.minsi %min3A_193, %gather3A_203 : vector<16xi32>
    %sub3A = arith.subf %max3A_156, %max3A_63 : vector<16xf32>
    %exp3A = math.exp %sub3A : vector<16xf32>
    %add3A_205 = arith.constant 1.000000e+00 : f32
    %add3A_206 = vector.broadcast %add3A_205 : f32 to vector<16xf32>
    %add3A_207 = arith.addf %exp3A, %add3A_206 : vector<16xf32>
    %div3A = arith.constant 1.000000e+00 : f32
    %div3A_208 = vector.broadcast %div3A : f32 to vector<16xf32>
    %div3A_209 = arith.divf %div3A_208, %add3A_207 : vector<16xf32>
    %div3A_210 = arith.divf %exp3A, %add3A_207 : vector<16xf32>
    %eq3A_211 = arith.constant 0 : i32
    %eq3A_212 = vector.broadcast %eq3A_211 : i32 to vector<16xi32>
    %eq3A_213 = arith.cmpi eq, %iota3A, %eq3A_212 : vector<16xi32>
    %eq3A_214 = arith.constant 1 : i32
    %eq3A_215 = vector.broadcast %eq3A_214 : i32 to vector<16xi32>
    %eq3A_216 = arith.cmpi eq, %iota3A, %eq3A_215 : vector<16xi32>
    %jit3A_217 = arith.constant 0.000000e+00 : f32
    %broadcast_in_dim3A_218 = vector.broadcast %jit3A_217 : f32 to vector<16xf32>
    %select_n3A_219 = arith.select %eq3A_216, %div3A_210, %broadcast_in_dim3A_218 : vector<16xi1>, vector<16xf32>
    %select_n3A_220 = arith.select %eq3A_213, %div3A_209, %select_n3A_219 : vector<16xi1>, vector<16xf32>
    %eq3A_221 = arith.constant 0 : i32
    %eq3A_222 = vector.broadcast %eq3A_221 : i32 to vector<16xi32>
    %eq3A_223 = arith.cmpi eq, %iota3A, %eq3A_222 : vector<16xi32>
    %eq3A_224 = arith.constant 1 : i32
    %eq3A_225 = vector.broadcast %eq3A_224 : i32 to vector<16xi32>
    %eq3A_226 = arith.cmpi eq, %iota3A, %eq3A_225 : vector<16xi32>
    %jit3A_227 = arith.constant 0 : i32
    %broadcast_in_dim3A_228 = vector.broadcast %jit3A_227 : i32 to vector<16xi32>
    %select_n3A_229 = arith.select %eq3A_226, %min3A_204, %broadcast_in_dim3A_228 : vector<16xi1>, vector<16xi32>
    %select_n3A_230 = arith.select %eq3A_223, %min3A_108, %select_n3A_229 : vector<16xi1>, vector<16xi32>
    %swap3A = arith.constant 0 : i32
    %swap3A_231 = arith.index_cast %swap3A : i32 to index
    %swap3A_232 = arith.constant 0 : index
    %swap3A_233 = tpu.vector_load %arg7[%swap3A_231, %swap3A_232] {strides = array<i32>} : memref<12x16xi32, #tpu.memory_space<vmem>>, vector<1x16xi32>,
    %swap3A_234 = vector.shape_cast %swap3A_233 : vector<1x16xi32> to vector<16xi32>
    %swap3A_235 = vector.shape_cast %select_n3A_230 : vector<16xi32> to vector<1x16xi32>
    tpu.vector_store %arg7[%swap3A_231, %swap3A_232], %swap3A_235 {strides = array<i32>} : memref<12x16xi32, #tpu.memory_space<vmem>>, vector<1x16xi32>,
    %swap3A_236 = arith.constant 0 : i32
    %swap3A_237 = arith.index_cast %swap3A_236 : i32 to index
    %swap3A_238 = arith.constant 0 : index
    %swap3A_239 = tpu.vector_load %arg8[%swap3A_237, %swap3A_238] {strides = array<i32>} : memref<12x16xf32, #tpu.memory_space<vmem>>, vector<1x16xf32>,
    %swap3A_240 = vector.shape_cast %swap3A_239 : vector<1x16xf32> to vector<16xf32>
    %swap3A_241 = vector.shape_cast %select_n3A_220 : vector<16xf32> to vector<1x16xf32>
    tpu.vector_store %arg8[%swap3A_237, %swap3A_238], %swap3A_241 {strides = array<i32>} : memref<12x16xf32, #tpu.memory_space<vmem>>, vector<1x16xf32>,
    %broadcast_in_dim3A_242 = vector.broadcast %squeeze3A : f32 to vector<16xf32>
    %broadcast_in_dim3A_243 = arith.constant 1024 : i32
    %broadcast_in_dim3A_244 = vector.broadcast %broadcast_in_dim3A_243 : i32 to vector<16xi32>
    %broadcast_in_dim3A_245 = vector.broadcast %squeeze3A : f32 to vector<16xf32>
    %broadcast_in_dim3A_246 = arith.constant 1024 : i32
    %broadcast_in_dim3A_247 = vector.broadcast %broadcast_in_dim3A_246 : i32 to vector<16xi32>
    %scan3A_248 = arith.constant 0 : i32
    %scan3A_249 = arith.constant 64 : i32
    %scan3A_250 = arith.addi %scan3A_248, %scan3A_249 : i32
    %scan3A_251 = arith.constant 1 : i32
    %scan3A_252:4 = scf.for %scan3A_2904 = %scan3A_248 to %scan3A_250 step %scan3A_251 iter_args(%scan3A_2905 = %broadcast_in_dim3A_242, %scan3A_2906 = %broadcast_in_dim3A_244, %scan3A_2907 = %broadcast_in_dim3A_245, %scan3A_2908 = %broadcast_in_dim3A_247) -> (vector<16xf32>, vector<16xi32>, vector<16xf32>, vector<16xi32>)  : i32 {
      %mul3A_2909 = arith.constant 16 : i32
      %mul3A_2910 = arith.muli %scan3A_2904, %mul3A_2909 : i32
      %get3A_2911 = arith.constant 1 : i32
      %get3A_2912 = arith.index_cast %get3A_2911 : i32 to index
      %get3A_2913 = arith.index_cast %mul3A_2910 : i32 to index
      %get3A_2914 = tpu.vector_load %arg6[%get3A_2912, %get3A_2913] {strides = array<i32>} : memref<12x1024xf32, #tpu.memory_space<vmem>>, vector<1x16xf32>,
      %get3A_2915 = vector.shape_cast %get3A_2914 : vector<1x16xf32> to vector<16xf32>
      %mul3A_2916 = arith.constant 16 : i32
      %mul3A_2917 = arith.muli %scan3A_2904, %mul3A_2916 : i32
      %add3A_2918 = vector.broadcast %mul3A_2917 : i32 to vector<16xi32>
      %add3A_2919 = arith.addi %iota3A, %add3A_2918 : vector<16xi32>
      %gt3A = arith.cmpf ogt, %get3A_2915, %scan3A_2905 : vector<16xf32>
      %gt3A_2920 = arith.cmpf ogt, %get3A_2915, %scan3A_2907 : vector<16xf32>
      %select_n3A_2921 = arith.select %gt3A_2920, %get3A_2915, %scan3A_2907 : vector<16xi1>, vector<16xf32>
      %select_n3A_2922 = arith.select %gt3A, %scan3A_2905, %select_n3A_2921 : vector<16xi1>, vector<16xf32>
      %select_n3A_2923 = arith.select %gt3A_2920, %add3A_2919, %scan3A_2908 : vector<16xi1>, vector<16xi32>
      %select_n3A_2924 = arith.select %gt3A, %scan3A_2906, %select_n3A_2923 : vector<16xi1>, vector<16xi32>
      %select_n3A_2925 = arith.select %gt3A, %get3A_2915, %scan3A_2905 : vector<16xi1>, vector<16xf32>
      %select_n3A_2926 = arith.select %gt3A, %add3A_2919, %scan3A_2906 : vector<16xi1>, vector<16xi32>
      scf.yield %select_n3A_2925, %select_n3A_2926, %select_n3A_2922, %select_n3A_2924 : vector<16xf32>, vector<16xi32>, vector<16xf32>, vector<16xi32>
    }
    %scan3A_253 = arith.constant 64 : i32
    %lt3A_254 = arith.constant 0 : i32
    %lt3A_255 = vector.broadcast %lt3A_254 : i32 to vector<16xi32>
    %lt3A_256 = arith.cmpi slt, %xor3A_4, %lt3A_255 : vector<16xi32>
    %add3A_257 = arith.constant 16 : i32
    %add3A_258 = vector.broadcast %add3A_257 : i32 to vector<16xi32>
    %add3A_259 = arith.addi %xor3A_4, %add3A_258 : vector<16xi32>
    %select_n3A_260 = arith.select %lt3A_256, %add3A_259, %xor3A_4 : vector<16xi1>, vector<16xi32>
    %broadcast_in_dim3A_261 = vector.shape_cast %select_n3A_260 : vector<16xi32> to vector<16x1xi32>
    %gather3A_262 = vector.shape_cast %broadcast_in_dim3A_261 : vector<16x1xi32> to vector<16xi32>
    %gather3A_263 = tpu.dynamic_gather %scan3A_252#0[%gather3A_262] in [0] : vector<16xf32>, vector<16xi32> -> vector<16xf32>
    %max3A_264 = arith.maximumf %scan3A_252#0, %gather3A_263 : vector<16xf32>
    %lt3A_265 = arith.constant 0 : i32
    %lt3A_266 = vector.broadcast %lt3A_265 : i32 to vector<16xi32>
    %lt3A_267 = arith.cmpi slt, %xor3A_7, %lt3A_266 : vector<16xi32>
    %add3A_268 = arith.constant 16 : i32
    %add3A_269 = vector.broadcast %add3A_268 : i32 to vector<16xi32>
    %add3A_270 = arith.addi %xor3A_7, %add3A_269 : vector<16xi32>
    %select_n3A_271 = arith.select %lt3A_267, %add3A_270, %xor3A_7 : vector<16xi1>, vector<16xi32>
    %broadcast_in_dim3A_272 = vector.shape_cast %select_n3A_271 : vector<16xi32> to vector<16x1xi32>
    %gather3A_273 = vector.shape_cast %broadcast_in_dim3A_272 : vector<16x1xi32> to vector<16xi32>
    %gather3A_274 = tpu.dynamic_gather %max3A_264[%gather3A_273] in [0] : vector<16xf32>, vector<16xi32> -> vector<16xf32>
    %max3A_275 = arith.maximumf %max3A_264, %gather3A_274 : vector<16xf32>
    %lt3A_276 = arith.constant 0 : i32
    %lt3A_277 = vector.broadcast %lt3A_276 : i32 to vector<16xi32>
    %lt3A_278 = arith.cmpi slt, %xor3A_10, %lt3A_277 : vector<16xi32>
    %add3A_279 = arith.constant 16 : i32
    %add3A_280 = vector.broadcast %add3A_279 : i32 to vector<16xi32>
    %add3A_281 = arith.addi %xor3A_10, %add3A_280 : vector<16xi32>
    %select_n3A_282 = arith.select %lt3A_278, %add3A_281, %xor3A_10 : vector<16xi1>, vector<16xi32>
    %broadcast_in_dim3A_283 = vector.shape_cast %select_n3A_282 : vector<16xi32> to vector<16x1xi32>
    %gather3A_284 = vector.shape_cast %broadcast_in_dim3A_283 : vector<16x1xi32> to vector<16xi32>
    %gather3A_285 = tpu.dynamic_gather %max3A_275[%gather3A_284] in [0] : vector<16xf32>, vector<16xi32> -> vector<16xf32>
    %max3A_286 = arith.maximumf %max3A_275, %gather3A_285 : vector<16xf32>
    %lt3A_287 = arith.constant 0 : i32
    %lt3A_288 = vector.broadcast %lt3A_287 : i32 to vector<16xi32>
    %lt3A_289 = arith.cmpi slt, %xor3A_13, %lt3A_288 : vector<16xi32>
    %add3A_290 = arith.constant 16 : i32
    %add3A_291 = vector.broadcast %add3A_290 : i32 to vector<16xi32>
    %add3A_292 = arith.addi %xor3A_13, %add3A_291 : vector<16xi32>
    %select_n3A_293 = arith.select %lt3A_289, %add3A_292, %xor3A_13 : vector<16xi1>, vector<16xi32>
    %broadcast_in_dim3A_294 = vector.shape_cast %select_n3A_293 : vector<16xi32> to vector<16x1xi32>
    %gather3A_295 = vector.shape_cast %broadcast_in_dim3A_294 : vector<16x1xi32> to vector<16xi32>
    %gather3A_296 = tpu.dynamic_gather %max3A_286[%gather3A_295] in [0] : vector<16xf32>, vector<16xi32> -> vector<16xf32>
    %max3A_297 = arith.maximumf %max3A_286, %gather3A_296 : vector<16xf32>
    %eq3A_298 = arith.cmpf oeq, %scan3A_252#0, %max3A_297 : vector<16xf32>
    %jit3A_299 = arith.constant 1024 : i32
    %broadcast_in_dim3A_300 = vector.broadcast %jit3A_299 : i32 to vector<16xi32>
    %select_n3A_301 = arith.select %eq3A_298, %scan3A_252#1, %broadcast_in_dim3A_300 : vector<16xi1>, vector<16xi32>
    %lt3A_302 = arith.constant 0 : i32
    %lt3A_303 = vector.broadcast %lt3A_302 : i32 to vector<16xi32>
    %lt3A_304 = arith.cmpi slt, %xor3A_4, %lt3A_303 : vector<16xi32>
    %add3A_305 = arith.constant 16 : i32
    %add3A_306 = vector.broadcast %add3A_305 : i32 to vector<16xi32>
    %add3A_307 = arith.addi %xor3A_4, %add3A_306 : vector<16xi32>
    %select_n3A_308 = arith.select %lt3A_304, %add3A_307, %xor3A_4 : vector<16xi1>, vector<16xi32>
    %broadcast_in_dim3A_309 = vector.shape_cast %select_n3A_308 : vector<16xi32> to vector<16x1xi32>
    %gather3A_310 = vector.shape_cast %broadcast_in_dim3A_309 : vector<16x1xi32> to vector<16xi32>
    %gather3A_311 = tpu.dynamic_gather %select_n3A_301[%gather3A_310] in [0] : vector<16xi32>, vector<16xi32> -> vector<16xi32>
    %min3A_312 = arith.minsi %select_n3A_301, %gather3A_311 : vector<16xi32>
    %lt3A_313 = arith.constant 0 : i32
    %lt3A_314 = vector.broadcast %lt3A_313 : i32 to vector<16xi32>
    %lt3A_315 = arith.cmpi slt, %xor3A_7, %lt3A_314 : vector<16xi32>
    %add3A_316 = arith.constant 16 : i32
    %add3A_317 = vector.broadcast %add3A_316 : i32 to vector<16xi32>
    %add3A_318 = arith.addi %xor3A_7, %add3A_317 : vector<16xi32>
    %select_n3A_319 = arith.select %lt3A_315, %add3A_318, %xor3A_7 : vector<16xi1>, vector<16xi32>
    %broadcast_in_dim3A_320 = vector.shape_cast %select_n3A_319 : vector<16xi32> to vector<16x1xi32>
    %gather3A_321 = vector.shape_cast %broadcast_in_dim3A_320 : vector<16x1xi32> to vector<16xi32>
    %gather3A_322 = tpu.dynamic_gather %min3A_312[%gather3A_321] in [0] : vector<16xi32>, vector<16xi32> -> vector<16xi32>
    %min3A_323 = arith.minsi %min3A_312, %gather3A_322 : vector<16xi32>
    %lt3A_324 = arith.constant 0 : i32
    %lt3A_325 = vector.broadcast %lt3A_324 : i32 to vector<16xi32>
    %lt3A_326 = arith.cmpi slt, %xor3A_10, %lt3A_325 : vector<16xi32>
    %add3A_327 = arith.constant 16 : i32
    %add3A_328 = vector.broadcast %add3A_327 : i32 to vector<16xi32>
    %add3A_329 = arith.addi %xor3A_10, %add3A_328 : vector<16xi32>
    %select_n3A_330 = arith.select %lt3A_326, %add3A_329, %xor3A_10 : vector<16xi1>, vector<16xi32>
    %broadcast_in_dim3A_331 = vector.shape_cast %select_n3A_330 : vector<16xi32> to vector<16x1xi32>
    %gather3A_332 = vector.shape_cast %broadcast_in_dim3A_331 : vector<16x1xi32> to vector<16xi32>
    %gather3A_333 = tpu.dynamic_gather %min3A_323[%gather3A_332] in [0] : vector<16xi32>, vector<16xi32> -> vector<16xi32>
    %min3A_334 = arith.minsi %min3A_323, %gather3A_333 : vector<16xi32>
    %lt3A_335 = arith.constant 0 : i32
    %lt3A_336 = vector.broadcast %lt3A_335 : i32 to vector<16xi32>
    %lt3A_337 = arith.cmpi slt, %xor3A_13, %lt3A_336 : vector<16xi32>
    %add3A_338 = arith.constant 16 : i32
    %add3A_339 = vector.broadcast %add3A_338 : i32 to vector<16xi32>
    %add3A_340 = arith.addi %xor3A_13, %add3A_339 : vector<16xi32>
    %select_n3A_341 = arith.select %lt3A_337, %add3A_340, %xor3A_13 : vector<16xi1>, vector<16xi32>
    %broadcast_in_dim3A_342 = vector.shape_cast %select_n3A_341 : vector<16xi32> to vector<16x1xi32>
    %gather3A_343 = vector.shape_cast %broadcast_in_dim3A_342 : vector<16x1xi32> to vector<16xi32>
    %gather3A_344 = tpu.dynamic_gather %min3A_334[%gather3A_343] in [0] : vector<16xi32>, vector<16xi32> -> vector<16xi32>
    %min3A_345 = arith.minsi %min3A_334, %gather3A_344 : vector<16xi32>
    %eq3A_346 = arith.cmpf oeq, %scan3A_252#0, %max3A_297 : vector<16xf32>
    %eq3A_347 = arith.cmpi eq, %scan3A_252#1, %min3A_345 : vector<16xi32>
    %and3A_348 = arith.andi %eq3A_346, %eq3A_347 : vector<16xi1>
    %select_n3A_349 = arith.select %and3A_348, %scan3A_252#2, %scan3A_252#0 : vector<16xi1>, vector<16xf32>
    %select_n3A_350 = arith.select %and3A_348, %scan3A_252#3, %scan3A_252#1 : vector<16xi1>, vector<16xi32>
    %lt3A_351 = arith.constant 0 : i32
    %lt3A_352 = vector.broadcast %lt3A_351 : i32 to vector<16xi32>
    %lt3A_353 = arith.cmpi slt, %xor3A_4, %lt3A_352 : vector<16xi32>
    %add3A_354 = arith.constant 16 : i32
    %add3A_355 = vector.broadcast %add3A_354 : i32 to vector<16xi32>
    %add3A_356 = arith.addi %xor3A_4, %add3A_355 : vector<16xi32>
    %select_n3A_357 = arith.select %lt3A_353, %add3A_356, %xor3A_4 : vector<16xi1>, vector<16xi32>
    %broadcast_in_dim3A_358 = vector.shape_cast %select_n3A_357 : vector<16xi32> to vector<16x1xi32>
    %gather3A_359 = vector.shape_cast %broadcast_in_dim3A_358 : vector<16x1xi32> to vector<16xi32>
    %gather3A_360 = tpu.dynamic_gather %select_n3A_349[%gather3A_359] in [0] : vector<16xf32>, vector<16xi32> -> vector<16xf32>
    %max3A_361 = arith.maximumf %select_n3A_349, %gather3A_360 : vector<16xf32>
    %lt3A_362 = arith.constant 0 : i32
    %lt3A_363 = vector.broadcast %lt3A_362 : i32 to vector<16xi32>
    %lt3A_364 = arith.cmpi slt, %xor3A_7, %lt3A_363 : vector<16xi32>
    %add3A_365 = arith.constant 16 : i32
    %add3A_366 = vector.broadcast %add3A_365 : i32 to vector<16xi32>
    %add3A_367 = arith.addi %xor3A_7, %add3A_366 : vector<16xi32>
    %select_n3A_368 = arith.select %lt3A_364, %add3A_367, %xor3A_7 : vector<16xi1>, vector<16xi32>
    %broadcast_in_dim3A_369 = vector.shape_cast %select_n3A_368 : vector<16xi32> to vector<16x1xi32>
    %gather3A_370 = vector.shape_cast %broadcast_in_dim3A_369 : vector<16x1xi32> to vector<16xi32>
    %gather3A_371 = tpu.dynamic_gather %max3A_361[%gather3A_370] in [0] : vector<16xf32>, vector<16xi32> -> vector<16xf32>
    %max3A_372 = arith.maximumf %max3A_361, %gather3A_371 : vector<16xf32>
    %lt3A_373 = arith.constant 0 : i32
    %lt3A_374 = vector.broadcast %lt3A_373 : i32 to vector<16xi32>
    %lt3A_375 = arith.cmpi slt, %xor3A_10, %lt3A_374 : vector<16xi32>
    %add3A_376 = arith.constant 16 : i32
    %add3A_377 = vector.broadcast %add3A_376 : i32 to vector<16xi32>
    %add3A_378 = arith.addi %xor3A_10, %add3A_377 : vector<16xi32>
    %select_n3A_379 = arith.select %lt3A_375, %add3A_378, %xor3A_10 : vector<16xi1>, vector<16xi32>
    %broadcast_in_dim3A_380 = vector.shape_cast %select_n3A_379 : vector<16xi32> to vector<16x1xi32>
    %gather3A_381 = vector.shape_cast %broadcast_in_dim3A_380 : vector<16x1xi32> to vector<16xi32>
    %gather3A_382 = tpu.dynamic_gather %max3A_372[%gather3A_381] in [0] : vector<16xf32>, vector<16xi32> -> vector<16xf32>
    %max3A_383 = arith.maximumf %max3A_372, %gather3A_382 : vector<16xf32>
    %lt3A_384 = arith.constant 0 : i32
    %lt3A_385 = vector.broadcast %lt3A_384 : i32 to vector<16xi32>
    %lt3A_386 = arith.cmpi slt, %xor3A_13, %lt3A_385 : vector<16xi32>
    %add3A_387 = arith.constant 16 : i32
    %add3A_388 = vector.broadcast %add3A_387 : i32 to vector<16xi32>
    %add3A_389 = arith.addi %xor3A_13, %add3A_388 : vector<16xi32>
    %select_n3A_390 = arith.select %lt3A_386, %add3A_389, %xor3A_13 : vector<16xi1>, vector<16xi32>
    %broadcast_in_dim3A_391 = vector.shape_cast %select_n3A_390 : vector<16xi32> to vector<16x1xi32>
    %gather3A_392 = vector.shape_cast %broadcast_in_dim3A_391 : vector<16x1xi32> to vector<16xi32>
    %gather3A_393 = tpu.dynamic_gather %max3A_383[%gather3A_392] in [0] : vector<16xf32>, vector<16xi32> -> vector<16xf32>
    %max3A_394 = arith.maximumf %max3A_383, %gather3A_393 : vector<16xf32>
    %eq3A_395 = arith.cmpf oeq, %select_n3A_349, %max3A_394 : vector<16xf32>
    %jit3A_396 = arith.constant 1024 : i32
    %broadcast_in_dim3A_397 = vector.broadcast %jit3A_396 : i32 to vector<16xi32>
    %select_n3A_398 = arith.select %eq3A_395, %select_n3A_350, %broadcast_in_dim3A_397 : vector<16xi1>, vector<16xi32>
    %lt3A_399 = arith.constant 0 : i32
    %lt3A_400 = vector.broadcast %lt3A_399 : i32 to vector<16xi32>
    %lt3A_401 = arith.cmpi slt, %xor3A_4, %lt3A_400 : vector<16xi32>
    %add3A_402 = arith.constant 16 : i32
    %add3A_403 = vector.broadcast %add3A_402 : i32 to vector<16xi32>
    %add3A_404 = arith.addi %xor3A_4, %add3A_403 : vector<16xi32>
    %select_n3A_405 = arith.select %lt3A_401, %add3A_404, %xor3A_4 : vector<16xi1>, vector<16xi32>
    %broadcast_in_dim3A_406 = vector.shape_cast %select_n3A_405 : vector<16xi32> to vector<16x1xi32>
    %gather3A_407 = vector.shape_cast %broadcast_in_dim3A_406 : vector<16x1xi32> to vector<16xi32>
    %gather3A_408 = tpu.dynamic_gather %select_n3A_398[%gather3A_407] in [0] : vector<16xi32>, vector<16xi32> -> vector<16xi32>
    %min3A_409 = arith.minsi %select_n3A_398, %gather3A_408 : vector<16xi32>
    %lt3A_410 = arith.constant 0 : i32
    %lt3A_411 = vector.broadcast %lt3A_410 : i32 to vector<16xi32>
    %lt3A_412 = arith.cmpi slt, %xor3A_7, %lt3A_411 : vector<16xi32>
    %add3A_413 = arith.constant 16 : i32
    %add3A_414 = vector.broadcast %add3A_413 : i32 to vector<16xi32>
    %add3A_415 = arith.addi %xor3A_7, %add3A_414 : vector<16xi32>
    %select_n3A_416 = arith.select %lt3A_412, %add3A_415, %xor3A_7 : vector<16xi1>, vector<16xi32>
    %broadcast_in_dim3A_417 = vector.shape_cast %select_n3A_416 : vector<16xi32> to vector<16x1xi32>
    %gather3A_418 = vector.shape_cast %broadcast_in_dim3A_417 : vector<16x1xi32> to vector<16xi32>
    %gather3A_419 = tpu.dynamic_gather %min3A_409[%gather3A_418] in [0] : vector<16xi32>, vector<16xi32> -> vector<16xi32>
    %min3A_420 = arith.minsi %min3A_409, %gather3A_419 : vector<16xi32>
    %lt3A_421 = arith.constant 0 : i32
    %lt3A_422 = vector.broadcast %lt3A_421 : i32 to vector<16xi32>
    %lt3A_423 = arith.cmpi slt, %xor3A_10, %lt3A_422 : vector<16xi32>
    %add3A_424 = arith.constant 16 : i32
    %add3A_425 = vector.broadcast %add3A_424 : i32 to vector<16xi32>
    %add3A_426 = arith.addi %xor3A_10, %add3A_425 : vector<16xi32>
    %select_n3A_427 = arith.select %lt3A_423, %add3A_426, %xor3A_10 : vector<16xi1>, vector<16xi32>
    %broadcast_in_dim3A_428 = vector.shape_cast %select_n3A_427 : vector<16xi32> to vector<16x1xi32>
    %gather3A_429 = vector.shape_cast %broadcast_in_dim3A_428 : vector<16x1xi32> to vector<16xi32>
    %gather3A_430 = tpu.dynamic_gather %min3A_420[%gather3A_429] in [0] : vector<16xi32>, vector<16xi32> -> vector<16xi32>
    %min3A_431 = arith.minsi %min3A_420, %gather3A_430 : vector<16xi32>
    %lt3A_432 = arith.constant 0 : i32
    %lt3A_433 = vector.broadcast %lt3A_432 : i32 to vector<16xi32>
    %lt3A_434 = arith.cmpi slt, %xor3A_13, %lt3A_433 : vector<16xi32>
    %add3A_435 = arith.constant 16 : i32
    %add3A_436 = vector.broadcast %add3A_435 : i32 to vector<16xi32>
    %add3A_437 = arith.addi %xor3A_13, %add3A_436 : vector<16xi32>
    %select_n3A_438 = arith.select %lt3A_434, %add3A_437, %xor3A_13 : vector<16xi1>, vector<16xi32>
    %broadcast_in_dim3A_439 = vector.shape_cast %select_n3A_438 : vector<16xi32> to vector<16x1xi32>
    %gather3A_440 = vector.shape_cast %broadcast_in_dim3A_439 : vector<16x1xi32> to vector<16xi32>
    %gather3A_441 = tpu.dynamic_gather %min3A_431[%gather3A_440] in [0] : vector<16xi32>, vector<16xi32> -> vector<16xi32>
    %min3A_442 = arith.minsi %min3A_431, %gather3A_441 : vector<16xi32>
    %sub3A_443 = arith.subf %max3A_394, %max3A_297 : vector<16xf32>
    %exp3A_444 = math.exp %sub3A_443 : vector<16xf32>
    %add3A_445 = arith.constant 1.000000e+00 : f32
    %add3A_446 = vector.broadcast %add3A_445 : f32 to vector<16xf32>
    %add3A_447 = arith.addf %exp3A_444, %add3A_446 : vector<16xf32>
    %div3A_448 = arith.constant 1.000000e+00 : f32
    %div3A_449 = vector.broadcast %div3A_448 : f32 to vector<16xf32>
    %div3A_450 = arith.divf %div3A_449, %add3A_447 : vector<16xf32>
    %div3A_451 = arith.divf %exp3A_444, %add3A_447 : vector<16xf32>
    %eq3A_452 = arith.constant 0 : i32
    %eq3A_453 = vector.broadcast %eq3A_452 : i32 to vector<16xi32>
    %eq3A_454 = arith.cmpi eq, %iota3A, %eq3A_453 : vector<16xi32>
    %eq3A_455 = arith.constant 1 : i32
    %eq3A_456 = vector.broadcast %eq3A_455 : i32 to vector<16xi32>
    %eq3A_457 = arith.cmpi eq, %iota3A, %eq3A_456 : vector<16xi32>
    %jit3A_458 = arith.constant 0.000000e+00 : f32
    %broadcast_in_dim3A_459 = vector.broadcast %jit3A_458 : f32 to vector<16xf32>
    %select_n3A_460 = arith.select %eq3A_457, %div3A_451, %broadcast_in_dim3A_459 : vector<16xi1>, vector<16xf32>
    %select_n3A_461 = arith.select %eq3A_454, %div3A_450, %select_n3A_460 : vector<16xi1>, vector<16xf32>
    %eq3A_462 = arith.constant 0 : i32
    %eq3A_463 = vector.broadcast %eq3A_462 : i32 to vector<16xi32>
    %eq3A_464 = arith.cmpi eq, %iota3A, %eq3A_463 : vector<16xi32>
    %eq3A_465 = arith.constant 1 : i32
    %eq3A_466 = vector.broadcast %eq3A_465 : i32 to vector<16xi32>
    %eq3A_467 = arith.cmpi eq, %iota3A, %eq3A_466 : vector<16xi32>
    %jit3A_468 = arith.constant 0 : i32
    %broadcast_in_dim3A_469 = vector.broadcast %jit3A_468 : i32 to vector<16xi32>
    %select_n3A_470 = arith.select %eq3A_467, %min3A_442, %broadcast_in_dim3A_469 : vector<16xi1>, vector<16xi32>
    %select_n3A_471 = arith.select %eq3A_464, %min3A_345, %select_n3A_470 : vector<16xi1>, vector<16xi32>
    %swap3A_472 = arith.constant 1 : i32
    %swap3A_473 = arith.index_cast %swap3A_472 : i32 to index
    %swap3A_474 = arith.constant 0 : index
    %swap3A_475 = tpu.vector_load %arg7[%swap3A_473, %swap3A_474] {strides = array<i32>} : memref<12x16xi32, #tpu.memory_space<vmem>>, vector<1x16xi32>,
    %swap3A_476 = vector.shape_cast %swap3A_475 : vector<1x16xi32> to vector<16xi32>
    %swap3A_477 = vector.shape_cast %select_n3A_471 : vector<16xi32> to vector<1x16xi32>
    tpu.vector_store %arg7[%swap3A_473, %swap3A_474], %swap3A_477 {strides = array<i32>} : memref<12x16xi32, #tpu.memory_space<vmem>>, vector<1x16xi32>,
    %swap3A_478 = arith.constant 1 : i32
    %swap3A_479 = arith.index_cast %swap3A_478 : i32 to index
    %swap3A_480 = arith.constant 0 : index
    %swap3A_481 = tpu.vector_load %arg8[%swap3A_479, %swap3A_480] {strides = array<i32>} : memref<12x16xf32, #tpu.memory_space<vmem>>, vector<1x16xf32>,
    %swap3A_482 = vector.shape_cast %swap3A_481 : vector<1x16xf32> to vector<16xf32>
    %swap3A_483 = vector.shape_cast %select_n3A_461 : vector<16xf32> to vector<1x16xf32>
    tpu.vector_store %arg8[%swap3A_479, %swap3A_480], %swap3A_483 {strides = array<i32>} : memref<12x16xf32, #tpu.memory_space<vmem>>, vector<1x16xf32>,
    %broadcast_in_dim3A_484 = vector.broadcast %squeeze3A : f32 to vector<16xf32>
    %broadcast_in_dim3A_485 = arith.constant 1024 : i32
    %broadcast_in_dim3A_486 = vector.broadcast %broadcast_in_dim3A_485 : i32 to vector<16xi32>
    %broadcast_in_dim3A_487 = vector.broadcast %squeeze3A : f32 to vector<16xf32>
    %broadcast_in_dim3A_488 = arith.constant 1024 : i32
    %broadcast_in_dim3A_489 = vector.broadcast %broadcast_in_dim3A_488 : i32 to vector<16xi32>
    %scan3A_490 = arith.constant 0 : i32
    %scan3A_491 = arith.constant 64 : i32
    %scan3A_492 = arith.addi %scan3A_490, %scan3A_491 : i32
    %scan3A_493 = arith.constant 1 : i32
    %scan3A_494:4 = scf.for %scan3A_2904 = %scan3A_490 to %scan3A_492 step %scan3A_493 iter_args(%scan3A_2905 = %broadcast_in_dim3A_484, %scan3A_2906 = %broadcast_in_dim3A_486, %scan3A_2907 = %broadcast_in_dim3A_487, %scan3A_2908 = %broadcast_in_dim3A_489) -> (vector<16xf32>, vector<16xi32>, vector<16xf32>, vector<16xi32>)  : i32 {
      %mul3A_2909 = arith.constant 16 : i32
      %mul3A_2910 = arith.muli %scan3A_2904, %mul3A_2909 : i32
      %get3A_2911 = arith.constant 2 : i32
      %get3A_2912 = arith.index_cast %get3A_2911 : i32 to index
      %get3A_2913 = arith.index_cast %mul3A_2910 : i32 to index
      %get3A_2914 = tpu.vector_load %arg6[%get3A_2912, %get3A_2913] {strides = array<i32>} : memref<12x1024xf32, #tpu.memory_space<vmem>>, vector<1x16xf32>,
      %get3A_2915 = vector.shape_cast %get3A_2914 : vector<1x16xf32> to vector<16xf32>
      %mul3A_2916 = arith.constant 16 : i32
      %mul3A_2917 = arith.muli %scan3A_2904, %mul3A_2916 : i32
      %add3A_2918 = vector.broadcast %mul3A_2917 : i32 to vector<16xi32>
      %add3A_2919 = arith.addi %iota3A, %add3A_2918 : vector<16xi32>
      %gt3A = arith.cmpf ogt, %get3A_2915, %scan3A_2905 : vector<16xf32>
      %gt3A_2920 = arith.cmpf ogt, %get3A_2915, %scan3A_2907 : vector<16xf32>
      %select_n3A_2921 = arith.select %gt3A_2920, %get3A_2915, %scan3A_2907 : vector<16xi1>, vector<16xf32>
      %select_n3A_2922 = arith.select %gt3A, %scan3A_2905, %select_n3A_2921 : vector<16xi1>, vector<16xf32>
      %select_n3A_2923 = arith.select %gt3A_2920, %add3A_2919, %scan3A_2908 : vector<16xi1>, vector<16xi32>
      %select_n3A_2924 = arith.select %gt3A, %scan3A_2906, %select_n3A_2923 : vector<16xi1>, vector<16xi32>
      %select_n3A_2925 = arith.select %gt3A, %get3A_2915, %scan3A_2905 : vector<16xi1>, vector<16xf32>
      %select_n3A_2926 = arith.select %gt3A, %add3A_2919, %scan3A_2906 : vector<16xi1>, vector<16xi32>
      scf.yield %select_n3A_2925, %select_n3A_2926, %select_n3A_2922, %select_n3A_2924 : vector<16xf32>, vector<16xi32>, vector<16xf32>, vector<16xi32>
    }
    %scan3A_495 = arith.constant 64 : i32
    %lt3A_496 = arith.constant 0 : i32
    %lt3A_497 = vector.broadcast %lt3A_496 : i32 to vector<16xi32>
    %lt3A_498 = arith.cmpi slt, %xor3A_4, %lt3A_497 : vector<16xi32>
    %add3A_499 = arith.constant 16 : i32
    %add3A_500 = vector.broadcast %add3A_499 : i32 to vector<16xi32>
    %add3A_501 = arith.addi %xor3A_4, %add3A_500 : vector<16xi32>
    %select_n3A_502 = arith.select %lt3A_498, %add3A_501, %xor3A_4 : vector<16xi1>, vector<16xi32>
    %broadcast_in_dim3A_503 = vector.shape_cast %select_n3A_502 : vector<16xi32> to vector<16x1xi32>
    %gather3A_504 = vector.shape_cast %broadcast_in_dim3A_503 : vector<16x1xi32> to vector<16xi32>
    %gather3A_505 = tpu.dynamic_gather %scan3A_494#0[%gather3A_504] in [0] : vector<16xf32>, vector<16xi32> -> vector<16xf32>
    %max3A_506 = arith.maximumf %scan3A_494#0, %gather3A_505 : vector<16xf32>
    %lt3A_507 = arith.constant 0 : i32
    %lt3A_508 = vector.broadcast %lt3A_507 : i32 to vector<16xi32>
    %lt3A_509 = arith.cmpi slt, %xor3A_7, %lt3A_508 : vector<16xi32>
    %add3A_510 = arith.constant 16 : i32
    %add3A_511 = vector.broadcast %add3A_510 : i32 to vector<16xi32>
    %add3A_512 = arith.addi %xor3A_7, %add3A_511 : vector<16xi32>
    %select_n3A_513 = arith.select %lt3A_509, %add3A_512, %xor3A_7 : vector<16xi1>, vector<16xi32>
    %broadcast_in_dim3A_514 = vector.shape_cast %select_n3A_513 : vector<16xi32> to vector<16x1xi32>
    %gather3A_515 = vector.shape_cast %broadcast_in_dim3A_514 : vector<16x1xi32> to vector<16xi32>
    %gather3A_516 = tpu.dynamic_gather %max3A_506[%gather3A_515] in [0] : vector<16xf32>, vector<16xi32> -> vector<16xf32>
    %max3A_517 = arith.maximumf %max3A_506, %gather3A_516 : vector<16xf32>
    %lt3A_518 = arith.constant 0 : i32
    %lt3A_519 = vector.broadcast %lt3A_518 : i32 to vector<16xi32>
    %lt3A_520 = arith.cmpi slt, %xor3A_10, %lt3A_519 : vector<16xi32>
    %add3A_521 = arith.constant 16 : i32
    %add3A_522 = vector.broadcast %add3A_521 : i32 to vector<16xi32>
    %add3A_523 = arith.addi %xor3A_10, %add3A_522 : vector<16xi32>
    %select_n3A_524 = arith.select %lt3A_520, %add3A_523, %xor3A_10 : vector<16xi1>, vector<16xi32>
    %broadcast_in_dim3A_525 = vector.shape_cast %select_n3A_524 : vector<16xi32> to vector<16x1xi32>
    %gather3A_526 = vector.shape_cast %broadcast_in_dim3A_525 : vector<16x1xi32> to vector<16xi32>
    %gather3A_527 = tpu.dynamic_gather %max3A_517[%gather3A_526] in [0] : vector<16xf32>, vector<16xi32> -> vector<16xf32>
    %max3A_528 = arith.maximumf %max3A_517, %gather3A_527 : vector<16xf32>
    %lt3A_529 = arith.constant 0 : i32
    %lt3A_530 = vector.broadcast %lt3A_529 : i32 to vector<16xi32>
    %lt3A_531 = arith.cmpi slt, %xor3A_13, %lt3A_530 : vector<16xi32>
    %add3A_532 = arith.constant 16 : i32
    %add3A_533 = vector.broadcast %add3A_532 : i32 to vector<16xi32>
    %add3A_534 = arith.addi %xor3A_13, %add3A_533 : vector<16xi32>
    %select_n3A_535 = arith.select %lt3A_531, %add3A_534, %xor3A_13 : vector<16xi1>, vector<16xi32>
    %broadcast_in_dim3A_536 = vector.shape_cast %select_n3A_535 : vector<16xi32> to vector<16x1xi32>
    %gather3A_537 = vector.shape_cast %broadcast_in_dim3A_536 : vector<16x1xi32> to vector<16xi32>
    %gather3A_538 = tpu.dynamic_gather %max3A_528[%gather3A_537] in [0] : vector<16xf32>, vector<16xi32> -> vector<16xf32>
    %max3A_539 = arith.maximumf %max3A_528, %gather3A_538 : vector<16xf32>
    %eq3A_540 = arith.cmpf oeq, %scan3A_494#0, %max3A_539 : vector<16xf32>
    %jit3A_541 = arith.constant 1024 : i32
    %broadcast_in_dim3A_542 = vector.broadcast %jit3A_541 : i32 to vector<16xi32>
    %select_n3A_543 = arith.select %eq3A_540, %scan3A_494#1, %broadcast_in_dim3A_542 : vector<16xi1>, vector<16xi32>
    %lt3A_544 = arith.constant 0 : i32
    %lt3A_545 = vector.broadcast %lt3A_544 : i32 to vector<16xi32>
    %lt3A_546 = arith.cmpi slt, %xor3A_4, %lt3A_545 : vector<16xi32>
    %add3A_547 = arith.constant 16 : i32
    %add3A_548 = vector.broadcast %add3A_547 : i32 to vector<16xi32>
    %add3A_549 = arith.addi %xor3A_4, %add3A_548 : vector<16xi32>
    %select_n3A_550 = arith.select %lt3A_546, %add3A_549, %xor3A_4 : vector<16xi1>, vector<16xi32>
    %broadcast_in_dim3A_551 = vector.shape_cast %select_n3A_550 : vector<16xi32> to vector<16x1xi32>
    %gather3A_552 = vector.shape_cast %broadcast_in_dim3A_551 : vector<16x1xi32> to vector<16xi32>
    %gather3A_553 = tpu.dynamic_gather %select_n3A_543[%gather3A_552] in [0] : vector<16xi32>, vector<16xi32> -> vector<16xi32>
    %min3A_554 = arith.minsi %select_n3A_543, %gather3A_553 : vector<16xi32>
    %lt3A_555 = arith.constant 0 : i32
    %lt3A_556 = vector.broadcast %lt3A_555 : i32 to vector<16xi32>
    %lt3A_557 = arith.cmpi slt, %xor3A_7, %lt3A_556 : vector<16xi32>
    %add3A_558 = arith.constant 16 : i32
    %add3A_559 = vector.broadcast %add3A_558 : i32 to vector<16xi32>
    %add3A_560 = arith.addi %xor3A_7, %add3A_559 : vector<16xi32>
    %select_n3A_561 = arith.select %lt3A_557, %add3A_560, %xor3A_7 : vector<16xi1>, vector<16xi32>
    %broadcast_in_dim3A_562 = vector.shape_cast %select_n3A_561 : vector<16xi32> to vector<16x1xi32>
    %gather3A_563 = vector.shape_cast %broadcast_in_dim3A_562 : vector<16x1xi32> to vector<16xi32>
    %gather3A_564 = tpu.dynamic_gather %min3A_554[%gather3A_563] in [0] : vector<16xi32>, vector<16xi32> -> vector<16xi32>
    %min3A_565 = arith.minsi %min3A_554, %gather3A_564 : vector<16xi32>
    %lt3A_566 = arith.constant 0 : i32
    %lt3A_567 = vector.broadcast %lt3A_566 : i32 to vector<16xi32>
    %lt3A_568 = arith.cmpi slt, %xor3A_10, %lt3A_567 : vector<16xi32>
    %add3A_569 = arith.constant 16 : i32
    %add3A_570 = vector.broadcast %add3A_569 : i32 to vector<16xi32>
    %add3A_571 = arith.addi %xor3A_10, %add3A_570 : vector<16xi32>
    %select_n3A_572 = arith.select %lt3A_568, %add3A_571, %xor3A_10 : vector<16xi1>, vector<16xi32>
    %broadcast_in_dim3A_573 = vector.shape_cast %select_n3A_572 : vector<16xi32> to vector<16x1xi32>
    %gather3A_574 = vector.shape_cast %broadcast_in_dim3A_573 : vector<16x1xi32> to vector<16xi32>
    %gather3A_575 = tpu.dynamic_gather %min3A_565[%gather3A_574] in [0] : vector<16xi32>, vector<16xi32> -> vector<16xi32>
    %min3A_576 = arith.minsi %min3A_565, %gather3A_575 : vector<16xi32>
    %lt3A_577 = arith.constant 0 : i32
    %lt3A_578 = vector.broadcast %lt3A_577 : i32 to vector<16xi32>
    %lt3A_579 = arith.cmpi slt, %xor3A_13, %lt3A_578 : vector<16xi32>
    %add3A_580 = arith.constant 16 : i32
    %add3A_581 = vector.broadcast %add3A_580 : i32 to vector<16xi32>
    %add3A_582 = arith.addi %xor3A_13, %add3A_581 : vector<16xi32>
    %select_n3A_583 = arith.select %lt3A_579, %add3A_582, %xor3A_13 : vector<16xi1>, vector<16xi32>
    %broadcast_in_dim3A_584 = vector.shape_cast %select_n3A_583 : vector<16xi32> to vector<16x1xi32>
    %gather3A_585 = vector.shape_cast %broadcast_in_dim3A_584 : vector<16x1xi32> to vector<16xi32>
    %gather3A_586 = tpu.dynamic_gather %min3A_576[%gather3A_585] in [0] : vector<16xi32>, vector<16xi32> -> vector<16xi32>
    %min3A_587 = arith.minsi %min3A_576, %gather3A_586 : vector<16xi32>
    %eq3A_588 = arith.cmpf oeq, %scan3A_494#0, %max3A_539 : vector<16xf32>
    %eq3A_589 = arith.cmpi eq, %scan3A_494#1, %min3A_587 : vector<16xi32>
    %and3A_590 = arith.andi %eq3A_588, %eq3A_589 : vector<16xi1>
    %select_n3A_591 = arith.select %and3A_590, %scan3A_494#2, %scan3A_494#0 : vector<16xi1>, vector<16xf32>
    %select_n3A_592 = arith.select %and3A_590, %scan3A_494#3, %scan3A_494#1 : vector<16xi1>, vector<16xi32>
    %lt3A_593 = arith.constant 0 : i32
    %lt3A_594 = vector.broadcast %lt3A_593 : i32 to vector<16xi32>
    %lt3A_595 = arith.cmpi slt, %xor3A_4, %lt3A_594 : vector<16xi32>
    %add3A_596 = arith.constant 16 : i32
    %add3A_597 = vector.broadcast %add3A_596 : i32 to vector<16xi32>
    %add3A_598 = arith.addi %xor3A_4, %add3A_597 : vector<16xi32>
    %select_n3A_599 = arith.select %lt3A_595, %add3A_598, %xor3A_4 : vector<16xi1>, vector<16xi32>
    %broadcast_in_dim3A_600 = vector.shape_cast %select_n3A_599 : vector<16xi32> to vector<16x1xi32>
    %gather3A_601 = vector.shape_cast %broadcast_in_dim3A_600 : vector<16x1xi32> to vector<16xi32>
    %gather3A_602 = tpu.dynamic_gather %select_n3A_591[%gather3A_601] in [0] : vector<16xf32>, vector<16xi32> -> vector<16xf32>
    %max3A_603 = arith.maximumf %select_n3A_591, %gather3A_602 : vector<16xf32>
    %lt3A_604 = arith.constant 0 : i32
    %lt3A_605 = vector.broadcast %lt3A_604 : i32 to vector<16xi32>
    %lt3A_606 = arith.cmpi slt, %xor3A_7, %lt3A_605 : vector<16xi32>
    %add3A_607 = arith.constant 16 : i32
    %add3A_608 = vector.broadcast %add3A_607 : i32 to vector<16xi32>
    %add3A_609 = arith.addi %xor3A_7, %add3A_608 : vector<16xi32>
    %select_n3A_610 = arith.select %lt3A_606, %add3A_609, %xor3A_7 : vector<16xi1>, vector<16xi32>
    %broadcast_in_dim3A_611 = vector.shape_cast %select_n3A_610 : vector<16xi32> to vector<16x1xi32>
    %gather3A_612 = vector.shape_cast %broadcast_in_dim3A_611 : vector<16x1xi32> to vector<16xi32>
    %gather3A_613 = tpu.dynamic_gather %max3A_603[%gather3A_612] in [0] : vector<16xf32>, vector<16xi32> -> vector<16xf32>
    %max3A_614 = arith.maximumf %max3A_603, %gather3A_613 : vector<16xf32>
    %lt3A_615 = arith.constant 0 : i32
    %lt3A_616 = vector.broadcast %lt3A_615 : i32 to vector<16xi32>
    %lt3A_617 = arith.cmpi slt, %xor3A_10, %lt3A_616 : vector<16xi32>
    %add3A_618 = arith.constant 16 : i32
    %add3A_619 = vector.broadcast %add3A_618 : i32 to vector<16xi32>
    %add3A_620 = arith.addi %xor3A_10, %add3A_619 : vector<16xi32>
    %select_n3A_621 = arith.select %lt3A_617, %add3A_620, %xor3A_10 : vector<16xi1>, vector<16xi32>
    %broadcast_in_dim3A_622 = vector.shape_cast %select_n3A_621 : vector<16xi32> to vector<16x1xi32>
    %gather3A_623 = vector.shape_cast %broadcast_in_dim3A_622 : vector<16x1xi32> to vector<16xi32>
    %gather3A_624 = tpu.dynamic_gather %max3A_614[%gather3A_623] in [0] : vector<16xf32>, vector<16xi32> -> vector<16xf32>
    %max3A_625 = arith.maximumf %max3A_614, %gather3A_624 : vector<16xf32>
    %lt3A_626 = arith.constant 0 : i32
    %lt3A_627 = vector.broadcast %lt3A_626 : i32 to vector<16xi32>
    %lt3A_628 = arith.cmpi slt, %xor3A_13, %lt3A_627 : vector<16xi32>
    %add3A_629 = arith.constant 16 : i32
    %add3A_630 = vector.broadcast %add3A_629 : i32 to vector<16xi32>
    %add3A_631 = arith.addi %xor3A_13, %add3A_630 : vector<16xi32>
    %select_n3A_632 = arith.select %lt3A_628, %add3A_631, %xor3A_13 : vector<16xi1>, vector<16xi32>
    %broadcast_in_dim3A_633 = vector.shape_cast %select_n3A_632 : vector<16xi32> to vector<16x1xi32>
    %gather3A_634 = vector.shape_cast %broadcast_in_dim3A_633 : vector<16x1xi32> to vector<16xi32>
    %gather3A_635 = tpu.dynamic_gather %max3A_625[%gather3A_634] in [0] : vector<16xf32>, vector<16xi32> -> vector<16xf32>
    %max3A_636 = arith.maximumf %max3A_625, %gather3A_635 : vector<16xf32>
    %eq3A_637 = arith.cmpf oeq, %select_n3A_591, %max3A_636 : vector<16xf32>
    %jit3A_638 = arith.constant 1024 : i32
    %broadcast_in_dim3A_639 = vector.broadcast %jit3A_638 : i32 to vector<16xi32>
    %select_n3A_640 = arith.select %eq3A_637, %select_n3A_592, %broadcast_in_dim3A_639 : vector<16xi1>, vector<16xi32>
    %lt3A_641 = arith.constant 0 : i32
    %lt3A_642 = vector.broadcast %lt3A_641 : i32 to vector<16xi32>
    %lt3A_643 = arith.cmpi slt, %xor3A_4, %lt3A_642 : vector<16xi32>
    %add3A_644 = arith.constant 16 : i32
    %add3A_645 = vector.broadcast %add3A_644 : i32 to vector<16xi32>
    %add3A_646 = arith.addi %xor3A_4, %add3A_645 : vector<16xi32>
    %select_n3A_647 = arith.select %lt3A_643, %add3A_646, %xor3A_4 : vector<16xi1>, vector<16xi32>
    %broadcast_in_dim3A_648 = vector.shape_cast %select_n3A_647 : vector<16xi32> to vector<16x1xi32>
    %gather3A_649 = vector.shape_cast %broadcast_in_dim3A_648 : vector<16x1xi32> to vector<16xi32>
    %gather3A_650 = tpu.dynamic_gather %select_n3A_640[%gather3A_649] in [0] : vector<16xi32>, vector<16xi32> -> vector<16xi32>
    %min3A_651 = arith.minsi %select_n3A_640, %gather3A_650 : vector<16xi32>
    %lt3A_652 = arith.constant 0 : i32
    %lt3A_653 = vector.broadcast %lt3A_652 : i32 to vector<16xi32>
    %lt3A_654 = arith.cmpi slt, %xor3A_7, %lt3A_653 : vector<16xi32>
    %add3A_655 = arith.constant 16 : i32
    %add3A_656 = vector.broadcast %add3A_655 : i32 to vector<16xi32>
    %add3A_657 = arith.addi %xor3A_7, %add3A_656 : vector<16xi32>
    %select_n3A_658 = arith.select %lt3A_654, %add3A_657, %xor3A_7 : vector<16xi1>, vector<16xi32>
    %broadcast_in_dim3A_659 = vector.shape_cast %select_n3A_658 : vector<16xi32> to vector<16x1xi32>
    %gather3A_660 = vector.shape_cast %broadcast_in_dim3A_659 : vector<16x1xi32> to vector<16xi32>
    %gather3A_661 = tpu.dynamic_gather %min3A_651[%gather3A_660] in [0] : vector<16xi32>, vector<16xi32> -> vector<16xi32>
    %min3A_662 = arith.minsi %min3A_651, %gather3A_661 : vector<16xi32>
    %lt3A_663 = arith.constant 0 : i32
    %lt3A_664 = vector.broadcast %lt3A_663 : i32 to vector<16xi32>
    %lt3A_665 = arith.cmpi slt, %xor3A_10, %lt3A_664 : vector<16xi32>
    %add3A_666 = arith.constant 16 : i32
    %add3A_667 = vector.broadcast %add3A_666 : i32 to vector<16xi32>
    %add3A_668 = arith.addi %xor3A_10, %add3A_667 : vector<16xi32>
    %select_n3A_669 = arith.select %lt3A_665, %add3A_668, %xor3A_10 : vector<16xi1>, vector<16xi32>
    %broadcast_in_dim3A_670 = vector.shape_cast %select_n3A_669 : vector<16xi32> to vector<16x1xi32>
    %gather3A_671 = vector.shape_cast %broadcast_in_dim3A_670 : vector<16x1xi32> to vector<16xi32>
    %gather3A_672 = tpu.dynamic_gather %min3A_662[%gather3A_671] in [0] : vector<16xi32>, vector<16xi32> -> vector<16xi32>
    %min3A_673 = arith.minsi %min3A_662, %gather3A_672 : vector<16xi32>
    %lt3A_674 = arith.constant 0 : i32
    %lt3A_675 = vector.broadcast %lt3A_674 : i32 to vector<16xi32>
    %lt3A_676 = arith.cmpi slt, %xor3A_13, %lt3A_675 : vector<16xi32>
    %add3A_677 = arith.constant 16 : i32
    %add3A_678 = vector.broadcast %add3A_677 : i32 to vector<16xi32>
    %add3A_679 = arith.addi %xor3A_13, %add3A_678 : vector<16xi32>
    %select_n3A_680 = arith.select %lt3A_676, %add3A_679, %xor3A_13 : vector<16xi1>, vector<16xi32>
    %broadcast_in_dim3A_681 = vector.shape_cast %select_n3A_680 : vector<16xi32> to vector<16x1xi32>
    %gather3A_682 = vector.shape_cast %broadcast_in_dim3A_681 : vector<16x1xi32> to vector<16xi32>
    %gather3A_683 = tpu.dynamic_gather %min3A_673[%gather3A_682] in [0] : vector<16xi32>, vector<16xi32> -> vector<16xi32>
    %min3A_684 = arith.minsi %min3A_673, %gather3A_683 : vector<16xi32>
    %sub3A_685 = arith.subf %max3A_636, %max3A_539 : vector<16xf32>
    %exp3A_686 = math.exp %sub3A_685 : vector<16xf32>
    %add3A_687 = arith.constant 1.000000e+00 : f32
    %add3A_688 = vector.broadcast %add3A_687 : f32 to vector<16xf32>
    %add3A_689 = arith.addf %exp3A_686, %add3A_688 : vector<16xf32>
    %div3A_690 = arith.constant 1.000000e+00 : f32
    %div3A_691 = vector.broadcast %div3A_690 : f32 to vector<16xf32>
    %div3A_692 = arith.divf %div3A_691, %add3A_689 : vector<16xf32>
    %div3A_693 = arith.divf %exp3A_686, %add3A_689 : vector<16xf32>
    %eq3A_694 = arith.constant 0 : i32
    %eq3A_695 = vector.broadcast %eq3A_694 : i32 to vector<16xi32>
    %eq3A_696 = arith.cmpi eq, %iota3A, %eq3A_695 : vector<16xi32>
    %eq3A_697 = arith.constant 1 : i32
    %eq3A_698 = vector.broadcast %eq3A_697 : i32 to vector<16xi32>
    %eq3A_699 = arith.cmpi eq, %iota3A, %eq3A_698 : vector<16xi32>
    %jit3A_700 = arith.constant 0.000000e+00 : f32
    %broadcast_in_dim3A_701 = vector.broadcast %jit3A_700 : f32 to vector<16xf32>
    %select_n3A_702 = arith.select %eq3A_699, %div3A_693, %broadcast_in_dim3A_701 : vector<16xi1>, vector<16xf32>
    %select_n3A_703 = arith.select %eq3A_696, %div3A_692, %select_n3A_702 : vector<16xi1>, vector<16xf32>
    %eq3A_704 = arith.constant 0 : i32
    %eq3A_705 = vector.broadcast %eq3A_704 : i32 to vector<16xi32>
    %eq3A_706 = arith.cmpi eq, %iota3A, %eq3A_705 : vector<16xi32>
    %eq3A_707 = arith.constant 1 : i32
    %eq3A_708 = vector.broadcast %eq3A_707 : i32 to vector<16xi32>
    %eq3A_709 = arith.cmpi eq, %iota3A, %eq3A_708 : vector<16xi32>
    %jit3A_710 = arith.constant 0 : i32
    %broadcast_in_dim3A_711 = vector.broadcast %jit3A_710 : i32 to vector<16xi32>
    %select_n3A_712 = arith.select %eq3A_709, %min3A_684, %broadcast_in_dim3A_711 : vector<16xi1>, vector<16xi32>
    %select_n3A_713 = arith.select %eq3A_706, %min3A_587, %select_n3A_712 : vector<16xi1>, vector<16xi32>
    %swap3A_714 = arith.constant 2 : i32
    %swap3A_715 = arith.index_cast %swap3A_714 : i32 to index
    %swap3A_716 = arith.constant 0 : index
    %swap3A_717 = tpu.vector_load %arg7[%swap3A_715, %swap3A_716] {strides = array<i32>} : memref<12x16xi32, #tpu.memory_space<vmem>>, vector<1x16xi32>,
    %swap3A_718 = vector.shape_cast %swap3A_717 : vector<1x16xi32> to vector<16xi32>
    %swap3A_719 = vector.shape_cast %select_n3A_713 : vector<16xi32> to vector<1x16xi32>
    tpu.vector_store %arg7[%swap3A_715, %swap3A_716], %swap3A_719 {strides = array<i32>} : memref<12x16xi32, #tpu.memory_space<vmem>>, vector<1x16xi32>,
    %swap3A_720 = arith.constant 2 : i32
    %swap3A_721 = arith.index_cast %swap3A_720 : i32 to index
    %swap3A_722 = arith.constant 0 : index
    %swap3A_723 = tpu.vector_load %arg8[%swap3A_721, %swap3A_722] {strides = array<i32>} : memref<12x16xf32, #tpu.memory_space<vmem>>, vector<1x16xf32>,
    %swap3A_724 = vector.shape_cast %swap3A_723 : vector<1x16xf32> to vector<16xf32>
    %swap3A_725 = vector.shape_cast %select_n3A_703 : vector<16xf32> to vector<1x16xf32>
    tpu.vector_store %arg8[%swap3A_721, %swap3A_722], %swap3A_725 {strides = array<i32>} : memref<12x16xf32, #tpu.memory_space<vmem>>, vector<1x16xf32>,
    %broadcast_in_dim3A_726 = vector.broadcast %squeeze3A : f32 to vector<16xf32>
    %broadcast_in_dim3A_727 = arith.constant 1024 : i32
    %broadcast_in_dim3A_728 = vector.broadcast %broadcast_in_dim3A_727 : i32 to vector<16xi32>
    %broadcast_in_dim3A_729 = vector.broadcast %squeeze3A : f32 to vector<16xf32>
    %broadcast_in_dim3A_730 = arith.constant 1024 : i32
    %broadcast_in_dim3A_731 = vector.broadcast %broadcast_in_dim3A_730 : i32 to vector<16xi32>
    %scan3A_732 = arith.constant 0 : i32
    %scan3A_733 = arith.constant 64 : i32
    %scan3A_734 = arith.addi %scan3A_732, %scan3A_733 : i32
    %scan3A_735 = arith.constant 1 : i32
    %scan3A_736:4 = scf.for %scan3A_2904 = %scan3A_732 to %scan3A_734 step %scan3A_735 iter_args(%scan3A_2905 = %broadcast_in_dim3A_726, %scan3A_2906 = %broadcast_in_dim3A_728, %scan3A_2907 = %broadcast_in_dim3A_729, %scan3A_2908 = %broadcast_in_dim3A_731) -> (vector<16xf32>, vector<16xi32>, vector<16xf32>, vector<16xi32>)  : i32 {
      %mul3A_2909 = arith.constant 16 : i32
      %mul3A_2910 = arith.muli %scan3A_2904, %mul3A_2909 : i32
      %get3A_2911 = arith.constant 3 : i32
      %get3A_2912 = arith.index_cast %get3A_2911 : i32 to index
      %get3A_2913 = arith.index_cast %mul3A_2910 : i32 to index
      %get3A_2914 = tpu.vector_load %arg6[%get3A_2912, %get3A_2913] {strides = array<i32>} : memref<12x1024xf32, #tpu.memory_space<vmem>>, vector<1x16xf32>,
      %get3A_2915 = vector.shape_cast %get3A_2914 : vector<1x16xf32> to vector<16xf32>
      %mul3A_2916 = arith.constant 16 : i32
      %mul3A_2917 = arith.muli %scan3A_2904, %mul3A_2916 : i32
      %add3A_2918 = vector.broadcast %mul3A_2917 : i32 to vector<16xi32>
      %add3A_2919 = arith.addi %iota3A, %add3A_2918 : vector<16xi32>
      %gt3A = arith.cmpf ogt, %get3A_2915, %scan3A_2905 : vector<16xf32>
      %gt3A_2920 = arith.cmpf ogt, %get3A_2915, %scan3A_2907 : vector<16xf32>
      %select_n3A_2921 = arith.select %gt3A_2920, %get3A_2915, %scan3A_2907 : vector<16xi1>, vector<16xf32>
      %select_n3A_2922 = arith.select %gt3A, %scan3A_2905, %select_n3A_2921 : vector<16xi1>, vector<16xf32>
      %select_n3A_2923 = arith.select %gt3A_2920, %add3A_2919, %scan3A_2908 : vector<16xi1>, vector<16xi32>
      %select_n3A_2924 = arith.select %gt3A, %scan3A_2906, %select_n3A_2923 : vector<16xi1>, vector<16xi32>
      %select_n3A_2925 = arith.select %gt3A, %get3A_2915, %scan3A_2905 : vector<16xi1>, vector<16xf32>
      %select_n3A_2926 = arith.select %gt3A, %add3A_2919, %scan3A_2906 : vector<16xi1>, vector<16xi32>
      scf.yield %select_n3A_2925, %select_n3A_2926, %select_n3A_2922, %select_n3A_2924 : vector<16xf32>, vector<16xi32>, vector<16xf32>, vector<16xi32>
    }
    %scan3A_737 = arith.constant 64 : i32
    %lt3A_738 = arith.constant 0 : i32
    %lt3A_739 = vector.broadcast %lt3A_738 : i32 to vector<16xi32>
    %lt3A_740 = arith.cmpi slt, %xor3A_4, %lt3A_739 : vector<16xi32>
    %add3A_741 = arith.constant 16 : i32
    %add3A_742 = vector.broadcast %add3A_741 : i32 to vector<16xi32>
    %add3A_743 = arith.addi %xor3A_4, %add3A_742 : vector<16xi32>
    %select_n3A_744 = arith.select %lt3A_740, %add3A_743, %xor3A_4 : vector<16xi1>, vector<16xi32>
    %broadcast_in_dim3A_745 = vector.shape_cast %select_n3A_744 : vector<16xi32> to vector<16x1xi32>
    %gather3A_746 = vector.shape_cast %broadcast_in_dim3A_745 : vector<16x1xi32> to vector<16xi32>
    %gather3A_747 = tpu.dynamic_gather %scan3A_736#0[%gather3A_746] in [0] : vector<16xf32>, vector<16xi32> -> vector<16xf32>
    %max3A_748 = arith.maximumf %scan3A_736#0, %gather3A_747 : vector<16xf32>
    %lt3A_749 = arith.constant 0 : i32
    %lt3A_750 = vector.broadcast %lt3A_749 : i32 to vector<16xi32>
    %lt3A_751 = arith.cmpi slt, %xor3A_7, %lt3A_750 : vector<16xi32>
    %add3A_752 = arith.constant 16 : i32
    %add3A_753 = vector.broadcast %add3A_752 : i32 to vector<16xi32>
    %add3A_754 = arith.addi %xor3A_7, %add3A_753 : vector<16xi32>
    %select_n3A_755 = arith.select %lt3A_751, %add3A_754, %xor3A_7 : vector<16xi1>, vector<16xi32>
    %broadcast_in_dim3A_756 = vector.shape_cast %select_n3A_755 : vector<16xi32> to vector<16x1xi32>
    %gather3A_757 = vector.shape_cast %broadcast_in_dim3A_756 : vector<16x1xi32> to vector<16xi32>
    %gather3A_758 = tpu.dynamic_gather %max3A_748[%gather3A_757] in [0] : vector<16xf32>, vector<16xi32> -> vector<16xf32>
    %max3A_759 = arith.maximumf %max3A_748, %gather3A_758 : vector<16xf32>
    %lt3A_760 = arith.constant 0 : i32
    %lt3A_761 = vector.broadcast %lt3A_760 : i32 to vector<16xi32>
    %lt3A_762 = arith.cmpi slt, %xor3A_10, %lt3A_761 : vector<16xi32>
    %add3A_763 = arith.constant 16 : i32
    %add3A_764 = vector.broadcast %add3A_763 : i32 to vector<16xi32>
    %add3A_765 = arith.addi %xor3A_10, %add3A_764 : vector<16xi32>
    %select_n3A_766 = arith.select %lt3A_762, %add3A_765, %xor3A_10 : vector<16xi1>, vector<16xi32>
    %broadcast_in_dim3A_767 = vector.shape_cast %select_n3A_766 : vector<16xi32> to vector<16x1xi32>
    %gather3A_768 = vector.shape_cast %broadcast_in_dim3A_767 : vector<16x1xi32> to vector<16xi32>
    %gather3A_769 = tpu.dynamic_gather %max3A_759[%gather3A_768] in [0] : vector<16xf32>, vector<16xi32> -> vector<16xf32>
    %max3A_770 = arith.maximumf %max3A_759, %gather3A_769 : vector<16xf32>
    %lt3A_771 = arith.constant 0 : i32
    %lt3A_772 = vector.broadcast %lt3A_771 : i32 to vector<16xi32>
    %lt3A_773 = arith.cmpi slt, %xor3A_13, %lt3A_772 : vector<16xi32>
    %add3A_774 = arith.constant 16 : i32
    %add3A_775 = vector.broadcast %add3A_774 : i32 to vector<16xi32>
    %add3A_776 = arith.addi %xor3A_13, %add3A_775 : vector<16xi32>
    %select_n3A_777 = arith.select %lt3A_773, %add3A_776, %xor3A_13 : vector<16xi1>, vector<16xi32>
    %broadcast_in_dim3A_778 = vector.shape_cast %select_n3A_777 : vector<16xi32> to vector<16x1xi32>
    %gather3A_779 = vector.shape_cast %broadcast_in_dim3A_778 : vector<16x1xi32> to vector<16xi32>
    %gather3A_780 = tpu.dynamic_gather %max3A_770[%gather3A_779] in [0] : vector<16xf32>, vector<16xi32> -> vector<16xf32>
    %max3A_781 = arith.maximumf %max3A_770, %gather3A_780 : vector<16xf32>
    %eq3A_782 = arith.cmpf oeq, %scan3A_736#0, %max3A_781 : vector<16xf32>
    %jit3A_783 = arith.constant 1024 : i32
    %broadcast_in_dim3A_784 = vector.broadcast %jit3A_783 : i32 to vector<16xi32>
    %select_n3A_785 = arith.select %eq3A_782, %scan3A_736#1, %broadcast_in_dim3A_784 : vector<16xi1>, vector<16xi32>
    %lt3A_786 = arith.constant 0 : i32
    %lt3A_787 = vector.broadcast %lt3A_786 : i32 to vector<16xi32>
    %lt3A_788 = arith.cmpi slt, %xor3A_4, %lt3A_787 : vector<16xi32>
    %add3A_789 = arith.constant 16 : i32
    %add3A_790 = vector.broadcast %add3A_789 : i32 to vector<16xi32>
    %add3A_791 = arith.addi %xor3A_4, %add3A_790 : vector<16xi32>
    %select_n3A_792 = arith.select %lt3A_788, %add3A_791, %xor3A_4 : vector<16xi1>, vector<16xi32>
    %broadcast_in_dim3A_793 = vector.shape_cast %select_n3A_792 : vector<16xi32> to vector<16x1xi32>
    %gather3A_794 = vector.shape_cast %broadcast_in_dim3A_793 : vector<16x1xi32> to vector<16xi32>
    %gather3A_795 = tpu.dynamic_gather %select_n3A_785[%gather3A_794] in [0] : vector<16xi32>, vector<16xi32> -> vector<16xi32>
    %min3A_796 = arith.minsi %select_n3A_785, %gather3A_795 : vector<16xi32>
    %lt3A_797 = arith.constant 0 : i32
    %lt3A_798 = vector.broadcast %lt3A_797 : i32 to vector<16xi32>
    %lt3A_799 = arith.cmpi slt, %xor3A_7, %lt3A_798 : vector<16xi32>
    %add3A_800 = arith.constant 16 : i32
    %add3A_801 = vector.broadcast %add3A_800 : i32 to vector<16xi32>
    %add3A_802 = arith.addi %xor3A_7, %add3A_801 : vector<16xi32>
    %select_n3A_803 = arith.select %lt3A_799, %add3A_802, %xor3A_7 : vector<16xi1>, vector<16xi32>
    %broadcast_in_dim3A_804 = vector.shape_cast %select_n3A_803 : vector<16xi32> to vector<16x1xi32>
    %gather3A_805 = vector.shape_cast %broadcast_in_dim3A_804 : vector<16x1xi32> to vector<16xi32>
    %gather3A_806 = tpu.dynamic_gather %min3A_796[%gather3A_805] in [0] : vector<16xi32>, vector<16xi32> -> vector<16xi32>
    %min3A_807 = arith.minsi %min3A_796, %gather3A_806 : vector<16xi32>
    %lt3A_808 = arith.constant 0 : i32
    %lt3A_809 = vector.broadcast %lt3A_808 : i32 to vector<16xi32>
    %lt3A_810 = arith.cmpi slt, %xor3A_10, %lt3A_809 : vector<16xi32>
    %add3A_811 = arith.constant 16 : i32
    %add3A_812 = vector.broadcast %add3A_811 : i32 to vector<16xi32>
    %add3A_813 = arith.addi %xor3A_10, %add3A_812 : vector<16xi32>
    %select_n3A_814 = arith.select %lt3A_810, %add3A_813, %xor3A_10 : vector<16xi1>, vector<16xi32>
    %broadcast_in_dim3A_815 = vector.shape_cast %select_n3A_814 : vector<16xi32> to vector<16x1xi32>
    %gather3A_816 = vector.shape_cast %broadcast_in_dim3A_815 : vector<16x1xi32> to vector<16xi32>
    %gather3A_817 = tpu.dynamic_gather %min3A_807[%gather3A_816] in [0] : vector<16xi32>, vector<16xi32> -> vector<16xi32>
    %min3A_818 = arith.minsi %min3A_807, %gather3A_817 : vector<16xi32>
    %lt3A_819 = arith.constant 0 : i32
    %lt3A_820 = vector.broadcast %lt3A_819 : i32 to vector<16xi32>
    %lt3A_821 = arith.cmpi slt, %xor3A_13, %lt3A_820 : vector<16xi32>
    %add3A_822 = arith.constant 16 : i32
    %add3A_823 = vector.broadcast %add3A_822 : i32 to vector<16xi32>
    %add3A_824 = arith.addi %xor3A_13, %add3A_823 : vector<16xi32>
    %select_n3A_825 = arith.select %lt3A_821, %add3A_824, %xor3A_13 : vector<16xi1>, vector<16xi32>
    %broadcast_in_dim3A_826 = vector.shape_cast %select_n3A_825 : vector<16xi32> to vector<16x1xi32>
    %gather3A_827 = vector.shape_cast %broadcast_in_dim3A_826 : vector<16x1xi32> to vector<16xi32>
    %gather3A_828 = tpu.dynamic_gather %min3A_818[%gather3A_827] in [0] : vector<16xi32>, vector<16xi32> -> vector<16xi32>
    %min3A_829 = arith.minsi %min3A_818, %gather3A_828 : vector<16xi32>
    %eq3A_830 = arith.cmpf oeq, %scan3A_736#0, %max3A_781 : vector<16xf32>
    %eq3A_831 = arith.cmpi eq, %scan3A_736#1, %min3A_829 : vector<16xi32>
    %and3A_832 = arith.andi %eq3A_830, %eq3A_831 : vector<16xi1>
    %select_n3A_833 = arith.select %and3A_832, %scan3A_736#2, %scan3A_736#0 : vector<16xi1>, vector<16xf32>
    %select_n3A_834 = arith.select %and3A_832, %scan3A_736#3, %scan3A_736#1 : vector<16xi1>, vector<16xi32>
    %lt3A_835 = arith.constant 0 : i32
    %lt3A_836 = vector.broadcast %lt3A_835 : i32 to vector<16xi32>
    %lt3A_837 = arith.cmpi slt, %xor3A_4, %lt3A_836 : vector<16xi32>
    %add3A_838 = arith.constant 16 : i32
    %add3A_839 = vector.broadcast %add3A_838 : i32 to vector<16xi32>
    %add3A_840 = arith.addi %xor3A_4, %add3A_839 : vector<16xi32>
    %select_n3A_841 = arith.select %lt3A_837, %add3A_840, %xor3A_4 : vector<16xi1>, vector<16xi32>
    %broadcast_in_dim3A_842 = vector.shape_cast %select_n3A_841 : vector<16xi32> to vector<16x1xi32>
    %gather3A_843 = vector.shape_cast %broadcast_in_dim3A_842 : vector<16x1xi32> to vector<16xi32>
    %gather3A_844 = tpu.dynamic_gather %select_n3A_833[%gather3A_843] in [0] : vector<16xf32>, vector<16xi32> -> vector<16xf32>
    %max3A_845 = arith.maximumf %select_n3A_833, %gather3A_844 : vector<16xf32>
    %lt3A_846 = arith.constant 0 : i32
    %lt3A_847 = vector.broadcast %lt3A_846 : i32 to vector<16xi32>
    %lt3A_848 = arith.cmpi slt, %xor3A_7, %lt3A_847 : vector<16xi32>
    %add3A_849 = arith.constant 16 : i32
    %add3A_850 = vector.broadcast %add3A_849 : i32 to vector<16xi32>
    %add3A_851 = arith.addi %xor3A_7, %add3A_850 : vector<16xi32>
    %select_n3A_852 = arith.select %lt3A_848, %add3A_851, %xor3A_7 : vector<16xi1>, vector<16xi32>
    %broadcast_in_dim3A_853 = vector.shape_cast %select_n3A_852 : vector<16xi32> to vector<16x1xi32>
    %gather3A_854 = vector.shape_cast %broadcast_in_dim3A_853 : vector<16x1xi32> to vector<16xi32>
    %gather3A_855 = tpu.dynamic_gather %max3A_845[%gather3A_854] in [0] : vector<16xf32>, vector<16xi32> -> vector<16xf32>
    %max3A_856 = arith.maximumf %max3A_845, %gather3A_855 : vector<16xf32>
    %lt3A_857 = arith.constant 0 : i32
    %lt3A_858 = vector.broadcast %lt3A_857 : i32 to vector<16xi32>
    %lt3A_859 = arith.cmpi slt, %xor3A_10, %lt3A_858 : vector<16xi32>
    %add3A_860 = arith.constant 16 : i32
    %add3A_861 = vector.broadcast %add3A_860 : i32 to vector<16xi32>
    %add3A_862 = arith.addi %xor3A_10, %add3A_861 : vector<16xi32>
    %select_n3A_863 = arith.select %lt3A_859, %add3A_862, %xor3A_10 : vector<16xi1>, vector<16xi32>
    %broadcast_in_dim3A_864 = vector.shape_cast %select_n3A_863 : vector<16xi32> to vector<16x1xi32>
    %gather3A_865 = vector.shape_cast %broadcast_in_dim3A_864 : vector<16x1xi32> to vector<16xi32>
    %gather3A_866 = tpu.dynamic_gather %max3A_856[%gather3A_865] in [0] : vector<16xf32>, vector<16xi32> -> vector<16xf32>
    %max3A_867 = arith.maximumf %max3A_856, %gather3A_866 : vector<16xf32>
    %lt3A_868 = arith.constant 0 : i32
    %lt3A_869 = vector.broadcast %lt3A_868 : i32 to vector<16xi32>
    %lt3A_870 = arith.cmpi slt, %xor3A_13, %lt3A_869 : vector<16xi32>
    %add3A_871 = arith.constant 16 : i32
    %add3A_872 = vector.broadcast %add3A_871 : i32 to vector<16xi32>
    %add3A_873 = arith.addi %xor3A_13, %add3A_872 : vector<16xi32>
    %select_n3A_874 = arith.select %lt3A_870, %add3A_873, %xor3A_13 : vector<16xi1>, vector<16xi32>
    %broadcast_in_dim3A_875 = vector.shape_cast %select_n3A_874 : vector<16xi32> to vector<16x1xi32>
    %gather3A_876 = vector.shape_cast %broadcast_in_dim3A_875 : vector<16x1xi32> to vector<16xi32>
    %gather3A_877 = tpu.dynamic_gather %max3A_867[%gather3A_876] in [0] : vector<16xf32>, vector<16xi32> -> vector<16xf32>
    %max3A_878 = arith.maximumf %max3A_867, %gather3A_877 : vector<16xf32>
    %eq3A_879 = arith.cmpf oeq, %select_n3A_833, %max3A_878 : vector<16xf32>
    %jit3A_880 = arith.constant 1024 : i32
    %broadcast_in_dim3A_881 = vector.broadcast %jit3A_880 : i32 to vector<16xi32>
    %select_n3A_882 = arith.select %eq3A_879, %select_n3A_834, %broadcast_in_dim3A_881 : vector<16xi1>, vector<16xi32>
    %lt3A_883 = arith.constant 0 : i32
    %lt3A_884 = vector.broadcast %lt3A_883 : i32 to vector<16xi32>
    %lt3A_885 = arith.cmpi slt, %xor3A_4, %lt3A_884 : vector<16xi32>
    %add3A_886 = arith.constant 16 : i32
    %add3A_887 = vector.broadcast %add3A_886 : i32 to vector<16xi32>
    %add3A_888 = arith.addi %xor3A_4, %add3A_887 : vector<16xi32>
    %select_n3A_889 = arith.select %lt3A_885, %add3A_888, %xor3A_4 : vector<16xi1>, vector<16xi32>
    %broadcast_in_dim3A_890 = vector.shape_cast %select_n3A_889 : vector<16xi32> to vector<16x1xi32>
    %gather3A_891 = vector.shape_cast %broadcast_in_dim3A_890 : vector<16x1xi32> to vector<16xi32>
    %gather3A_892 = tpu.dynamic_gather %select_n3A_882[%gather3A_891] in [0] : vector<16xi32>, vector<16xi32> -> vector<16xi32>
    %min3A_893 = arith.minsi %select_n3A_882, %gather3A_892 : vector<16xi32>
    %lt3A_894 = arith.constant 0 : i32
    %lt3A_895 = vector.broadcast %lt3A_894 : i32 to vector<16xi32>
    %lt3A_896 = arith.cmpi slt, %xor3A_7, %lt3A_895 : vector<16xi32>
    %add3A_897 = arith.constant 16 : i32
    %add3A_898 = vector.broadcast %add3A_897 : i32 to vector<16xi32>
    %add3A_899 = arith.addi %xor3A_7, %add3A_898 : vector<16xi32>
    %select_n3A_900 = arith.select %lt3A_896, %add3A_899, %xor3A_7 : vector<16xi1>, vector<16xi32>
    %broadcast_in_dim3A_901 = vector.shape_cast %select_n3A_900 : vector<16xi32> to vector<16x1xi32>
    %gather3A_902 = vector.shape_cast %broadcast_in_dim3A_901 : vector<16x1xi32> to vector<16xi32>
    %gather3A_903 = tpu.dynamic_gather %min3A_893[%gather3A_902] in [0] : vector<16xi32>, vector<16xi32> -> vector<16xi32>
    %min3A_904 = arith.minsi %min3A_893, %gather3A_903 : vector<16xi32>
    %lt3A_905 = arith.constant 0 : i32
    %lt3A_906 = vector.broadcast %lt3A_905 : i32 to vector<16xi32>
    %lt3A_907 = arith.cmpi slt, %xor3A_10, %lt3A_906 : vector<16xi32>
    %add3A_908 = arith.constant 16 : i32
    %add3A_909 = vector.broadcast %add3A_908 : i32 to vector<16xi32>
    %add3A_910 = arith.addi %xor3A_10, %add3A_909 : vector<16xi32>
    %select_n3A_911 = arith.select %lt3A_907, %add3A_910, %xor3A_10 : vector<16xi1>, vector<16xi32>
    %broadcast_in_dim3A_912 = vector.shape_cast %select_n3A_911 : vector<16xi32> to vector<16x1xi32>
    %gather3A_913 = vector.shape_cast %broadcast_in_dim3A_912 : vector<16x1xi32> to vector<16xi32>
    %gather3A_914 = tpu.dynamic_gather %min3A_904[%gather3A_913] in [0] : vector<16xi32>, vector<16xi32> -> vector<16xi32>
    %min3A_915 = arith.minsi %min3A_904, %gather3A_914 : vector<16xi32>
    %lt3A_916 = arith.constant 0 : i32
    %lt3A_917 = vector.broadcast %lt3A_916 : i32 to vector<16xi32>
    %lt3A_918 = arith.cmpi slt, %xor3A_13, %lt3A_917 : vector<16xi32>
    %add3A_919 = arith.constant 16 : i32
    %add3A_920 = vector.broadcast %add3A_919 : i32 to vector<16xi32>
    %add3A_921 = arith.addi %xor3A_13, %add3A_920 : vector<16xi32>
    %select_n3A_922 = arith.select %lt3A_918, %add3A_921, %xor3A_13 : vector<16xi1>, vector<16xi32>
    %broadcast_in_dim3A_923 = vector.shape_cast %select_n3A_922 : vector<16xi32> to vector<16x1xi32>
    %gather3A_924 = vector.shape_cast %broadcast_in_dim3A_923 : vector<16x1xi32> to vector<16xi32>
    %gather3A_925 = tpu.dynamic_gather %min3A_915[%gather3A_924] in [0] : vector<16xi32>, vector<16xi32> -> vector<16xi32>
    %min3A_926 = arith.minsi %min3A_915, %gather3A_925 : vector<16xi32>
    %sub3A_927 = arith.subf %max3A_878, %max3A_781 : vector<16xf32>
    %exp3A_928 = math.exp %sub3A_927 : vector<16xf32>
    %add3A_929 = arith.constant 1.000000e+00 : f32
    %add3A_930 = vector.broadcast %add3A_929 : f32 to vector<16xf32>
    %add3A_931 = arith.addf %exp3A_928, %add3A_930 : vector<16xf32>
    %div3A_932 = arith.constant 1.000000e+00 : f32
    %div3A_933 = vector.broadcast %div3A_932 : f32 to vector<16xf32>
    %div3A_934 = arith.divf %div3A_933, %add3A_931 : vector<16xf32>
    %div3A_935 = arith.divf %exp3A_928, %add3A_931 : vector<16xf32>
    %eq3A_936 = arith.constant 0 : i32
    %eq3A_937 = vector.broadcast %eq3A_936 : i32 to vector<16xi32>
    %eq3A_938 = arith.cmpi eq, %iota3A, %eq3A_937 : vector<16xi32>
    %eq3A_939 = arith.constant 1 : i32
    %eq3A_940 = vector.broadcast %eq3A_939 : i32 to vector<16xi32>
    %eq3A_941 = arith.cmpi eq, %iota3A, %eq3A_940 : vector<16xi32>
    %jit3A_942 = arith.constant 0.000000e+00 : f32
    %broadcast_in_dim3A_943 = vector.broadcast %jit3A_942 : f32 to vector<16xf32>
    %select_n3A_944 = arith.select %eq3A_941, %div3A_935, %broadcast_in_dim3A_943 : vector<16xi1>, vector<16xf32>
    %select_n3A_945 = arith.select %eq3A_938, %div3A_934, %select_n3A_944 : vector<16xi1>, vector<16xf32>
    %eq3A_946 = arith.constant 0 : i32
    %eq3A_947 = vector.broadcast %eq3A_946 : i32 to vector<16xi32>
    %eq3A_948 = arith.cmpi eq, %iota3A, %eq3A_947 : vector<16xi32>
    %eq3A_949 = arith.constant 1 : i32
    %eq3A_950 = vector.broadcast %eq3A_949 : i32 to vector<16xi32>
    %eq3A_951 = arith.cmpi eq, %iota3A, %eq3A_950 : vector<16xi32>
    %jit3A_952 = arith.constant 0 : i32
    %broadcast_in_dim3A_953 = vector.broadcast %jit3A_952 : i32 to vector<16xi32>
    %select_n3A_954 = arith.select %eq3A_951, %min3A_926, %broadcast_in_dim3A_953 : vector<16xi1>, vector<16xi32>
    %select_n3A_955 = arith.select %eq3A_948, %min3A_829, %select_n3A_954 : vector<16xi1>, vector<16xi32>
    %swap3A_956 = arith.constant 3 : i32
    %swap3A_957 = arith.index_cast %swap3A_956 : i32 to index
    %swap3A_958 = arith.constant 0 : index
    %swap3A_959 = tpu.vector_load %arg7[%swap3A_957, %swap3A_958] {strides = array<i32>} : memref<12x16xi32, #tpu.memory_space<vmem>>, vector<1x16xi32>,
    %swap3A_960 = vector.shape_cast %swap3A_959 : vector<1x16xi32> to vector<16xi32>
    %swap3A_961 = vector.shape_cast %select_n3A_955 : vector<16xi32> to vector<1x16xi32>
    tpu.vector_store %arg7[%swap3A_957, %swap3A_958], %swap3A_961 {strides = array<i32>} : memref<12x16xi32, #tpu.memory_space<vmem>>, vector<1x16xi32>,
    %swap3A_962 = arith.constant 3 : i32
    %swap3A_963 = arith.index_cast %swap3A_962 : i32 to index
    %swap3A_964 = arith.constant 0 : index
    %swap3A_965 = tpu.vector_load %arg8[%swap3A_963, %swap3A_964] {strides = array<i32>} : memref<12x16xf32, #tpu.memory_space<vmem>>, vector<1x16xf32>,
    %swap3A_966 = vector.shape_cast %swap3A_965 : vector<1x16xf32> to vector<16xf32>
    %swap3A_967 = vector.shape_cast %select_n3A_945 : vector<16xf32> to vector<1x16xf32>
    tpu.vector_store %arg8[%swap3A_963, %swap3A_964], %swap3A_967 {strides = array<i32>} : memref<12x16xf32, #tpu.memory_space<vmem>>, vector<1x16xf32>,
    %broadcast_in_dim3A_968 = vector.broadcast %squeeze3A : f32 to vector<16xf32>
    %broadcast_in_dim3A_969 = arith.constant 1024 : i32
    %broadcast_in_dim3A_970 = vector.broadcast %broadcast_in_dim3A_969 : i32 to vector<16xi32>
    %broadcast_in_dim3A_971 = vector.broadcast %squeeze3A : f32 to vector<16xf32>
    %broadcast_in_dim3A_972 = arith.constant 1024 : i32
    %broadcast_in_dim3A_973 = vector.broadcast %broadcast_in_dim3A_972 : i32 to vector<16xi32>
    %scan3A_974 = arith.constant 0 : i32
    %scan3A_975 = arith.constant 64 : i32
    %scan3A_976 = arith.addi %scan3A_974, %scan3A_975 : i32
    %scan3A_977 = arith.constant 1 : i32
    %scan3A_978:4 = scf.for %scan3A_2904 = %scan3A_974 to %scan3A_976 step %scan3A_977 iter_args(%scan3A_2905 = %broadcast_in_dim3A_968, %scan3A_2906 = %broadcast_in_dim3A_970, %scan3A_2907 = %broadcast_in_dim3A_971, %scan3A_2908 = %broadcast_in_dim3A_973) -> (vector<16xf32>, vector<16xi32>, vector<16xf32>, vector<16xi32>)  : i32 {
      %mul3A_2909 = arith.constant 16 : i32
      %mul3A_2910 = arith.muli %scan3A_2904, %mul3A_2909 : i32
      %get3A_2911 = arith.constant 4 : i32
      %get3A_2912 = arith.index_cast %get3A_2911 : i32 to index
      %get3A_2913 = arith.index_cast %mul3A_2910 : i32 to index
      %get3A_2914 = tpu.vector_load %arg6[%get3A_2912, %get3A_2913] {strides = array<i32>} : memref<12x1024xf32, #tpu.memory_space<vmem>>, vector<1x16xf32>,
      %get3A_2915 = vector.shape_cast %get3A_2914 : vector<1x16xf32> to vector<16xf32>
      %mul3A_2916 = arith.constant 16 : i32
      %mul3A_2917 = arith.muli %scan3A_2904, %mul3A_2916 : i32
      %add3A_2918 = vector.broadcast %mul3A_2917 : i32 to vector<16xi32>
      %add3A_2919 = arith.addi %iota3A, %add3A_2918 : vector<16xi32>
      %gt3A = arith.cmpf ogt, %get3A_2915, %scan3A_2905 : vector<16xf32>
      %gt3A_2920 = arith.cmpf ogt, %get3A_2915, %scan3A_2907 : vector<16xf32>
      %select_n3A_2921 = arith.select %gt3A_2920, %get3A_2915, %scan3A_2907 : vector<16xi1>, vector<16xf32>
      %select_n3A_2922 = arith.select %gt3A, %scan3A_2905, %select_n3A_2921 : vector<16xi1>, vector<16xf32>
      %select_n3A_2923 = arith.select %gt3A_2920, %add3A_2919, %scan3A_2908 : vector<16xi1>, vector<16xi32>
      %select_n3A_2924 = arith.select %gt3A, %scan3A_2906, %select_n3A_2923 : vector<16xi1>, vector<16xi32>
      %select_n3A_2925 = arith.select %gt3A, %get3A_2915, %scan3A_2905 : vector<16xi1>, vector<16xf32>
      %select_n3A_2926 = arith.select %gt3A, %add3A_2919, %scan3A_2906 : vector<16xi1>, vector<16xi32>
      scf.yield %select_n3A_2925, %select_n3A_2926, %select_n3A_2922, %select_n3A_2924 : vector<16xf32>, vector<16xi32>, vector<16xf32>, vector<16xi32>
    }
    %scan3A_979 = arith.constant 64 : i32
    %lt3A_980 = arith.constant 0 : i32
    %lt3A_981 = vector.broadcast %lt3A_980 : i32 to vector<16xi32>
    %lt3A_982 = arith.cmpi slt, %xor3A_4, %lt3A_981 : vector<16xi32>
    %add3A_983 = arith.constant 16 : i32
    %add3A_984 = vector.broadcast %add3A_983 : i32 to vector<16xi32>
    %add3A_985 = arith.addi %xor3A_4, %add3A_984 : vector<16xi32>
    %select_n3A_986 = arith.select %lt3A_982, %add3A_985, %xor3A_4 : vector<16xi1>, vector<16xi32>
    %broadcast_in_dim3A_987 = vector.shape_cast %select_n3A_986 : vector<16xi32> to vector<16x1xi32>
    %gather3A_988 = vector.shape_cast %broadcast_in_dim3A_987 : vector<16x1xi32> to vector<16xi32>
    %gather3A_989 = tpu.dynamic_gather %scan3A_978#0[%gather3A_988] in [0] : vector<16xf32>, vector<16xi32> -> vector<16xf32>
    %max3A_990 = arith.maximumf %scan3A_978#0, %gather3A_989 : vector<16xf32>
    %lt3A_991 = arith.constant 0 : i32
    %lt3A_992 = vector.broadcast %lt3A_991 : i32 to vector<16xi32>
    %lt3A_993 = arith.cmpi slt, %xor3A_7, %lt3A_992 : vector<16xi32>
    %add3A_994 = arith.constant 16 : i32
    %add3A_995 = vector.broadcast %add3A_994 : i32 to vector<16xi32>
    %add3A_996 = arith.addi %xor3A_7, %add3A_995 : vector<16xi32>
    %select_n3A_997 = arith.select %lt3A_993, %add3A_996, %xor3A_7 : vector<16xi1>, vector<16xi32>
    %broadcast_in_dim3A_998 = vector.shape_cast %select_n3A_997 : vector<16xi32> to vector<16x1xi32>
    %gather3A_999 = vector.shape_cast %broadcast_in_dim3A_998 : vector<16x1xi32> to vector<16xi32>
    %gather3A_1000 = tpu.dynamic_gather %max3A_990[%gather3A_999] in [0] : vector<16xf32>, vector<16xi32> -> vector<16xf32>
    %max3A_1001 = arith.maximumf %max3A_990, %gather3A_1000 : vector<16xf32>
    %lt3A_1002 = arith.constant 0 : i32
    %lt3A_1003 = vector.broadcast %lt3A_1002 : i32 to vector<16xi32>
    %lt3A_1004 = arith.cmpi slt, %xor3A_10, %lt3A_1003 : vector<16xi32>
    %add3A_1005 = arith.constant 16 : i32
    %add3A_1006 = vector.broadcast %add3A_1005 : i32 to vector<16xi32>
    %add3A_1007 = arith.addi %xor3A_10, %add3A_1006 : vector<16xi32>
    %select_n3A_1008 = arith.select %lt3A_1004, %add3A_1007, %xor3A_10 : vector<16xi1>, vector<16xi32>
    %broadcast_in_dim3A_1009 = vector.shape_cast %select_n3A_1008 : vector<16xi32> to vector<16x1xi32>
    %gather3A_1010 = vector.shape_cast %broadcast_in_dim3A_1009 : vector<16x1xi32> to vector<16xi32>
    %gather3A_1011 = tpu.dynamic_gather %max3A_1001[%gather3A_1010] in [0] : vector<16xf32>, vector<16xi32> -> vector<16xf32>
    %max3A_1012 = arith.maximumf %max3A_1001, %gather3A_1011 : vector<16xf32>
    %lt3A_1013 = arith.constant 0 : i32
    %lt3A_1014 = vector.broadcast %lt3A_1013 : i32 to vector<16xi32>
    %lt3A_1015 = arith.cmpi slt, %xor3A_13, %lt3A_1014 : vector<16xi32>
    %add3A_1016 = arith.constant 16 : i32
    %add3A_1017 = vector.broadcast %add3A_1016 : i32 to vector<16xi32>
    %add3A_1018 = arith.addi %xor3A_13, %add3A_1017 : vector<16xi32>
    %select_n3A_1019 = arith.select %lt3A_1015, %add3A_1018, %xor3A_13 : vector<16xi1>, vector<16xi32>
    %broadcast_in_dim3A_1020 = vector.shape_cast %select_n3A_1019 : vector<16xi32> to vector<16x1xi32>
    %gather3A_1021 = vector.shape_cast %broadcast_in_dim3A_1020 : vector<16x1xi32> to vector<16xi32>
    %gather3A_1022 = tpu.dynamic_gather %max3A_1012[%gather3A_1021] in [0] : vector<16xf32>, vector<16xi32> -> vector<16xf32>
    %max3A_1023 = arith.maximumf %max3A_1012, %gather3A_1022 : vector<16xf32>
    %eq3A_1024 = arith.cmpf oeq, %scan3A_978#0, %max3A_1023 : vector<16xf32>
    %jit3A_1025 = arith.constant 1024 : i32
    %broadcast_in_dim3A_1026 = vector.broadcast %jit3A_1025 : i32 to vector<16xi32>
    %select_n3A_1027 = arith.select %eq3A_1024, %scan3A_978#1, %broadcast_in_dim3A_1026 : vector<16xi1>, vector<16xi32>
    %lt3A_1028 = arith.constant 0 : i32
    %lt3A_1029 = vector.broadcast %lt3A_1028 : i32 to vector<16xi32>
    %lt3A_1030 = arith.cmpi slt, %xor3A_4, %lt3A_1029 : vector<16xi32>
    %add3A_1031 = arith.constant 16 : i32
    %add3A_1032 = vector.broadcast %add3A_1031 : i32 to vector<16xi32>
    %add3A_1033 = arith.addi %xor3A_4, %add3A_1032 : vector<16xi32>
    %select_n3A_1034 = arith.select %lt3A_1030, %add3A_1033, %xor3A_4 : vector<16xi1>, vector<16xi32>
    %broadcast_in_dim3A_1035 = vector.shape_cast %select_n3A_1034 : vector<16xi32> to vector<16x1xi32>
    %gather3A_1036 = vector.shape_cast %broadcast_in_dim3A_1035 : vector<16x1xi32> to vector<16xi32>
    %gather3A_1037 = tpu.dynamic_gather %select_n3A_1027[%gather3A_1036] in [0] : vector<16xi32>, vector<16xi32> -> vector<16xi32>
    %min3A_1038 = arith.minsi %select_n3A_1027, %gather3A_1037 : vector<16xi32>
    %lt3A_1039 = arith.constant 0 : i32
    %lt3A_1040 = vector.broadcast %lt3A_1039 : i32 to vector<16xi32>
    %lt3A_1041 = arith.cmpi slt, %xor3A_7, %lt3A_1040 : vector<16xi32>
    %add3A_1042 = arith.constant 16 : i32
    %add3A_1043 = vector.broadcast %add3A_1042 : i32 to vector<16xi32>
    %add3A_1044 = arith.addi %xor3A_7, %add3A_1043 : vector<16xi32>
    %select_n3A_1045 = arith.select %lt3A_1041, %add3A_1044, %xor3A_7 : vector<16xi1>, vector<16xi32>
    %broadcast_in_dim3A_1046 = vector.shape_cast %select_n3A_1045 : vector<16xi32> to vector<16x1xi32>
    %gather3A_1047 = vector.shape_cast %broadcast_in_dim3A_1046 : vector<16x1xi32> to vector<16xi32>
    %gather3A_1048 = tpu.dynamic_gather %min3A_1038[%gather3A_1047] in [0] : vector<16xi32>, vector<16xi32> -> vector<16xi32>
    %min3A_1049 = arith.minsi %min3A_1038, %gather3A_1048 : vector<16xi32>
    %lt3A_1050 = arith.constant 0 : i32
    %lt3A_1051 = vector.broadcast %lt3A_1050 : i32 to vector<16xi32>
    %lt3A_1052 = arith.cmpi slt, %xor3A_10, %lt3A_1051 : vector<16xi32>
    %add3A_1053 = arith.constant 16 : i32
    %add3A_1054 = vector.broadcast %add3A_1053 : i32 to vector<16xi32>
    %add3A_1055 = arith.addi %xor3A_10, %add3A_1054 : vector<16xi32>
    %select_n3A_1056 = arith.select %lt3A_1052, %add3A_1055, %xor3A_10 : vector<16xi1>, vector<16xi32>
    %broadcast_in_dim3A_1057 = vector.shape_cast %select_n3A_1056 : vector<16xi32> to vector<16x1xi32>
    %gather3A_1058 = vector.shape_cast %broadcast_in_dim3A_1057 : vector<16x1xi32> to vector<16xi32>
    %gather3A_1059 = tpu.dynamic_gather %min3A_1049[%gather3A_1058] in [0] : vector<16xi32>, vector<16xi32> -> vector<16xi32>
    %min3A_1060 = arith.minsi %min3A_1049, %gather3A_1059 : vector<16xi32>
    %lt3A_1061 = arith.constant 0 : i32
    %lt3A_1062 = vector.broadcast %lt3A_1061 : i32 to vector<16xi32>
    %lt3A_1063 = arith.cmpi slt, %xor3A_13, %lt3A_1062 : vector<16xi32>
    %add3A_1064 = arith.constant 16 : i32
    %add3A_1065 = vector.broadcast %add3A_1064 : i32 to vector<16xi32>
    %add3A_1066 = arith.addi %xor3A_13, %add3A_1065 : vector<16xi32>
    %select_n3A_1067 = arith.select %lt3A_1063, %add3A_1066, %xor3A_13 : vector<16xi1>, vector<16xi32>
    %broadcast_in_dim3A_1068 = vector.shape_cast %select_n3A_1067 : vector<16xi32> to vector<16x1xi32>
    %gather3A_1069 = vector.shape_cast %broadcast_in_dim3A_1068 : vector<16x1xi32> to vector<16xi32>
    %gather3A_1070 = tpu.dynamic_gather %min3A_1060[%gather3A_1069] in [0] : vector<16xi32>, vector<16xi32> -> vector<16xi32>
    %min3A_1071 = arith.minsi %min3A_1060, %gather3A_1070 : vector<16xi32>
    %eq3A_1072 = arith.cmpf oeq, %scan3A_978#0, %max3A_1023 : vector<16xf32>
    %eq3A_1073 = arith.cmpi eq, %scan3A_978#1, %min3A_1071 : vector<16xi32>
    %and3A_1074 = arith.andi %eq3A_1072, %eq3A_1073 : vector<16xi1>
    %select_n3A_1075 = arith.select %and3A_1074, %scan3A_978#2, %scan3A_978#0 : vector<16xi1>, vector<16xf32>
    %select_n3A_1076 = arith.select %and3A_1074, %scan3A_978#3, %scan3A_978#1 : vector<16xi1>, vector<16xi32>
    %lt3A_1077 = arith.constant 0 : i32
    %lt3A_1078 = vector.broadcast %lt3A_1077 : i32 to vector<16xi32>
    %lt3A_1079 = arith.cmpi slt, %xor3A_4, %lt3A_1078 : vector<16xi32>
    %add3A_1080 = arith.constant 16 : i32
    %add3A_1081 = vector.broadcast %add3A_1080 : i32 to vector<16xi32>
    %add3A_1082 = arith.addi %xor3A_4, %add3A_1081 : vector<16xi32>
    %select_n3A_1083 = arith.select %lt3A_1079, %add3A_1082, %xor3A_4 : vector<16xi1>, vector<16xi32>
    %broadcast_in_dim3A_1084 = vector.shape_cast %select_n3A_1083 : vector<16xi32> to vector<16x1xi32>
    %gather3A_1085 = vector.shape_cast %broadcast_in_dim3A_1084 : vector<16x1xi32> to vector<16xi32>
    %gather3A_1086 = tpu.dynamic_gather %select_n3A_1075[%gather3A_1085] in [0] : vector<16xf32>, vector<16xi32> -> vector<16xf32>
    %max3A_1087 = arith.maximumf %select_n3A_1075, %gather3A_1086 : vector<16xf32>
    %lt3A_1088 = arith.constant 0 : i32
    %lt3A_1089 = vector.broadcast %lt3A_1088 : i32 to vector<16xi32>
    %lt3A_1090 = arith.cmpi slt, %xor3A_7, %lt3A_1089 : vector<16xi32>
    %add3A_1091 = arith.constant 16 : i32
    %add3A_1092 = vector.broadcast %add3A_1091 : i32 to vector<16xi32>
    %add3A_1093 = arith.addi %xor3A_7, %add3A_1092 : vector<16xi32>
    %select_n3A_1094 = arith.select %lt3A_1090, %add3A_1093, %xor3A_7 : vector<16xi1>, vector<16xi32>
    %broadcast_in_dim3A_1095 = vector.shape_cast %select_n3A_1094 : vector<16xi32> to vector<16x1xi32>
    %gather3A_1096 = vector.shape_cast %broadcast_in_dim3A_1095 : vector<16x1xi32> to vector<16xi32>
    %gather3A_1097 = tpu.dynamic_gather %max3A_1087[%gather3A_1096] in [0] : vector<16xf32>, vector<16xi32> -> vector<16xf32>
    %max3A_1098 = arith.maximumf %max3A_1087, %gather3A_1097 : vector<16xf32>
    %lt3A_1099 = arith.constant 0 : i32
    %lt3A_1100 = vector.broadcast %lt3A_1099 : i32 to vector<16xi32>
    %lt3A_1101 = arith.cmpi slt, %xor3A_10, %lt3A_1100 : vector<16xi32>
    %add3A_1102 = arith.constant 16 : i32
    %add3A_1103 = vector.broadcast %add3A_1102 : i32 to vector<16xi32>
    %add3A_1104 = arith.addi %xor3A_10, %add3A_1103 : vector<16xi32>
    %select_n3A_1105 = arith.select %lt3A_1101, %add3A_1104, %xor3A_10 : vector<16xi1>, vector<16xi32>
    %broadcast_in_dim3A_1106 = vector.shape_cast %select_n3A_1105 : vector<16xi32> to vector<16x1xi32>
    %gather3A_1107 = vector.shape_cast %broadcast_in_dim3A_1106 : vector<16x1xi32> to vector<16xi32>
    %gather3A_1108 = tpu.dynamic_gather %max3A_1098[%gather3A_1107] in [0] : vector<16xf32>, vector<16xi32> -> vector<16xf32>
    %max3A_1109 = arith.maximumf %max3A_1098, %gather3A_1108 : vector<16xf32>
    %lt3A_1110 = arith.constant 0 : i32
    %lt3A_1111 = vector.broadcast %lt3A_1110 : i32 to vector<16xi32>
    %lt3A_1112 = arith.cmpi slt, %xor3A_13, %lt3A_1111 : vector<16xi32>
    %add3A_1113 = arith.constant 16 : i32
    %add3A_1114 = vector.broadcast %add3A_1113 : i32 to vector<16xi32>
    %add3A_1115 = arith.addi %xor3A_13, %add3A_1114 : vector<16xi32>
    %select_n3A_1116 = arith.select %lt3A_1112, %add3A_1115, %xor3A_13 : vector<16xi1>, vector<16xi32>
    %broadcast_in_dim3A_1117 = vector.shape_cast %select_n3A_1116 : vector<16xi32> to vector<16x1xi32>
    %gather3A_1118 = vector.shape_cast %broadcast_in_dim3A_1117 : vector<16x1xi32> to vector<16xi32>
    %gather3A_1119 = tpu.dynamic_gather %max3A_1109[%gather3A_1118] in [0] : vector<16xf32>, vector<16xi32> -> vector<16xf32>
    %max3A_1120 = arith.maximumf %max3A_1109, %gather3A_1119 : vector<16xf32>
    %eq3A_1121 = arith.cmpf oeq, %select_n3A_1075, %max3A_1120 : vector<16xf32>
    %jit3A_1122 = arith.constant 1024 : i32
    %broadcast_in_dim3A_1123 = vector.broadcast %jit3A_1122 : i32 to vector<16xi32>
    %select_n3A_1124 = arith.select %eq3A_1121, %select_n3A_1076, %broadcast_in_dim3A_1123 : vector<16xi1>, vector<16xi32>
    %lt3A_1125 = arith.constant 0 : i32
    %lt3A_1126 = vector.broadcast %lt3A_1125 : i32 to vector<16xi32>
    %lt3A_1127 = arith.cmpi slt, %xor3A_4, %lt3A_1126 : vector<16xi32>
    %add3A_1128 = arith.constant 16 : i32
    %add3A_1129 = vector.broadcast %add3A_1128 : i32 to vector<16xi32>
    %add3A_1130 = arith.addi %xor3A_4, %add3A_1129 : vector<16xi32>
    %select_n3A_1131 = arith.select %lt3A_1127, %add3A_1130, %xor3A_4 : vector<16xi1>, vector<16xi32>
    %broadcast_in_dim3A_1132 = vector.shape_cast %select_n3A_1131 : vector<16xi32> to vector<16x1xi32>
    %gather3A_1133 = vector.shape_cast %broadcast_in_dim3A_1132 : vector<16x1xi32> to vector<16xi32>
    %gather3A_1134 = tpu.dynamic_gather %select_n3A_1124[%gather3A_1133] in [0] : vector<16xi32>, vector<16xi32> -> vector<16xi32>
    %min3A_1135 = arith.minsi %select_n3A_1124, %gather3A_1134 : vector<16xi32>
    %lt3A_1136 = arith.constant 0 : i32
    %lt3A_1137 = vector.broadcast %lt3A_1136 : i32 to vector<16xi32>
    %lt3A_1138 = arith.cmpi slt, %xor3A_7, %lt3A_1137 : vector<16xi32>
    %add3A_1139 = arith.constant 16 : i32
    %add3A_1140 = vector.broadcast %add3A_1139 : i32 to vector<16xi32>
    %add3A_1141 = arith.addi %xor3A_7, %add3A_1140 : vector<16xi32>
    %select_n3A_1142 = arith.select %lt3A_1138, %add3A_1141, %xor3A_7 : vector<16xi1>, vector<16xi32>
    %broadcast_in_dim3A_1143 = vector.shape_cast %select_n3A_1142 : vector<16xi32> to vector<16x1xi32>
    %gather3A_1144 = vector.shape_cast %broadcast_in_dim3A_1143 : vector<16x1xi32> to vector<16xi32>
    %gather3A_1145 = tpu.dynamic_gather %min3A_1135[%gather3A_1144] in [0] : vector<16xi32>, vector<16xi32> -> vector<16xi32>
    %min3A_1146 = arith.minsi %min3A_1135, %gather3A_1145 : vector<16xi32>
    %lt3A_1147 = arith.constant 0 : i32
    %lt3A_1148 = vector.broadcast %lt3A_1147 : i32 to vector<16xi32>
    %lt3A_1149 = arith.cmpi slt, %xor3A_10, %lt3A_1148 : vector<16xi32>
    %add3A_1150 = arith.constant 16 : i32
    %add3A_1151 = vector.broadcast %add3A_1150 : i32 to vector<16xi32>
    %add3A_1152 = arith.addi %xor3A_10, %add3A_1151 : vector<16xi32>
    %select_n3A_1153 = arith.select %lt3A_1149, %add3A_1152, %xor3A_10 : vector<16xi1>, vector<16xi32>
    %broadcast_in_dim3A_1154 = vector.shape_cast %select_n3A_1153 : vector<16xi32> to vector<16x1xi32>
    %gather3A_1155 = vector.shape_cast %broadcast_in_dim3A_1154 : vector<16x1xi32> to vector<16xi32>
    %gather3A_1156 = tpu.dynamic_gather %min3A_1146[%gather3A_1155] in [0] : vector<16xi32>, vector<16xi32> -> vector<16xi32>
    %min3A_1157 = arith.minsi %min3A_1146, %gather3A_1156 : vector<16xi32>
    %lt3A_1158 = arith.constant 0 : i32
    %lt3A_1159 = vector.broadcast %lt3A_1158 : i32 to vector<16xi32>
    %lt3A_1160 = arith.cmpi slt, %xor3A_13, %lt3A_1159 : vector<16xi32>
    %add3A_1161 = arith.constant 16 : i32
    %add3A_1162 = vector.broadcast %add3A_1161 : i32 to vector<16xi32>
    %add3A_1163 = arith.addi %xor3A_13, %add3A_1162 : vector<16xi32>
    %select_n3A_1164 = arith.select %lt3A_1160, %add3A_1163, %xor3A_13 : vector<16xi1>, vector<16xi32>
    %broadcast_in_dim3A_1165 = vector.shape_cast %select_n3A_1164 : vector<16xi32> to vector<16x1xi32>
    %gather3A_1166 = vector.shape_cast %broadcast_in_dim3A_1165 : vector<16x1xi32> to vector<16xi32>
    %gather3A_1167 = tpu.dynamic_gather %min3A_1157[%gather3A_1166] in [0] : vector<16xi32>, vector<16xi32> -> vector<16xi32>
    %min3A_1168 = arith.minsi %min3A_1157, %gather3A_1167 : vector<16xi32>
    %sub3A_1169 = arith.subf %max3A_1120, %max3A_1023 : vector<16xf32>
    %exp3A_1170 = math.exp %sub3A_1169 : vector<16xf32>
    %add3A_1171 = arith.constant 1.000000e+00 : f32
    %add3A_1172 = vector.broadcast %add3A_1171 : f32 to vector<16xf32>
    %add3A_1173 = arith.addf %exp3A_1170, %add3A_1172 : vector<16xf32>
    %div3A_1174 = arith.constant 1.000000e+00 : f32
    %div3A_1175 = vector.broadcast %div3A_1174 : f32 to vector<16xf32>
    %div3A_1176 = arith.divf %div3A_1175, %add3A_1173 : vector<16xf32>
    %div3A_1177 = arith.divf %exp3A_1170, %add3A_1173 : vector<16xf32>
    %eq3A_1178 = arith.constant 0 : i32
    %eq3A_1179 = vector.broadcast %eq3A_1178 : i32 to vector<16xi32>
    %eq3A_1180 = arith.cmpi eq, %iota3A, %eq3A_1179 : vector<16xi32>
    %eq3A_1181 = arith.constant 1 : i32
    %eq3A_1182 = vector.broadcast %eq3A_1181 : i32 to vector<16xi32>
    %eq3A_1183 = arith.cmpi eq, %iota3A, %eq3A_1182 : vector<16xi32>
    %jit3A_1184 = arith.constant 0.000000e+00 : f32
    %broadcast_in_dim3A_1185 = vector.broadcast %jit3A_1184 : f32 to vector<16xf32>
    %select_n3A_1186 = arith.select %eq3A_1183, %div3A_1177, %broadcast_in_dim3A_1185 : vector<16xi1>, vector<16xf32>
    %select_n3A_1187 = arith.select %eq3A_1180, %div3A_1176, %select_n3A_1186 : vector<16xi1>, vector<16xf32>
    %eq3A_1188 = arith.constant 0 : i32
    %eq3A_1189 = vector.broadcast %eq3A_1188 : i32 to vector<16xi32>
    %eq3A_1190 = arith.cmpi eq, %iota3A, %eq3A_1189 : vector<16xi32>
    %eq3A_1191 = arith.constant 1 : i32
    %eq3A_1192 = vector.broadcast %eq3A_1191 : i32 to vector<16xi32>
    %eq3A_1193 = arith.cmpi eq, %iota3A, %eq3A_1192 : vector<16xi32>
    %jit3A_1194 = arith.constant 0 : i32
    %broadcast_in_dim3A_1195 = vector.broadcast %jit3A_1194 : i32 to vector<16xi32>
    %select_n3A_1196 = arith.select %eq3A_1193, %min3A_1168, %broadcast_in_dim3A_1195 : vector<16xi1>, vector<16xi32>
    %select_n3A_1197 = arith.select %eq3A_1190, %min3A_1071, %select_n3A_1196 : vector<16xi1>, vector<16xi32>
    %swap3A_1198 = arith.constant 4 : i32
    %swap3A_1199 = arith.index_cast %swap3A_1198 : i32 to index
    %swap3A_1200 = arith.constant 0 : index
    %swap3A_1201 = tpu.vector_load %arg7[%swap3A_1199, %swap3A_1200] {strides = array<i32>} : memref<12x16xi32, #tpu.memory_space<vmem>>, vector<1x16xi32>,
    %swap3A_1202 = vector.shape_cast %swap3A_1201 : vector<1x16xi32> to vector<16xi32>
    %swap3A_1203 = vector.shape_cast %select_n3A_1197 : vector<16xi32> to vector<1x16xi32>
    tpu.vector_store %arg7[%swap3A_1199, %swap3A_1200], %swap3A_1203 {strides = array<i32>} : memref<12x16xi32, #tpu.memory_space<vmem>>, vector<1x16xi32>,
    %swap3A_1204 = arith.constant 4 : i32
    %swap3A_1205 = arith.index_cast %swap3A_1204 : i32 to index
    %swap3A_1206 = arith.constant 0 : index
    %swap3A_1207 = tpu.vector_load %arg8[%swap3A_1205, %swap3A_1206] {strides = array<i32>} : memref<12x16xf32, #tpu.memory_space<vmem>>, vector<1x16xf32>,
    %swap3A_1208 = vector.shape_cast %swap3A_1207 : vector<1x16xf32> to vector<16xf32>
    %swap3A_1209 = vector.shape_cast %select_n3A_1187 : vector<16xf32> to vector<1x16xf32>
    tpu.vector_store %arg8[%swap3A_1205, %swap3A_1206], %swap3A_1209 {strides = array<i32>} : memref<12x16xf32, #tpu.memory_space<vmem>>, vector<1x16xf32>,
    %broadcast_in_dim3A_1210 = vector.broadcast %squeeze3A : f32 to vector<16xf32>
    %broadcast_in_dim3A_1211 = arith.constant 1024 : i32
    %broadcast_in_dim3A_1212 = vector.broadcast %broadcast_in_dim3A_1211 : i32 to vector<16xi32>
    %broadcast_in_dim3A_1213 = vector.broadcast %squeeze3A : f32 to vector<16xf32>
    %broadcast_in_dim3A_1214 = arith.constant 1024 : i32
    %broadcast_in_dim3A_1215 = vector.broadcast %broadcast_in_dim3A_1214 : i32 to vector<16xi32>
    %scan3A_1216 = arith.constant 0 : i32
    %scan3A_1217 = arith.constant 64 : i32
    %scan3A_1218 = arith.addi %scan3A_1216, %scan3A_1217 : i32
    %scan3A_1219 = arith.constant 1 : i32
    %scan3A_1220:4 = scf.for %scan3A_2904 = %scan3A_1216 to %scan3A_1218 step %scan3A_1219 iter_args(%scan3A_2905 = %broadcast_in_dim3A_1210, %scan3A_2906 = %broadcast_in_dim3A_1212, %scan3A_2907 = %broadcast_in_dim3A_1213, %scan3A_2908 = %broadcast_in_dim3A_1215) -> (vector<16xf32>, vector<16xi32>, vector<16xf32>, vector<16xi32>)  : i32 {
      %mul3A_2909 = arith.constant 16 : i32
      %mul3A_2910 = arith.muli %scan3A_2904, %mul3A_2909 : i32
      %get3A_2911 = arith.constant 5 : i32
      %get3A_2912 = arith.index_cast %get3A_2911 : i32 to index
      %get3A_2913 = arith.index_cast %mul3A_2910 : i32 to index
      %get3A_2914 = tpu.vector_load %arg6[%get3A_2912, %get3A_2913] {strides = array<i32>} : memref<12x1024xf32, #tpu.memory_space<vmem>>, vector<1x16xf32>,
      %get3A_2915 = vector.shape_cast %get3A_2914 : vector<1x16xf32> to vector<16xf32>
      %mul3A_2916 = arith.constant 16 : i32
      %mul3A_2917 = arith.muli %scan3A_2904, %mul3A_2916 : i32
      %add3A_2918 = vector.broadcast %mul3A_2917 : i32 to vector<16xi32>
      %add3A_2919 = arith.addi %iota3A, %add3A_2918 : vector<16xi32>
      %gt3A = arith.cmpf ogt, %get3A_2915, %scan3A_2905 : vector<16xf32>
      %gt3A_2920 = arith.cmpf ogt, %get3A_2915, %scan3A_2907 : vector<16xf32>
      %select_n3A_2921 = arith.select %gt3A_2920, %get3A_2915, %scan3A_2907 : vector<16xi1>, vector<16xf32>
      %select_n3A_2922 = arith.select %gt3A, %scan3A_2905, %select_n3A_2921 : vector<16xi1>, vector<16xf32>
      %select_n3A_2923 = arith.select %gt3A_2920, %add3A_2919, %scan3A_2908 : vector<16xi1>, vector<16xi32>
      %select_n3A_2924 = arith.select %gt3A, %scan3A_2906, %select_n3A_2923 : vector<16xi1>, vector<16xi32>
      %select_n3A_2925 = arith.select %gt3A, %get3A_2915, %scan3A_2905 : vector<16xi1>, vector<16xf32>
      %select_n3A_2926 = arith.select %gt3A, %add3A_2919, %scan3A_2906 : vector<16xi1>, vector<16xi32>
      scf.yield %select_n3A_2925, %select_n3A_2926, %select_n3A_2922, %select_n3A_2924 : vector<16xf32>, vector<16xi32>, vector<16xf32>, vector<16xi32>
    }
    %scan3A_1221 = arith.constant 64 : i32
    %lt3A_1222 = arith.constant 0 : i32
    %lt3A_1223 = vector.broadcast %lt3A_1222 : i32 to vector<16xi32>
    %lt3A_1224 = arith.cmpi slt, %xor3A_4, %lt3A_1223 : vector<16xi32>
    %add3A_1225 = arith.constant 16 : i32
    %add3A_1226 = vector.broadcast %add3A_1225 : i32 to vector<16xi32>
    %add3A_1227 = arith.addi %xor3A_4, %add3A_1226 : vector<16xi32>
    %select_n3A_1228 = arith.select %lt3A_1224, %add3A_1227, %xor3A_4 : vector<16xi1>, vector<16xi32>
    %broadcast_in_dim3A_1229 = vector.shape_cast %select_n3A_1228 : vector<16xi32> to vector<16x1xi32>
    %gather3A_1230 = vector.shape_cast %broadcast_in_dim3A_1229 : vector<16x1xi32> to vector<16xi32>
    %gather3A_1231 = tpu.dynamic_gather %scan3A_1220#0[%gather3A_1230] in [0] : vector<16xf32>, vector<16xi32> -> vector<16xf32>
    %max3A_1232 = arith.maximumf %scan3A_1220#0, %gather3A_1231 : vector<16xf32>
    %lt3A_1233 = arith.constant 0 : i32
    %lt3A_1234 = vector.broadcast %lt3A_1233 : i32 to vector<16xi32>
    %lt3A_1235 = arith.cmpi slt, %xor3A_7, %lt3A_1234 : vector<16xi32>
    %add3A_1236 = arith.constant 16 : i32
    %add3A_1237 = vector.broadcast %add3A_1236 : i32 to vector<16xi32>
    %add3A_1238 = arith.addi %xor3A_7, %add3A_1237 : vector<16xi32>
    %select_n3A_1239 = arith.select %lt3A_1235, %add3A_1238, %xor3A_7 : vector<16xi1>, vector<16xi32>
    %broadcast_in_dim3A_1240 = vector.shape_cast %select_n3A_1239 : vector<16xi32> to vector<16x1xi32>
    %gather3A_1241 = vector.shape_cast %broadcast_in_dim3A_1240 : vector<16x1xi32> to vector<16xi32>
    %gather3A_1242 = tpu.dynamic_gather %max3A_1232[%gather3A_1241] in [0] : vector<16xf32>, vector<16xi32> -> vector<16xf32>
    %max3A_1243 = arith.maximumf %max3A_1232, %gather3A_1242 : vector<16xf32>
    %lt3A_1244 = arith.constant 0 : i32
    %lt3A_1245 = vector.broadcast %lt3A_1244 : i32 to vector<16xi32>
    %lt3A_1246 = arith.cmpi slt, %xor3A_10, %lt3A_1245 : vector<16xi32>
    %add3A_1247 = arith.constant 16 : i32
    %add3A_1248 = vector.broadcast %add3A_1247 : i32 to vector<16xi32>
    %add3A_1249 = arith.addi %xor3A_10, %add3A_1248 : vector<16xi32>
    %select_n3A_1250 = arith.select %lt3A_1246, %add3A_1249, %xor3A_10 : vector<16xi1>, vector<16xi32>
    %broadcast_in_dim3A_1251 = vector.shape_cast %select_n3A_1250 : vector<16xi32> to vector<16x1xi32>
    %gather3A_1252 = vector.shape_cast %broadcast_in_dim3A_1251 : vector<16x1xi32> to vector<16xi32>
    %gather3A_1253 = tpu.dynamic_gather %max3A_1243[%gather3A_1252] in [0] : vector<16xf32>, vector<16xi32> -> vector<16xf32>
    %max3A_1254 = arith.maximumf %max3A_1243, %gather3A_1253 : vector<16xf32>
    %lt3A_1255 = arith.constant 0 : i32
    %lt3A_1256 = vector.broadcast %lt3A_1255 : i32 to vector<16xi32>
    %lt3A_1257 = arith.cmpi slt, %xor3A_13, %lt3A_1256 : vector<16xi32>
    %add3A_1258 = arith.constant 16 : i32
    %add3A_1259 = vector.broadcast %add3A_1258 : i32 to vector<16xi32>
    %add3A_1260 = arith.addi %xor3A_13, %add3A_1259 : vector<16xi32>
    %select_n3A_1261 = arith.select %lt3A_1257, %add3A_1260, %xor3A_13 : vector<16xi1>, vector<16xi32>
    %broadcast_in_dim3A_1262 = vector.shape_cast %select_n3A_1261 : vector<16xi32> to vector<16x1xi32>
    %gather3A_1263 = vector.shape_cast %broadcast_in_dim3A_1262 : vector<16x1xi32> to vector<16xi32>
    %gather3A_1264 = tpu.dynamic_gather %max3A_1254[%gather3A_1263] in [0] : vector<16xf32>, vector<16xi32> -> vector<16xf32>
    %max3A_1265 = arith.maximumf %max3A_1254, %gather3A_1264 : vector<16xf32>
    %eq3A_1266 = arith.cmpf oeq, %scan3A_1220#0, %max3A_1265 : vector<16xf32>
    %jit3A_1267 = arith.constant 1024 : i32
    %broadcast_in_dim3A_1268 = vector.broadcast %jit3A_1267 : i32 to vector<16xi32>
    %select_n3A_1269 = arith.select %eq3A_1266, %scan3A_1220#1, %broadcast_in_dim3A_1268 : vector<16xi1>, vector<16xi32>
    %lt3A_1270 = arith.constant 0 : i32
    %lt3A_1271 = vector.broadcast %lt3A_1270 : i32 to vector<16xi32>
    %lt3A_1272 = arith.cmpi slt, %xor3A_4, %lt3A_1271 : vector<16xi32>
    %add3A_1273 = arith.constant 16 : i32
    %add3A_1274 = vector.broadcast %add3A_1273 : i32 to vector<16xi32>
    %add3A_1275 = arith.addi %xor3A_4, %add3A_1274 : vector<16xi32>
    %select_n3A_1276 = arith.select %lt3A_1272, %add3A_1275, %xor3A_4 : vector<16xi1>, vector<16xi32>
    %broadcast_in_dim3A_1277 = vector.shape_cast %select_n3A_1276 : vector<16xi32> to vector<16x1xi32>
    %gather3A_1278 = vector.shape_cast %broadcast_in_dim3A_1277 : vector<16x1xi32> to vector<16xi32>
    %gather3A_1279 = tpu.dynamic_gather %select_n3A_1269[%gather3A_1278] in [0] : vector<16xi32>, vector<16xi32> -> vector<16xi32>
    %min3A_1280 = arith.minsi %select_n3A_1269, %gather3A_1279 : vector<16xi32>
    %lt3A_1281 = arith.constant 0 : i32
    %lt3A_1282 = vector.broadcast %lt3A_1281 : i32 to vector<16xi32>
    %lt3A_1283 = arith.cmpi slt, %xor3A_7, %lt3A_1282 : vector<16xi32>
    %add3A_1284 = arith.constant 16 : i32
    %add3A_1285 = vector.broadcast %add3A_1284 : i32 to vector<16xi32>
    %add3A_1286 = arith.addi %xor3A_7, %add3A_1285 : vector<16xi32>
    %select_n3A_1287 = arith.select %lt3A_1283, %add3A_1286, %xor3A_7 : vector<16xi1>, vector<16xi32>
    %broadcast_in_dim3A_1288 = vector.shape_cast %select_n3A_1287 : vector<16xi32> to vector<16x1xi32>
    %gather3A_1289 = vector.shape_cast %broadcast_in_dim3A_1288 : vector<16x1xi32> to vector<16xi32>
    %gather3A_1290 = tpu.dynamic_gather %min3A_1280[%gather3A_1289] in [0] : vector<16xi32>, vector<16xi32> -> vector<16xi32>
    %min3A_1291 = arith.minsi %min3A_1280, %gather3A_1290 : vector<16xi32>
    %lt3A_1292 = arith.constant 0 : i32
    %lt3A_1293 = vector.broadcast %lt3A_1292 : i32 to vector<16xi32>
    %lt3A_1294 = arith.cmpi slt, %xor3A_10, %lt3A_1293 : vector<16xi32>
    %add3A_1295 = arith.constant 16 : i32
    %add3A_1296 = vector.broadcast %add3A_1295 : i32 to vector<16xi32>
    %add3A_1297 = arith.addi %xor3A_10, %add3A_1296 : vector<16xi32>
    %select_n3A_1298 = arith.select %lt3A_1294, %add3A_1297, %xor3A_10 : vector<16xi1>, vector<16xi32>
    %broadcast_in_dim3A_1299 = vector.shape_cast %select_n3A_1298 : vector<16xi32> to vector<16x1xi32>
    %gather3A_1300 = vector.shape_cast %broadcast_in_dim3A_1299 : vector<16x1xi32> to vector<16xi32>
    %gather3A_1301 = tpu.dynamic_gather %min3A_1291[%gather3A_1300] in [0] : vector<16xi32>, vector<16xi32> -> vector<16xi32>
    %min3A_1302 = arith.minsi %min3A_1291, %gather3A_1301 : vector<16xi32>
    %lt3A_1303 = arith.constant 0 : i32
    %lt3A_1304 = vector.broadcast %lt3A_1303 : i32 to vector<16xi32>
    %lt3A_1305 = arith.cmpi slt, %xor3A_13, %lt3A_1304 : vector<16xi32>
    %add3A_1306 = arith.constant 16 : i32
    %add3A_1307 = vector.broadcast %add3A_1306 : i32 to vector<16xi32>
    %add3A_1308 = arith.addi %xor3A_13, %add3A_1307 : vector<16xi32>
    %select_n3A_1309 = arith.select %lt3A_1305, %add3A_1308, %xor3A_13 : vector<16xi1>, vector<16xi32>
    %broadcast_in_dim3A_1310 = vector.shape_cast %select_n3A_1309 : vector<16xi32> to vector<16x1xi32>
    %gather3A_1311 = vector.shape_cast %broadcast_in_dim3A_1310 : vector<16x1xi32> to vector<16xi32>
    %gather3A_1312 = tpu.dynamic_gather %min3A_1302[%gather3A_1311] in [0] : vector<16xi32>, vector<16xi32> -> vector<16xi32>
    %min3A_1313 = arith.minsi %min3A_1302, %gather3A_1312 : vector<16xi32>
    %eq3A_1314 = arith.cmpf oeq, %scan3A_1220#0, %max3A_1265 : vector<16xf32>
    %eq3A_1315 = arith.cmpi eq, %scan3A_1220#1, %min3A_1313 : vector<16xi32>
    %and3A_1316 = arith.andi %eq3A_1314, %eq3A_1315 : vector<16xi1>
    %select_n3A_1317 = arith.select %and3A_1316, %scan3A_1220#2, %scan3A_1220#0 : vector<16xi1>, vector<16xf32>
    %select_n3A_1318 = arith.select %and3A_1316, %scan3A_1220#3, %scan3A_1220#1 : vector<16xi1>, vector<16xi32>
    %lt3A_1319 = arith.constant 0 : i32
    %lt3A_1320 = vector.broadcast %lt3A_1319 : i32 to vector<16xi32>
    %lt3A_1321 = arith.cmpi slt, %xor3A_4, %lt3A_1320 : vector<16xi32>
    %add3A_1322 = arith.constant 16 : i32
    %add3A_1323 = vector.broadcast %add3A_1322 : i32 to vector<16xi32>
    %add3A_1324 = arith.addi %xor3A_4, %add3A_1323 : vector<16xi32>
    %select_n3A_1325 = arith.select %lt3A_1321, %add3A_1324, %xor3A_4 : vector<16xi1>, vector<16xi32>
    %broadcast_in_dim3A_1326 = vector.shape_cast %select_n3A_1325 : vector<16xi32> to vector<16x1xi32>
    %gather3A_1327 = vector.shape_cast %broadcast_in_dim3A_1326 : vector<16x1xi32> to vector<16xi32>
    %gather3A_1328 = tpu.dynamic_gather %select_n3A_1317[%gather3A_1327] in [0] : vector<16xf32>, vector<16xi32> -> vector<16xf32>
    %max3A_1329 = arith.maximumf %select_n3A_1317, %gather3A_1328 : vector<16xf32>
    %lt3A_1330 = arith.constant 0 : i32
    %lt3A_1331 = vector.broadcast %lt3A_1330 : i32 to vector<16xi32>
    %lt3A_1332 = arith.cmpi slt, %xor3A_7, %lt3A_1331 : vector<16xi32>
    %add3A_1333 = arith.constant 16 : i32
    %add3A_1334 = vector.broadcast %add3A_1333 : i32 to vector<16xi32>
    %add3A_1335 = arith.addi %xor3A_7, %add3A_1334 : vector<16xi32>
    %select_n3A_1336 = arith.select %lt3A_1332, %add3A_1335, %xor3A_7 : vector<16xi1>, vector<16xi32>
    %broadcast_in_dim3A_1337 = vector.shape_cast %select_n3A_1336 : vector<16xi32> to vector<16x1xi32>
    %gather3A_1338 = vector.shape_cast %broadcast_in_dim3A_1337 : vector<16x1xi32> to vector<16xi32>
    %gather3A_1339 = tpu.dynamic_gather %max3A_1329[%gather3A_1338] in [0] : vector<16xf32>, vector<16xi32> -> vector<16xf32>
    %max3A_1340 = arith.maximumf %max3A_1329, %gather3A_1339 : vector<16xf32>
    %lt3A_1341 = arith.constant 0 : i32
    %lt3A_1342 = vector.broadcast %lt3A_1341 : i32 to vector<16xi32>
    %lt3A_1343 = arith.cmpi slt, %xor3A_10, %lt3A_1342 : vector<16xi32>
    %add3A_1344 = arith.constant 16 : i32
    %add3A_1345 = vector.broadcast %add3A_1344 : i32 to vector<16xi32>
    %add3A_1346 = arith.addi %xor3A_10, %add3A_1345 : vector<16xi32>
    %select_n3A_1347 = arith.select %lt3A_1343, %add3A_1346, %xor3A_10 : vector<16xi1>, vector<16xi32>
    %broadcast_in_dim3A_1348 = vector.shape_cast %select_n3A_1347 : vector<16xi32> to vector<16x1xi32>
    %gather3A_1349 = vector.shape_cast %broadcast_in_dim3A_1348 : vector<16x1xi32> to vector<16xi32>
    %gather3A_1350 = tpu.dynamic_gather %max3A_1340[%gather3A_1349] in [0] : vector<16xf32>, vector<16xi32> -> vector<16xf32>
    %max3A_1351 = arith.maximumf %max3A_1340, %gather3A_1350 : vector<16xf32>
    %lt3A_1352 = arith.constant 0 : i32
    %lt3A_1353 = vector.broadcast %lt3A_1352 : i32 to vector<16xi32>
    %lt3A_1354 = arith.cmpi slt, %xor3A_13, %lt3A_1353 : vector<16xi32>
    %add3A_1355 = arith.constant 16 : i32
    %add3A_1356 = vector.broadcast %add3A_1355 : i32 to vector<16xi32>
    %add3A_1357 = arith.addi %xor3A_13, %add3A_1356 : vector<16xi32>
    %select_n3A_1358 = arith.select %lt3A_1354, %add3A_1357, %xor3A_13 : vector<16xi1>, vector<16xi32>
    %broadcast_in_dim3A_1359 = vector.shape_cast %select_n3A_1358 : vector<16xi32> to vector<16x1xi32>
    %gather3A_1360 = vector.shape_cast %broadcast_in_dim3A_1359 : vector<16x1xi32> to vector<16xi32>
    %gather3A_1361 = tpu.dynamic_gather %max3A_1351[%gather3A_1360] in [0] : vector<16xf32>, vector<16xi32> -> vector<16xf32>
    %max3A_1362 = arith.maximumf %max3A_1351, %gather3A_1361 : vector<16xf32>
    %eq3A_1363 = arith.cmpf oeq, %select_n3A_1317, %max3A_1362 : vector<16xf32>
    %jit3A_1364 = arith.constant 1024 : i32
    %broadcast_in_dim3A_1365 = vector.broadcast %jit3A_1364 : i32 to vector<16xi32>
    %select_n3A_1366 = arith.select %eq3A_1363, %select_n3A_1318, %broadcast_in_dim3A_1365 : vector<16xi1>, vector<16xi32>
    %lt3A_1367 = arith.constant 0 : i32
    %lt3A_1368 = vector.broadcast %lt3A_1367 : i32 to vector<16xi32>
    %lt3A_1369 = arith.cmpi slt, %xor3A_4, %lt3A_1368 : vector<16xi32>
    %add3A_1370 = arith.constant 16 : i32
    %add3A_1371 = vector.broadcast %add3A_1370 : i32 to vector<16xi32>
    %add3A_1372 = arith.addi %xor3A_4, %add3A_1371 : vector<16xi32>
    %select_n3A_1373 = arith.select %lt3A_1369, %add3A_1372, %xor3A_4 : vector<16xi1>, vector<16xi32>
    %broadcast_in_dim3A_1374 = vector.shape_cast %select_n3A_1373 : vector<16xi32> to vector<16x1xi32>
    %gather3A_1375 = vector.shape_cast %broadcast_in_dim3A_1374 : vector<16x1xi32> to vector<16xi32>
    %gather3A_1376 = tpu.dynamic_gather %select_n3A_1366[%gather3A_1375] in [0] : vector<16xi32>, vector<16xi32> -> vector<16xi32>
    %min3A_1377 = arith.minsi %select_n3A_1366, %gather3A_1376 : vector<16xi32>
    %lt3A_1378 = arith.constant 0 : i32
    %lt3A_1379 = vector.broadcast %lt3A_1378 : i32 to vector<16xi32>
    %lt3A_1380 = arith.cmpi slt, %xor3A_7, %lt3A_1379 : vector<16xi32>
    %add3A_1381 = arith.constant 16 : i32
    %add3A_1382 = vector.broadcast %add3A_1381 : i32 to vector<16xi32>
    %add3A_1383 = arith.addi %xor3A_7, %add3A_1382 : vector<16xi32>
    %select_n3A_1384 = arith.select %lt3A_1380, %add3A_1383, %xor3A_7 : vector<16xi1>, vector<16xi32>
    %broadcast_in_dim3A_1385 = vector.shape_cast %select_n3A_1384 : vector<16xi32> to vector<16x1xi32>
    %gather3A_1386 = vector.shape_cast %broadcast_in_dim3A_1385 : vector<16x1xi32> to vector<16xi32>
    %gather3A_1387 = tpu.dynamic_gather %min3A_1377[%gather3A_1386] in [0] : vector<16xi32>, vector<16xi32> -> vector<16xi32>
    %min3A_1388 = arith.minsi %min3A_1377, %gather3A_1387 : vector<16xi32>
    %lt3A_1389 = arith.constant 0 : i32
    %lt3A_1390 = vector.broadcast %lt3A_1389 : i32 to vector<16xi32>
    %lt3A_1391 = arith.cmpi slt, %xor3A_10, %lt3A_1390 : vector<16xi32>
    %add3A_1392 = arith.constant 16 : i32
    %add3A_1393 = vector.broadcast %add3A_1392 : i32 to vector<16xi32>
    %add3A_1394 = arith.addi %xor3A_10, %add3A_1393 : vector<16xi32>
    %select_n3A_1395 = arith.select %lt3A_1391, %add3A_1394, %xor3A_10 : vector<16xi1>, vector<16xi32>
    %broadcast_in_dim3A_1396 = vector.shape_cast %select_n3A_1395 : vector<16xi32> to vector<16x1xi32>
    %gather3A_1397 = vector.shape_cast %broadcast_in_dim3A_1396 : vector<16x1xi32> to vector<16xi32>
    %gather3A_1398 = tpu.dynamic_gather %min3A_1388[%gather3A_1397] in [0] : vector<16xi32>, vector<16xi32> -> vector<16xi32>
    %min3A_1399 = arith.minsi %min3A_1388, %gather3A_1398 : vector<16xi32>
    %lt3A_1400 = arith.constant 0 : i32
    %lt3A_1401 = vector.broadcast %lt3A_1400 : i32 to vector<16xi32>
    %lt3A_1402 = arith.cmpi slt, %xor3A_13, %lt3A_1401 : vector<16xi32>
    %add3A_1403 = arith.constant 16 : i32
    %add3A_1404 = vector.broadcast %add3A_1403 : i32 to vector<16xi32>
    %add3A_1405 = arith.addi %xor3A_13, %add3A_1404 : vector<16xi32>
    %select_n3A_1406 = arith.select %lt3A_1402, %add3A_1405, %xor3A_13 : vector<16xi1>, vector<16xi32>
    %broadcast_in_dim3A_1407 = vector.shape_cast %select_n3A_1406 : vector<16xi32> to vector<16x1xi32>
    %gather3A_1408 = vector.shape_cast %broadcast_in_dim3A_1407 : vector<16x1xi32> to vector<16xi32>
    %gather3A_1409 = tpu.dynamic_gather %min3A_1399[%gather3A_1408] in [0] : vector<16xi32>, vector<16xi32> -> vector<16xi32>
    %min3A_1410 = arith.minsi %min3A_1399, %gather3A_1409 : vector<16xi32>
    %sub3A_1411 = arith.subf %max3A_1362, %max3A_1265 : vector<16xf32>
    %exp3A_1412 = math.exp %sub3A_1411 : vector<16xf32>
    %add3A_1413 = arith.constant 1.000000e+00 : f32
    %add3A_1414 = vector.broadcast %add3A_1413 : f32 to vector<16xf32>
    %add3A_1415 = arith.addf %exp3A_1412, %add3A_1414 : vector<16xf32>
    %div3A_1416 = arith.constant 1.000000e+00 : f32
    %div3A_1417 = vector.broadcast %div3A_1416 : f32 to vector<16xf32>
    %div3A_1418 = arith.divf %div3A_1417, %add3A_1415 : vector<16xf32>
    %div3A_1419 = arith.divf %exp3A_1412, %add3A_1415 : vector<16xf32>
    %eq3A_1420 = arith.constant 0 : i32
    %eq3A_1421 = vector.broadcast %eq3A_1420 : i32 to vector<16xi32>
    %eq3A_1422 = arith.cmpi eq, %iota3A, %eq3A_1421 : vector<16xi32>
    %eq3A_1423 = arith.constant 1 : i32
    %eq3A_1424 = vector.broadcast %eq3A_1423 : i32 to vector<16xi32>
    %eq3A_1425 = arith.cmpi eq, %iota3A, %eq3A_1424 : vector<16xi32>
    %jit3A_1426 = arith.constant 0.000000e+00 : f32
    %broadcast_in_dim3A_1427 = vector.broadcast %jit3A_1426 : f32 to vector<16xf32>
    %select_n3A_1428 = arith.select %eq3A_1425, %div3A_1419, %broadcast_in_dim3A_1427 : vector<16xi1>, vector<16xf32>
    %select_n3A_1429 = arith.select %eq3A_1422, %div3A_1418, %select_n3A_1428 : vector<16xi1>, vector<16xf32>
    %eq3A_1430 = arith.constant 0 : i32
    %eq3A_1431 = vector.broadcast %eq3A_1430 : i32 to vector<16xi32>
    %eq3A_1432 = arith.cmpi eq, %iota3A, %eq3A_1431 : vector<16xi32>
    %eq3A_1433 = arith.constant 1 : i32
    %eq3A_1434 = vector.broadcast %eq3A_1433 : i32 to vector<16xi32>
    %eq3A_1435 = arith.cmpi eq, %iota3A, %eq3A_1434 : vector<16xi32>
    %jit3A_1436 = arith.constant 0 : i32
    %broadcast_in_dim3A_1437 = vector.broadcast %jit3A_1436 : i32 to vector<16xi32>
    %select_n3A_1438 = arith.select %eq3A_1435, %min3A_1410, %broadcast_in_dim3A_1437 : vector<16xi1>, vector<16xi32>
    %select_n3A_1439 = arith.select %eq3A_1432, %min3A_1313, %select_n3A_1438 : vector<16xi1>, vector<16xi32>
    %swap3A_1440 = arith.constant 5 : i32
    %swap3A_1441 = arith.index_cast %swap3A_1440 : i32 to index
    %swap3A_1442 = arith.constant 0 : index
    %swap3A_1443 = tpu.vector_load %arg7[%swap3A_1441, %swap3A_1442] {strides = array<i32>} : memref<12x16xi32, #tpu.memory_space<vmem>>, vector<1x16xi32>,
    %swap3A_1444 = vector.shape_cast %swap3A_1443 : vector<1x16xi32> to vector<16xi32>
    %swap3A_1445 = vector.shape_cast %select_n3A_1439 : vector<16xi32> to vector<1x16xi32>
    tpu.vector_store %arg7[%swap3A_1441, %swap3A_1442], %swap3A_1445 {strides = array<i32>} : memref<12x16xi32, #tpu.memory_space<vmem>>, vector<1x16xi32>,
    %swap3A_1446 = arith.constant 5 : i32
    %swap3A_1447 = arith.index_cast %swap3A_1446 : i32 to index
    %swap3A_1448 = arith.constant 0 : index
    %swap3A_1449 = tpu.vector_load %arg8[%swap3A_1447, %swap3A_1448] {strides = array<i32>} : memref<12x16xf32, #tpu.memory_space<vmem>>, vector<1x16xf32>,
    %swap3A_1450 = vector.shape_cast %swap3A_1449 : vector<1x16xf32> to vector<16xf32>
    %swap3A_1451 = vector.shape_cast %select_n3A_1429 : vector<16xf32> to vector<1x16xf32>
    tpu.vector_store %arg8[%swap3A_1447, %swap3A_1448], %swap3A_1451 {strides = array<i32>} : memref<12x16xf32, #tpu.memory_space<vmem>>, vector<1x16xf32>,
    %broadcast_in_dim3A_1452 = vector.broadcast %squeeze3A : f32 to vector<16xf32>
    %broadcast_in_dim3A_1453 = arith.constant 1024 : i32
    %broadcast_in_dim3A_1454 = vector.broadcast %broadcast_in_dim3A_1453 : i32 to vector<16xi32>
    %broadcast_in_dim3A_1455 = vector.broadcast %squeeze3A : f32 to vector<16xf32>
    %broadcast_in_dim3A_1456 = arith.constant 1024 : i32
    %broadcast_in_dim3A_1457 = vector.broadcast %broadcast_in_dim3A_1456 : i32 to vector<16xi32>
    %scan3A_1458 = arith.constant 0 : i32
    %scan3A_1459 = arith.constant 64 : i32
    %scan3A_1460 = arith.addi %scan3A_1458, %scan3A_1459 : i32
    %scan3A_1461 = arith.constant 1 : i32
    %scan3A_1462:4 = scf.for %scan3A_2904 = %scan3A_1458 to %scan3A_1460 step %scan3A_1461 iter_args(%scan3A_2905 = %broadcast_in_dim3A_1452, %scan3A_2906 = %broadcast_in_dim3A_1454, %scan3A_2907 = %broadcast_in_dim3A_1455, %scan3A_2908 = %broadcast_in_dim3A_1457) -> (vector<16xf32>, vector<16xi32>, vector<16xf32>, vector<16xi32>)  : i32 {
      %mul3A_2909 = arith.constant 16 : i32
      %mul3A_2910 = arith.muli %scan3A_2904, %mul3A_2909 : i32
      %get3A_2911 = arith.constant 6 : i32
      %get3A_2912 = arith.index_cast %get3A_2911 : i32 to index
      %get3A_2913 = arith.index_cast %mul3A_2910 : i32 to index
      %get3A_2914 = tpu.vector_load %arg6[%get3A_2912, %get3A_2913] {strides = array<i32>} : memref<12x1024xf32, #tpu.memory_space<vmem>>, vector<1x16xf32>,
      %get3A_2915 = vector.shape_cast %get3A_2914 : vector<1x16xf32> to vector<16xf32>
      %mul3A_2916 = arith.constant 16 : i32
      %mul3A_2917 = arith.muli %scan3A_2904, %mul3A_2916 : i32
      %add3A_2918 = vector.broadcast %mul3A_2917 : i32 to vector<16xi32>
      %add3A_2919 = arith.addi %iota3A, %add3A_2918 : vector<16xi32>
      %gt3A = arith.cmpf ogt, %get3A_2915, %scan3A_2905 : vector<16xf32>
      %gt3A_2920 = arith.cmpf ogt, %get3A_2915, %scan3A_2907 : vector<16xf32>
      %select_n3A_2921 = arith.select %gt3A_2920, %get3A_2915, %scan3A_2907 : vector<16xi1>, vector<16xf32>
      %select_n3A_2922 = arith.select %gt3A, %scan3A_2905, %select_n3A_2921 : vector<16xi1>, vector<16xf32>
      %select_n3A_2923 = arith.select %gt3A_2920, %add3A_2919, %scan3A_2908 : vector<16xi1>, vector<16xi32>
      %select_n3A_2924 = arith.select %gt3A, %scan3A_2906, %select_n3A_2923 : vector<16xi1>, vector<16xi32>
      %select_n3A_2925 = arith.select %gt3A, %get3A_2915, %scan3A_2905 : vector<16xi1>, vector<16xf32>
      %select_n3A_2926 = arith.select %gt3A, %add3A_2919, %scan3A_2906 : vector<16xi1>, vector<16xi32>
      scf.yield %select_n3A_2925, %select_n3A_2926, %select_n3A_2922, %select_n3A_2924 : vector<16xf32>, vector<16xi32>, vector<16xf32>, vector<16xi32>
    }
    %scan3A_1463 = arith.constant 64 : i32
    %lt3A_1464 = arith.constant 0 : i32
    %lt3A_1465 = vector.broadcast %lt3A_1464 : i32 to vector<16xi32>
    %lt3A_1466 = arith.cmpi slt, %xor3A_4, %lt3A_1465 : vector<16xi32>
    %add3A_1467 = arith.constant 16 : i32
    %add3A_1468 = vector.broadcast %add3A_1467 : i32 to vector<16xi32>
    %add3A_1469 = arith.addi %xor3A_4, %add3A_1468 : vector<16xi32>
    %select_n3A_1470 = arith.select %lt3A_1466, %add3A_1469, %xor3A_4 : vector<16xi1>, vector<16xi32>
    %broadcast_in_dim3A_1471 = vector.shape_cast %select_n3A_1470 : vector<16xi32> to vector<16x1xi32>
    %gather3A_1472 = vector.shape_cast %broadcast_in_dim3A_1471 : vector<16x1xi32> to vector<16xi32>
    %gather3A_1473 = tpu.dynamic_gather %scan3A_1462#0[%gather3A_1472] in [0] : vector<16xf32>, vector<16xi32> -> vector<16xf32>
    %max3A_1474 = arith.maximumf %scan3A_1462#0, %gather3A_1473 : vector<16xf32>
    %lt3A_1475 = arith.constant 0 : i32
    %lt3A_1476 = vector.broadcast %lt3A_1475 : i32 to vector<16xi32>
    %lt3A_1477 = arith.cmpi slt, %xor3A_7, %lt3A_1476 : vector<16xi32>
    %add3A_1478 = arith.constant 16 : i32
    %add3A_1479 = vector.broadcast %add3A_1478 : i32 to vector<16xi32>
    %add3A_1480 = arith.addi %xor3A_7, %add3A_1479 : vector<16xi32>
    %select_n3A_1481 = arith.select %lt3A_1477, %add3A_1480, %xor3A_7 : vector<16xi1>, vector<16xi32>
    %broadcast_in_dim3A_1482 = vector.shape_cast %select_n3A_1481 : vector<16xi32> to vector<16x1xi32>
    %gather3A_1483 = vector.shape_cast %broadcast_in_dim3A_1482 : vector<16x1xi32> to vector<16xi32>
    %gather3A_1484 = tpu.dynamic_gather %max3A_1474[%gather3A_1483] in [0] : vector<16xf32>, vector<16xi32> -> vector<16xf32>
    %max3A_1485 = arith.maximumf %max3A_1474, %gather3A_1484 : vector<16xf32>
    %lt3A_1486 = arith.constant 0 : i32
    %lt3A_1487 = vector.broadcast %lt3A_1486 : i32 to vector<16xi32>
    %lt3A_1488 = arith.cmpi slt, %xor3A_10, %lt3A_1487 : vector<16xi32>
    %add3A_1489 = arith.constant 16 : i32
    %add3A_1490 = vector.broadcast %add3A_1489 : i32 to vector<16xi32>
    %add3A_1491 = arith.addi %xor3A_10, %add3A_1490 : vector<16xi32>
    %select_n3A_1492 = arith.select %lt3A_1488, %add3A_1491, %xor3A_10 : vector<16xi1>, vector<16xi32>
    %broadcast_in_dim3A_1493 = vector.shape_cast %select_n3A_1492 : vector<16xi32> to vector<16x1xi32>
    %gather3A_1494 = vector.shape_cast %broadcast_in_dim3A_1493 : vector<16x1xi32> to vector<16xi32>
    %gather3A_1495 = tpu.dynamic_gather %max3A_1485[%gather3A_1494] in [0] : vector<16xf32>, vector<16xi32> -> vector<16xf32>
    %max3A_1496 = arith.maximumf %max3A_1485, %gather3A_1495 : vector<16xf32>
    %lt3A_1497 = arith.constant 0 : i32
    %lt3A_1498 = vector.broadcast %lt3A_1497 : i32 to vector<16xi32>
    %lt3A_1499 = arith.cmpi slt, %xor3A_13, %lt3A_1498 : vector<16xi32>
    %add3A_1500 = arith.constant 16 : i32
    %add3A_1501 = vector.broadcast %add3A_1500 : i32 to vector<16xi32>
    %add3A_1502 = arith.addi %xor3A_13, %add3A_1501 : vector<16xi32>
    %select_n3A_1503 = arith.select %lt3A_1499, %add3A_1502, %xor3A_13 : vector<16xi1>, vector<16xi32>
    %broadcast_in_dim3A_1504 = vector.shape_cast %select_n3A_1503 : vector<16xi32> to vector<16x1xi32>
    %gather3A_1505 = vector.shape_cast %broadcast_in_dim3A_1504 : vector<16x1xi32> to vector<16xi32>
    %gather3A_1506 = tpu.dynamic_gather %max3A_1496[%gather3A_1505] in [0] : vector<16xf32>, vector<16xi32> -> vector<16xf32>
    %max3A_1507 = arith.maximumf %max3A_1496, %gather3A_1506 : vector<16xf32>
    %eq3A_1508 = arith.cmpf oeq, %scan3A_1462#0, %max3A_1507 : vector<16xf32>
    %jit3A_1509 = arith.constant 1024 : i32
    %broadcast_in_dim3A_1510 = vector.broadcast %jit3A_1509 : i32 to vector<16xi32>
    %select_n3A_1511 = arith.select %eq3A_1508, %scan3A_1462#1, %broadcast_in_dim3A_1510 : vector<16xi1>, vector<16xi32>
    %lt3A_1512 = arith.constant 0 : i32
    %lt3A_1513 = vector.broadcast %lt3A_1512 : i32 to vector<16xi32>
    %lt3A_1514 = arith.cmpi slt, %xor3A_4, %lt3A_1513 : vector<16xi32>
    %add3A_1515 = arith.constant 16 : i32
    %add3A_1516 = vector.broadcast %add3A_1515 : i32 to vector<16xi32>
    %add3A_1517 = arith.addi %xor3A_4, %add3A_1516 : vector<16xi32>
    %select_n3A_1518 = arith.select %lt3A_1514, %add3A_1517, %xor3A_4 : vector<16xi1>, vector<16xi32>
    %broadcast_in_dim3A_1519 = vector.shape_cast %select_n3A_1518 : vector<16xi32> to vector<16x1xi32>
    %gather3A_1520 = vector.shape_cast %broadcast_in_dim3A_1519 : vector<16x1xi32> to vector<16xi32>
    %gather3A_1521 = tpu.dynamic_gather %select_n3A_1511[%gather3A_1520] in [0] : vector<16xi32>, vector<16xi32> -> vector<16xi32>
    %min3A_1522 = arith.minsi %select_n3A_1511, %gather3A_1521 : vector<16xi32>
    %lt3A_1523 = arith.constant 0 : i32
    %lt3A_1524 = vector.broadcast %lt3A_1523 : i32 to vector<16xi32>
    %lt3A_1525 = arith.cmpi slt, %xor3A_7, %lt3A_1524 : vector<16xi32>
    %add3A_1526 = arith.constant 16 : i32
    %add3A_1527 = vector.broadcast %add3A_1526 : i32 to vector<16xi32>
    %add3A_1528 = arith.addi %xor3A_7, %add3A_1527 : vector<16xi32>
    %select_n3A_1529 = arith.select %lt3A_1525, %add3A_1528, %xor3A_7 : vector<16xi1>, vector<16xi32>
    %broadcast_in_dim3A_1530 = vector.shape_cast %select_n3A_1529 : vector<16xi32> to vector<16x1xi32>
    %gather3A_1531 = vector.shape_cast %broadcast_in_dim3A_1530 : vector<16x1xi32> to vector<16xi32>
    %gather3A_1532 = tpu.dynamic_gather %min3A_1522[%gather3A_1531] in [0] : vector<16xi32>, vector<16xi32> -> vector<16xi32>
    %min3A_1533 = arith.minsi %min3A_1522, %gather3A_1532 : vector<16xi32>
    %lt3A_1534 = arith.constant 0 : i32
    %lt3A_1535 = vector.broadcast %lt3A_1534 : i32 to vector<16xi32>
    %lt3A_1536 = arith.cmpi slt, %xor3A_10, %lt3A_1535 : vector<16xi32>
    %add3A_1537 = arith.constant 16 : i32
    %add3A_1538 = vector.broadcast %add3A_1537 : i32 to vector<16xi32>
    %add3A_1539 = arith.addi %xor3A_10, %add3A_1538 : vector<16xi32>
    %select_n3A_1540 = arith.select %lt3A_1536, %add3A_1539, %xor3A_10 : vector<16xi1>, vector<16xi32>
    %broadcast_in_dim3A_1541 = vector.shape_cast %select_n3A_1540 : vector<16xi32> to vector<16x1xi32>
    %gather3A_1542 = vector.shape_cast %broadcast_in_dim3A_1541 : vector<16x1xi32> to vector<16xi32>
    %gather3A_1543 = tpu.dynamic_gather %min3A_1533[%gather3A_1542] in [0] : vector<16xi32>, vector<16xi32> -> vector<16xi32>
    %min3A_1544 = arith.minsi %min3A_1533, %gather3A_1543 : vector<16xi32>
    %lt3A_1545 = arith.constant 0 : i32
    %lt3A_1546 = vector.broadcast %lt3A_1545 : i32 to vector<16xi32>
    %lt3A_1547 = arith.cmpi slt, %xor3A_13, %lt3A_1546 : vector<16xi32>
    %add3A_1548 = arith.constant 16 : i32
    %add3A_1549 = vector.broadcast %add3A_1548 : i32 to vector<16xi32>
    %add3A_1550 = arith.addi %xor3A_13, %add3A_1549 : vector<16xi32>
    %select_n3A_1551 = arith.select %lt3A_1547, %add3A_1550, %xor3A_13 : vector<16xi1>, vector<16xi32>
    %broadcast_in_dim3A_1552 = vector.shape_cast %select_n3A_1551 : vector<16xi32> to vector<16x1xi32>
    %gather3A_1553 = vector.shape_cast %broadcast_in_dim3A_1552 : vector<16x1xi32> to vector<16xi32>
    %gather3A_1554 = tpu.dynamic_gather %min3A_1544[%gather3A_1553] in [0] : vector<16xi32>, vector<16xi32> -> vector<16xi32>
    %min3A_1555 = arith.minsi %min3A_1544, %gather3A_1554 : vector<16xi32>
    %eq3A_1556 = arith.cmpf oeq, %scan3A_1462#0, %max3A_1507 : vector<16xf32>
    %eq3A_1557 = arith.cmpi eq, %scan3A_1462#1, %min3A_1555 : vector<16xi32>
    %and3A_1558 = arith.andi %eq3A_1556, %eq3A_1557 : vector<16xi1>
    %select_n3A_1559 = arith.select %and3A_1558, %scan3A_1462#2, %scan3A_1462#0 : vector<16xi1>, vector<16xf32>
    %select_n3A_1560 = arith.select %and3A_1558, %scan3A_1462#3, %scan3A_1462#1 : vector<16xi1>, vector<16xi32>
    %lt3A_1561 = arith.constant 0 : i32
    %lt3A_1562 = vector.broadcast %lt3A_1561 : i32 to vector<16xi32>
    %lt3A_1563 = arith.cmpi slt, %xor3A_4, %lt3A_1562 : vector<16xi32>
    %add3A_1564 = arith.constant 16 : i32
    %add3A_1565 = vector.broadcast %add3A_1564 : i32 to vector<16xi32>
    %add3A_1566 = arith.addi %xor3A_4, %add3A_1565 : vector<16xi32>
    %select_n3A_1567 = arith.select %lt3A_1563, %add3A_1566, %xor3A_4 : vector<16xi1>, vector<16xi32>
    %broadcast_in_dim3A_1568 = vector.shape_cast %select_n3A_1567 : vector<16xi32> to vector<16x1xi32>
    %gather3A_1569 = vector.shape_cast %broadcast_in_dim3A_1568 : vector<16x1xi32> to vector<16xi32>
    %gather3A_1570 = tpu.dynamic_gather %select_n3A_1559[%gather3A_1569] in [0] : vector<16xf32>, vector<16xi32> -> vector<16xf32>
    %max3A_1571 = arith.maximumf %select_n3A_1559, %gather3A_1570 : vector<16xf32>
    %lt3A_1572 = arith.constant 0 : i32
    %lt3A_1573 = vector.broadcast %lt3A_1572 : i32 to vector<16xi32>
    %lt3A_1574 = arith.cmpi slt, %xor3A_7, %lt3A_1573 : vector<16xi32>
    %add3A_1575 = arith.constant 16 : i32
    %add3A_1576 = vector.broadcast %add3A_1575 : i32 to vector<16xi32>
    %add3A_1577 = arith.addi %xor3A_7, %add3A_1576 : vector<16xi32>
    %select_n3A_1578 = arith.select %lt3A_1574, %add3A_1577, %xor3A_7 : vector<16xi1>, vector<16xi32>
    %broadcast_in_dim3A_1579 = vector.shape_cast %select_n3A_1578 : vector<16xi32> to vector<16x1xi32>
    %gather3A_1580 = vector.shape_cast %broadcast_in_dim3A_1579 : vector<16x1xi32> to vector<16xi32>
    %gather3A_1581 = tpu.dynamic_gather %max3A_1571[%gather3A_1580] in [0] : vector<16xf32>, vector<16xi32> -> vector<16xf32>
    %max3A_1582 = arith.maximumf %max3A_1571, %gather3A_1581 : vector<16xf32>
    %lt3A_1583 = arith.constant 0 : i32
    %lt3A_1584 = vector.broadcast %lt3A_1583 : i32 to vector<16xi32>
    %lt3A_1585 = arith.cmpi slt, %xor3A_10, %lt3A_1584 : vector<16xi32>
    %add3A_1586 = arith.constant 16 : i32
    %add3A_1587 = vector.broadcast %add3A_1586 : i32 to vector<16xi32>
    %add3A_1588 = arith.addi %xor3A_10, %add3A_1587 : vector<16xi32>
    %select_n3A_1589 = arith.select %lt3A_1585, %add3A_1588, %xor3A_10 : vector<16xi1>, vector<16xi32>
    %broadcast_in_dim3A_1590 = vector.shape_cast %select_n3A_1589 : vector<16xi32> to vector<16x1xi32>
    %gather3A_1591 = vector.shape_cast %broadcast_in_dim3A_1590 : vector<16x1xi32> to vector<16xi32>
    %gather3A_1592 = tpu.dynamic_gather %max3A_1582[%gather3A_1591] in [0] : vector<16xf32>, vector<16xi32> -> vector<16xf32>
    %max3A_1593 = arith.maximumf %max3A_1582, %gather3A_1592 : vector<16xf32>
    %lt3A_1594 = arith.constant 0 : i32
    %lt3A_1595 = vector.broadcast %lt3A_1594 : i32 to vector<16xi32>
    %lt3A_1596 = arith.cmpi slt, %xor3A_13, %lt3A_1595 : vector<16xi32>
    %add3A_1597 = arith.constant 16 : i32
    %add3A_1598 = vector.broadcast %add3A_1597 : i32 to vector<16xi32>
    %add3A_1599 = arith.addi %xor3A_13, %add3A_1598 : vector<16xi32>
    %select_n3A_1600 = arith.select %lt3A_1596, %add3A_1599, %xor3A_13 : vector<16xi1>, vector<16xi32>
    %broadcast_in_dim3A_1601 = vector.shape_cast %select_n3A_1600 : vector<16xi32> to vector<16x1xi32>
    %gather3A_1602 = vector.shape_cast %broadcast_in_dim3A_1601 : vector<16x1xi32> to vector<16xi32>
    %gather3A_1603 = tpu.dynamic_gather %max3A_1593[%gather3A_1602] in [0] : vector<16xf32>, vector<16xi32> -> vector<16xf32>
    %max3A_1604 = arith.maximumf %max3A_1593, %gather3A_1603 : vector<16xf32>
    %eq3A_1605 = arith.cmpf oeq, %select_n3A_1559, %max3A_1604 : vector<16xf32>
    %jit3A_1606 = arith.constant 1024 : i32
    %broadcast_in_dim3A_1607 = vector.broadcast %jit3A_1606 : i32 to vector<16xi32>
    %select_n3A_1608 = arith.select %eq3A_1605, %select_n3A_1560, %broadcast_in_dim3A_1607 : vector<16xi1>, vector<16xi32>
    %lt3A_1609 = arith.constant 0 : i32
    %lt3A_1610 = vector.broadcast %lt3A_1609 : i32 to vector<16xi32>
    %lt3A_1611 = arith.cmpi slt, %xor3A_4, %lt3A_1610 : vector<16xi32>
    %add3A_1612 = arith.constant 16 : i32
    %add3A_1613 = vector.broadcast %add3A_1612 : i32 to vector<16xi32>
    %add3A_1614 = arith.addi %xor3A_4, %add3A_1613 : vector<16xi32>
    %select_n3A_1615 = arith.select %lt3A_1611, %add3A_1614, %xor3A_4 : vector<16xi1>, vector<16xi32>
    %broadcast_in_dim3A_1616 = vector.shape_cast %select_n3A_1615 : vector<16xi32> to vector<16x1xi32>
    %gather3A_1617 = vector.shape_cast %broadcast_in_dim3A_1616 : vector<16x1xi32> to vector<16xi32>
    %gather3A_1618 = tpu.dynamic_gather %select_n3A_1608[%gather3A_1617] in [0] : vector<16xi32>, vector<16xi32> -> vector<16xi32>
    %min3A_1619 = arith.minsi %select_n3A_1608, %gather3A_1618 : vector<16xi32>
    %lt3A_1620 = arith.constant 0 : i32
    %lt3A_1621 = vector.broadcast %lt3A_1620 : i32 to vector<16xi32>
    %lt3A_1622 = arith.cmpi slt, %xor3A_7, %lt3A_1621 : vector<16xi32>
    %add3A_1623 = arith.constant 16 : i32
    %add3A_1624 = vector.broadcast %add3A_1623 : i32 to vector<16xi32>
    %add3A_1625 = arith.addi %xor3A_7, %add3A_1624 : vector<16xi32>
    %select_n3A_1626 = arith.select %lt3A_1622, %add3A_1625, %xor3A_7 : vector<16xi1>, vector<16xi32>
    %broadcast_in_dim3A_1627 = vector.shape_cast %select_n3A_1626 : vector<16xi32> to vector<16x1xi32>
    %gather3A_1628 = vector.shape_cast %broadcast_in_dim3A_1627 : vector<16x1xi32> to vector<16xi32>
    %gather3A_1629 = tpu.dynamic_gather %min3A_1619[%gather3A_1628] in [0] : vector<16xi32>, vector<16xi32> -> vector<16xi32>
    %min3A_1630 = arith.minsi %min3A_1619, %gather3A_1629 : vector<16xi32>
    %lt3A_1631 = arith.constant 0 : i32
    %lt3A_1632 = vector.broadcast %lt3A_1631 : i32 to vector<16xi32>
    %lt3A_1633 = arith.cmpi slt, %xor3A_10, %lt3A_1632 : vector<16xi32>
    %add3A_1634 = arith.constant 16 : i32
    %add3A_1635 = vector.broadcast %add3A_1634 : i32 to vector<16xi32>
    %add3A_1636 = arith.addi %xor3A_10, %add3A_1635 : vector<16xi32>
    %select_n3A_1637 = arith.select %lt3A_1633, %add3A_1636, %xor3A_10 : vector<16xi1>, vector<16xi32>
    %broadcast_in_dim3A_1638 = vector.shape_cast %select_n3A_1637 : vector<16xi32> to vector<16x1xi32>
    %gather3A_1639 = vector.shape_cast %broadcast_in_dim3A_1638 : vector<16x1xi32> to vector<16xi32>
    %gather3A_1640 = tpu.dynamic_gather %min3A_1630[%gather3A_1639] in [0] : vector<16xi32>, vector<16xi32> -> vector<16xi32>
    %min3A_1641 = arith.minsi %min3A_1630, %gather3A_1640 : vector<16xi32>
    %lt3A_1642 = arith.constant 0 : i32
    %lt3A_1643 = vector.broadcast %lt3A_1642 : i32 to vector<16xi32>
    %lt3A_1644 = arith.cmpi slt, %xor3A_13, %lt3A_1643 : vector<16xi32>
    %add3A_1645 = arith.constant 16 : i32
    %add3A_1646 = vector.broadcast %add3A_1645 : i32 to vector<16xi32>
    %add3A_1647 = arith.addi %xor3A_13, %add3A_1646 : vector<16xi32>
    %select_n3A_1648 = arith.select %lt3A_1644, %add3A_1647, %xor3A_13 : vector<16xi1>, vector<16xi32>
    %broadcast_in_dim3A_1649 = vector.shape_cast %select_n3A_1648 : vector<16xi32> to vector<16x1xi32>
    %gather3A_1650 = vector.shape_cast %broadcast_in_dim3A_1649 : vector<16x1xi32> to vector<16xi32>
    %gather3A_1651 = tpu.dynamic_gather %min3A_1641[%gather3A_1650] in [0] : vector<16xi32>, vector<16xi32> -> vector<16xi32>
    %min3A_1652 = arith.minsi %min3A_1641, %gather3A_1651 : vector<16xi32>
    %sub3A_1653 = arith.subf %max3A_1604, %max3A_1507 : vector<16xf32>
    %exp3A_1654 = math.exp %sub3A_1653 : vector<16xf32>
    %add3A_1655 = arith.constant 1.000000e+00 : f32
    %add3A_1656 = vector.broadcast %add3A_1655 : f32 to vector<16xf32>
    %add3A_1657 = arith.addf %exp3A_1654, %add3A_1656 : vector<16xf32>
    %div3A_1658 = arith.constant 1.000000e+00 : f32
    %div3A_1659 = vector.broadcast %div3A_1658 : f32 to vector<16xf32>
    %div3A_1660 = arith.divf %div3A_1659, %add3A_1657 : vector<16xf32>
    %div3A_1661 = arith.divf %exp3A_1654, %add3A_1657 : vector<16xf32>
    %eq3A_1662 = arith.constant 0 : i32
    %eq3A_1663 = vector.broadcast %eq3A_1662 : i32 to vector<16xi32>
    %eq3A_1664 = arith.cmpi eq, %iota3A, %eq3A_1663 : vector<16xi32>
    %eq3A_1665 = arith.constant 1 : i32
    %eq3A_1666 = vector.broadcast %eq3A_1665 : i32 to vector<16xi32>
    %eq3A_1667 = arith.cmpi eq, %iota3A, %eq3A_1666 : vector<16xi32>
    %jit3A_1668 = arith.constant 0.000000e+00 : f32
    %broadcast_in_dim3A_1669 = vector.broadcast %jit3A_1668 : f32 to vector<16xf32>
    %select_n3A_1670 = arith.select %eq3A_1667, %div3A_1661, %broadcast_in_dim3A_1669 : vector<16xi1>, vector<16xf32>
    %select_n3A_1671 = arith.select %eq3A_1664, %div3A_1660, %select_n3A_1670 : vector<16xi1>, vector<16xf32>
    %eq3A_1672 = arith.constant 0 : i32
    %eq3A_1673 = vector.broadcast %eq3A_1672 : i32 to vector<16xi32>
    %eq3A_1674 = arith.cmpi eq, %iota3A, %eq3A_1673 : vector<16xi32>
    %eq3A_1675 = arith.constant 1 : i32
    %eq3A_1676 = vector.broadcast %eq3A_1675 : i32 to vector<16xi32>
    %eq3A_1677 = arith.cmpi eq, %iota3A, %eq3A_1676 : vector<16xi32>
    %jit3A_1678 = arith.constant 0 : i32
    %broadcast_in_dim3A_1679 = vector.broadcast %jit3A_1678 : i32 to vector<16xi32>
    %select_n3A_1680 = arith.select %eq3A_1677, %min3A_1652, %broadcast_in_dim3A_1679 : vector<16xi1>, vector<16xi32>
    %select_n3A_1681 = arith.select %eq3A_1674, %min3A_1555, %select_n3A_1680 : vector<16xi1>, vector<16xi32>
    %swap3A_1682 = arith.constant 6 : i32
    %swap3A_1683 = arith.index_cast %swap3A_1682 : i32 to index
    %swap3A_1684 = arith.constant 0 : index
    %swap3A_1685 = tpu.vector_load %arg7[%swap3A_1683, %swap3A_1684] {strides = array<i32>} : memref<12x16xi32, #tpu.memory_space<vmem>>, vector<1x16xi32>,
    %swap3A_1686 = vector.shape_cast %swap3A_1685 : vector<1x16xi32> to vector<16xi32>
    %swap3A_1687 = vector.shape_cast %select_n3A_1681 : vector<16xi32> to vector<1x16xi32>
    tpu.vector_store %arg7[%swap3A_1683, %swap3A_1684], %swap3A_1687 {strides = array<i32>} : memref<12x16xi32, #tpu.memory_space<vmem>>, vector<1x16xi32>,
    %swap3A_1688 = arith.constant 6 : i32
    %swap3A_1689 = arith.index_cast %swap3A_1688 : i32 to index
    %swap3A_1690 = arith.constant 0 : index
    %swap3A_1691 = tpu.vector_load %arg8[%swap3A_1689, %swap3A_1690] {strides = array<i32>} : memref<12x16xf32, #tpu.memory_space<vmem>>, vector<1x16xf32>,
    %swap3A_1692 = vector.shape_cast %swap3A_1691 : vector<1x16xf32> to vector<16xf32>
    %swap3A_1693 = vector.shape_cast %select_n3A_1671 : vector<16xf32> to vector<1x16xf32>
    tpu.vector_store %arg8[%swap3A_1689, %swap3A_1690], %swap3A_1693 {strides = array<i32>} : memref<12x16xf32, #tpu.memory_space<vmem>>, vector<1x16xf32>,
    %broadcast_in_dim3A_1694 = vector.broadcast %squeeze3A : f32 to vector<16xf32>
    %broadcast_in_dim3A_1695 = arith.constant 1024 : i32
    %broadcast_in_dim3A_1696 = vector.broadcast %broadcast_in_dim3A_1695 : i32 to vector<16xi32>
    %broadcast_in_dim3A_1697 = vector.broadcast %squeeze3A : f32 to vector<16xf32>
    %broadcast_in_dim3A_1698 = arith.constant 1024 : i32
    %broadcast_in_dim3A_1699 = vector.broadcast %broadcast_in_dim3A_1698 : i32 to vector<16xi32>
    %scan3A_1700 = arith.constant 0 : i32
    %scan3A_1701 = arith.constant 64 : i32
    %scan3A_1702 = arith.addi %scan3A_1700, %scan3A_1701 : i32
    %scan3A_1703 = arith.constant 1 : i32
    %scan3A_1704:4 = scf.for %scan3A_2904 = %scan3A_1700 to %scan3A_1702 step %scan3A_1703 iter_args(%scan3A_2905 = %broadcast_in_dim3A_1694, %scan3A_2906 = %broadcast_in_dim3A_1696, %scan3A_2907 = %broadcast_in_dim3A_1697, %scan3A_2908 = %broadcast_in_dim3A_1699) -> (vector<16xf32>, vector<16xi32>, vector<16xf32>, vector<16xi32>)  : i32 {
      %mul3A_2909 = arith.constant 16 : i32
      %mul3A_2910 = arith.muli %scan3A_2904, %mul3A_2909 : i32
      %get3A_2911 = arith.constant 7 : i32
      %get3A_2912 = arith.index_cast %get3A_2911 : i32 to index
      %get3A_2913 = arith.index_cast %mul3A_2910 : i32 to index
      %get3A_2914 = tpu.vector_load %arg6[%get3A_2912, %get3A_2913] {strides = array<i32>} : memref<12x1024xf32, #tpu.memory_space<vmem>>, vector<1x16xf32>,
      %get3A_2915 = vector.shape_cast %get3A_2914 : vector<1x16xf32> to vector<16xf32>
      %mul3A_2916 = arith.constant 16 : i32
      %mul3A_2917 = arith.muli %scan3A_2904, %mul3A_2916 : i32
      %add3A_2918 = vector.broadcast %mul3A_2917 : i32 to vector<16xi32>
      %add3A_2919 = arith.addi %iota3A, %add3A_2918 : vector<16xi32>
      %gt3A = arith.cmpf ogt, %get3A_2915, %scan3A_2905 : vector<16xf32>
      %gt3A_2920 = arith.cmpf ogt, %get3A_2915, %scan3A_2907 : vector<16xf32>
      %select_n3A_2921 = arith.select %gt3A_2920, %get3A_2915, %scan3A_2907 : vector<16xi1>, vector<16xf32>
      %select_n3A_2922 = arith.select %gt3A, %scan3A_2905, %select_n3A_2921 : vector<16xi1>, vector<16xf32>
      %select_n3A_2923 = arith.select %gt3A_2920, %add3A_2919, %scan3A_2908 : vector<16xi1>, vector<16xi32>
      %select_n3A_2924 = arith.select %gt3A, %scan3A_2906, %select_n3A_2923 : vector<16xi1>, vector<16xi32>
      %select_n3A_2925 = arith.select %gt3A, %get3A_2915, %scan3A_2905 : vector<16xi1>, vector<16xf32>
      %select_n3A_2926 = arith.select %gt3A, %add3A_2919, %scan3A_2906 : vector<16xi1>, vector<16xi32>
      scf.yield %select_n3A_2925, %select_n3A_2926, %select_n3A_2922, %select_n3A_2924 : vector<16xf32>, vector<16xi32>, vector<16xf32>, vector<16xi32>
    }
    %scan3A_1705 = arith.constant 64 : i32
    %lt3A_1706 = arith.constant 0 : i32
    %lt3A_1707 = vector.broadcast %lt3A_1706 : i32 to vector<16xi32>
    %lt3A_1708 = arith.cmpi slt, %xor3A_4, %lt3A_1707 : vector<16xi32>
    %add3A_1709 = arith.constant 16 : i32
    %add3A_1710 = vector.broadcast %add3A_1709 : i32 to vector<16xi32>
    %add3A_1711 = arith.addi %xor3A_4, %add3A_1710 : vector<16xi32>
    %select_n3A_1712 = arith.select %lt3A_1708, %add3A_1711, %xor3A_4 : vector<16xi1>, vector<16xi32>
    %broadcast_in_dim3A_1713 = vector.shape_cast %select_n3A_1712 : vector<16xi32> to vector<16x1xi32>
    %gather3A_1714 = vector.shape_cast %broadcast_in_dim3A_1713 : vector<16x1xi32> to vector<16xi32>
    %gather3A_1715 = tpu.dynamic_gather %scan3A_1704#0[%gather3A_1714] in [0] : vector<16xf32>, vector<16xi32> -> vector<16xf32>
    %max3A_1716 = arith.maximumf %scan3A_1704#0, %gather3A_1715 : vector<16xf32>
    %lt3A_1717 = arith.constant 0 : i32
    %lt3A_1718 = vector.broadcast %lt3A_1717 : i32 to vector<16xi32>
    %lt3A_1719 = arith.cmpi slt, %xor3A_7, %lt3A_1718 : vector<16xi32>
    %add3A_1720 = arith.constant 16 : i32
    %add3A_1721 = vector.broadcast %add3A_1720 : i32 to vector<16xi32>
    %add3A_1722 = arith.addi %xor3A_7, %add3A_1721 : vector<16xi32>
    %select_n3A_1723 = arith.select %lt3A_1719, %add3A_1722, %xor3A_7 : vector<16xi1>, vector<16xi32>
    %broadcast_in_dim3A_1724 = vector.shape_cast %select_n3A_1723 : vector<16xi32> to vector<16x1xi32>
    %gather3A_1725 = vector.shape_cast %broadcast_in_dim3A_1724 : vector<16x1xi32> to vector<16xi32>
    %gather3A_1726 = tpu.dynamic_gather %max3A_1716[%gather3A_1725] in [0] : vector<16xf32>, vector<16xi32> -> vector<16xf32>
    %max3A_1727 = arith.maximumf %max3A_1716, %gather3A_1726 : vector<16xf32>
    %lt3A_1728 = arith.constant 0 : i32
    %lt3A_1729 = vector.broadcast %lt3A_1728 : i32 to vector<16xi32>
    %lt3A_1730 = arith.cmpi slt, %xor3A_10, %lt3A_1729 : vector<16xi32>
    %add3A_1731 = arith.constant 16 : i32
    %add3A_1732 = vector.broadcast %add3A_1731 : i32 to vector<16xi32>
    %add3A_1733 = arith.addi %xor3A_10, %add3A_1732 : vector<16xi32>
    %select_n3A_1734 = arith.select %lt3A_1730, %add3A_1733, %xor3A_10 : vector<16xi1>, vector<16xi32>
    %broadcast_in_dim3A_1735 = vector.shape_cast %select_n3A_1734 : vector<16xi32> to vector<16x1xi32>
    %gather3A_1736 = vector.shape_cast %broadcast_in_dim3A_1735 : vector<16x1xi32> to vector<16xi32>
    %gather3A_1737 = tpu.dynamic_gather %max3A_1727[%gather3A_1736] in [0] : vector<16xf32>, vector<16xi32> -> vector<16xf32>
    %max3A_1738 = arith.maximumf %max3A_1727, %gather3A_1737 : vector<16xf32>
    %lt3A_1739 = arith.constant 0 : i32
    %lt3A_1740 = vector.broadcast %lt3A_1739 : i32 to vector<16xi32>
    %lt3A_1741 = arith.cmpi slt, %xor3A_13, %lt3A_1740 : vector<16xi32>
    %add3A_1742 = arith.constant 16 : i32
    %add3A_1743 = vector.broadcast %add3A_1742 : i32 to vector<16xi32>
    %add3A_1744 = arith.addi %xor3A_13, %add3A_1743 : vector<16xi32>
    %select_n3A_1745 = arith.select %lt3A_1741, %add3A_1744, %xor3A_13 : vector<16xi1>, vector<16xi32>
    %broadcast_in_dim3A_1746 = vector.shape_cast %select_n3A_1745 : vector<16xi32> to vector<16x1xi32>
    %gather3A_1747 = vector.shape_cast %broadcast_in_dim3A_1746 : vector<16x1xi32> to vector<16xi32>
    %gather3A_1748 = tpu.dynamic_gather %max3A_1738[%gather3A_1747] in [0] : vector<16xf32>, vector<16xi32> -> vector<16xf32>
    %max3A_1749 = arith.maximumf %max3A_1738, %gather3A_1748 : vector<16xf32>
    %eq3A_1750 = arith.cmpf oeq, %scan3A_1704#0, %max3A_1749 : vector<16xf32>
    %jit3A_1751 = arith.constant 1024 : i32
    %broadcast_in_dim3A_1752 = vector.broadcast %jit3A_1751 : i32 to vector<16xi32>
    %select_n3A_1753 = arith.select %eq3A_1750, %scan3A_1704#1, %broadcast_in_dim3A_1752 : vector<16xi1>, vector<16xi32>
    %lt3A_1754 = arith.constant 0 : i32
    %lt3A_1755 = vector.broadcast %lt3A_1754 : i32 to vector<16xi32>
    %lt3A_1756 = arith.cmpi slt, %xor3A_4, %lt3A_1755 : vector<16xi32>
    %add3A_1757 = arith.constant 16 : i32
    %add3A_1758 = vector.broadcast %add3A_1757 : i32 to vector<16xi32>
    %add3A_1759 = arith.addi %xor3A_4, %add3A_1758 : vector<16xi32>
    %select_n3A_1760 = arith.select %lt3A_1756, %add3A_1759, %xor3A_4 : vector<16xi1>, vector<16xi32>
    %broadcast_in_dim3A_1761 = vector.shape_cast %select_n3A_1760 : vector<16xi32> to vector<16x1xi32>
    %gather3A_1762 = vector.shape_cast %broadcast_in_dim3A_1761 : vector<16x1xi32> to vector<16xi32>
    %gather3A_1763 = tpu.dynamic_gather %select_n3A_1753[%gather3A_1762] in [0] : vector<16xi32>, vector<16xi32> -> vector<16xi32>
    %min3A_1764 = arith.minsi %select_n3A_1753, %gather3A_1763 : vector<16xi32>
    %lt3A_1765 = arith.constant 0 : i32
    %lt3A_1766 = vector.broadcast %lt3A_1765 : i32 to vector<16xi32>
    %lt3A_1767 = arith.cmpi slt, %xor3A_7, %lt3A_1766 : vector<16xi32>
    %add3A_1768 = arith.constant 16 : i32
    %add3A_1769 = vector.broadcast %add3A_1768 : i32 to vector<16xi32>
    %add3A_1770 = arith.addi %xor3A_7, %add3A_1769 : vector<16xi32>
    %select_n3A_1771 = arith.select %lt3A_1767, %add3A_1770, %xor3A_7 : vector<16xi1>, vector<16xi32>
    %broadcast_in_dim3A_1772 = vector.shape_cast %select_n3A_1771 : vector<16xi32> to vector<16x1xi32>
    %gather3A_1773 = vector.shape_cast %broadcast_in_dim3A_1772 : vector<16x1xi32> to vector<16xi32>
    %gather3A_1774 = tpu.dynamic_gather %min3A_1764[%gather3A_1773] in [0] : vector<16xi32>, vector<16xi32> -> vector<16xi32>
    %min3A_1775 = arith.minsi %min3A_1764, %gather3A_1774 : vector<16xi32>
    %lt3A_1776 = arith.constant 0 : i32
    %lt3A_1777 = vector.broadcast %lt3A_1776 : i32 to vector<16xi32>
    %lt3A_1778 = arith.cmpi slt, %xor3A_10, %lt3A_1777 : vector<16xi32>
    %add3A_1779 = arith.constant 16 : i32
    %add3A_1780 = vector.broadcast %add3A_1779 : i32 to vector<16xi32>
    %add3A_1781 = arith.addi %xor3A_10, %add3A_1780 : vector<16xi32>
    %select_n3A_1782 = arith.select %lt3A_1778, %add3A_1781, %xor3A_10 : vector<16xi1>, vector<16xi32>
    %broadcast_in_dim3A_1783 = vector.shape_cast %select_n3A_1782 : vector<16xi32> to vector<16x1xi32>
    %gather3A_1784 = vector.shape_cast %broadcast_in_dim3A_1783 : vector<16x1xi32> to vector<16xi32>
    %gather3A_1785 = tpu.dynamic_gather %min3A_1775[%gather3A_1784] in [0] : vector<16xi32>, vector<16xi32> -> vector<16xi32>
    %min3A_1786 = arith.minsi %min3A_1775, %gather3A_1785 : vector<16xi32>
    %lt3A_1787 = arith.constant 0 : i32
    %lt3A_1788 = vector.broadcast %lt3A_1787 : i32 to vector<16xi32>
    %lt3A_1789 = arith.cmpi slt, %xor3A_13, %lt3A_1788 : vector<16xi32>
    %add3A_1790 = arith.constant 16 : i32
    %add3A_1791 = vector.broadcast %add3A_1790 : i32 to vector<16xi32>
    %add3A_1792 = arith.addi %xor3A_13, %add3A_1791 : vector<16xi32>
    %select_n3A_1793 = arith.select %lt3A_1789, %add3A_1792, %xor3A_13 : vector<16xi1>, vector<16xi32>
    %broadcast_in_dim3A_1794 = vector.shape_cast %select_n3A_1793 : vector<16xi32> to vector<16x1xi32>
    %gather3A_1795 = vector.shape_cast %broadcast_in_dim3A_1794 : vector<16x1xi32> to vector<16xi32>
    %gather3A_1796 = tpu.dynamic_gather %min3A_1786[%gather3A_1795] in [0] : vector<16xi32>, vector<16xi32> -> vector<16xi32>
    %min3A_1797 = arith.minsi %min3A_1786, %gather3A_1796 : vector<16xi32>
    %eq3A_1798 = arith.cmpf oeq, %scan3A_1704#0, %max3A_1749 : vector<16xf32>
    %eq3A_1799 = arith.cmpi eq, %scan3A_1704#1, %min3A_1797 : vector<16xi32>
    %and3A_1800 = arith.andi %eq3A_1798, %eq3A_1799 : vector<16xi1>
    %select_n3A_1801 = arith.select %and3A_1800, %scan3A_1704#2, %scan3A_1704#0 : vector<16xi1>, vector<16xf32>
    %select_n3A_1802 = arith.select %and3A_1800, %scan3A_1704#3, %scan3A_1704#1 : vector<16xi1>, vector<16xi32>
    %lt3A_1803 = arith.constant 0 : i32
    %lt3A_1804 = vector.broadcast %lt3A_1803 : i32 to vector<16xi32>
    %lt3A_1805 = arith.cmpi slt, %xor3A_4, %lt3A_1804 : vector<16xi32>
    %add3A_1806 = arith.constant 16 : i32
    %add3A_1807 = vector.broadcast %add3A_1806 : i32 to vector<16xi32>
    %add3A_1808 = arith.addi %xor3A_4, %add3A_1807 : vector<16xi32>
    %select_n3A_1809 = arith.select %lt3A_1805, %add3A_1808, %xor3A_4 : vector<16xi1>, vector<16xi32>
    %broadcast_in_dim3A_1810 = vector.shape_cast %select_n3A_1809 : vector<16xi32> to vector<16x1xi32>
    %gather3A_1811 = vector.shape_cast %broadcast_in_dim3A_1810 : vector<16x1xi32> to vector<16xi32>
    %gather3A_1812 = tpu.dynamic_gather %select_n3A_1801[%gather3A_1811] in [0] : vector<16xf32>, vector<16xi32> -> vector<16xf32>
    %max3A_1813 = arith.maximumf %select_n3A_1801, %gather3A_1812 : vector<16xf32>
    %lt3A_1814 = arith.constant 0 : i32
    %lt3A_1815 = vector.broadcast %lt3A_1814 : i32 to vector<16xi32>
    %lt3A_1816 = arith.cmpi slt, %xor3A_7, %lt3A_1815 : vector<16xi32>
    %add3A_1817 = arith.constant 16 : i32
    %add3A_1818 = vector.broadcast %add3A_1817 : i32 to vector<16xi32>
    %add3A_1819 = arith.addi %xor3A_7, %add3A_1818 : vector<16xi32>
    %select_n3A_1820 = arith.select %lt3A_1816, %add3A_1819, %xor3A_7 : vector<16xi1>, vector<16xi32>
    %broadcast_in_dim3A_1821 = vector.shape_cast %select_n3A_1820 : vector<16xi32> to vector<16x1xi32>
    %gather3A_1822 = vector.shape_cast %broadcast_in_dim3A_1821 : vector<16x1xi32> to vector<16xi32>
    %gather3A_1823 = tpu.dynamic_gather %max3A_1813[%gather3A_1822] in [0] : vector<16xf32>, vector<16xi32> -> vector<16xf32>
    %max3A_1824 = arith.maximumf %max3A_1813, %gather3A_1823 : vector<16xf32>
    %lt3A_1825 = arith.constant 0 : i32
    %lt3A_1826 = vector.broadcast %lt3A_1825 : i32 to vector<16xi32>
    %lt3A_1827 = arith.cmpi slt, %xor3A_10, %lt3A_1826 : vector<16xi32>
    %add3A_1828 = arith.constant 16 : i32
    %add3A_1829 = vector.broadcast %add3A_1828 : i32 to vector<16xi32>
    %add3A_1830 = arith.addi %xor3A_10, %add3A_1829 : vector<16xi32>
    %select_n3A_1831 = arith.select %lt3A_1827, %add3A_1830, %xor3A_10 : vector<16xi1>, vector<16xi32>
    %broadcast_in_dim3A_1832 = vector.shape_cast %select_n3A_1831 : vector<16xi32> to vector<16x1xi32>
    %gather3A_1833 = vector.shape_cast %broadcast_in_dim3A_1832 : vector<16x1xi32> to vector<16xi32>
    %gather3A_1834 = tpu.dynamic_gather %max3A_1824[%gather3A_1833] in [0] : vector<16xf32>, vector<16xi32> -> vector<16xf32>
    %max3A_1835 = arith.maximumf %max3A_1824, %gather3A_1834 : vector<16xf32>
    %lt3A_1836 = arith.constant 0 : i32
    %lt3A_1837 = vector.broadcast %lt3A_1836 : i32 to vector<16xi32>
    %lt3A_1838 = arith.cmpi slt, %xor3A_13, %lt3A_1837 : vector<16xi32>
    %add3A_1839 = arith.constant 16 : i32
    %add3A_1840 = vector.broadcast %add3A_1839 : i32 to vector<16xi32>
    %add3A_1841 = arith.addi %xor3A_13, %add3A_1840 : vector<16xi32>
    %select_n3A_1842 = arith.select %lt3A_1838, %add3A_1841, %xor3A_13 : vector<16xi1>, vector<16xi32>
    %broadcast_in_dim3A_1843 = vector.shape_cast %select_n3A_1842 : vector<16xi32> to vector<16x1xi32>
    %gather3A_1844 = vector.shape_cast %broadcast_in_dim3A_1843 : vector<16x1xi32> to vector<16xi32>
    %gather3A_1845 = tpu.dynamic_gather %max3A_1835[%gather3A_1844] in [0] : vector<16xf32>, vector<16xi32> -> vector<16xf32>
    %max3A_1846 = arith.maximumf %max3A_1835, %gather3A_1845 : vector<16xf32>
    %eq3A_1847 = arith.cmpf oeq, %select_n3A_1801, %max3A_1846 : vector<16xf32>
    %jit3A_1848 = arith.constant 1024 : i32
    %broadcast_in_dim3A_1849 = vector.broadcast %jit3A_1848 : i32 to vector<16xi32>
    %select_n3A_1850 = arith.select %eq3A_1847, %select_n3A_1802, %broadcast_in_dim3A_1849 : vector<16xi1>, vector<16xi32>
    %lt3A_1851 = arith.constant 0 : i32
    %lt3A_1852 = vector.broadcast %lt3A_1851 : i32 to vector<16xi32>
    %lt3A_1853 = arith.cmpi slt, %xor3A_4, %lt3A_1852 : vector<16xi32>
    %add3A_1854 = arith.constant 16 : i32
    %add3A_1855 = vector.broadcast %add3A_1854 : i32 to vector<16xi32>
    %add3A_1856 = arith.addi %xor3A_4, %add3A_1855 : vector<16xi32>
    %select_n3A_1857 = arith.select %lt3A_1853, %add3A_1856, %xor3A_4 : vector<16xi1>, vector<16xi32>
    %broadcast_in_dim3A_1858 = vector.shape_cast %select_n3A_1857 : vector<16xi32> to vector<16x1xi32>
    %gather3A_1859 = vector.shape_cast %broadcast_in_dim3A_1858 : vector<16x1xi32> to vector<16xi32>
    %gather3A_1860 = tpu.dynamic_gather %select_n3A_1850[%gather3A_1859] in [0] : vector<16xi32>, vector<16xi32> -> vector<16xi32>
    %min3A_1861 = arith.minsi %select_n3A_1850, %gather3A_1860 : vector<16xi32>
    %lt3A_1862 = arith.constant 0 : i32
    %lt3A_1863 = vector.broadcast %lt3A_1862 : i32 to vector<16xi32>
    %lt3A_1864 = arith.cmpi slt, %xor3A_7, %lt3A_1863 : vector<16xi32>
    %add3A_1865 = arith.constant 16 : i32
    %add3A_1866 = vector.broadcast %add3A_1865 : i32 to vector<16xi32>
    %add3A_1867 = arith.addi %xor3A_7, %add3A_1866 : vector<16xi32>
    %select_n3A_1868 = arith.select %lt3A_1864, %add3A_1867, %xor3A_7 : vector<16xi1>, vector<16xi32>
    %broadcast_in_dim3A_1869 = vector.shape_cast %select_n3A_1868 : vector<16xi32> to vector<16x1xi32>
    %gather3A_1870 = vector.shape_cast %broadcast_in_dim3A_1869 : vector<16x1xi32> to vector<16xi32>
    %gather3A_1871 = tpu.dynamic_gather %min3A_1861[%gather3A_1870] in [0] : vector<16xi32>, vector<16xi32> -> vector<16xi32>
    %min3A_1872 = arith.minsi %min3A_1861, %gather3A_1871 : vector<16xi32>
    %lt3A_1873 = arith.constant 0 : i32
    %lt3A_1874 = vector.broadcast %lt3A_1873 : i32 to vector<16xi32>
    %lt3A_1875 = arith.cmpi slt, %xor3A_10, %lt3A_1874 : vector<16xi32>
    %add3A_1876 = arith.constant 16 : i32
    %add3A_1877 = vector.broadcast %add3A_1876 : i32 to vector<16xi32>
    %add3A_1878 = arith.addi %xor3A_10, %add3A_1877 : vector<16xi32>
    %select_n3A_1879 = arith.select %lt3A_1875, %add3A_1878, %xor3A_10 : vector<16xi1>, vector<16xi32>
    %broadcast_in_dim3A_1880 = vector.shape_cast %select_n3A_1879 : vector<16xi32> to vector<16x1xi32>
    %gather3A_1881 = vector.shape_cast %broadcast_in_dim3A_1880 : vector<16x1xi32> to vector<16xi32>
    %gather3A_1882 = tpu.dynamic_gather %min3A_1872[%gather3A_1881] in [0] : vector<16xi32>, vector<16xi32> -> vector<16xi32>
    %min3A_1883 = arith.minsi %min3A_1872, %gather3A_1882 : vector<16xi32>
    %lt3A_1884 = arith.constant 0 : i32
    %lt3A_1885 = vector.broadcast %lt3A_1884 : i32 to vector<16xi32>
    %lt3A_1886 = arith.cmpi slt, %xor3A_13, %lt3A_1885 : vector<16xi32>
    %add3A_1887 = arith.constant 16 : i32
    %add3A_1888 = vector.broadcast %add3A_1887 : i32 to vector<16xi32>
    %add3A_1889 = arith.addi %xor3A_13, %add3A_1888 : vector<16xi32>
    %select_n3A_1890 = arith.select %lt3A_1886, %add3A_1889, %xor3A_13 : vector<16xi1>, vector<16xi32>
    %broadcast_in_dim3A_1891 = vector.shape_cast %select_n3A_1890 : vector<16xi32> to vector<16x1xi32>
    %gather3A_1892 = vector.shape_cast %broadcast_in_dim3A_1891 : vector<16x1xi32> to vector<16xi32>
    %gather3A_1893 = tpu.dynamic_gather %min3A_1883[%gather3A_1892] in [0] : vector<16xi32>, vector<16xi32> -> vector<16xi32>
    %min3A_1894 = arith.minsi %min3A_1883, %gather3A_1893 : vector<16xi32>
    %sub3A_1895 = arith.subf %max3A_1846, %max3A_1749 : vector<16xf32>
    %exp3A_1896 = math.exp %sub3A_1895 : vector<16xf32>
    %add3A_1897 = arith.constant 1.000000e+00 : f32
    %add3A_1898 = vector.broadcast %add3A_1897 : f32 to vector<16xf32>
    %add3A_1899 = arith.addf %exp3A_1896, %add3A_1898 : vector<16xf32>
    %div3A_1900 = arith.constant 1.000000e+00 : f32
    %div3A_1901 = vector.broadcast %div3A_1900 : f32 to vector<16xf32>
    %div3A_1902 = arith.divf %div3A_1901, %add3A_1899 : vector<16xf32>
    %div3A_1903 = arith.divf %exp3A_1896, %add3A_1899 : vector<16xf32>
    %eq3A_1904 = arith.constant 0 : i32
    %eq3A_1905 = vector.broadcast %eq3A_1904 : i32 to vector<16xi32>
    %eq3A_1906 = arith.cmpi eq, %iota3A, %eq3A_1905 : vector<16xi32>
    %eq3A_1907 = arith.constant 1 : i32
    %eq3A_1908 = vector.broadcast %eq3A_1907 : i32 to vector<16xi32>
    %eq3A_1909 = arith.cmpi eq, %iota3A, %eq3A_1908 : vector<16xi32>
    %jit3A_1910 = arith.constant 0.000000e+00 : f32
    %broadcast_in_dim3A_1911 = vector.broadcast %jit3A_1910 : f32 to vector<16xf32>
    %select_n3A_1912 = arith.select %eq3A_1909, %div3A_1903, %broadcast_in_dim3A_1911 : vector<16xi1>, vector<16xf32>
    %select_n3A_1913 = arith.select %eq3A_1906, %div3A_1902, %select_n3A_1912 : vector<16xi1>, vector<16xf32>
    %eq3A_1914 = arith.constant 0 : i32
    %eq3A_1915 = vector.broadcast %eq3A_1914 : i32 to vector<16xi32>
    %eq3A_1916 = arith.cmpi eq, %iota3A, %eq3A_1915 : vector<16xi32>
    %eq3A_1917 = arith.constant 1 : i32
    %eq3A_1918 = vector.broadcast %eq3A_1917 : i32 to vector<16xi32>
    %eq3A_1919 = arith.cmpi eq, %iota3A, %eq3A_1918 : vector<16xi32>
    %jit3A_1920 = arith.constant 0 : i32
    %broadcast_in_dim3A_1921 = vector.broadcast %jit3A_1920 : i32 to vector<16xi32>
    %select_n3A_1922 = arith.select %eq3A_1919, %min3A_1894, %broadcast_in_dim3A_1921 : vector<16xi1>, vector<16xi32>
    %select_n3A_1923 = arith.select %eq3A_1916, %min3A_1797, %select_n3A_1922 : vector<16xi1>, vector<16xi32>
    %swap3A_1924 = arith.constant 7 : i32
    %swap3A_1925 = arith.index_cast %swap3A_1924 : i32 to index
    %swap3A_1926 = arith.constant 0 : index
    %swap3A_1927 = tpu.vector_load %arg7[%swap3A_1925, %swap3A_1926] {strides = array<i32>} : memref<12x16xi32, #tpu.memory_space<vmem>>, vector<1x16xi32>,
    %swap3A_1928 = vector.shape_cast %swap3A_1927 : vector<1x16xi32> to vector<16xi32>
    %swap3A_1929 = vector.shape_cast %select_n3A_1923 : vector<16xi32> to vector<1x16xi32>
    tpu.vector_store %arg7[%swap3A_1925, %swap3A_1926], %swap3A_1929 {strides = array<i32>} : memref<12x16xi32, #tpu.memory_space<vmem>>, vector<1x16xi32>,
    %swap3A_1930 = arith.constant 7 : i32
    %swap3A_1931 = arith.index_cast %swap3A_1930 : i32 to index
    %swap3A_1932 = arith.constant 0 : index
    %swap3A_1933 = tpu.vector_load %arg8[%swap3A_1931, %swap3A_1932] {strides = array<i32>} : memref<12x16xf32, #tpu.memory_space<vmem>>, vector<1x16xf32>,
    %swap3A_1934 = vector.shape_cast %swap3A_1933 : vector<1x16xf32> to vector<16xf32>
    %swap3A_1935 = vector.shape_cast %select_n3A_1913 : vector<16xf32> to vector<1x16xf32>
    tpu.vector_store %arg8[%swap3A_1931, %swap3A_1932], %swap3A_1935 {strides = array<i32>} : memref<12x16xf32, #tpu.memory_space<vmem>>, vector<1x16xf32>,
    %broadcast_in_dim3A_1936 = vector.broadcast %squeeze3A : f32 to vector<16xf32>
    %broadcast_in_dim3A_1937 = arith.constant 1024 : i32
    %broadcast_in_dim3A_1938 = vector.broadcast %broadcast_in_dim3A_1937 : i32 to vector<16xi32>
    %broadcast_in_dim3A_1939 = vector.broadcast %squeeze3A : f32 to vector<16xf32>
    %broadcast_in_dim3A_1940 = arith.constant 1024 : i32
    %broadcast_in_dim3A_1941 = vector.broadcast %broadcast_in_dim3A_1940 : i32 to vector<16xi32>
    %scan3A_1942 = arith.constant 0 : i32
    %scan3A_1943 = arith.constant 64 : i32
    %scan3A_1944 = arith.addi %scan3A_1942, %scan3A_1943 : i32
    %scan3A_1945 = arith.constant 1 : i32
    %scan3A_1946:4 = scf.for %scan3A_2904 = %scan3A_1942 to %scan3A_1944 step %scan3A_1945 iter_args(%scan3A_2905 = %broadcast_in_dim3A_1936, %scan3A_2906 = %broadcast_in_dim3A_1938, %scan3A_2907 = %broadcast_in_dim3A_1939, %scan3A_2908 = %broadcast_in_dim3A_1941) -> (vector<16xf32>, vector<16xi32>, vector<16xf32>, vector<16xi32>)  : i32 {
      %mul3A_2909 = arith.constant 16 : i32
      %mul3A_2910 = arith.muli %scan3A_2904, %mul3A_2909 : i32
      %get3A_2911 = arith.constant 8 : i32
      %get3A_2912 = arith.index_cast %get3A_2911 : i32 to index
      %get3A_2913 = arith.index_cast %mul3A_2910 : i32 to index
      %get3A_2914 = tpu.vector_load %arg6[%get3A_2912, %get3A_2913] {strides = array<i32>} : memref<12x1024xf32, #tpu.memory_space<vmem>>, vector<1x16xf32>,
      %get3A_2915 = vector.shape_cast %get3A_2914 : vector<1x16xf32> to vector<16xf32>
      %mul3A_2916 = arith.constant 16 : i32
      %mul3A_2917 = arith.muli %scan3A_2904, %mul3A_2916 : i32
      %add3A_2918 = vector.broadcast %mul3A_2917 : i32 to vector<16xi32>
      %add3A_2919 = arith.addi %iota3A, %add3A_2918 : vector<16xi32>
      %gt3A = arith.cmpf ogt, %get3A_2915, %scan3A_2905 : vector<16xf32>
      %gt3A_2920 = arith.cmpf ogt, %get3A_2915, %scan3A_2907 : vector<16xf32>
      %select_n3A_2921 = arith.select %gt3A_2920, %get3A_2915, %scan3A_2907 : vector<16xi1>, vector<16xf32>
      %select_n3A_2922 = arith.select %gt3A, %scan3A_2905, %select_n3A_2921 : vector<16xi1>, vector<16xf32>
      %select_n3A_2923 = arith.select %gt3A_2920, %add3A_2919, %scan3A_2908 : vector<16xi1>, vector<16xi32>
      %select_n3A_2924 = arith.select %gt3A, %scan3A_2906, %select_n3A_2923 : vector<16xi1>, vector<16xi32>
      %select_n3A_2925 = arith.select %gt3A, %get3A_2915, %scan3A_2905 : vector<16xi1>, vector<16xf32>
      %select_n3A_2926 = arith.select %gt3A, %add3A_2919, %scan3A_2906 : vector<16xi1>, vector<16xi32>
      scf.yield %select_n3A_2925, %select_n3A_2926, %select_n3A_2922, %select_n3A_2924 : vector<16xf32>, vector<16xi32>, vector<16xf32>, vector<16xi32>
    }
    %scan3A_1947 = arith.constant 64 : i32
    %lt3A_1948 = arith.constant 0 : i32
    %lt3A_1949 = vector.broadcast %lt3A_1948 : i32 to vector<16xi32>
    %lt3A_1950 = arith.cmpi slt, %xor3A_4, %lt3A_1949 : vector<16xi32>
    %add3A_1951 = arith.constant 16 : i32
    %add3A_1952 = vector.broadcast %add3A_1951 : i32 to vector<16xi32>
    %add3A_1953 = arith.addi %xor3A_4, %add3A_1952 : vector<16xi32>
    %select_n3A_1954 = arith.select %lt3A_1950, %add3A_1953, %xor3A_4 : vector<16xi1>, vector<16xi32>
    %broadcast_in_dim3A_1955 = vector.shape_cast %select_n3A_1954 : vector<16xi32> to vector<16x1xi32>
    %gather3A_1956 = vector.shape_cast %broadcast_in_dim3A_1955 : vector<16x1xi32> to vector<16xi32>
    %gather3A_1957 = tpu.dynamic_gather %scan3A_1946#0[%gather3A_1956] in [0] : vector<16xf32>, vector<16xi32> -> vector<16xf32>
    %max3A_1958 = arith.maximumf %scan3A_1946#0, %gather3A_1957 : vector<16xf32>
    %lt3A_1959 = arith.constant 0 : i32
    %lt3A_1960 = vector.broadcast %lt3A_1959 : i32 to vector<16xi32>
    %lt3A_1961 = arith.cmpi slt, %xor3A_7, %lt3A_1960 : vector<16xi32>
    %add3A_1962 = arith.constant 16 : i32
    %add3A_1963 = vector.broadcast %add3A_1962 : i32 to vector<16xi32>
    %add3A_1964 = arith.addi %xor3A_7, %add3A_1963 : vector<16xi32>
    %select_n3A_1965 = arith.select %lt3A_1961, %add3A_1964, %xor3A_7 : vector<16xi1>, vector<16xi32>
    %broadcast_in_dim3A_1966 = vector.shape_cast %select_n3A_1965 : vector<16xi32> to vector<16x1xi32>
    %gather3A_1967 = vector.shape_cast %broadcast_in_dim3A_1966 : vector<16x1xi32> to vector<16xi32>
    %gather3A_1968 = tpu.dynamic_gather %max3A_1958[%gather3A_1967] in [0] : vector<16xf32>, vector<16xi32> -> vector<16xf32>
    %max3A_1969 = arith.maximumf %max3A_1958, %gather3A_1968 : vector<16xf32>
    %lt3A_1970 = arith.constant 0 : i32
    %lt3A_1971 = vector.broadcast %lt3A_1970 : i32 to vector<16xi32>
    %lt3A_1972 = arith.cmpi slt, %xor3A_10, %lt3A_1971 : vector<16xi32>
    %add3A_1973 = arith.constant 16 : i32
    %add3A_1974 = vector.broadcast %add3A_1973 : i32 to vector<16xi32>
    %add3A_1975 = arith.addi %xor3A_10, %add3A_1974 : vector<16xi32>
    %select_n3A_1976 = arith.select %lt3A_1972, %add3A_1975, %xor3A_10 : vector<16xi1>, vector<16xi32>
    %broadcast_in_dim3A_1977 = vector.shape_cast %select_n3A_1976 : vector<16xi32> to vector<16x1xi32>
    %gather3A_1978 = vector.shape_cast %broadcast_in_dim3A_1977 : vector<16x1xi32> to vector<16xi32>
    %gather3A_1979 = tpu.dynamic_gather %max3A_1969[%gather3A_1978] in [0] : vector<16xf32>, vector<16xi32> -> vector<16xf32>
    %max3A_1980 = arith.maximumf %max3A_1969, %gather3A_1979 : vector<16xf32>
    %lt3A_1981 = arith.constant 0 : i32
    %lt3A_1982 = vector.broadcast %lt3A_1981 : i32 to vector<16xi32>
    %lt3A_1983 = arith.cmpi slt, %xor3A_13, %lt3A_1982 : vector<16xi32>
    %add3A_1984 = arith.constant 16 : i32
    %add3A_1985 = vector.broadcast %add3A_1984 : i32 to vector<16xi32>
    %add3A_1986 = arith.addi %xor3A_13, %add3A_1985 : vector<16xi32>
    %select_n3A_1987 = arith.select %lt3A_1983, %add3A_1986, %xor3A_13 : vector<16xi1>, vector<16xi32>
    %broadcast_in_dim3A_1988 = vector.shape_cast %select_n3A_1987 : vector<16xi32> to vector<16x1xi32>
    %gather3A_1989 = vector.shape_cast %broadcast_in_dim3A_1988 : vector<16x1xi32> to vector<16xi32>
    %gather3A_1990 = tpu.dynamic_gather %max3A_1980[%gather3A_1989] in [0] : vector<16xf32>, vector<16xi32> -> vector<16xf32>
    %max3A_1991 = arith.maximumf %max3A_1980, %gather3A_1990 : vector<16xf32>
    %eq3A_1992 = arith.cmpf oeq, %scan3A_1946#0, %max3A_1991 : vector<16xf32>
    %jit3A_1993 = arith.constant 1024 : i32
    %broadcast_in_dim3A_1994 = vector.broadcast %jit3A_1993 : i32 to vector<16xi32>
    %select_n3A_1995 = arith.select %eq3A_1992, %scan3A_1946#1, %broadcast_in_dim3A_1994 : vector<16xi1>, vector<16xi32>
    %lt3A_1996 = arith.constant 0 : i32
    %lt3A_1997 = vector.broadcast %lt3A_1996 : i32 to vector<16xi32>
    %lt3A_1998 = arith.cmpi slt, %xor3A_4, %lt3A_1997 : vector<16xi32>
    %add3A_1999 = arith.constant 16 : i32
    %add3A_2000 = vector.broadcast %add3A_1999 : i32 to vector<16xi32>
    %add3A_2001 = arith.addi %xor3A_4, %add3A_2000 : vector<16xi32>
    %select_n3A_2002 = arith.select %lt3A_1998, %add3A_2001, %xor3A_4 : vector<16xi1>, vector<16xi32>
    %broadcast_in_dim3A_2003 = vector.shape_cast %select_n3A_2002 : vector<16xi32> to vector<16x1xi32>
    %gather3A_2004 = vector.shape_cast %broadcast_in_dim3A_2003 : vector<16x1xi32> to vector<16xi32>
    %gather3A_2005 = tpu.dynamic_gather %select_n3A_1995[%gather3A_2004] in [0] : vector<16xi32>, vector<16xi32> -> vector<16xi32>
    %min3A_2006 = arith.minsi %select_n3A_1995, %gather3A_2005 : vector<16xi32>
    %lt3A_2007 = arith.constant 0 : i32
    %lt3A_2008 = vector.broadcast %lt3A_2007 : i32 to vector<16xi32>
    %lt3A_2009 = arith.cmpi slt, %xor3A_7, %lt3A_2008 : vector<16xi32>
    %add3A_2010 = arith.constant 16 : i32
    %add3A_2011 = vector.broadcast %add3A_2010 : i32 to vector<16xi32>
    %add3A_2012 = arith.addi %xor3A_7, %add3A_2011 : vector<16xi32>
    %select_n3A_2013 = arith.select %lt3A_2009, %add3A_2012, %xor3A_7 : vector<16xi1>, vector<16xi32>
    %broadcast_in_dim3A_2014 = vector.shape_cast %select_n3A_2013 : vector<16xi32> to vector<16x1xi32>
    %gather3A_2015 = vector.shape_cast %broadcast_in_dim3A_2014 : vector<16x1xi32> to vector<16xi32>
    %gather3A_2016 = tpu.dynamic_gather %min3A_2006[%gather3A_2015] in [0] : vector<16xi32>, vector<16xi32> -> vector<16xi32>
    %min3A_2017 = arith.minsi %min3A_2006, %gather3A_2016 : vector<16xi32>
    %lt3A_2018 = arith.constant 0 : i32
    %lt3A_2019 = vector.broadcast %lt3A_2018 : i32 to vector<16xi32>
    %lt3A_2020 = arith.cmpi slt, %xor3A_10, %lt3A_2019 : vector<16xi32>
    %add3A_2021 = arith.constant 16 : i32
    %add3A_2022 = vector.broadcast %add3A_2021 : i32 to vector<16xi32>
    %add3A_2023 = arith.addi %xor3A_10, %add3A_2022 : vector<16xi32>
    %select_n3A_2024 = arith.select %lt3A_2020, %add3A_2023, %xor3A_10 : vector<16xi1>, vector<16xi32>
    %broadcast_in_dim3A_2025 = vector.shape_cast %select_n3A_2024 : vector<16xi32> to vector<16x1xi32>
    %gather3A_2026 = vector.shape_cast %broadcast_in_dim3A_2025 : vector<16x1xi32> to vector<16xi32>
    %gather3A_2027 = tpu.dynamic_gather %min3A_2017[%gather3A_2026] in [0] : vector<16xi32>, vector<16xi32> -> vector<16xi32>
    %min3A_2028 = arith.minsi %min3A_2017, %gather3A_2027 : vector<16xi32>
    %lt3A_2029 = arith.constant 0 : i32
    %lt3A_2030 = vector.broadcast %lt3A_2029 : i32 to vector<16xi32>
    %lt3A_2031 = arith.cmpi slt, %xor3A_13, %lt3A_2030 : vector<16xi32>
    %add3A_2032 = arith.constant 16 : i32
    %add3A_2033 = vector.broadcast %add3A_2032 : i32 to vector<16xi32>
    %add3A_2034 = arith.addi %xor3A_13, %add3A_2033 : vector<16xi32>
    %select_n3A_2035 = arith.select %lt3A_2031, %add3A_2034, %xor3A_13 : vector<16xi1>, vector<16xi32>
    %broadcast_in_dim3A_2036 = vector.shape_cast %select_n3A_2035 : vector<16xi32> to vector<16x1xi32>
    %gather3A_2037 = vector.shape_cast %broadcast_in_dim3A_2036 : vector<16x1xi32> to vector<16xi32>
    %gather3A_2038 = tpu.dynamic_gather %min3A_2028[%gather3A_2037] in [0] : vector<16xi32>, vector<16xi32> -> vector<16xi32>
    %min3A_2039 = arith.minsi %min3A_2028, %gather3A_2038 : vector<16xi32>
    %eq3A_2040 = arith.cmpf oeq, %scan3A_1946#0, %max3A_1991 : vector<16xf32>
    %eq3A_2041 = arith.cmpi eq, %scan3A_1946#1, %min3A_2039 : vector<16xi32>
    %and3A_2042 = arith.andi %eq3A_2040, %eq3A_2041 : vector<16xi1>
    %select_n3A_2043 = arith.select %and3A_2042, %scan3A_1946#2, %scan3A_1946#0 : vector<16xi1>, vector<16xf32>
    %select_n3A_2044 = arith.select %and3A_2042, %scan3A_1946#3, %scan3A_1946#1 : vector<16xi1>, vector<16xi32>
    %lt3A_2045 = arith.constant 0 : i32
    %lt3A_2046 = vector.broadcast %lt3A_2045 : i32 to vector<16xi32>
    %lt3A_2047 = arith.cmpi slt, %xor3A_4, %lt3A_2046 : vector<16xi32>
    %add3A_2048 = arith.constant 16 : i32
    %add3A_2049 = vector.broadcast %add3A_2048 : i32 to vector<16xi32>
    %add3A_2050 = arith.addi %xor3A_4, %add3A_2049 : vector<16xi32>
    %select_n3A_2051 = arith.select %lt3A_2047, %add3A_2050, %xor3A_4 : vector<16xi1>, vector<16xi32>
    %broadcast_in_dim3A_2052 = vector.shape_cast %select_n3A_2051 : vector<16xi32> to vector<16x1xi32>
    %gather3A_2053 = vector.shape_cast %broadcast_in_dim3A_2052 : vector<16x1xi32> to vector<16xi32>
    %gather3A_2054 = tpu.dynamic_gather %select_n3A_2043[%gather3A_2053] in [0] : vector<16xf32>, vector<16xi32> -> vector<16xf32>
    %max3A_2055 = arith.maximumf %select_n3A_2043, %gather3A_2054 : vector<16xf32>
    %lt3A_2056 = arith.constant 0 : i32
    %lt3A_2057 = vector.broadcast %lt3A_2056 : i32 to vector<16xi32>
    %lt3A_2058 = arith.cmpi slt, %xor3A_7, %lt3A_2057 : vector<16xi32>
    %add3A_2059 = arith.constant 16 : i32
    %add3A_2060 = vector.broadcast %add3A_2059 : i32 to vector<16xi32>
    %add3A_2061 = arith.addi %xor3A_7, %add3A_2060 : vector<16xi32>
    %select_n3A_2062 = arith.select %lt3A_2058, %add3A_2061, %xor3A_7 : vector<16xi1>, vector<16xi32>
    %broadcast_in_dim3A_2063 = vector.shape_cast %select_n3A_2062 : vector<16xi32> to vector<16x1xi32>
    %gather3A_2064 = vector.shape_cast %broadcast_in_dim3A_2063 : vector<16x1xi32> to vector<16xi32>
    %gather3A_2065 = tpu.dynamic_gather %max3A_2055[%gather3A_2064] in [0] : vector<16xf32>, vector<16xi32> -> vector<16xf32>
    %max3A_2066 = arith.maximumf %max3A_2055, %gather3A_2065 : vector<16xf32>
    %lt3A_2067 = arith.constant 0 : i32
    %lt3A_2068 = vector.broadcast %lt3A_2067 : i32 to vector<16xi32>
    %lt3A_2069 = arith.cmpi slt, %xor3A_10, %lt3A_2068 : vector<16xi32>
    %add3A_2070 = arith.constant 16 : i32
    %add3A_2071 = vector.broadcast %add3A_2070 : i32 to vector<16xi32>
    %add3A_2072 = arith.addi %xor3A_10, %add3A_2071 : vector<16xi32>
    %select_n3A_2073 = arith.select %lt3A_2069, %add3A_2072, %xor3A_10 : vector<16xi1>, vector<16xi32>
    %broadcast_in_dim3A_2074 = vector.shape_cast %select_n3A_2073 : vector<16xi32> to vector<16x1xi32>
    %gather3A_2075 = vector.shape_cast %broadcast_in_dim3A_2074 : vector<16x1xi32> to vector<16xi32>
    %gather3A_2076 = tpu.dynamic_gather %max3A_2066[%gather3A_2075] in [0] : vector<16xf32>, vector<16xi32> -> vector<16xf32>
    %max3A_2077 = arith.maximumf %max3A_2066, %gather3A_2076 : vector<16xf32>
    %lt3A_2078 = arith.constant 0 : i32
    %lt3A_2079 = vector.broadcast %lt3A_2078 : i32 to vector<16xi32>
    %lt3A_2080 = arith.cmpi slt, %xor3A_13, %lt3A_2079 : vector<16xi32>
    %add3A_2081 = arith.constant 16 : i32
    %add3A_2082 = vector.broadcast %add3A_2081 : i32 to vector<16xi32>
    %add3A_2083 = arith.addi %xor3A_13, %add3A_2082 : vector<16xi32>
    %select_n3A_2084 = arith.select %lt3A_2080, %add3A_2083, %xor3A_13 : vector<16xi1>, vector<16xi32>
    %broadcast_in_dim3A_2085 = vector.shape_cast %select_n3A_2084 : vector<16xi32> to vector<16x1xi32>
    %gather3A_2086 = vector.shape_cast %broadcast_in_dim3A_2085 : vector<16x1xi32> to vector<16xi32>
    %gather3A_2087 = tpu.dynamic_gather %max3A_2077[%gather3A_2086] in [0] : vector<16xf32>, vector<16xi32> -> vector<16xf32>
    %max3A_2088 = arith.maximumf %max3A_2077, %gather3A_2087 : vector<16xf32>
    %eq3A_2089 = arith.cmpf oeq, %select_n3A_2043, %max3A_2088 : vector<16xf32>
    %jit3A_2090 = arith.constant 1024 : i32
    %broadcast_in_dim3A_2091 = vector.broadcast %jit3A_2090 : i32 to vector<16xi32>
    %select_n3A_2092 = arith.select %eq3A_2089, %select_n3A_2044, %broadcast_in_dim3A_2091 : vector<16xi1>, vector<16xi32>
    %lt3A_2093 = arith.constant 0 : i32
    %lt3A_2094 = vector.broadcast %lt3A_2093 : i32 to vector<16xi32>
    %lt3A_2095 = arith.cmpi slt, %xor3A_4, %lt3A_2094 : vector<16xi32>
    %add3A_2096 = arith.constant 16 : i32
    %add3A_2097 = vector.broadcast %add3A_2096 : i32 to vector<16xi32>
    %add3A_2098 = arith.addi %xor3A_4, %add3A_2097 : vector<16xi32>
    %select_n3A_2099 = arith.select %lt3A_2095, %add3A_2098, %xor3A_4 : vector<16xi1>, vector<16xi32>
    %broadcast_in_dim3A_2100 = vector.shape_cast %select_n3A_2099 : vector<16xi32> to vector<16x1xi32>
    %gather3A_2101 = vector.shape_cast %broadcast_in_dim3A_2100 : vector<16x1xi32> to vector<16xi32>
    %gather3A_2102 = tpu.dynamic_gather %select_n3A_2092[%gather3A_2101] in [0] : vector<16xi32>, vector<16xi32> -> vector<16xi32>
    %min3A_2103 = arith.minsi %select_n3A_2092, %gather3A_2102 : vector<16xi32>
    %lt3A_2104 = arith.constant 0 : i32
    %lt3A_2105 = vector.broadcast %lt3A_2104 : i32 to vector<16xi32>
    %lt3A_2106 = arith.cmpi slt, %xor3A_7, %lt3A_2105 : vector<16xi32>
    %add3A_2107 = arith.constant 16 : i32
    %add3A_2108 = vector.broadcast %add3A_2107 : i32 to vector<16xi32>
    %add3A_2109 = arith.addi %xor3A_7, %add3A_2108 : vector<16xi32>
    %select_n3A_2110 = arith.select %lt3A_2106, %add3A_2109, %xor3A_7 : vector<16xi1>, vector<16xi32>
    %broadcast_in_dim3A_2111 = vector.shape_cast %select_n3A_2110 : vector<16xi32> to vector<16x1xi32>
    %gather3A_2112 = vector.shape_cast %broadcast_in_dim3A_2111 : vector<16x1xi32> to vector<16xi32>
    %gather3A_2113 = tpu.dynamic_gather %min3A_2103[%gather3A_2112] in [0] : vector<16xi32>, vector<16xi32> -> vector<16xi32>
    %min3A_2114 = arith.minsi %min3A_2103, %gather3A_2113 : vector<16xi32>
    %lt3A_2115 = arith.constant 0 : i32
    %lt3A_2116 = vector.broadcast %lt3A_2115 : i32 to vector<16xi32>
    %lt3A_2117 = arith.cmpi slt, %xor3A_10, %lt3A_2116 : vector<16xi32>
    %add3A_2118 = arith.constant 16 : i32
    %add3A_2119 = vector.broadcast %add3A_2118 : i32 to vector<16xi32>
    %add3A_2120 = arith.addi %xor3A_10, %add3A_2119 : vector<16xi32>
    %select_n3A_2121 = arith.select %lt3A_2117, %add3A_2120, %xor3A_10 : vector<16xi1>, vector<16xi32>
    %broadcast_in_dim3A_2122 = vector.shape_cast %select_n3A_2121 : vector<16xi32> to vector<16x1xi32>
    %gather3A_2123 = vector.shape_cast %broadcast_in_dim3A_2122 : vector<16x1xi32> to vector<16xi32>
    %gather3A_2124 = tpu.dynamic_gather %min3A_2114[%gather3A_2123] in [0] : vector<16xi32>, vector<16xi32> -> vector<16xi32>
    %min3A_2125 = arith.minsi %min3A_2114, %gather3A_2124 : vector<16xi32>
    %lt3A_2126 = arith.constant 0 : i32
    %lt3A_2127 = vector.broadcast %lt3A_2126 : i32 to vector<16xi32>
    %lt3A_2128 = arith.cmpi slt, %xor3A_13, %lt3A_2127 : vector<16xi32>
    %add3A_2129 = arith.constant 16 : i32
    %add3A_2130 = vector.broadcast %add3A_2129 : i32 to vector<16xi32>
    %add3A_2131 = arith.addi %xor3A_13, %add3A_2130 : vector<16xi32>
    %select_n3A_2132 = arith.select %lt3A_2128, %add3A_2131, %xor3A_13 : vector<16xi1>, vector<16xi32>
    %broadcast_in_dim3A_2133 = vector.shape_cast %select_n3A_2132 : vector<16xi32> to vector<16x1xi32>
    %gather3A_2134 = vector.shape_cast %broadcast_in_dim3A_2133 : vector<16x1xi32> to vector<16xi32>
    %gather3A_2135 = tpu.dynamic_gather %min3A_2125[%gather3A_2134] in [0] : vector<16xi32>, vector<16xi32> -> vector<16xi32>
    %min3A_2136 = arith.minsi %min3A_2125, %gather3A_2135 : vector<16xi32>
    %sub3A_2137 = arith.subf %max3A_2088, %max3A_1991 : vector<16xf32>
    %exp3A_2138 = math.exp %sub3A_2137 : vector<16xf32>
    %add3A_2139 = arith.constant 1.000000e+00 : f32
    %add3A_2140 = vector.broadcast %add3A_2139 : f32 to vector<16xf32>
    %add3A_2141 = arith.addf %exp3A_2138, %add3A_2140 : vector<16xf32>
    %div3A_2142 = arith.constant 1.000000e+00 : f32
    %div3A_2143 = vector.broadcast %div3A_2142 : f32 to vector<16xf32>
    %div3A_2144 = arith.divf %div3A_2143, %add3A_2141 : vector<16xf32>
    %div3A_2145 = arith.divf %exp3A_2138, %add3A_2141 : vector<16xf32>
    %eq3A_2146 = arith.constant 0 : i32
    %eq3A_2147 = vector.broadcast %eq3A_2146 : i32 to vector<16xi32>
    %eq3A_2148 = arith.cmpi eq, %iota3A, %eq3A_2147 : vector<16xi32>
    %eq3A_2149 = arith.constant 1 : i32
    %eq3A_2150 = vector.broadcast %eq3A_2149 : i32 to vector<16xi32>
    %eq3A_2151 = arith.cmpi eq, %iota3A, %eq3A_2150 : vector<16xi32>
    %jit3A_2152 = arith.constant 0.000000e+00 : f32
    %broadcast_in_dim3A_2153 = vector.broadcast %jit3A_2152 : f32 to vector<16xf32>
    %select_n3A_2154 = arith.select %eq3A_2151, %div3A_2145, %broadcast_in_dim3A_2153 : vector<16xi1>, vector<16xf32>
    %select_n3A_2155 = arith.select %eq3A_2148, %div3A_2144, %select_n3A_2154 : vector<16xi1>, vector<16xf32>
    %eq3A_2156 = arith.constant 0 : i32
    %eq3A_2157 = vector.broadcast %eq3A_2156 : i32 to vector<16xi32>
    %eq3A_2158 = arith.cmpi eq, %iota3A, %eq3A_2157 : vector<16xi32>
    %eq3A_2159 = arith.constant 1 : i32
    %eq3A_2160 = vector.broadcast %eq3A_2159 : i32 to vector<16xi32>
    %eq3A_2161 = arith.cmpi eq, %iota3A, %eq3A_2160 : vector<16xi32>
    %jit3A_2162 = arith.constant 0 : i32
    %broadcast_in_dim3A_2163 = vector.broadcast %jit3A_2162 : i32 to vector<16xi32>
    %select_n3A_2164 = arith.select %eq3A_2161, %min3A_2136, %broadcast_in_dim3A_2163 : vector<16xi1>, vector<16xi32>
    %select_n3A_2165 = arith.select %eq3A_2158, %min3A_2039, %select_n3A_2164 : vector<16xi1>, vector<16xi32>
    %swap3A_2166 = arith.constant 8 : i32
    %swap3A_2167 = arith.index_cast %swap3A_2166 : i32 to index
    %swap3A_2168 = arith.constant 0 : index
    %swap3A_2169 = tpu.vector_load %arg7[%swap3A_2167, %swap3A_2168] {strides = array<i32>} : memref<12x16xi32, #tpu.memory_space<vmem>>, vector<1x16xi32>,
    %swap3A_2170 = vector.shape_cast %swap3A_2169 : vector<1x16xi32> to vector<16xi32>
    %swap3A_2171 = vector.shape_cast %select_n3A_2165 : vector<16xi32> to vector<1x16xi32>
    tpu.vector_store %arg7[%swap3A_2167, %swap3A_2168], %swap3A_2171 {strides = array<i32>} : memref<12x16xi32, #tpu.memory_space<vmem>>, vector<1x16xi32>,
    %swap3A_2172 = arith.constant 8 : i32
    %swap3A_2173 = arith.index_cast %swap3A_2172 : i32 to index
    %swap3A_2174 = arith.constant 0 : index
    %swap3A_2175 = tpu.vector_load %arg8[%swap3A_2173, %swap3A_2174] {strides = array<i32>} : memref<12x16xf32, #tpu.memory_space<vmem>>, vector<1x16xf32>,
    %swap3A_2176 = vector.shape_cast %swap3A_2175 : vector<1x16xf32> to vector<16xf32>
    %swap3A_2177 = vector.shape_cast %select_n3A_2155 : vector<16xf32> to vector<1x16xf32>
    tpu.vector_store %arg8[%swap3A_2173, %swap3A_2174], %swap3A_2177 {strides = array<i32>} : memref<12x16xf32, #tpu.memory_space<vmem>>, vector<1x16xf32>,
    %broadcast_in_dim3A_2178 = vector.broadcast %squeeze3A : f32 to vector<16xf32>
    %broadcast_in_dim3A_2179 = arith.constant 1024 : i32
    %broadcast_in_dim3A_2180 = vector.broadcast %broadcast_in_dim3A_2179 : i32 to vector<16xi32>
    %broadcast_in_dim3A_2181 = vector.broadcast %squeeze3A : f32 to vector<16xf32>
    %broadcast_in_dim3A_2182 = arith.constant 1024 : i32
    %broadcast_in_dim3A_2183 = vector.broadcast %broadcast_in_dim3A_2182 : i32 to vector<16xi32>
    %scan3A_2184 = arith.constant 0 : i32
    %scan3A_2185 = arith.constant 64 : i32
    %scan3A_2186 = arith.addi %scan3A_2184, %scan3A_2185 : i32
    %scan3A_2187 = arith.constant 1 : i32
    %scan3A_2188:4 = scf.for %scan3A_2904 = %scan3A_2184 to %scan3A_2186 step %scan3A_2187 iter_args(%scan3A_2905 = %broadcast_in_dim3A_2178, %scan3A_2906 = %broadcast_in_dim3A_2180, %scan3A_2907 = %broadcast_in_dim3A_2181, %scan3A_2908 = %broadcast_in_dim3A_2183) -> (vector<16xf32>, vector<16xi32>, vector<16xf32>, vector<16xi32>)  : i32 {
      %mul3A_2909 = arith.constant 16 : i32
      %mul3A_2910 = arith.muli %scan3A_2904, %mul3A_2909 : i32
      %get3A_2911 = arith.constant 9 : i32
      %get3A_2912 = arith.index_cast %get3A_2911 : i32 to index
      %get3A_2913 = arith.index_cast %mul3A_2910 : i32 to index
      %get3A_2914 = tpu.vector_load %arg6[%get3A_2912, %get3A_2913] {strides = array<i32>} : memref<12x1024xf32, #tpu.memory_space<vmem>>, vector<1x16xf32>,
      %get3A_2915 = vector.shape_cast %get3A_2914 : vector<1x16xf32> to vector<16xf32>
      %mul3A_2916 = arith.constant 16 : i32
      %mul3A_2917 = arith.muli %scan3A_2904, %mul3A_2916 : i32
      %add3A_2918 = vector.broadcast %mul3A_2917 : i32 to vector<16xi32>
      %add3A_2919 = arith.addi %iota3A, %add3A_2918 : vector<16xi32>
      %gt3A = arith.cmpf ogt, %get3A_2915, %scan3A_2905 : vector<16xf32>
      %gt3A_2920 = arith.cmpf ogt, %get3A_2915, %scan3A_2907 : vector<16xf32>
      %select_n3A_2921 = arith.select %gt3A_2920, %get3A_2915, %scan3A_2907 : vector<16xi1>, vector<16xf32>
      %select_n3A_2922 = arith.select %gt3A, %scan3A_2905, %select_n3A_2921 : vector<16xi1>, vector<16xf32>
      %select_n3A_2923 = arith.select %gt3A_2920, %add3A_2919, %scan3A_2908 : vector<16xi1>, vector<16xi32>
      %select_n3A_2924 = arith.select %gt3A, %scan3A_2906, %select_n3A_2923 : vector<16xi1>, vector<16xi32>
      %select_n3A_2925 = arith.select %gt3A, %get3A_2915, %scan3A_2905 : vector<16xi1>, vector<16xf32>
      %select_n3A_2926 = arith.select %gt3A, %add3A_2919, %scan3A_2906 : vector<16xi1>, vector<16xi32>
      scf.yield %select_n3A_2925, %select_n3A_2926, %select_n3A_2922, %select_n3A_2924 : vector<16xf32>, vector<16xi32>, vector<16xf32>, vector<16xi32>
    }
    %scan3A_2189 = arith.constant 64 : i32
    %lt3A_2190 = arith.constant 0 : i32
    %lt3A_2191 = vector.broadcast %lt3A_2190 : i32 to vector<16xi32>
    %lt3A_2192 = arith.cmpi slt, %xor3A_4, %lt3A_2191 : vector<16xi32>
    %add3A_2193 = arith.constant 16 : i32
    %add3A_2194 = vector.broadcast %add3A_2193 : i32 to vector<16xi32>
    %add3A_2195 = arith.addi %xor3A_4, %add3A_2194 : vector<16xi32>
    %select_n3A_2196 = arith.select %lt3A_2192, %add3A_2195, %xor3A_4 : vector<16xi1>, vector<16xi32>
    %broadcast_in_dim3A_2197 = vector.shape_cast %select_n3A_2196 : vector<16xi32> to vector<16x1xi32>
    %gather3A_2198 = vector.shape_cast %broadcast_in_dim3A_2197 : vector<16x1xi32> to vector<16xi32>
    %gather3A_2199 = tpu.dynamic_gather %scan3A_2188#0[%gather3A_2198] in [0] : vector<16xf32>, vector<16xi32> -> vector<16xf32>
    %max3A_2200 = arith.maximumf %scan3A_2188#0, %gather3A_2199 : vector<16xf32>
    %lt3A_2201 = arith.constant 0 : i32
    %lt3A_2202 = vector.broadcast %lt3A_2201 : i32 to vector<16xi32>
    %lt3A_2203 = arith.cmpi slt, %xor3A_7, %lt3A_2202 : vector<16xi32>
    %add3A_2204 = arith.constant 16 : i32
    %add3A_2205 = vector.broadcast %add3A_2204 : i32 to vector<16xi32>
    %add3A_2206 = arith.addi %xor3A_7, %add3A_2205 : vector<16xi32>
    %select_n3A_2207 = arith.select %lt3A_2203, %add3A_2206, %xor3A_7 : vector<16xi1>, vector<16xi32>
    %broadcast_in_dim3A_2208 = vector.shape_cast %select_n3A_2207 : vector<16xi32> to vector<16x1xi32>
    %gather3A_2209 = vector.shape_cast %broadcast_in_dim3A_2208 : vector<16x1xi32> to vector<16xi32>
    %gather3A_2210 = tpu.dynamic_gather %max3A_2200[%gather3A_2209] in [0] : vector<16xf32>, vector<16xi32> -> vector<16xf32>
    %max3A_2211 = arith.maximumf %max3A_2200, %gather3A_2210 : vector<16xf32>
    %lt3A_2212 = arith.constant 0 : i32
    %lt3A_2213 = vector.broadcast %lt3A_2212 : i32 to vector<16xi32>
    %lt3A_2214 = arith.cmpi slt, %xor3A_10, %lt3A_2213 : vector<16xi32>
    %add3A_2215 = arith.constant 16 : i32
    %add3A_2216 = vector.broadcast %add3A_2215 : i32 to vector<16xi32>
    %add3A_2217 = arith.addi %xor3A_10, %add3A_2216 : vector<16xi32>
    %select_n3A_2218 = arith.select %lt3A_2214, %add3A_2217, %xor3A_10 : vector<16xi1>, vector<16xi32>
    %broadcast_in_dim3A_2219 = vector.shape_cast %select_n3A_2218 : vector<16xi32> to vector<16x1xi32>
    %gather3A_2220 = vector.shape_cast %broadcast_in_dim3A_2219 : vector<16x1xi32> to vector<16xi32>
    %gather3A_2221 = tpu.dynamic_gather %max3A_2211[%gather3A_2220] in [0] : vector<16xf32>, vector<16xi32> -> vector<16xf32>
    %max3A_2222 = arith.maximumf %max3A_2211, %gather3A_2221 : vector<16xf32>
    %lt3A_2223 = arith.constant 0 : i32
    %lt3A_2224 = vector.broadcast %lt3A_2223 : i32 to vector<16xi32>
    %lt3A_2225 = arith.cmpi slt, %xor3A_13, %lt3A_2224 : vector<16xi32>
    %add3A_2226 = arith.constant 16 : i32
    %add3A_2227 = vector.broadcast %add3A_2226 : i32 to vector<16xi32>
    %add3A_2228 = arith.addi %xor3A_13, %add3A_2227 : vector<16xi32>
    %select_n3A_2229 = arith.select %lt3A_2225, %add3A_2228, %xor3A_13 : vector<16xi1>, vector<16xi32>
    %broadcast_in_dim3A_2230 = vector.shape_cast %select_n3A_2229 : vector<16xi32> to vector<16x1xi32>
    %gather3A_2231 = vector.shape_cast %broadcast_in_dim3A_2230 : vector<16x1xi32> to vector<16xi32>
    %gather3A_2232 = tpu.dynamic_gather %max3A_2222[%gather3A_2231] in [0] : vector<16xf32>, vector<16xi32> -> vector<16xf32>
    %max3A_2233 = arith.maximumf %max3A_2222, %gather3A_2232 : vector<16xf32>
    %eq3A_2234 = arith.cmpf oeq, %scan3A_2188#0, %max3A_2233 : vector<16xf32>
    %jit3A_2235 = arith.constant 1024 : i32
    %broadcast_in_dim3A_2236 = vector.broadcast %jit3A_2235 : i32 to vector<16xi32>
    %select_n3A_2237 = arith.select %eq3A_2234, %scan3A_2188#1, %broadcast_in_dim3A_2236 : vector<16xi1>, vector<16xi32>
    %lt3A_2238 = arith.constant 0 : i32
    %lt3A_2239 = vector.broadcast %lt3A_2238 : i32 to vector<16xi32>
    %lt3A_2240 = arith.cmpi slt, %xor3A_4, %lt3A_2239 : vector<16xi32>
    %add3A_2241 = arith.constant 16 : i32
    %add3A_2242 = vector.broadcast %add3A_2241 : i32 to vector<16xi32>
    %add3A_2243 = arith.addi %xor3A_4, %add3A_2242 : vector<16xi32>
    %select_n3A_2244 = arith.select %lt3A_2240, %add3A_2243, %xor3A_4 : vector<16xi1>, vector<16xi32>
    %broadcast_in_dim3A_2245 = vector.shape_cast %select_n3A_2244 : vector<16xi32> to vector<16x1xi32>
    %gather3A_2246 = vector.shape_cast %broadcast_in_dim3A_2245 : vector<16x1xi32> to vector<16xi32>
    %gather3A_2247 = tpu.dynamic_gather %select_n3A_2237[%gather3A_2246] in [0] : vector<16xi32>, vector<16xi32> -> vector<16xi32>
    %min3A_2248 = arith.minsi %select_n3A_2237, %gather3A_2247 : vector<16xi32>
    %lt3A_2249 = arith.constant 0 : i32
    %lt3A_2250 = vector.broadcast %lt3A_2249 : i32 to vector<16xi32>
    %lt3A_2251 = arith.cmpi slt, %xor3A_7, %lt3A_2250 : vector<16xi32>
    %add3A_2252 = arith.constant 16 : i32
    %add3A_2253 = vector.broadcast %add3A_2252 : i32 to vector<16xi32>
    %add3A_2254 = arith.addi %xor3A_7, %add3A_2253 : vector<16xi32>
    %select_n3A_2255 = arith.select %lt3A_2251, %add3A_2254, %xor3A_7 : vector<16xi1>, vector<16xi32>
    %broadcast_in_dim3A_2256 = vector.shape_cast %select_n3A_2255 : vector<16xi32> to vector<16x1xi32>
    %gather3A_2257 = vector.shape_cast %broadcast_in_dim3A_2256 : vector<16x1xi32> to vector<16xi32>
    %gather3A_2258 = tpu.dynamic_gather %min3A_2248[%gather3A_2257] in [0] : vector<16xi32>, vector<16xi32> -> vector<16xi32>
    %min3A_2259 = arith.minsi %min3A_2248, %gather3A_2258 : vector<16xi32>
    %lt3A_2260 = arith.constant 0 : i32
    %lt3A_2261 = vector.broadcast %lt3A_2260 : i32 to vector<16xi32>
    %lt3A_2262 = arith.cmpi slt, %xor3A_10, %lt3A_2261 : vector<16xi32>
    %add3A_2263 = arith.constant 16 : i32
    %add3A_2264 = vector.broadcast %add3A_2263 : i32 to vector<16xi32>
    %add3A_2265 = arith.addi %xor3A_10, %add3A_2264 : vector<16xi32>
    %select_n3A_2266 = arith.select %lt3A_2262, %add3A_2265, %xor3A_10 : vector<16xi1>, vector<16xi32>
    %broadcast_in_dim3A_2267 = vector.shape_cast %select_n3A_2266 : vector<16xi32> to vector<16x1xi32>
    %gather3A_2268 = vector.shape_cast %broadcast_in_dim3A_2267 : vector<16x1xi32> to vector<16xi32>
    %gather3A_2269 = tpu.dynamic_gather %min3A_2259[%gather3A_2268] in [0] : vector<16xi32>, vector<16xi32> -> vector<16xi32>
    %min3A_2270 = arith.minsi %min3A_2259, %gather3A_2269 : vector<16xi32>
    %lt3A_2271 = arith.constant 0 : i32
    %lt3A_2272 = vector.broadcast %lt3A_2271 : i32 to vector<16xi32>
    %lt3A_2273 = arith.cmpi slt, %xor3A_13, %lt3A_2272 : vector<16xi32>
    %add3A_2274 = arith.constant 16 : i32
    %add3A_2275 = vector.broadcast %add3A_2274 : i32 to vector<16xi32>
    %add3A_2276 = arith.addi %xor3A_13, %add3A_2275 : vector<16xi32>
    %select_n3A_2277 = arith.select %lt3A_2273, %add3A_2276, %xor3A_13 : vector<16xi1>, vector<16xi32>
    %broadcast_in_dim3A_2278 = vector.shape_cast %select_n3A_2277 : vector<16xi32> to vector<16x1xi32>
    %gather3A_2279 = vector.shape_cast %broadcast_in_dim3A_2278 : vector<16x1xi32> to vector<16xi32>
    %gather3A_2280 = tpu.dynamic_gather %min3A_2270[%gather3A_2279] in [0] : vector<16xi32>, vector<16xi32> -> vector<16xi32>
    %min3A_2281 = arith.minsi %min3A_2270, %gather3A_2280 : vector<16xi32>
    %eq3A_2282 = arith.cmpf oeq, %scan3A_2188#0, %max3A_2233 : vector<16xf32>
    %eq3A_2283 = arith.cmpi eq, %scan3A_2188#1, %min3A_2281 : vector<16xi32>
    %and3A_2284 = arith.andi %eq3A_2282, %eq3A_2283 : vector<16xi1>
    %select_n3A_2285 = arith.select %and3A_2284, %scan3A_2188#2, %scan3A_2188#0 : vector<16xi1>, vector<16xf32>
    %select_n3A_2286 = arith.select %and3A_2284, %scan3A_2188#3, %scan3A_2188#1 : vector<16xi1>, vector<16xi32>
    %lt3A_2287 = arith.constant 0 : i32
    %lt3A_2288 = vector.broadcast %lt3A_2287 : i32 to vector<16xi32>
    %lt3A_2289 = arith.cmpi slt, %xor3A_4, %lt3A_2288 : vector<16xi32>
    %add3A_2290 = arith.constant 16 : i32
    %add3A_2291 = vector.broadcast %add3A_2290 : i32 to vector<16xi32>
    %add3A_2292 = arith.addi %xor3A_4, %add3A_2291 : vector<16xi32>
    %select_n3A_2293 = arith.select %lt3A_2289, %add3A_2292, %xor3A_4 : vector<16xi1>, vector<16xi32>
    %broadcast_in_dim3A_2294 = vector.shape_cast %select_n3A_2293 : vector<16xi32> to vector<16x1xi32>
    %gather3A_2295 = vector.shape_cast %broadcast_in_dim3A_2294 : vector<16x1xi32> to vector<16xi32>
    %gather3A_2296 = tpu.dynamic_gather %select_n3A_2285[%gather3A_2295] in [0] : vector<16xf32>, vector<16xi32> -> vector<16xf32>
    %max3A_2297 = arith.maximumf %select_n3A_2285, %gather3A_2296 : vector<16xf32>
    %lt3A_2298 = arith.constant 0 : i32
    %lt3A_2299 = vector.broadcast %lt3A_2298 : i32 to vector<16xi32>
    %lt3A_2300 = arith.cmpi slt, %xor3A_7, %lt3A_2299 : vector<16xi32>
    %add3A_2301 = arith.constant 16 : i32
    %add3A_2302 = vector.broadcast %add3A_2301 : i32 to vector<16xi32>
    %add3A_2303 = arith.addi %xor3A_7, %add3A_2302 : vector<16xi32>
    %select_n3A_2304 = arith.select %lt3A_2300, %add3A_2303, %xor3A_7 : vector<16xi1>, vector<16xi32>
    %broadcast_in_dim3A_2305 = vector.shape_cast %select_n3A_2304 : vector<16xi32> to vector<16x1xi32>
    %gather3A_2306 = vector.shape_cast %broadcast_in_dim3A_2305 : vector<16x1xi32> to vector<16xi32>
    %gather3A_2307 = tpu.dynamic_gather %max3A_2297[%gather3A_2306] in [0] : vector<16xf32>, vector<16xi32> -> vector<16xf32>
    %max3A_2308 = arith.maximumf %max3A_2297, %gather3A_2307 : vector<16xf32>
    %lt3A_2309 = arith.constant 0 : i32
    %lt3A_2310 = vector.broadcast %lt3A_2309 : i32 to vector<16xi32>
    %lt3A_2311 = arith.cmpi slt, %xor3A_10, %lt3A_2310 : vector<16xi32>
    %add3A_2312 = arith.constant 16 : i32
    %add3A_2313 = vector.broadcast %add3A_2312 : i32 to vector<16xi32>
    %add3A_2314 = arith.addi %xor3A_10, %add3A_2313 : vector<16xi32>
    %select_n3A_2315 = arith.select %lt3A_2311, %add3A_2314, %xor3A_10 : vector<16xi1>, vector<16xi32>
    %broadcast_in_dim3A_2316 = vector.shape_cast %select_n3A_2315 : vector<16xi32> to vector<16x1xi32>
    %gather3A_2317 = vector.shape_cast %broadcast_in_dim3A_2316 : vector<16x1xi32> to vector<16xi32>
    %gather3A_2318 = tpu.dynamic_gather %max3A_2308[%gather3A_2317] in [0] : vector<16xf32>, vector<16xi32> -> vector<16xf32>
    %max3A_2319 = arith.maximumf %max3A_2308, %gather3A_2318 : vector<16xf32>
    %lt3A_2320 = arith.constant 0 : i32
    %lt3A_2321 = vector.broadcast %lt3A_2320 : i32 to vector<16xi32>
    %lt3A_2322 = arith.cmpi slt, %xor3A_13, %lt3A_2321 : vector<16xi32>
    %add3A_2323 = arith.constant 16 : i32
    %add3A_2324 = vector.broadcast %add3A_2323 : i32 to vector<16xi32>
    %add3A_2325 = arith.addi %xor3A_13, %add3A_2324 : vector<16xi32>
    %select_n3A_2326 = arith.select %lt3A_2322, %add3A_2325, %xor3A_13 : vector<16xi1>, vector<16xi32>
    %broadcast_in_dim3A_2327 = vector.shape_cast %select_n3A_2326 : vector<16xi32> to vector<16x1xi32>
    %gather3A_2328 = vector.shape_cast %broadcast_in_dim3A_2327 : vector<16x1xi32> to vector<16xi32>
    %gather3A_2329 = tpu.dynamic_gather %max3A_2319[%gather3A_2328] in [0] : vector<16xf32>, vector<16xi32> -> vector<16xf32>
    %max3A_2330 = arith.maximumf %max3A_2319, %gather3A_2329 : vector<16xf32>
    %eq3A_2331 = arith.cmpf oeq, %select_n3A_2285, %max3A_2330 : vector<16xf32>
    %jit3A_2332 = arith.constant 1024 : i32
    %broadcast_in_dim3A_2333 = vector.broadcast %jit3A_2332 : i32 to vector<16xi32>
    %select_n3A_2334 = arith.select %eq3A_2331, %select_n3A_2286, %broadcast_in_dim3A_2333 : vector<16xi1>, vector<16xi32>
    %lt3A_2335 = arith.constant 0 : i32
    %lt3A_2336 = vector.broadcast %lt3A_2335 : i32 to vector<16xi32>
    %lt3A_2337 = arith.cmpi slt, %xor3A_4, %lt3A_2336 : vector<16xi32>
    %add3A_2338 = arith.constant 16 : i32
    %add3A_2339 = vector.broadcast %add3A_2338 : i32 to vector<16xi32>
    %add3A_2340 = arith.addi %xor3A_4, %add3A_2339 : vector<16xi32>
    %select_n3A_2341 = arith.select %lt3A_2337, %add3A_2340, %xor3A_4 : vector<16xi1>, vector<16xi32>
    %broadcast_in_dim3A_2342 = vector.shape_cast %select_n3A_2341 : vector<16xi32> to vector<16x1xi32>
    %gather3A_2343 = vector.shape_cast %broadcast_in_dim3A_2342 : vector<16x1xi32> to vector<16xi32>
    %gather3A_2344 = tpu.dynamic_gather %select_n3A_2334[%gather3A_2343] in [0] : vector<16xi32>, vector<16xi32> -> vector<16xi32>
    %min3A_2345 = arith.minsi %select_n3A_2334, %gather3A_2344 : vector<16xi32>
    %lt3A_2346 = arith.constant 0 : i32
    %lt3A_2347 = vector.broadcast %lt3A_2346 : i32 to vector<16xi32>
    %lt3A_2348 = arith.cmpi slt, %xor3A_7, %lt3A_2347 : vector<16xi32>
    %add3A_2349 = arith.constant 16 : i32
    %add3A_2350 = vector.broadcast %add3A_2349 : i32 to vector<16xi32>
    %add3A_2351 = arith.addi %xor3A_7, %add3A_2350 : vector<16xi32>
    %select_n3A_2352 = arith.select %lt3A_2348, %add3A_2351, %xor3A_7 : vector<16xi1>, vector<16xi32>
    %broadcast_in_dim3A_2353 = vector.shape_cast %select_n3A_2352 : vector<16xi32> to vector<16x1xi32>
    %gather3A_2354 = vector.shape_cast %broadcast_in_dim3A_2353 : vector<16x1xi32> to vector<16xi32>
    %gather3A_2355 = tpu.dynamic_gather %min3A_2345[%gather3A_2354] in [0] : vector<16xi32>, vector<16xi32> -> vector<16xi32>
    %min3A_2356 = arith.minsi %min3A_2345, %gather3A_2355 : vector<16xi32>
    %lt3A_2357 = arith.constant 0 : i32
    %lt3A_2358 = vector.broadcast %lt3A_2357 : i32 to vector<16xi32>
    %lt3A_2359 = arith.cmpi slt, %xor3A_10, %lt3A_2358 : vector<16xi32>
    %add3A_2360 = arith.constant 16 : i32
    %add3A_2361 = vector.broadcast %add3A_2360 : i32 to vector<16xi32>
    %add3A_2362 = arith.addi %xor3A_10, %add3A_2361 : vector<16xi32>
    %select_n3A_2363 = arith.select %lt3A_2359, %add3A_2362, %xor3A_10 : vector<16xi1>, vector<16xi32>
    %broadcast_in_dim3A_2364 = vector.shape_cast %select_n3A_2363 : vector<16xi32> to vector<16x1xi32>
    %gather3A_2365 = vector.shape_cast %broadcast_in_dim3A_2364 : vector<16x1xi32> to vector<16xi32>
    %gather3A_2366 = tpu.dynamic_gather %min3A_2356[%gather3A_2365] in [0] : vector<16xi32>, vector<16xi32> -> vector<16xi32>
    %min3A_2367 = arith.minsi %min3A_2356, %gather3A_2366 : vector<16xi32>
    %lt3A_2368 = arith.constant 0 : i32
    %lt3A_2369 = vector.broadcast %lt3A_2368 : i32 to vector<16xi32>
    %lt3A_2370 = arith.cmpi slt, %xor3A_13, %lt3A_2369 : vector<16xi32>
    %add3A_2371 = arith.constant 16 : i32
    %add3A_2372 = vector.broadcast %add3A_2371 : i32 to vector<16xi32>
    %add3A_2373 = arith.addi %xor3A_13, %add3A_2372 : vector<16xi32>
    %select_n3A_2374 = arith.select %lt3A_2370, %add3A_2373, %xor3A_13 : vector<16xi1>, vector<16xi32>
    %broadcast_in_dim3A_2375 = vector.shape_cast %select_n3A_2374 : vector<16xi32> to vector<16x1xi32>
    %gather3A_2376 = vector.shape_cast %broadcast_in_dim3A_2375 : vector<16x1xi32> to vector<16xi32>
    %gather3A_2377 = tpu.dynamic_gather %min3A_2367[%gather3A_2376] in [0] : vector<16xi32>, vector<16xi32> -> vector<16xi32>
    %min3A_2378 = arith.minsi %min3A_2367, %gather3A_2377 : vector<16xi32>
    %sub3A_2379 = arith.subf %max3A_2330, %max3A_2233 : vector<16xf32>
    %exp3A_2380 = math.exp %sub3A_2379 : vector<16xf32>
    %add3A_2381 = arith.constant 1.000000e+00 : f32
    %add3A_2382 = vector.broadcast %add3A_2381 : f32 to vector<16xf32>
    %add3A_2383 = arith.addf %exp3A_2380, %add3A_2382 : vector<16xf32>
    %div3A_2384 = arith.constant 1.000000e+00 : f32
    %div3A_2385 = vector.broadcast %div3A_2384 : f32 to vector<16xf32>
    %div3A_2386 = arith.divf %div3A_2385, %add3A_2383 : vector<16xf32>
    %div3A_2387 = arith.divf %exp3A_2380, %add3A_2383 : vector<16xf32>
    %eq3A_2388 = arith.constant 0 : i32
    %eq3A_2389 = vector.broadcast %eq3A_2388 : i32 to vector<16xi32>
    %eq3A_2390 = arith.cmpi eq, %iota3A, %eq3A_2389 : vector<16xi32>
    %eq3A_2391 = arith.constant 1 : i32
    %eq3A_2392 = vector.broadcast %eq3A_2391 : i32 to vector<16xi32>
    %eq3A_2393 = arith.cmpi eq, %iota3A, %eq3A_2392 : vector<16xi32>
    %jit3A_2394 = arith.constant 0.000000e+00 : f32
    %broadcast_in_dim3A_2395 = vector.broadcast %jit3A_2394 : f32 to vector<16xf32>
    %select_n3A_2396 = arith.select %eq3A_2393, %div3A_2387, %broadcast_in_dim3A_2395 : vector<16xi1>, vector<16xf32>
    %select_n3A_2397 = arith.select %eq3A_2390, %div3A_2386, %select_n3A_2396 : vector<16xi1>, vector<16xf32>
    %eq3A_2398 = arith.constant 0 : i32
    %eq3A_2399 = vector.broadcast %eq3A_2398 : i32 to vector<16xi32>
    %eq3A_2400 = arith.cmpi eq, %iota3A, %eq3A_2399 : vector<16xi32>
    %eq3A_2401 = arith.constant 1 : i32
    %eq3A_2402 = vector.broadcast %eq3A_2401 : i32 to vector<16xi32>
    %eq3A_2403 = arith.cmpi eq, %iota3A, %eq3A_2402 : vector<16xi32>
    %jit3A_2404 = arith.constant 0 : i32
    %broadcast_in_dim3A_2405 = vector.broadcast %jit3A_2404 : i32 to vector<16xi32>
    %select_n3A_2406 = arith.select %eq3A_2403, %min3A_2378, %broadcast_in_dim3A_2405 : vector<16xi1>, vector<16xi32>
    %select_n3A_2407 = arith.select %eq3A_2400, %min3A_2281, %select_n3A_2406 : vector<16xi1>, vector<16xi32>
    %swap3A_2408 = arith.constant 9 : i32
    %swap3A_2409 = arith.index_cast %swap3A_2408 : i32 to index
    %swap3A_2410 = arith.constant 0 : index
    %swap3A_2411 = tpu.vector_load %arg7[%swap3A_2409, %swap3A_2410] {strides = array<i32>} : memref<12x16xi32, #tpu.memory_space<vmem>>, vector<1x16xi32>,
    %swap3A_2412 = vector.shape_cast %swap3A_2411 : vector<1x16xi32> to vector<16xi32>
    %swap3A_2413 = vector.shape_cast %select_n3A_2407 : vector<16xi32> to vector<1x16xi32>
    tpu.vector_store %arg7[%swap3A_2409, %swap3A_2410], %swap3A_2413 {strides = array<i32>} : memref<12x16xi32, #tpu.memory_space<vmem>>, vector<1x16xi32>,
    %swap3A_2414 = arith.constant 9 : i32
    %swap3A_2415 = arith.index_cast %swap3A_2414 : i32 to index
    %swap3A_2416 = arith.constant 0 : index
    %swap3A_2417 = tpu.vector_load %arg8[%swap3A_2415, %swap3A_2416] {strides = array<i32>} : memref<12x16xf32, #tpu.memory_space<vmem>>, vector<1x16xf32>,
    %swap3A_2418 = vector.shape_cast %swap3A_2417 : vector<1x16xf32> to vector<16xf32>
    %swap3A_2419 = vector.shape_cast %select_n3A_2397 : vector<16xf32> to vector<1x16xf32>
    tpu.vector_store %arg8[%swap3A_2415, %swap3A_2416], %swap3A_2419 {strides = array<i32>} : memref<12x16xf32, #tpu.memory_space<vmem>>, vector<1x16xf32>,
    %broadcast_in_dim3A_2420 = vector.broadcast %squeeze3A : f32 to vector<16xf32>
    %broadcast_in_dim3A_2421 = arith.constant 1024 : i32
    %broadcast_in_dim3A_2422 = vector.broadcast %broadcast_in_dim3A_2421 : i32 to vector<16xi32>
    %broadcast_in_dim3A_2423 = vector.broadcast %squeeze3A : f32 to vector<16xf32>
    %broadcast_in_dim3A_2424 = arith.constant 1024 : i32
    %broadcast_in_dim3A_2425 = vector.broadcast %broadcast_in_dim3A_2424 : i32 to vector<16xi32>
    %scan3A_2426 = arith.constant 0 : i32
    %scan3A_2427 = arith.constant 64 : i32
    %scan3A_2428 = arith.addi %scan3A_2426, %scan3A_2427 : i32
    %scan3A_2429 = arith.constant 1 : i32
    %scan3A_2430:4 = scf.for %scan3A_2904 = %scan3A_2426 to %scan3A_2428 step %scan3A_2429 iter_args(%scan3A_2905 = %broadcast_in_dim3A_2420, %scan3A_2906 = %broadcast_in_dim3A_2422, %scan3A_2907 = %broadcast_in_dim3A_2423, %scan3A_2908 = %broadcast_in_dim3A_2425) -> (vector<16xf32>, vector<16xi32>, vector<16xf32>, vector<16xi32>)  : i32 {
      %mul3A_2909 = arith.constant 16 : i32
      %mul3A_2910 = arith.muli %scan3A_2904, %mul3A_2909 : i32
      %get3A_2911 = arith.constant 10 : i32
      %get3A_2912 = arith.index_cast %get3A_2911 : i32 to index
      %get3A_2913 = arith.index_cast %mul3A_2910 : i32 to index
      %get3A_2914 = tpu.vector_load %arg6[%get3A_2912, %get3A_2913] {strides = array<i32>} : memref<12x1024xf32, #tpu.memory_space<vmem>>, vector<1x16xf32>,
      %get3A_2915 = vector.shape_cast %get3A_2914 : vector<1x16xf32> to vector<16xf32>
      %mul3A_2916 = arith.constant 16 : i32
      %mul3A_2917 = arith.muli %scan3A_2904, %mul3A_2916 : i32
      %add3A_2918 = vector.broadcast %mul3A_2917 : i32 to vector<16xi32>
      %add3A_2919 = arith.addi %iota3A, %add3A_2918 : vector<16xi32>
      %gt3A = arith.cmpf ogt, %get3A_2915, %scan3A_2905 : vector<16xf32>
      %gt3A_2920 = arith.cmpf ogt, %get3A_2915, %scan3A_2907 : vector<16xf32>
      %select_n3A_2921 = arith.select %gt3A_2920, %get3A_2915, %scan3A_2907 : vector<16xi1>, vector<16xf32>
      %select_n3A_2922 = arith.select %gt3A, %scan3A_2905, %select_n3A_2921 : vector<16xi1>, vector<16xf32>
      %select_n3A_2923 = arith.select %gt3A_2920, %add3A_2919, %scan3A_2908 : vector<16xi1>, vector<16xi32>
      %select_n3A_2924 = arith.select %gt3A, %scan3A_2906, %select_n3A_2923 : vector<16xi1>, vector<16xi32>
      %select_n3A_2925 = arith.select %gt3A, %get3A_2915, %scan3A_2905 : vector<16xi1>, vector<16xf32>
      %select_n3A_2926 = arith.select %gt3A, %add3A_2919, %scan3A_2906 : vector<16xi1>, vector<16xi32>
      scf.yield %select_n3A_2925, %select_n3A_2926, %select_n3A_2922, %select_n3A_2924 : vector<16xf32>, vector<16xi32>, vector<16xf32>, vector<16xi32>
    }
    %scan3A_2431 = arith.constant 64 : i32
    %lt3A_2432 = arith.constant 0 : i32
    %lt3A_2433 = vector.broadcast %lt3A_2432 : i32 to vector<16xi32>
    %lt3A_2434 = arith.cmpi slt, %xor3A_4, %lt3A_2433 : vector<16xi32>
    %add3A_2435 = arith.constant 16 : i32
    %add3A_2436 = vector.broadcast %add3A_2435 : i32 to vector<16xi32>
    %add3A_2437 = arith.addi %xor3A_4, %add3A_2436 : vector<16xi32>
    %select_n3A_2438 = arith.select %lt3A_2434, %add3A_2437, %xor3A_4 : vector<16xi1>, vector<16xi32>
    %broadcast_in_dim3A_2439 = vector.shape_cast %select_n3A_2438 : vector<16xi32> to vector<16x1xi32>
    %gather3A_2440 = vector.shape_cast %broadcast_in_dim3A_2439 : vector<16x1xi32> to vector<16xi32>
    %gather3A_2441 = tpu.dynamic_gather %scan3A_2430#0[%gather3A_2440] in [0] : vector<16xf32>, vector<16xi32> -> vector<16xf32>
    %max3A_2442 = arith.maximumf %scan3A_2430#0, %gather3A_2441 : vector<16xf32>
    %lt3A_2443 = arith.constant 0 : i32
    %lt3A_2444 = vector.broadcast %lt3A_2443 : i32 to vector<16xi32>
    %lt3A_2445 = arith.cmpi slt, %xor3A_7, %lt3A_2444 : vector<16xi32>
    %add3A_2446 = arith.constant 16 : i32
    %add3A_2447 = vector.broadcast %add3A_2446 : i32 to vector<16xi32>
    %add3A_2448 = arith.addi %xor3A_7, %add3A_2447 : vector<16xi32>
    %select_n3A_2449 = arith.select %lt3A_2445, %add3A_2448, %xor3A_7 : vector<16xi1>, vector<16xi32>
    %broadcast_in_dim3A_2450 = vector.shape_cast %select_n3A_2449 : vector<16xi32> to vector<16x1xi32>
    %gather3A_2451 = vector.shape_cast %broadcast_in_dim3A_2450 : vector<16x1xi32> to vector<16xi32>
    %gather3A_2452 = tpu.dynamic_gather %max3A_2442[%gather3A_2451] in [0] : vector<16xf32>, vector<16xi32> -> vector<16xf32>
    %max3A_2453 = arith.maximumf %max3A_2442, %gather3A_2452 : vector<16xf32>
    %lt3A_2454 = arith.constant 0 : i32
    %lt3A_2455 = vector.broadcast %lt3A_2454 : i32 to vector<16xi32>
    %lt3A_2456 = arith.cmpi slt, %xor3A_10, %lt3A_2455 : vector<16xi32>
    %add3A_2457 = arith.constant 16 : i32
    %add3A_2458 = vector.broadcast %add3A_2457 : i32 to vector<16xi32>
    %add3A_2459 = arith.addi %xor3A_10, %add3A_2458 : vector<16xi32>
    %select_n3A_2460 = arith.select %lt3A_2456, %add3A_2459, %xor3A_10 : vector<16xi1>, vector<16xi32>
    %broadcast_in_dim3A_2461 = vector.shape_cast %select_n3A_2460 : vector<16xi32> to vector<16x1xi32>
    %gather3A_2462 = vector.shape_cast %broadcast_in_dim3A_2461 : vector<16x1xi32> to vector<16xi32>
    %gather3A_2463 = tpu.dynamic_gather %max3A_2453[%gather3A_2462] in [0] : vector<16xf32>, vector<16xi32> -> vector<16xf32>
    %max3A_2464 = arith.maximumf %max3A_2453, %gather3A_2463 : vector<16xf32>
    %lt3A_2465 = arith.constant 0 : i32
    %lt3A_2466 = vector.broadcast %lt3A_2465 : i32 to vector<16xi32>
    %lt3A_2467 = arith.cmpi slt, %xor3A_13, %lt3A_2466 : vector<16xi32>
    %add3A_2468 = arith.constant 16 : i32
    %add3A_2469 = vector.broadcast %add3A_2468 : i32 to vector<16xi32>
    %add3A_2470 = arith.addi %xor3A_13, %add3A_2469 : vector<16xi32>
    %select_n3A_2471 = arith.select %lt3A_2467, %add3A_2470, %xor3A_13 : vector<16xi1>, vector<16xi32>
    %broadcast_in_dim3A_2472 = vector.shape_cast %select_n3A_2471 : vector<16xi32> to vector<16x1xi32>
    %gather3A_2473 = vector.shape_cast %broadcast_in_dim3A_2472 : vector<16x1xi32> to vector<16xi32>
    %gather3A_2474 = tpu.dynamic_gather %max3A_2464[%gather3A_2473] in [0] : vector<16xf32>, vector<16xi32> -> vector<16xf32>
    %max3A_2475 = arith.maximumf %max3A_2464, %gather3A_2474 : vector<16xf32>
    %eq3A_2476 = arith.cmpf oeq, %scan3A_2430#0, %max3A_2475 : vector<16xf32>
    %jit3A_2477 = arith.constant 1024 : i32
    %broadcast_in_dim3A_2478 = vector.broadcast %jit3A_2477 : i32 to vector<16xi32>
    %select_n3A_2479 = arith.select %eq3A_2476, %scan3A_2430#1, %broadcast_in_dim3A_2478 : vector<16xi1>, vector<16xi32>
    %lt3A_2480 = arith.constant 0 : i32
    %lt3A_2481 = vector.broadcast %lt3A_2480 : i32 to vector<16xi32>
    %lt3A_2482 = arith.cmpi slt, %xor3A_4, %lt3A_2481 : vector<16xi32>
    %add3A_2483 = arith.constant 16 : i32
    %add3A_2484 = vector.broadcast %add3A_2483 : i32 to vector<16xi32>
    %add3A_2485 = arith.addi %xor3A_4, %add3A_2484 : vector<16xi32>
    %select_n3A_2486 = arith.select %lt3A_2482, %add3A_2485, %xor3A_4 : vector<16xi1>, vector<16xi32>
    %broadcast_in_dim3A_2487 = vector.shape_cast %select_n3A_2486 : vector<16xi32> to vector<16x1xi32>
    %gather3A_2488 = vector.shape_cast %broadcast_in_dim3A_2487 : vector<16x1xi32> to vector<16xi32>
    %gather3A_2489 = tpu.dynamic_gather %select_n3A_2479[%gather3A_2488] in [0] : vector<16xi32>, vector<16xi32> -> vector<16xi32>
    %min3A_2490 = arith.minsi %select_n3A_2479, %gather3A_2489 : vector<16xi32>
    %lt3A_2491 = arith.constant 0 : i32
    %lt3A_2492 = vector.broadcast %lt3A_2491 : i32 to vector<16xi32>
    %lt3A_2493 = arith.cmpi slt, %xor3A_7, %lt3A_2492 : vector<16xi32>
    %add3A_2494 = arith.constant 16 : i32
    %add3A_2495 = vector.broadcast %add3A_2494 : i32 to vector<16xi32>
    %add3A_2496 = arith.addi %xor3A_7, %add3A_2495 : vector<16xi32>
    %select_n3A_2497 = arith.select %lt3A_2493, %add3A_2496, %xor3A_7 : vector<16xi1>, vector<16xi32>
    %broadcast_in_dim3A_2498 = vector.shape_cast %select_n3A_2497 : vector<16xi32> to vector<16x1xi32>
    %gather3A_2499 = vector.shape_cast %broadcast_in_dim3A_2498 : vector<16x1xi32> to vector<16xi32>
    %gather3A_2500 = tpu.dynamic_gather %min3A_2490[%gather3A_2499] in [0] : vector<16xi32>, vector<16xi32> -> vector<16xi32>
    %min3A_2501 = arith.minsi %min3A_2490, %gather3A_2500 : vector<16xi32>
    %lt3A_2502 = arith.constant 0 : i32
    %lt3A_2503 = vector.broadcast %lt3A_2502 : i32 to vector<16xi32>
    %lt3A_2504 = arith.cmpi slt, %xor3A_10, %lt3A_2503 : vector<16xi32>
    %add3A_2505 = arith.constant 16 : i32
    %add3A_2506 = vector.broadcast %add3A_2505 : i32 to vector<16xi32>
    %add3A_2507 = arith.addi %xor3A_10, %add3A_2506 : vector<16xi32>
    %select_n3A_2508 = arith.select %lt3A_2504, %add3A_2507, %xor3A_10 : vector<16xi1>, vector<16xi32>
    %broadcast_in_dim3A_2509 = vector.shape_cast %select_n3A_2508 : vector<16xi32> to vector<16x1xi32>
    %gather3A_2510 = vector.shape_cast %broadcast_in_dim3A_2509 : vector<16x1xi32> to vector<16xi32>
    %gather3A_2511 = tpu.dynamic_gather %min3A_2501[%gather3A_2510] in [0] : vector<16xi32>, vector<16xi32> -> vector<16xi32>
    %min3A_2512 = arith.minsi %min3A_2501, %gather3A_2511 : vector<16xi32>
    %lt3A_2513 = arith.constant 0 : i32
    %lt3A_2514 = vector.broadcast %lt3A_2513 : i32 to vector<16xi32>
    %lt3A_2515 = arith.cmpi slt, %xor3A_13, %lt3A_2514 : vector<16xi32>
    %add3A_2516 = arith.constant 16 : i32
    %add3A_2517 = vector.broadcast %add3A_2516 : i32 to vector<16xi32>
    %add3A_2518 = arith.addi %xor3A_13, %add3A_2517 : vector<16xi32>
    %select_n3A_2519 = arith.select %lt3A_2515, %add3A_2518, %xor3A_13 : vector<16xi1>, vector<16xi32>
    %broadcast_in_dim3A_2520 = vector.shape_cast %select_n3A_2519 : vector<16xi32> to vector<16x1xi32>
    %gather3A_2521 = vector.shape_cast %broadcast_in_dim3A_2520 : vector<16x1xi32> to vector<16xi32>
    %gather3A_2522 = tpu.dynamic_gather %min3A_2512[%gather3A_2521] in [0] : vector<16xi32>, vector<16xi32> -> vector<16xi32>
    %min3A_2523 = arith.minsi %min3A_2512, %gather3A_2522 : vector<16xi32>
    %eq3A_2524 = arith.cmpf oeq, %scan3A_2430#0, %max3A_2475 : vector<16xf32>
    %eq3A_2525 = arith.cmpi eq, %scan3A_2430#1, %min3A_2523 : vector<16xi32>
    %and3A_2526 = arith.andi %eq3A_2524, %eq3A_2525 : vector<16xi1>
    %select_n3A_2527 = arith.select %and3A_2526, %scan3A_2430#2, %scan3A_2430#0 : vector<16xi1>, vector<16xf32>
    %select_n3A_2528 = arith.select %and3A_2526, %scan3A_2430#3, %scan3A_2430#1 : vector<16xi1>, vector<16xi32>
    %lt3A_2529 = arith.constant 0 : i32
    %lt3A_2530 = vector.broadcast %lt3A_2529 : i32 to vector<16xi32>
    %lt3A_2531 = arith.cmpi slt, %xor3A_4, %lt3A_2530 : vector<16xi32>
    %add3A_2532 = arith.constant 16 : i32
    %add3A_2533 = vector.broadcast %add3A_2532 : i32 to vector<16xi32>
    %add3A_2534 = arith.addi %xor3A_4, %add3A_2533 : vector<16xi32>
    %select_n3A_2535 = arith.select %lt3A_2531, %add3A_2534, %xor3A_4 : vector<16xi1>, vector<16xi32>
    %broadcast_in_dim3A_2536 = vector.shape_cast %select_n3A_2535 : vector<16xi32> to vector<16x1xi32>
    %gather3A_2537 = vector.shape_cast %broadcast_in_dim3A_2536 : vector<16x1xi32> to vector<16xi32>
    %gather3A_2538 = tpu.dynamic_gather %select_n3A_2527[%gather3A_2537] in [0] : vector<16xf32>, vector<16xi32> -> vector<16xf32>
    %max3A_2539 = arith.maximumf %select_n3A_2527, %gather3A_2538 : vector<16xf32>
    %lt3A_2540 = arith.constant 0 : i32
    %lt3A_2541 = vector.broadcast %lt3A_2540 : i32 to vector<16xi32>
    %lt3A_2542 = arith.cmpi slt, %xor3A_7, %lt3A_2541 : vector<16xi32>
    %add3A_2543 = arith.constant 16 : i32
    %add3A_2544 = vector.broadcast %add3A_2543 : i32 to vector<16xi32>
    %add3A_2545 = arith.addi %xor3A_7, %add3A_2544 : vector<16xi32>
    %select_n3A_2546 = arith.select %lt3A_2542, %add3A_2545, %xor3A_7 : vector<16xi1>, vector<16xi32>
    %broadcast_in_dim3A_2547 = vector.shape_cast %select_n3A_2546 : vector<16xi32> to vector<16x1xi32>
    %gather3A_2548 = vector.shape_cast %broadcast_in_dim3A_2547 : vector<16x1xi32> to vector<16xi32>
    %gather3A_2549 = tpu.dynamic_gather %max3A_2539[%gather3A_2548] in [0] : vector<16xf32>, vector<16xi32> -> vector<16xf32>
    %max3A_2550 = arith.maximumf %max3A_2539, %gather3A_2549 : vector<16xf32>
    %lt3A_2551 = arith.constant 0 : i32
    %lt3A_2552 = vector.broadcast %lt3A_2551 : i32 to vector<16xi32>
    %lt3A_2553 = arith.cmpi slt, %xor3A_10, %lt3A_2552 : vector<16xi32>
    %add3A_2554 = arith.constant 16 : i32
    %add3A_2555 = vector.broadcast %add3A_2554 : i32 to vector<16xi32>
    %add3A_2556 = arith.addi %xor3A_10, %add3A_2555 : vector<16xi32>
    %select_n3A_2557 = arith.select %lt3A_2553, %add3A_2556, %xor3A_10 : vector<16xi1>, vector<16xi32>
    %broadcast_in_dim3A_2558 = vector.shape_cast %select_n3A_2557 : vector<16xi32> to vector<16x1xi32>
    %gather3A_2559 = vector.shape_cast %broadcast_in_dim3A_2558 : vector<16x1xi32> to vector<16xi32>
    %gather3A_2560 = tpu.dynamic_gather %max3A_2550[%gather3A_2559] in [0] : vector<16xf32>, vector<16xi32> -> vector<16xf32>
    %max3A_2561 = arith.maximumf %max3A_2550, %gather3A_2560 : vector<16xf32>
    %lt3A_2562 = arith.constant 0 : i32
    %lt3A_2563 = vector.broadcast %lt3A_2562 : i32 to vector<16xi32>
    %lt3A_2564 = arith.cmpi slt, %xor3A_13, %lt3A_2563 : vector<16xi32>
    %add3A_2565 = arith.constant 16 : i32
    %add3A_2566 = vector.broadcast %add3A_2565 : i32 to vector<16xi32>
    %add3A_2567 = arith.addi %xor3A_13, %add3A_2566 : vector<16xi32>
    %select_n3A_2568 = arith.select %lt3A_2564, %add3A_2567, %xor3A_13 : vector<16xi1>, vector<16xi32>
    %broadcast_in_dim3A_2569 = vector.shape_cast %select_n3A_2568 : vector<16xi32> to vector<16x1xi32>
    %gather3A_2570 = vector.shape_cast %broadcast_in_dim3A_2569 : vector<16x1xi32> to vector<16xi32>
    %gather3A_2571 = tpu.dynamic_gather %max3A_2561[%gather3A_2570] in [0] : vector<16xf32>, vector<16xi32> -> vector<16xf32>
    %max3A_2572 = arith.maximumf %max3A_2561, %gather3A_2571 : vector<16xf32>
    %eq3A_2573 = arith.cmpf oeq, %select_n3A_2527, %max3A_2572 : vector<16xf32>
    %jit3A_2574 = arith.constant 1024 : i32
    %broadcast_in_dim3A_2575 = vector.broadcast %jit3A_2574 : i32 to vector<16xi32>
    %select_n3A_2576 = arith.select %eq3A_2573, %select_n3A_2528, %broadcast_in_dim3A_2575 : vector<16xi1>, vector<16xi32>
    %lt3A_2577 = arith.constant 0 : i32
    %lt3A_2578 = vector.broadcast %lt3A_2577 : i32 to vector<16xi32>
    %lt3A_2579 = arith.cmpi slt, %xor3A_4, %lt3A_2578 : vector<16xi32>
    %add3A_2580 = arith.constant 16 : i32
    %add3A_2581 = vector.broadcast %add3A_2580 : i32 to vector<16xi32>
    %add3A_2582 = arith.addi %xor3A_4, %add3A_2581 : vector<16xi32>
    %select_n3A_2583 = arith.select %lt3A_2579, %add3A_2582, %xor3A_4 : vector<16xi1>, vector<16xi32>
    %broadcast_in_dim3A_2584 = vector.shape_cast %select_n3A_2583 : vector<16xi32> to vector<16x1xi32>
    %gather3A_2585 = vector.shape_cast %broadcast_in_dim3A_2584 : vector<16x1xi32> to vector<16xi32>
    %gather3A_2586 = tpu.dynamic_gather %select_n3A_2576[%gather3A_2585] in [0] : vector<16xi32>, vector<16xi32> -> vector<16xi32>
    %min3A_2587 = arith.minsi %select_n3A_2576, %gather3A_2586 : vector<16xi32>
    %lt3A_2588 = arith.constant 0 : i32
    %lt3A_2589 = vector.broadcast %lt3A_2588 : i32 to vector<16xi32>
    %lt3A_2590 = arith.cmpi slt, %xor3A_7, %lt3A_2589 : vector<16xi32>
    %add3A_2591 = arith.constant 16 : i32
    %add3A_2592 = vector.broadcast %add3A_2591 : i32 to vector<16xi32>
    %add3A_2593 = arith.addi %xor3A_7, %add3A_2592 : vector<16xi32>
    %select_n3A_2594 = arith.select %lt3A_2590, %add3A_2593, %xor3A_7 : vector<16xi1>, vector<16xi32>
    %broadcast_in_dim3A_2595 = vector.shape_cast %select_n3A_2594 : vector<16xi32> to vector<16x1xi32>
    %gather3A_2596 = vector.shape_cast %broadcast_in_dim3A_2595 : vector<16x1xi32> to vector<16xi32>
    %gather3A_2597 = tpu.dynamic_gather %min3A_2587[%gather3A_2596] in [0] : vector<16xi32>, vector<16xi32> -> vector<16xi32>
    %min3A_2598 = arith.minsi %min3A_2587, %gather3A_2597 : vector<16xi32>
    %lt3A_2599 = arith.constant 0 : i32
    %lt3A_2600 = vector.broadcast %lt3A_2599 : i32 to vector<16xi32>
    %lt3A_2601 = arith.cmpi slt, %xor3A_10, %lt3A_2600 : vector<16xi32>
    %add3A_2602 = arith.constant 16 : i32
    %add3A_2603 = vector.broadcast %add3A_2602 : i32 to vector<16xi32>
    %add3A_2604 = arith.addi %xor3A_10, %add3A_2603 : vector<16xi32>
    %select_n3A_2605 = arith.select %lt3A_2601, %add3A_2604, %xor3A_10 : vector<16xi1>, vector<16xi32>
    %broadcast_in_dim3A_2606 = vector.shape_cast %select_n3A_2605 : vector<16xi32> to vector<16x1xi32>
    %gather3A_2607 = vector.shape_cast %broadcast_in_dim3A_2606 : vector<16x1xi32> to vector<16xi32>
    %gather3A_2608 = tpu.dynamic_gather %min3A_2598[%gather3A_2607] in [0] : vector<16xi32>, vector<16xi32> -> vector<16xi32>
    %min3A_2609 = arith.minsi %min3A_2598, %gather3A_2608 : vector<16xi32>
    %lt3A_2610 = arith.constant 0 : i32
    %lt3A_2611 = vector.broadcast %lt3A_2610 : i32 to vector<16xi32>
    %lt3A_2612 = arith.cmpi slt, %xor3A_13, %lt3A_2611 : vector<16xi32>
    %add3A_2613 = arith.constant 16 : i32
    %add3A_2614 = vector.broadcast %add3A_2613 : i32 to vector<16xi32>
    %add3A_2615 = arith.addi %xor3A_13, %add3A_2614 : vector<16xi32>
    %select_n3A_2616 = arith.select %lt3A_2612, %add3A_2615, %xor3A_13 : vector<16xi1>, vector<16xi32>
    %broadcast_in_dim3A_2617 = vector.shape_cast %select_n3A_2616 : vector<16xi32> to vector<16x1xi32>
    %gather3A_2618 = vector.shape_cast %broadcast_in_dim3A_2617 : vector<16x1xi32> to vector<16xi32>
    %gather3A_2619 = tpu.dynamic_gather %min3A_2609[%gather3A_2618] in [0] : vector<16xi32>, vector<16xi32> -> vector<16xi32>
    %min3A_2620 = arith.minsi %min3A_2609, %gather3A_2619 : vector<16xi32>
    %sub3A_2621 = arith.subf %max3A_2572, %max3A_2475 : vector<16xf32>
    %exp3A_2622 = math.exp %sub3A_2621 : vector<16xf32>
    %add3A_2623 = arith.constant 1.000000e+00 : f32
    %add3A_2624 = vector.broadcast %add3A_2623 : f32 to vector<16xf32>
    %add3A_2625 = arith.addf %exp3A_2622, %add3A_2624 : vector<16xf32>
    %div3A_2626 = arith.constant 1.000000e+00 : f32
    %div3A_2627 = vector.broadcast %div3A_2626 : f32 to vector<16xf32>
    %div3A_2628 = arith.divf %div3A_2627, %add3A_2625 : vector<16xf32>
    %div3A_2629 = arith.divf %exp3A_2622, %add3A_2625 : vector<16xf32>
    %eq3A_2630 = arith.constant 0 : i32
    %eq3A_2631 = vector.broadcast %eq3A_2630 : i32 to vector<16xi32>
    %eq3A_2632 = arith.cmpi eq, %iota3A, %eq3A_2631 : vector<16xi32>
    %eq3A_2633 = arith.constant 1 : i32
    %eq3A_2634 = vector.broadcast %eq3A_2633 : i32 to vector<16xi32>
    %eq3A_2635 = arith.cmpi eq, %iota3A, %eq3A_2634 : vector<16xi32>
    %jit3A_2636 = arith.constant 0.000000e+00 : f32
    %broadcast_in_dim3A_2637 = vector.broadcast %jit3A_2636 : f32 to vector<16xf32>
    %select_n3A_2638 = arith.select %eq3A_2635, %div3A_2629, %broadcast_in_dim3A_2637 : vector<16xi1>, vector<16xf32>
    %select_n3A_2639 = arith.select %eq3A_2632, %div3A_2628, %select_n3A_2638 : vector<16xi1>, vector<16xf32>
    %eq3A_2640 = arith.constant 0 : i32
    %eq3A_2641 = vector.broadcast %eq3A_2640 : i32 to vector<16xi32>
    %eq3A_2642 = arith.cmpi eq, %iota3A, %eq3A_2641 : vector<16xi32>
    %eq3A_2643 = arith.constant 1 : i32
    %eq3A_2644 = vector.broadcast %eq3A_2643 : i32 to vector<16xi32>
    %eq3A_2645 = arith.cmpi eq, %iota3A, %eq3A_2644 : vector<16xi32>
    %jit3A_2646 = arith.constant 0 : i32
    %broadcast_in_dim3A_2647 = vector.broadcast %jit3A_2646 : i32 to vector<16xi32>
    %select_n3A_2648 = arith.select %eq3A_2645, %min3A_2620, %broadcast_in_dim3A_2647 : vector<16xi1>, vector<16xi32>
    %select_n3A_2649 = arith.select %eq3A_2642, %min3A_2523, %select_n3A_2648 : vector<16xi1>, vector<16xi32>
    %swap3A_2650 = arith.constant 10 : i32
    %swap3A_2651 = arith.index_cast %swap3A_2650 : i32 to index
    %swap3A_2652 = arith.constant 0 : index
    %swap3A_2653 = tpu.vector_load %arg7[%swap3A_2651, %swap3A_2652] {strides = array<i32>} : memref<12x16xi32, #tpu.memory_space<vmem>>, vector<1x16xi32>,
    %swap3A_2654 = vector.shape_cast %swap3A_2653 : vector<1x16xi32> to vector<16xi32>
    %swap3A_2655 = vector.shape_cast %select_n3A_2649 : vector<16xi32> to vector<1x16xi32>
    tpu.vector_store %arg7[%swap3A_2651, %swap3A_2652], %swap3A_2655 {strides = array<i32>} : memref<12x16xi32, #tpu.memory_space<vmem>>, vector<1x16xi32>,
    %swap3A_2656 = arith.constant 10 : i32
    %swap3A_2657 = arith.index_cast %swap3A_2656 : i32 to index
    %swap3A_2658 = arith.constant 0 : index
    %swap3A_2659 = tpu.vector_load %arg8[%swap3A_2657, %swap3A_2658] {strides = array<i32>} : memref<12x16xf32, #tpu.memory_space<vmem>>, vector<1x16xf32>,
    %swap3A_2660 = vector.shape_cast %swap3A_2659 : vector<1x16xf32> to vector<16xf32>
    %swap3A_2661 = vector.shape_cast %select_n3A_2639 : vector<16xf32> to vector<1x16xf32>
    tpu.vector_store %arg8[%swap3A_2657, %swap3A_2658], %swap3A_2661 {strides = array<i32>} : memref<12x16xf32, #tpu.memory_space<vmem>>, vector<1x16xf32>,
    %broadcast_in_dim3A_2662 = vector.broadcast %squeeze3A : f32 to vector<16xf32>
    %broadcast_in_dim3A_2663 = arith.constant 1024 : i32
    %broadcast_in_dim3A_2664 = vector.broadcast %broadcast_in_dim3A_2663 : i32 to vector<16xi32>
    %broadcast_in_dim3A_2665 = vector.broadcast %squeeze3A : f32 to vector<16xf32>
    %broadcast_in_dim3A_2666 = arith.constant 1024 : i32
    %broadcast_in_dim3A_2667 = vector.broadcast %broadcast_in_dim3A_2666 : i32 to vector<16xi32>
    %scan3A_2668 = arith.constant 0 : i32
    %scan3A_2669 = arith.constant 64 : i32
    %scan3A_2670 = arith.addi %scan3A_2668, %scan3A_2669 : i32
    %scan3A_2671 = arith.constant 1 : i32
    %scan3A_2672:4 = scf.for %scan3A_2904 = %scan3A_2668 to %scan3A_2670 step %scan3A_2671 iter_args(%scan3A_2905 = %broadcast_in_dim3A_2662, %scan3A_2906 = %broadcast_in_dim3A_2664, %scan3A_2907 = %broadcast_in_dim3A_2665, %scan3A_2908 = %broadcast_in_dim3A_2667) -> (vector<16xf32>, vector<16xi32>, vector<16xf32>, vector<16xi32>)  : i32 {
      %mul3A_2909 = arith.constant 16 : i32
      %mul3A_2910 = arith.muli %scan3A_2904, %mul3A_2909 : i32
      %get3A_2911 = arith.constant 11 : i32
      %get3A_2912 = arith.index_cast %get3A_2911 : i32 to index
      %get3A_2913 = arith.index_cast %mul3A_2910 : i32 to index
      %get3A_2914 = tpu.vector_load %arg6[%get3A_2912, %get3A_2913] {strides = array<i32>} : memref<12x1024xf32, #tpu.memory_space<vmem>>, vector<1x16xf32>,
      %get3A_2915 = vector.shape_cast %get3A_2914 : vector<1x16xf32> to vector<16xf32>
      %mul3A_2916 = arith.constant 16 : i32
      %mul3A_2917 = arith.muli %scan3A_2904, %mul3A_2916 : i32
      %add3A_2918 = vector.broadcast %mul3A_2917 : i32 to vector<16xi32>
      %add3A_2919 = arith.addi %iota3A, %add3A_2918 : vector<16xi32>
      %gt3A = arith.cmpf ogt, %get3A_2915, %scan3A_2905 : vector<16xf32>
      %gt3A_2920 = arith.cmpf ogt, %get3A_2915, %scan3A_2907 : vector<16xf32>
      %select_n3A_2921 = arith.select %gt3A_2920, %get3A_2915, %scan3A_2907 : vector<16xi1>, vector<16xf32>
      %select_n3A_2922 = arith.select %gt3A, %scan3A_2905, %select_n3A_2921 : vector<16xi1>, vector<16xf32>
      %select_n3A_2923 = arith.select %gt3A_2920, %add3A_2919, %scan3A_2908 : vector<16xi1>, vector<16xi32>
      %select_n3A_2924 = arith.select %gt3A, %scan3A_2906, %select_n3A_2923 : vector<16xi1>, vector<16xi32>
      %select_n3A_2925 = arith.select %gt3A, %get3A_2915, %scan3A_2905 : vector<16xi1>, vector<16xf32>
      %select_n3A_2926 = arith.select %gt3A, %add3A_2919, %scan3A_2906 : vector<16xi1>, vector<16xi32>
      scf.yield %select_n3A_2925, %select_n3A_2926, %select_n3A_2922, %select_n3A_2924 : vector<16xf32>, vector<16xi32>, vector<16xf32>, vector<16xi32>
    }
    %scan3A_2673 = arith.constant 64 : i32
    %lt3A_2674 = arith.constant 0 : i32
    %lt3A_2675 = vector.broadcast %lt3A_2674 : i32 to vector<16xi32>
    %lt3A_2676 = arith.cmpi slt, %xor3A_4, %lt3A_2675 : vector<16xi32>
    %add3A_2677 = arith.constant 16 : i32
    %add3A_2678 = vector.broadcast %add3A_2677 : i32 to vector<16xi32>
    %add3A_2679 = arith.addi %xor3A_4, %add3A_2678 : vector<16xi32>
    %select_n3A_2680 = arith.select %lt3A_2676, %add3A_2679, %xor3A_4 : vector<16xi1>, vector<16xi32>
    %broadcast_in_dim3A_2681 = vector.shape_cast %select_n3A_2680 : vector<16xi32> to vector<16x1xi32>
    %gather3A_2682 = vector.shape_cast %broadcast_in_dim3A_2681 : vector<16x1xi32> to vector<16xi32>
    %gather3A_2683 = tpu.dynamic_gather %scan3A_2672#0[%gather3A_2682] in [0] : vector<16xf32>, vector<16xi32> -> vector<16xf32>
    %max3A_2684 = arith.maximumf %scan3A_2672#0, %gather3A_2683 : vector<16xf32>
    %lt3A_2685 = arith.constant 0 : i32
    %lt3A_2686 = vector.broadcast %lt3A_2685 : i32 to vector<16xi32>
    %lt3A_2687 = arith.cmpi slt, %xor3A_7, %lt3A_2686 : vector<16xi32>
    %add3A_2688 = arith.constant 16 : i32
    %add3A_2689 = vector.broadcast %add3A_2688 : i32 to vector<16xi32>
    %add3A_2690 = arith.addi %xor3A_7, %add3A_2689 : vector<16xi32>
    %select_n3A_2691 = arith.select %lt3A_2687, %add3A_2690, %xor3A_7 : vector<16xi1>, vector<16xi32>
    %broadcast_in_dim3A_2692 = vector.shape_cast %select_n3A_2691 : vector<16xi32> to vector<16x1xi32>
    %gather3A_2693 = vector.shape_cast %broadcast_in_dim3A_2692 : vector<16x1xi32> to vector<16xi32>
    %gather3A_2694 = tpu.dynamic_gather %max3A_2684[%gather3A_2693] in [0] : vector<16xf32>, vector<16xi32> -> vector<16xf32>
    %max3A_2695 = arith.maximumf %max3A_2684, %gather3A_2694 : vector<16xf32>
    %lt3A_2696 = arith.constant 0 : i32
    %lt3A_2697 = vector.broadcast %lt3A_2696 : i32 to vector<16xi32>
    %lt3A_2698 = arith.cmpi slt, %xor3A_10, %lt3A_2697 : vector<16xi32>
    %add3A_2699 = arith.constant 16 : i32
    %add3A_2700 = vector.broadcast %add3A_2699 : i32 to vector<16xi32>
    %add3A_2701 = arith.addi %xor3A_10, %add3A_2700 : vector<16xi32>
    %select_n3A_2702 = arith.select %lt3A_2698, %add3A_2701, %xor3A_10 : vector<16xi1>, vector<16xi32>
    %broadcast_in_dim3A_2703 = vector.shape_cast %select_n3A_2702 : vector<16xi32> to vector<16x1xi32>
    %gather3A_2704 = vector.shape_cast %broadcast_in_dim3A_2703 : vector<16x1xi32> to vector<16xi32>
    %gather3A_2705 = tpu.dynamic_gather %max3A_2695[%gather3A_2704] in [0] : vector<16xf32>, vector<16xi32> -> vector<16xf32>
    %max3A_2706 = arith.maximumf %max3A_2695, %gather3A_2705 : vector<16xf32>
    %lt3A_2707 = arith.constant 0 : i32
    %lt3A_2708 = vector.broadcast %lt3A_2707 : i32 to vector<16xi32>
    %lt3A_2709 = arith.cmpi slt, %xor3A_13, %lt3A_2708 : vector<16xi32>
    %add3A_2710 = arith.constant 16 : i32
    %add3A_2711 = vector.broadcast %add3A_2710 : i32 to vector<16xi32>
    %add3A_2712 = arith.addi %xor3A_13, %add3A_2711 : vector<16xi32>
    %select_n3A_2713 = arith.select %lt3A_2709, %add3A_2712, %xor3A_13 : vector<16xi1>, vector<16xi32>
    %broadcast_in_dim3A_2714 = vector.shape_cast %select_n3A_2713 : vector<16xi32> to vector<16x1xi32>
    %gather3A_2715 = vector.shape_cast %broadcast_in_dim3A_2714 : vector<16x1xi32> to vector<16xi32>
    %gather3A_2716 = tpu.dynamic_gather %max3A_2706[%gather3A_2715] in [0] : vector<16xf32>, vector<16xi32> -> vector<16xf32>
    %max3A_2717 = arith.maximumf %max3A_2706, %gather3A_2716 : vector<16xf32>
    %eq3A_2718 = arith.cmpf oeq, %scan3A_2672#0, %max3A_2717 : vector<16xf32>
    %jit3A_2719 = arith.constant 1024 : i32
    %broadcast_in_dim3A_2720 = vector.broadcast %jit3A_2719 : i32 to vector<16xi32>
    %select_n3A_2721 = arith.select %eq3A_2718, %scan3A_2672#1, %broadcast_in_dim3A_2720 : vector<16xi1>, vector<16xi32>
    %lt3A_2722 = arith.constant 0 : i32
    %lt3A_2723 = vector.broadcast %lt3A_2722 : i32 to vector<16xi32>
    %lt3A_2724 = arith.cmpi slt, %xor3A_4, %lt3A_2723 : vector<16xi32>
    %add3A_2725 = arith.constant 16 : i32
    %add3A_2726 = vector.broadcast %add3A_2725 : i32 to vector<16xi32>
    %add3A_2727 = arith.addi %xor3A_4, %add3A_2726 : vector<16xi32>
    %select_n3A_2728 = arith.select %lt3A_2724, %add3A_2727, %xor3A_4 : vector<16xi1>, vector<16xi32>
    %broadcast_in_dim3A_2729 = vector.shape_cast %select_n3A_2728 : vector<16xi32> to vector<16x1xi32>
    %gather3A_2730 = vector.shape_cast %broadcast_in_dim3A_2729 : vector<16x1xi32> to vector<16xi32>
    %gather3A_2731 = tpu.dynamic_gather %select_n3A_2721[%gather3A_2730] in [0] : vector<16xi32>, vector<16xi32> -> vector<16xi32>
    %min3A_2732 = arith.minsi %select_n3A_2721, %gather3A_2731 : vector<16xi32>
    %lt3A_2733 = arith.constant 0 : i32
    %lt3A_2734 = vector.broadcast %lt3A_2733 : i32 to vector<16xi32>
    %lt3A_2735 = arith.cmpi slt, %xor3A_7, %lt3A_2734 : vector<16xi32>
    %add3A_2736 = arith.constant 16 : i32
    %add3A_2737 = vector.broadcast %add3A_2736 : i32 to vector<16xi32>
    %add3A_2738 = arith.addi %xor3A_7, %add3A_2737 : vector<16xi32>
    %select_n3A_2739 = arith.select %lt3A_2735, %add3A_2738, %xor3A_7 : vector<16xi1>, vector<16xi32>
    %broadcast_in_dim3A_2740 = vector.shape_cast %select_n3A_2739 : vector<16xi32> to vector<16x1xi32>
    %gather3A_2741 = vector.shape_cast %broadcast_in_dim3A_2740 : vector<16x1xi32> to vector<16xi32>
    %gather3A_2742 = tpu.dynamic_gather %min3A_2732[%gather3A_2741] in [0] : vector<16xi32>, vector<16xi32> -> vector<16xi32>
    %min3A_2743 = arith.minsi %min3A_2732, %gather3A_2742 : vector<16xi32>
    %lt3A_2744 = arith.constant 0 : i32
    %lt3A_2745 = vector.broadcast %lt3A_2744 : i32 to vector<16xi32>
    %lt3A_2746 = arith.cmpi slt, %xor3A_10, %lt3A_2745 : vector<16xi32>
    %add3A_2747 = arith.constant 16 : i32
    %add3A_2748 = vector.broadcast %add3A_2747 : i32 to vector<16xi32>
    %add3A_2749 = arith.addi %xor3A_10, %add3A_2748 : vector<16xi32>
    %select_n3A_2750 = arith.select %lt3A_2746, %add3A_2749, %xor3A_10 : vector<16xi1>, vector<16xi32>
    %broadcast_in_dim3A_2751 = vector.shape_cast %select_n3A_2750 : vector<16xi32> to vector<16x1xi32>
    %gather3A_2752 = vector.shape_cast %broadcast_in_dim3A_2751 : vector<16x1xi32> to vector<16xi32>
    %gather3A_2753 = tpu.dynamic_gather %min3A_2743[%gather3A_2752] in [0] : vector<16xi32>, vector<16xi32> -> vector<16xi32>
    %min3A_2754 = arith.minsi %min3A_2743, %gather3A_2753 : vector<16xi32>
    %lt3A_2755 = arith.constant 0 : i32
    %lt3A_2756 = vector.broadcast %lt3A_2755 : i32 to vector<16xi32>
    %lt3A_2757 = arith.cmpi slt, %xor3A_13, %lt3A_2756 : vector<16xi32>
    %add3A_2758 = arith.constant 16 : i32
    %add3A_2759 = vector.broadcast %add3A_2758 : i32 to vector<16xi32>
    %add3A_2760 = arith.addi %xor3A_13, %add3A_2759 : vector<16xi32>
    %select_n3A_2761 = arith.select %lt3A_2757, %add3A_2760, %xor3A_13 : vector<16xi1>, vector<16xi32>
    %broadcast_in_dim3A_2762 = vector.shape_cast %select_n3A_2761 : vector<16xi32> to vector<16x1xi32>
    %gather3A_2763 = vector.shape_cast %broadcast_in_dim3A_2762 : vector<16x1xi32> to vector<16xi32>
    %gather3A_2764 = tpu.dynamic_gather %min3A_2754[%gather3A_2763] in [0] : vector<16xi32>, vector<16xi32> -> vector<16xi32>
    %min3A_2765 = arith.minsi %min3A_2754, %gather3A_2764 : vector<16xi32>
    %eq3A_2766 = arith.cmpf oeq, %scan3A_2672#0, %max3A_2717 : vector<16xf32>
    %eq3A_2767 = arith.cmpi eq, %scan3A_2672#1, %min3A_2765 : vector<16xi32>
    %and3A_2768 = arith.andi %eq3A_2766, %eq3A_2767 : vector<16xi1>
    %select_n3A_2769 = arith.select %and3A_2768, %scan3A_2672#2, %scan3A_2672#0 : vector<16xi1>, vector<16xf32>
    %select_n3A_2770 = arith.select %and3A_2768, %scan3A_2672#3, %scan3A_2672#1 : vector<16xi1>, vector<16xi32>
    %lt3A_2771 = arith.constant 0 : i32
    %lt3A_2772 = vector.broadcast %lt3A_2771 : i32 to vector<16xi32>
    %lt3A_2773 = arith.cmpi slt, %xor3A_4, %lt3A_2772 : vector<16xi32>
    %add3A_2774 = arith.constant 16 : i32
    %add3A_2775 = vector.broadcast %add3A_2774 : i32 to vector<16xi32>
    %add3A_2776 = arith.addi %xor3A_4, %add3A_2775 : vector<16xi32>
    %select_n3A_2777 = arith.select %lt3A_2773, %add3A_2776, %xor3A_4 : vector<16xi1>, vector<16xi32>
    %broadcast_in_dim3A_2778 = vector.shape_cast %select_n3A_2777 : vector<16xi32> to vector<16x1xi32>
    %gather3A_2779 = vector.shape_cast %broadcast_in_dim3A_2778 : vector<16x1xi32> to vector<16xi32>
    %gather3A_2780 = tpu.dynamic_gather %select_n3A_2769[%gather3A_2779] in [0] : vector<16xf32>, vector<16xi32> -> vector<16xf32>
    %max3A_2781 = arith.maximumf %select_n3A_2769, %gather3A_2780 : vector<16xf32>
    %lt3A_2782 = arith.constant 0 : i32
    %lt3A_2783 = vector.broadcast %lt3A_2782 : i32 to vector<16xi32>
    %lt3A_2784 = arith.cmpi slt, %xor3A_7, %lt3A_2783 : vector<16xi32>
    %add3A_2785 = arith.constant 16 : i32
    %add3A_2786 = vector.broadcast %add3A_2785 : i32 to vector<16xi32>
    %add3A_2787 = arith.addi %xor3A_7, %add3A_2786 : vector<16xi32>
    %select_n3A_2788 = arith.select %lt3A_2784, %add3A_2787, %xor3A_7 : vector<16xi1>, vector<16xi32>
    %broadcast_in_dim3A_2789 = vector.shape_cast %select_n3A_2788 : vector<16xi32> to vector<16x1xi32>
    %gather3A_2790 = vector.shape_cast %broadcast_in_dim3A_2789 : vector<16x1xi32> to vector<16xi32>
    %gather3A_2791 = tpu.dynamic_gather %max3A_2781[%gather3A_2790] in [0] : vector<16xf32>, vector<16xi32> -> vector<16xf32>
    %max3A_2792 = arith.maximumf %max3A_2781, %gather3A_2791 : vector<16xf32>
    %lt3A_2793 = arith.constant 0 : i32
    %lt3A_2794 = vector.broadcast %lt3A_2793 : i32 to vector<16xi32>
    %lt3A_2795 = arith.cmpi slt, %xor3A_10, %lt3A_2794 : vector<16xi32>
    %add3A_2796 = arith.constant 16 : i32
    %add3A_2797 = vector.broadcast %add3A_2796 : i32 to vector<16xi32>
    %add3A_2798 = arith.addi %xor3A_10, %add3A_2797 : vector<16xi32>
    %select_n3A_2799 = arith.select %lt3A_2795, %add3A_2798, %xor3A_10 : vector<16xi1>, vector<16xi32>
    %broadcast_in_dim3A_2800 = vector.shape_cast %select_n3A_2799 : vector<16xi32> to vector<16x1xi32>
    %gather3A_2801 = vector.shape_cast %broadcast_in_dim3A_2800 : vector<16x1xi32> to vector<16xi32>
    %gather3A_2802 = tpu.dynamic_gather %max3A_2792[%gather3A_2801] in [0] : vector<16xf32>, vector<16xi32> -> vector<16xf32>
    %max3A_2803 = arith.maximumf %max3A_2792, %gather3A_2802 : vector<16xf32>
    %lt3A_2804 = arith.constant 0 : i32
    %lt3A_2805 = vector.broadcast %lt3A_2804 : i32 to vector<16xi32>
    %lt3A_2806 = arith.cmpi slt, %xor3A_13, %lt3A_2805 : vector<16xi32>
    %add3A_2807 = arith.constant 16 : i32
    %add3A_2808 = vector.broadcast %add3A_2807 : i32 to vector<16xi32>
    %add3A_2809 = arith.addi %xor3A_13, %add3A_2808 : vector<16xi32>
    %select_n3A_2810 = arith.select %lt3A_2806, %add3A_2809, %xor3A_13 : vector<16xi1>, vector<16xi32>
    %broadcast_in_dim3A_2811 = vector.shape_cast %select_n3A_2810 : vector<16xi32> to vector<16x1xi32>
    %gather3A_2812 = vector.shape_cast %broadcast_in_dim3A_2811 : vector<16x1xi32> to vector<16xi32>
    %gather3A_2813 = tpu.dynamic_gather %max3A_2803[%gather3A_2812] in [0] : vector<16xf32>, vector<16xi32> -> vector<16xf32>
    %max3A_2814 = arith.maximumf %max3A_2803, %gather3A_2813 : vector<16xf32>
    %eq3A_2815 = arith.cmpf oeq, %select_n3A_2769, %max3A_2814 : vector<16xf32>
    %jit3A_2816 = arith.constant 1024 : i32
    %broadcast_in_dim3A_2817 = vector.broadcast %jit3A_2816 : i32 to vector<16xi32>
    %select_n3A_2818 = arith.select %eq3A_2815, %select_n3A_2770, %broadcast_in_dim3A_2817 : vector<16xi1>, vector<16xi32>
    %lt3A_2819 = arith.constant 0 : i32
    %lt3A_2820 = vector.broadcast %lt3A_2819 : i32 to vector<16xi32>
    %lt3A_2821 = arith.cmpi slt, %xor3A_4, %lt3A_2820 : vector<16xi32>
    %add3A_2822 = arith.constant 16 : i32
    %add3A_2823 = vector.broadcast %add3A_2822 : i32 to vector<16xi32>
    %add3A_2824 = arith.addi %xor3A_4, %add3A_2823 : vector<16xi32>
    %select_n3A_2825 = arith.select %lt3A_2821, %add3A_2824, %xor3A_4 : vector<16xi1>, vector<16xi32>
    %broadcast_in_dim3A_2826 = vector.shape_cast %select_n3A_2825 : vector<16xi32> to vector<16x1xi32>
    %gather3A_2827 = vector.shape_cast %broadcast_in_dim3A_2826 : vector<16x1xi32> to vector<16xi32>
    %gather3A_2828 = tpu.dynamic_gather %select_n3A_2818[%gather3A_2827] in [0] : vector<16xi32>, vector<16xi32> -> vector<16xi32>
    %min3A_2829 = arith.minsi %select_n3A_2818, %gather3A_2828 : vector<16xi32>
    %lt3A_2830 = arith.constant 0 : i32
    %lt3A_2831 = vector.broadcast %lt3A_2830 : i32 to vector<16xi32>
    %lt3A_2832 = arith.cmpi slt, %xor3A_7, %lt3A_2831 : vector<16xi32>
    %add3A_2833 = arith.constant 16 : i32
    %add3A_2834 = vector.broadcast %add3A_2833 : i32 to vector<16xi32>
    %add3A_2835 = arith.addi %xor3A_7, %add3A_2834 : vector<16xi32>
    %select_n3A_2836 = arith.select %lt3A_2832, %add3A_2835, %xor3A_7 : vector<16xi1>, vector<16xi32>
    %broadcast_in_dim3A_2837 = vector.shape_cast %select_n3A_2836 : vector<16xi32> to vector<16x1xi32>
    %gather3A_2838 = vector.shape_cast %broadcast_in_dim3A_2837 : vector<16x1xi32> to vector<16xi32>
    %gather3A_2839 = tpu.dynamic_gather %min3A_2829[%gather3A_2838] in [0] : vector<16xi32>, vector<16xi32> -> vector<16xi32>
    %min3A_2840 = arith.minsi %min3A_2829, %gather3A_2839 : vector<16xi32>
    %lt3A_2841 = arith.constant 0 : i32
    %lt3A_2842 = vector.broadcast %lt3A_2841 : i32 to vector<16xi32>
    %lt3A_2843 = arith.cmpi slt, %xor3A_10, %lt3A_2842 : vector<16xi32>
    %add3A_2844 = arith.constant 16 : i32
    %add3A_2845 = vector.broadcast %add3A_2844 : i32 to vector<16xi32>
    %add3A_2846 = arith.addi %xor3A_10, %add3A_2845 : vector<16xi32>
    %select_n3A_2847 = arith.select %lt3A_2843, %add3A_2846, %xor3A_10 : vector<16xi1>, vector<16xi32>
    %broadcast_in_dim3A_2848 = vector.shape_cast %select_n3A_2847 : vector<16xi32> to vector<16x1xi32>
    %gather3A_2849 = vector.shape_cast %broadcast_in_dim3A_2848 : vector<16x1xi32> to vector<16xi32>
    %gather3A_2850 = tpu.dynamic_gather %min3A_2840[%gather3A_2849] in [0] : vector<16xi32>, vector<16xi32> -> vector<16xi32>
    %min3A_2851 = arith.minsi %min3A_2840, %gather3A_2850 : vector<16xi32>
    %lt3A_2852 = arith.constant 0 : i32
    %lt3A_2853 = vector.broadcast %lt3A_2852 : i32 to vector<16xi32>
    %lt3A_2854 = arith.cmpi slt, %xor3A_13, %lt3A_2853 : vector<16xi32>
    %add3A_2855 = arith.constant 16 : i32
    %add3A_2856 = vector.broadcast %add3A_2855 : i32 to vector<16xi32>
    %add3A_2857 = arith.addi %xor3A_13, %add3A_2856 : vector<16xi32>
    %select_n3A_2858 = arith.select %lt3A_2854, %add3A_2857, %xor3A_13 : vector<16xi1>, vector<16xi32>
    %broadcast_in_dim3A_2859 = vector.shape_cast %select_n3A_2858 : vector<16xi32> to vector<16x1xi32>
    %gather3A_2860 = vector.shape_cast %broadcast_in_dim3A_2859 : vector<16x1xi32> to vector<16xi32>
    %gather3A_2861 = tpu.dynamic_gather %min3A_2851[%gather3A_2860] in [0] : vector<16xi32>, vector<16xi32> -> vector<16xi32>
    %min3A_2862 = arith.minsi %min3A_2851, %gather3A_2861 : vector<16xi32>
    %sub3A_2863 = arith.subf %max3A_2814, %max3A_2717 : vector<16xf32>
    %exp3A_2864 = math.exp %sub3A_2863 : vector<16xf32>
    %add3A_2865 = arith.constant 1.000000e+00 : f32
    %add3A_2866 = vector.broadcast %add3A_2865 : f32 to vector<16xf32>
    %add3A_2867 = arith.addf %exp3A_2864, %add3A_2866 : vector<16xf32>
    %div3A_2868 = arith.constant 1.000000e+00 : f32
    %div3A_2869 = vector.broadcast %div3A_2868 : f32 to vector<16xf32>
    %div3A_2870 = arith.divf %div3A_2869, %add3A_2867 : vector<16xf32>
    %div3A_2871 = arith.divf %exp3A_2864, %add3A_2867 : vector<16xf32>
    %eq3A_2872 = arith.constant 0 : i32
    %eq3A_2873 = vector.broadcast %eq3A_2872 : i32 to vector<16xi32>
    %eq3A_2874 = arith.cmpi eq, %iota3A, %eq3A_2873 : vector<16xi32>
    %eq3A_2875 = arith.constant 1 : i32
    %eq3A_2876 = vector.broadcast %eq3A_2875 : i32 to vector<16xi32>
    %eq3A_2877 = arith.cmpi eq, %iota3A, %eq3A_2876 : vector<16xi32>
    %jit3A_2878 = arith.constant 0.000000e+00 : f32
    %broadcast_in_dim3A_2879 = vector.broadcast %jit3A_2878 : f32 to vector<16xf32>
    %select_n3A_2880 = arith.select %eq3A_2877, %div3A_2871, %broadcast_in_dim3A_2879 : vector<16xi1>, vector<16xf32>
    %select_n3A_2881 = arith.select %eq3A_2874, %div3A_2870, %select_n3A_2880 : vector<16xi1>, vector<16xf32>
    %eq3A_2882 = arith.constant 0 : i32
    %eq3A_2883 = vector.broadcast %eq3A_2882 : i32 to vector<16xi32>
    %eq3A_2884 = arith.cmpi eq, %iota3A, %eq3A_2883 : vector<16xi32>
    %eq3A_2885 = arith.constant 1 : i32
    %eq3A_2886 = vector.broadcast %eq3A_2885 : i32 to vector<16xi32>
    %eq3A_2887 = arith.cmpi eq, %iota3A, %eq3A_2886 : vector<16xi32>
    %jit3A_2888 = arith.constant 0 : i32
    %broadcast_in_dim3A_2889 = vector.broadcast %jit3A_2888 : i32 to vector<16xi32>
    %select_n3A_2890 = arith.select %eq3A_2887, %min3A_2862, %broadcast_in_dim3A_2889 : vector<16xi1>, vector<16xi32>
    %select_n3A_2891 = arith.select %eq3A_2884, %min3A_2765, %select_n3A_2890 : vector<16xi1>, vector<16xi32>
    %swap3A_2892 = arith.constant 11 : i32
    %swap3A_2893 = arith.index_cast %swap3A_2892 : i32 to index
    %swap3A_2894 = arith.constant 0 : index
    %swap3A_2895 = tpu.vector_load %arg7[%swap3A_2893, %swap3A_2894] {strides = array<i32>} : memref<12x16xi32, #tpu.memory_space<vmem>>, vector<1x16xi32>,
    %swap3A_2896 = vector.shape_cast %swap3A_2895 : vector<1x16xi32> to vector<16xi32>
    %swap3A_2897 = vector.shape_cast %select_n3A_2891 : vector<16xi32> to vector<1x16xi32>
    tpu.vector_store %arg7[%swap3A_2893, %swap3A_2894], %swap3A_2897 {strides = array<i32>} : memref<12x16xi32, #tpu.memory_space<vmem>>, vector<1x16xi32>,
    %swap3A_2898 = arith.constant 11 : i32
    %swap3A_2899 = arith.index_cast %swap3A_2898 : i32 to index
    %swap3A_2900 = arith.constant 0 : index
    %swap3A_2901 = tpu.vector_load %arg8[%swap3A_2899, %swap3A_2900] {strides = array<i32>} : memref<12x16xf32, #tpu.memory_space<vmem>>, vector<1x16xf32>,
    %swap3A_2902 = vector.shape_cast %swap3A_2901 : vector<1x16xf32> to vector<16xf32>
    %swap3A_2903 = vector.shape_cast %select_n3A_2881 : vector<16xf32> to vector<1x16xf32>
    tpu.vector_store %arg8[%swap3A_2899, %swap3A_2900], %swap3A_2903 {strides = array<i32>} : memref<12x16xf32, #tpu.memory_space<vmem>>, vector<1x16xf32>,
    "tpu.region"() ({
      %run_scoped3A = tpu.sem_alloc : memref<!tpu.dma_semaphore, #tpu.memory_space<semaphore_mem>>
      %dma_start3A = arith.constant 0 : i32
      %dma_start3A_2904 = arith.constant 0 : i32
      %dma_start3A_2905 = tpu.memref_slice %arg4[%add3A, %dma_start3A, %dma_start3A_2904] : memref<32x12x16xi32, #tpu.memory_space<hbm>> -> memref<1x12x16xi32, #tpu.memory_space<hbm>>
      %dma_start3A_2906 = tpu.memref_squeeze %dma_start3A_2905 : memref<1x12x16xi32, #tpu.memory_space<hbm>> -> memref<12x16xi32, #tpu.memory_space<hbm>>
      %dma_start3A_2907 = arith.constant 0 : i32
      %dma_start3A_2908 = arith.constant 0 : i32
      %dma_start3A_2909 = tpu.memref_slice %arg4[%add3A, %dma_start3A_2907, %dma_start3A_2908] : memref<32x12x16xi32, #tpu.memory_space<hbm>> -> memref<1x12x16xi32, #tpu.memory_space<hbm>>
      %dma_start3A_2910 = tpu.memref_squeeze %dma_start3A_2909 : memref<1x12x16xi32, #tpu.memory_space<hbm>> -> memref<12x16xi32, #tpu.memory_space<hbm>>
      tpu.enqueue_dma source(%arg7 : memref<12x16xi32, #tpu.memory_space<vmem>>) target(%dma_start3A_2910 : memref<12x16xi32, #tpu.memory_space<hbm>>) target_semaphore(%run_scoped3A : memref<!tpu.dma_semaphore, #tpu.memory_space<semaphore_mem>>)
      %dma_wait3A = arith.constant 0 : i32
      %dma_wait3A_2911 = arith.constant 0 : i32
      %dma_wait3A_2912 = tpu.memref_slice %arg4[%add3A, %dma_wait3A, %dma_wait3A_2911] : memref<32x12x16xi32, #tpu.memory_space<hbm>> -> memref<1x12x16xi32, #tpu.memory_space<hbm>>
      %dma_wait3A_2913 = tpu.memref_squeeze %dma_wait3A_2912 : memref<1x12x16xi32, #tpu.memory_space<hbm>> -> memref<12x16xi32, #tpu.memory_space<hbm>>
      %dma_wait3A_2914 = arith.constant 0 : i32
      %dma_wait3A_2915 = arith.constant 0 : i32
      %dma_wait3A_2916 = tpu.memref_slice %arg4[%add3A, %dma_wait3A_2914, %dma_wait3A_2915] : memref<32x12x16xi32, #tpu.memory_space<hbm>> -> memref<1x12x16xi32, #tpu.memory_space<hbm>>
      %dma_wait3A_2917 = tpu.memref_squeeze %dma_wait3A_2916 : memref<1x12x16xi32, #tpu.memory_space<hbm>> -> memref<12x16xi32, #tpu.memory_space<hbm>>
      tpu.wait_dma2 semaphore(%run_scoped3A : memref<!tpu.dma_semaphore, #tpu.memory_space<semaphore_mem>>) src(%arg7 : memref<12x16xi32, #tpu.memory_space<vmem>>) dst(%dma_wait3A_2917 : memref<12x16xi32, #tpu.memory_space<hbm>>)
      tpu.yield
    }) : () -> ()
    "tpu.region"() ({
      %run_scoped3A = tpu.sem_alloc : memref<!tpu.dma_semaphore, #tpu.memory_space<semaphore_mem>>
      %dma_start3A = arith.constant 0 : i32
      %dma_start3A_2904 = arith.constant 0 : i32
      %dma_start3A_2905 = tpu.memref_slice %arg5[%add3A, %dma_start3A, %dma_start3A_2904] : memref<32x12x16xf32, #tpu.memory_space<hbm>> -> memref<1x12x16xf32, #tpu.memory_space<hbm>>
      %dma_start3A_2906 = tpu.memref_squeeze %dma_start3A_2905 : memref<1x12x16xf32, #tpu.memory_space<hbm>> -> memref<12x16xf32, #tpu.memory_space<hbm>>
      %dma_start3A_2907 = arith.constant 0 : i32
      %dma_start3A_2908 = arith.constant 0 : i32
      %dma_start3A_2909 = tpu.memref_slice %arg5[%add3A, %dma_start3A_2907, %dma_start3A_2908] : memref<32x12x16xf32, #tpu.memory_space<hbm>> -> memref<1x12x16xf32, #tpu.memory_space<hbm>>
      %dma_start3A_2910 = tpu.memref_squeeze %dma_start3A_2909 : memref<1x12x16xf32, #tpu.memory_space<hbm>> -> memref<12x16xf32, #tpu.memory_space<hbm>>
      tpu.enqueue_dma source(%arg8 : memref<12x16xf32, #tpu.memory_space<vmem>>) target(%dma_start3A_2910 : memref<12x16xf32, #tpu.memory_space<hbm>>) target_semaphore(%run_scoped3A : memref<!tpu.dma_semaphore, #tpu.memory_space<semaphore_mem>>)
      %dma_wait3A = arith.constant 0 : i32
      %dma_wait3A_2911 = arith.constant 0 : i32
      %dma_wait3A_2912 = tpu.memref_slice %arg5[%add3A, %dma_wait3A, %dma_wait3A_2911] : memref<32x12x16xf32, #tpu.memory_space<hbm>> -> memref<1x12x16xf32, #tpu.memory_space<hbm>>
      %dma_wait3A_2913 = tpu.memref_squeeze %dma_wait3A_2912 : memref<1x12x16xf32, #tpu.memory_space<hbm>> -> memref<12x16xf32, #tpu.memory_space<hbm>>
      %dma_wait3A_2914 = arith.constant 0 : i32
      %dma_wait3A_2915 = arith.constant 0 : i32
      %dma_wait3A_2916 = tpu.memref_slice %arg5[%add3A, %dma_wait3A_2914, %dma_wait3A_2915] : memref<32x12x16xf32, #tpu.memory_space<hbm>> -> memref<1x12x16xf32, #tpu.memory_space<hbm>>
      %dma_wait3A_2917 = tpu.memref_squeeze %dma_wait3A_2916 : memref<1x12x16xf32, #tpu.memory_space<hbm>> -> memref<12x16xf32, #tpu.memory_space<hbm>>
      tpu.wait_dma2 semaphore(%run_scoped3A : memref<!tpu.dma_semaphore, #tpu.memory_space<semaphore_mem>>) src(%arg8 : memref<12x16xf32, #tpu.memory_space<vmem>>) dst(%dma_wait3A_2917 : memref<12x16xf32, #tpu.memory_space<hbm>>)
      tpu.yield
    }) : () -> ()
    return
  }
}

module attributes {stable_mosaic.version = 14 : i64} {
  func.func @body(%arg0: i32, %arg1: memref<1x1028x384xf32, #tpu.memory_space<vmem>>, %arg2: memref<4x384x384xf32, #tpu.memory_space<hbm>>, %arg3: memref<768x384xf32, #tpu.memory_space<hbm>>, %arg4: memref<1x48x1024xf32, #tpu.memory_space<vmem>>, %arg5: memref<4x384x384xf32, #tpu.memory_space<vmem>>, %arg6: memref<384x384xf32, #tpu.memory_space<vmem>>, %arg7: memref<!tpu.dma_semaphore, #tpu.memory_space<semaphore_mem>>) attributes {dimension_semantics = [#tpu.dimension_semantics<arbitrary>], iteration_bounds = array<i64: 8>, scalar_prefetch = 0 : i64, scratch_operands = 3 : i64, tpu.core_type = #tpu.core_type<tc>, window_params = [{transform_indices = @transform_0, window_bounds = array<i64: 1, 1028, 384>}, {}, {}, {transform_indices = @transform_3, window_bounds = array<i64: 1, 48, 1024>}]} {
    %eq3A = arith.constant 0 : i32
    %eq3A_0 = arith.cmpi eq, %arg0, %eq3A : i32
    %convert_element_type3A = arith.extui %eq3A_0 : i1 to i32
    %cond3A = arith.constant 0 : i32
    %cond3A_1 = arith.cmpi ne, %convert_element_type3A, %cond3A : i32
    scf.if %cond3A_1 {
      tpu.enqueue_dma source(%arg2 : memref<4x384x384xf32, #tpu.memory_space<hbm>>) target(%arg5 : memref<4x384x384xf32, #tpu.memory_space<vmem>>) target_semaphore(%arg7 : memref<!tpu.dma_semaphore, #tpu.memory_space<semaphore_mem>>)
      %dma_start3A = arith.constant 0 : i32
      %dma_start3A_102 = arith.constant 0 : i32
      %dma_start3A_103 = tpu.memref_slice %arg3[%dma_start3A, %dma_start3A_102] : memref<768x384xf32, #tpu.memory_space<hbm>> -> memref<384x384xf32, #tpu.memory_space<hbm>>
      tpu.enqueue_dma source(%dma_start3A_103 : memref<384x384xf32, #tpu.memory_space<hbm>>) target(%arg6 : memref<384x384xf32, #tpu.memory_space<vmem>>) target_semaphore(%arg7 : memref<!tpu.dma_semaphore, #tpu.memory_space<semaphore_mem>>)
      tpu.wait_dma2 semaphore(%arg7 : memref<!tpu.dma_semaphore, #tpu.memory_space<semaphore_mem>>) src(%arg2 : memref<4x384x384xf32, #tpu.memory_space<hbm>>) dst(%arg5 : memref<4x384x384xf32, #tpu.memory_space<vmem>>)
      %dma_wait3A = arith.constant 0 : i32
      %dma_wait3A_104 = arith.constant 0 : i32
      %dma_wait3A_105 = tpu.memref_slice %arg3[%dma_wait3A, %dma_wait3A_104] : memref<768x384xf32, #tpu.memory_space<hbm>> -> memref<384x384xf32, #tpu.memory_space<hbm>>
      tpu.wait_dma2 semaphore(%arg7 : memref<!tpu.dma_semaphore, #tpu.memory_space<semaphore_mem>>) src(%dma_wait3A_105 : memref<384x384xf32, #tpu.memory_space<hbm>>) dst(%arg6 : memref<384x384xf32, #tpu.memory_space<vmem>>)
    } else {
    }
    %get3A = arith.constant 0 : index
    %get3A_2 = arith.constant 0 : index
    %get3A_3 = arith.constant 0 : index
    %get3A_4 = vector.load %arg1[%get3A, %get3A_2, %get3A_3] : memref<1x1028x384xf32, #tpu.memory_space<vmem>>, vector<1x1028x384xf32>
    %get3A_5 = vector.shape_cast %get3A_4 : vector<1x1028x384xf32> to vector<1028x384xf32>
    %get3A_6 = arith.constant 0 : index
    %get3A_7 = arith.constant 0 : index
    %get3A_8 = vector.load %arg6[%get3A_6, %get3A_7] : memref<384x384xf32, #tpu.memory_space<vmem>>, vector<384x384xf32>
    %slice3A = vector.extract_strided_slice %get3A_5 {offsets = [0, 0], sizes = [4, 384], strides = [1, 1]} : vector<1028x384xf32> to vector<4x384xf32>
    %slice3A_9 = vector.extract_strided_slice %get3A_5 {offsets = [4, 0], sizes = [1024, 384], strides = [1, 1]} : vector<1028x384xf32> to vector<1024x384xf32>
    %slice3A_10 = vector.extract_strided_slice %slice3A {offsets = [0, 0], sizes = [1, 384], strides = [1, 1]} : vector<4x384xf32> to vector<1x384xf32>
    %get3A_11 = arith.constant 0 : index
    %get3A_12 = arith.constant 0 : index
    %get3A_13 = arith.constant 0 : index
    %get3A_14 = vector.load %arg5[%get3A_11, %get3A_12, %get3A_13] : memref<4x384x384xf32, #tpu.memory_space<vmem>>, vector<1x384x384xf32>
    %get3A_15 = vector.shape_cast %get3A_14 : vector<1x384x384xf32> to vector<384x384xf32>
    %dot_general3A = arith.constant dense<0.000000e+00> : vector<1x384xf32>
    %dot_general3A_16 = tpu.matmul %slice3A_10, %get3A_15, %dot_general3A {dimension_numbers = #tpu.dot_dimension_numbers<[1], [1], [0], [0], [0, 0, 1, 0], [], []>, transpose_lhs_hint = false} : vector<1x384xf32>, vector<384x384xf32>, vector<1x384xf32> -> vector<1x384xf32>
    %slice3A_17 = vector.extract_strided_slice %slice3A {offsets = [1, 0], sizes = [1, 384], strides = [1, 1]} : vector<4x384xf32> to vector<1x384xf32>
    %get3A_18 = arith.constant 1 : index
    %get3A_19 = arith.constant 0 : index
    %get3A_20 = arith.constant 0 : index
    %get3A_21 = vector.load %arg5[%get3A_18, %get3A_19, %get3A_20] : memref<4x384x384xf32, #tpu.memory_space<vmem>>, vector<1x384x384xf32>
    %get3A_22 = vector.shape_cast %get3A_21 : vector<1x384x384xf32> to vector<384x384xf32>
    %dot_general3A_23 = arith.constant dense<0.000000e+00> : vector<1x384xf32>
    %dot_general3A_24 = tpu.matmul %slice3A_17, %get3A_22, %dot_general3A_23 {dimension_numbers = #tpu.dot_dimension_numbers<[1], [1], [0], [0], [0, 0, 1, 0], [], []>, transpose_lhs_hint = false} : vector<1x384xf32>, vector<384x384xf32>, vector<1x384xf32> -> vector<1x384xf32>
    %slice3A_25 = vector.extract_strided_slice %slice3A {offsets = [2, 0], sizes = [1, 384], strides = [1, 1]} : vector<4x384xf32> to vector<1x384xf32>
    %get3A_26 = arith.constant 2 : index
    %get3A_27 = arith.constant 0 : index
    %get3A_28 = arith.constant 0 : index
    %get3A_29 = vector.load %arg5[%get3A_26, %get3A_27, %get3A_28] : memref<4x384x384xf32, #tpu.memory_space<vmem>>, vector<1x384x384xf32>
    %get3A_30 = vector.shape_cast %get3A_29 : vector<1x384x384xf32> to vector<384x384xf32>
    %dot_general3A_31 = arith.constant dense<0.000000e+00> : vector<1x384xf32>
    %dot_general3A_32 = tpu.matmul %slice3A_25, %get3A_30, %dot_general3A_31 {dimension_numbers = #tpu.dot_dimension_numbers<[1], [1], [0], [0], [0, 0, 1, 0], [], []>, transpose_lhs_hint = false} : vector<1x384xf32>, vector<384x384xf32>, vector<1x384xf32> -> vector<1x384xf32>
    %slice3A_33 = vector.extract_strided_slice %slice3A {offsets = [3, 0], sizes = [1, 384], strides = [1, 1]} : vector<4x384xf32> to vector<1x384xf32>
    %get3A_34 = arith.constant 3 : index
    %get3A_35 = arith.constant 0 : index
    %get3A_36 = arith.constant 0 : index
    %get3A_37 = vector.load %arg5[%get3A_34, %get3A_35, %get3A_36] : memref<4x384x384xf32, #tpu.memory_space<vmem>>, vector<1x384x384xf32>
    %get3A_38 = vector.shape_cast %get3A_37 : vector<1x384x384xf32> to vector<384x384xf32>
    %dot_general3A_39 = arith.constant dense<0.000000e+00> : vector<1x384xf32>
    %dot_general3A_40 = tpu.matmul %slice3A_33, %get3A_38, %dot_general3A_39 {dimension_numbers = #tpu.dot_dimension_numbers<[1], [1], [0], [0], [0, 0, 1, 0], [], []>, transpose_lhs_hint = false} : vector<1x384xf32>, vector<384x384xf32>, vector<1x384xf32> -> vector<1x384xf32>
    %concatenate3A = tpu.concatenate %dot_general3A_16, %dot_general3A_24, %dot_general3A_32, %dot_general3A_40 in 0 : vector<1x384xf32>, vector<1x384xf32>, vector<1x384xf32>, vector<1x384xf32> -> vector<4x384xf32>
    %dot_general3A_41 = arith.constant dense<0.000000e+00> : vector<1024x384xf32>
    %dot_general3A_42 = tpu.matmul %slice3A_9, %get3A_8, %dot_general3A_41 {dimension_numbers = #tpu.dot_dimension_numbers<[1], [1], [0], [0], [0, 0, 1, 0], [], []>, transpose_lhs_hint = false} : vector<1024x384xf32>, vector<384x384xf32>, vector<1024x384xf32> -> vector<1024x384xf32>
    %iota3A = tpu.iota {dimensions = array<i32: 0>} : vector<48x384xi32>
    %iota3A_43 = tpu.iota {dimensions = array<i32: 1>} : vector<48x384xi32>
    %jit3A = arith.constant 12 : i32
    %eq3A_44 = arith.constant 0 : i32
    %eq3A_45 = arith.cmpi eq, %jit3A, %eq3A_44 : i32
    %jit3A_46 = arith.constant 1 : i32
    %select_n3A = arith.select %eq3A_45, %jit3A_46, %jit3A : i32
    %rem3A = vector.broadcast %select_n3A : i32 to vector<48x384xi32>
    %rem3A_47 = arith.remsi %iota3A, %rem3A : vector<48x384xi32>
    %ne3A = arith.constant 0 : i32
    %ne3A_48 = vector.broadcast %ne3A : i32 to vector<48x384xi32>
    %ne3A_49 = arith.cmpi ne, %rem3A_47, %ne3A_48 : vector<48x384xi32>
    %lt3A = arith.constant 0 : i32
    %lt3A_50 = vector.broadcast %lt3A : i32 to vector<48x384xi32>
    %lt3A_51 = arith.cmpi slt, %rem3A_47, %lt3A_50 : vector<48x384xi32>
    %lt3A_52 = arith.constant 0 : i32
    %lt3A_53 = arith.cmpi slt, %select_n3A, %lt3A_52 : i32
    %ne3A_54 = vector.broadcast %lt3A_53 : i1 to vector<48x384xi1>
    %ne3A_55 = vector.broadcast %ne3A_54 : vector<48x384xi1> to vector<48x384xi1>
    %ne3A_56 = arith.xori %lt3A_51, %ne3A_55 : vector<48x384xi1>
    %and3A = arith.andi %ne3A_56, %ne3A_49 : vector<48x384xi1>
    %add3A = vector.broadcast %select_n3A : i32 to vector<48x384xi32>
    %add3A_57 = arith.addi %rem3A_47, %add3A : vector<48x384xi32>
    %select_n3A_58 = arith.select %and3A, %add3A_57, %rem3A_47 : vector<48x384xi1>, vector<48x384xi32>
    %jit3A_59 = arith.constant 32 : i32
    %div3A = vector.broadcast %jit3A_59 : i32 to vector<48x384xi32>
    %div3A_60 = arith.divsi %iota3A_43, %div3A : vector<48x384xi32>
    %sign3A = arith.constant 0 : i32
    %sign3A_61 = vector.broadcast %sign3A : i32 to vector<48x384xi32>
    %sign3A_62 = arith.cmpi sgt, %iota3A_43, %sign3A_61 : vector<48x384xi32>
    %sign3A_63 = arith.extui %sign3A_62 : vector<48x384xi1> to vector<48x384xi32>
    %sign3A_64 = arith.constant 0 : i32
    %sign3A_65 = vector.broadcast %sign3A_64 : i32 to vector<48x384xi32>
    %sign3A_66 = arith.cmpi slt, %iota3A_43, %sign3A_65 : vector<48x384xi32>
    %sign3A_67 = arith.extui %sign3A_66 : vector<48x384xi1> to vector<48x384xi32>
    %sign3A_68 = arith.subi %sign3A_63, %sign3A_67 : vector<48x384xi32>
    %sign3A_69 = arith.constant 0 : i32
    %sign3A_70 = arith.cmpi sgt, %jit3A_59, %sign3A_69 : i32
    %sign3A_71 = arith.extui %sign3A_70 : i1 to i32
    %sign3A_72 = arith.constant 0 : i32
    %sign3A_73 = arith.cmpi slt, %jit3A_59, %sign3A_72 : i32
    %sign3A_74 = arith.extui %sign3A_73 : i1 to i32
    %sign3A_75 = arith.subi %sign3A_71, %sign3A_74 : i32
    %ne3A_76 = vector.broadcast %sign3A_75 : i32 to vector<48x384xi32>
    %ne3A_77 = arith.cmpi ne, %sign3A_68, %ne3A_76 : vector<48x384xi32>
    %rem3A_78 = vector.broadcast %jit3A_59 : i32 to vector<48x384xi32>
    %rem3A_79 = arith.remsi %iota3A_43, %rem3A_78 : vector<48x384xi32>
    %ne3A_80 = arith.constant 0 : i32
    %ne3A_81 = vector.broadcast %ne3A_80 : i32 to vector<48x384xi32>
    %ne3A_82 = arith.cmpi ne, %rem3A_79, %ne3A_81 : vector<48x384xi32>
    %and3A_83 = arith.andi %ne3A_77, %ne3A_82 : vector<48x384xi1>
    %sub3A = arith.constant 1 : i32
    %sub3A_84 = vector.broadcast %sub3A : i32 to vector<48x384xi32>
    %sub3A_85 = arith.subi %div3A_60, %sub3A_84 : vector<48x384xi32>
    %select_n3A_86 = arith.select %and3A_83, %sub3A_85, %div3A_60 : vector<48x384xi1>, vector<48x384xi32>
    %eq3A_87 = arith.cmpi eq, %select_n3A_58, %select_n3A_86 : vector<48x384xi32>
    %broadcast_in_dim3A = vector.shape_cast %concatenate3A : vector<4x384xf32> to vector<4x1x384xf32>
    %broadcast_in_dim3A_88 = vector.shape_cast %broadcast_in_dim3A : vector<4x1x384xf32> to vector<4x1x384xf32>
    %broadcast_in_dim3A_89 = vector.broadcast %broadcast_in_dim3A_88 : vector<4x1x384xf32> to vector<4x12x384xf32>
    %reshape3A = vector.shape_cast %broadcast_in_dim3A_89 : vector<4x12x384xf32> to vector<48x384xf32>
    %jit3A_90 = arith.constant 0.000000e+00 : f32
    %broadcast_in_dim3A_91 = vector.broadcast %jit3A_90 : f32 to vector<48x384xf32>
    %select_n3A_92 = arith.select %eq3A_87, %reshape3A, %broadcast_in_dim3A_91 : vector<48x384xi1>, vector<48x384xf32>
    %dot_general3A_93 = arith.constant dense<0.000000e+00> : vector<48x1024xf32>
    %dot_general3A_94 = tpu.matmul %select_n3A_92, %dot_general3A_42, %dot_general3A_93 {dimension_numbers = #tpu.dot_dimension_numbers<[1], [1], [0], [0], [0, 0, 1, 0], [], []>, transpose_lhs_hint = false} : vector<48x384xf32>, vector<1024x384xf32>, vector<48x1024xf32> -> vector<48x1024xf32>
    %mul3A = arith.constant 0.176776692 : f32
    %mul3A_95 = vector.broadcast %mul3A : f32 to vector<48x1024xf32>
    %mul3A_96 = arith.mulf %dot_general3A_94, %mul3A_95 : vector<48x1024xf32>
    %swap3A = arith.constant 0 : index
    %swap3A_97 = arith.constant 0 : index
    %swap3A_98 = arith.constant 0 : index
    %swap3A_99 = vector.load %arg4[%swap3A, %swap3A_97, %swap3A_98] : memref<1x48x1024xf32, #tpu.memory_space<vmem>>, vector<1x48x1024xf32>
    %swap3A_100 = vector.shape_cast %swap3A_99 : vector<1x48x1024xf32> to vector<48x1024xf32>
    %swap3A_101 = vector.shape_cast %mul3A_96 : vector<48x1024xf32> to vector<1x48x1024xf32>
    tpu.vector_store %arg4[%swap3A, %swap3A_97, %swap3A_98], %swap3A_101 {strides = array<i32>} : memref<1x48x1024xf32, #tpu.memory_space<vmem>>, vector<1x48x1024xf32>,
    return
  }
  func.func @transform_0(%arg0: i32) -> (i32, i32, i32) {
    %c0_i32 = arith.constant 0 : i32
    %c0_i32_0 = arith.constant 0 : i32
    %c0_i32_1 = arith.constant 0 : i32
    return %arg0, %c0_i32, %c0_i32_0 : i32, i32, i32
  }
  func.func @transform_3(%arg0: i32) -> (i32, i32, i32) {
    %c0_i32 = arith.constant 0 : i32
    %c0_i32_0 = arith.constant 0 : i32
    %c0_i32_1 = arith.constant 0 : i32
    return %arg0, %c0_i32, %c0_i32_0 : i32, i32, i32
  }
}

module attributes {stable_mosaic.version = 14 : i64} {
  func.func @body(%arg0: i32, %arg1: memref<1x1028x384xf32, #tpu.memory_space<vmem>>, %arg2: memref<1x48x16xi32, #tpu.memory_space<vmem>>, %arg3: memref<1x48x16xf32, #tpu.memory_space<vmem>>, %arg4: memref<768x384xf32, #tpu.memory_space<hbm>>, %arg5: memref<4x384x384xf32, #tpu.memory_space<hbm>>, %arg6: memref<1x1028x384xf32, #tpu.memory_space<vmem>>, %arg7: memref<384x384xf32, #tpu.memory_space<vmem>>, %arg8: memref<4x384x384xf32, #tpu.memory_space<vmem>>, %arg9: memref<!tpu.dma_semaphore, #tpu.memory_space<semaphore_mem>>) attributes {dimension_semantics = [#tpu.dimension_semantics<arbitrary>], iteration_bounds = array<i64: 8>, scalar_prefetch = 0 : i64, scratch_operands = 3 : i64, tpu.core_type = #tpu.core_type<tc>, window_params = [{transform_indices = @transform_0, window_bounds = array<i64: 1, 1028, 384>}, {transform_indices = @transform_1, window_bounds = array<i64: 1, 48, 16>}, {transform_indices = @transform_2, window_bounds = array<i64: 1, 48, 16>}, {}, {}, {transform_indices = @transform_5, window_bounds = array<i64: 1, 1028, 384>}]} {
    %eq3A = arith.constant 0 : i32
    %eq3A_0 = arith.cmpi eq, %arg0, %eq3A : i32
    %convert_element_type3A = arith.extui %eq3A_0 : i1 to i32
    %cond3A = arith.constant 0 : i32
    %cond3A_1 = arith.cmpi ne, %convert_element_type3A, %cond3A : i32
    scf.if %cond3A_1 {
      %dma_start3A = arith.constant 384 : i32
      %dma_start3A_174 = arith.constant 0 : i32
      %dma_start3A_175 = tpu.memref_slice %arg4[%dma_start3A, %dma_start3A_174] : memref<768x384xf32, #tpu.memory_space<hbm>> -> memref<384x384xf32, #tpu.memory_space<hbm>>
      tpu.enqueue_dma source(%dma_start3A_175 : memref<384x384xf32, #tpu.memory_space<hbm>>) target(%arg7 : memref<384x384xf32, #tpu.memory_space<vmem>>) target_semaphore(%arg9 : memref<!tpu.dma_semaphore, #tpu.memory_space<semaphore_mem>>)
      tpu.enqueue_dma source(%arg5 : memref<4x384x384xf32, #tpu.memory_space<hbm>>) target(%arg8 : memref<4x384x384xf32, #tpu.memory_space<vmem>>) target_semaphore(%arg9 : memref<!tpu.dma_semaphore, #tpu.memory_space<semaphore_mem>>)
      %dma_wait3A = arith.constant 384 : i32
      %dma_wait3A_176 = arith.constant 0 : i32
      %dma_wait3A_177 = tpu.memref_slice %arg4[%dma_wait3A, %dma_wait3A_176] : memref<768x384xf32, #tpu.memory_space<hbm>> -> memref<384x384xf32, #tpu.memory_space<hbm>>
      tpu.wait_dma2 semaphore(%arg9 : memref<!tpu.dma_semaphore, #tpu.memory_space<semaphore_mem>>) src(%dma_wait3A_177 : memref<384x384xf32, #tpu.memory_space<hbm>>) dst(%arg7 : memref<384x384xf32, #tpu.memory_space<vmem>>)
      tpu.wait_dma2 semaphore(%arg9 : memref<!tpu.dma_semaphore, #tpu.memory_space<semaphore_mem>>) src(%arg5 : memref<4x384x384xf32, #tpu.memory_space<hbm>>) dst(%arg8 : memref<4x384x384xf32, #tpu.memory_space<vmem>>)
    } else {
    }
    %get3A = arith.constant 0 : index
    %get3A_2 = arith.constant 0 : index
    %get3A_3 = arith.constant 0 : index
    %get3A_4 = vector.load %arg1[%get3A, %get3A_2, %get3A_3] : memref<1x1028x384xf32, #tpu.memory_space<vmem>>, vector<1x1028x384xf32>
    %get3A_5 = vector.shape_cast %get3A_4 : vector<1x1028x384xf32> to vector<1028x384xf32>
    %get3A_6 = arith.constant 0 : index
    %get3A_7 = arith.constant 0 : index
    %get3A_8 = arith.constant 0 : index
    %get3A_9 = vector.load %arg2[%get3A_6, %get3A_7, %get3A_8] : memref<1x48x16xi32, #tpu.memory_space<vmem>>, vector<1x48x16xi32>
    %get3A_10 = vector.shape_cast %get3A_9 : vector<1x48x16xi32> to vector<48x16xi32>
    %get3A_11 = arith.constant 0 : index
    %get3A_12 = arith.constant 0 : index
    %get3A_13 = arith.constant 0 : index
    %get3A_14 = vector.load %arg3[%get3A_11, %get3A_12, %get3A_13] : memref<1x48x16xf32, #tpu.memory_space<vmem>>, vector<1x48x16xf32>
    %get3A_15 = vector.shape_cast %get3A_14 : vector<1x48x16xf32> to vector<48x16xf32>
    %get3A_16 = arith.constant 0 : index
    %get3A_17 = arith.constant 0 : index
    %get3A_18 = vector.load %arg7[%get3A_16, %get3A_17] : memref<384x384xf32, #tpu.memory_space<vmem>>, vector<384x384xf32>
    %slice3A = vector.extract_strided_slice %get3A_5 {offsets = [4, 0], sizes = [1024, 384], strides = [1, 1]} : vector<1028x384xf32> to vector<1024x384xf32>
    %iota3A = tpu.iota {dimensions = array<i32: 1>} : vector<48x1024xi32>
    %slice3A_19 = vector.extract_strided_slice %get3A_10 {offsets = [0, 0], sizes = [48, 1], strides = [1, 1]} : vector<48x16xi32> to vector<48x1xi32>
    %slice3A_20 = vector.extract_strided_slice %get3A_10 {offsets = [0, 1], sizes = [48, 1], strides = [1, 1]} : vector<48x16xi32> to vector<48x1xi32>
    %slice3A_21 = vector.extract_strided_slice %get3A_15 {offsets = [0, 0], sizes = [48, 1], strides = [1, 1]} : vector<48x16xf32> to vector<48x1xf32>
    %slice3A_22 = vector.extract_strided_slice %get3A_15 {offsets = [0, 1], sizes = [48, 1], strides = [1, 1]} : vector<48x16xf32> to vector<48x1xf32>
    %eq3A_23 = vector.broadcast %slice3A_19 : vector<48x1xi32> to vector<48x1024xi32>
    %eq3A_24 = arith.cmpi eq, %iota3A, %eq3A_23 : vector<48x1024xi32>
    %jit3A = arith.constant 1.000000e+00 : f32
    %jit3A_25 = arith.constant 0.000000e+00 : f32
    %broadcast_in_dim3A = vector.broadcast %jit3A : f32 to vector<48x1024xf32>
    %broadcast_in_dim3A_26 = vector.broadcast %jit3A_25 : f32 to vector<48x1024xf32>
    %select_n3A = arith.select %eq3A_24, %broadcast_in_dim3A, %broadcast_in_dim3A_26 : vector<48x1024xi1>, vector<48x1024xf32>
    %eq3A_27 = vector.broadcast %slice3A_20 : vector<48x1xi32> to vector<48x1024xi32>
    %eq3A_28 = arith.cmpi eq, %iota3A, %eq3A_27 : vector<48x1024xi32>
    %jit3A_29 = arith.constant 1.000000e+00 : f32
    %jit3A_30 = arith.constant 0.000000e+00 : f32
    %broadcast_in_dim3A_31 = vector.broadcast %jit3A_29 : f32 to vector<48x1024xf32>
    %broadcast_in_dim3A_32 = vector.broadcast %jit3A_30 : f32 to vector<48x1024xf32>
    %select_n3A_33 = arith.select %eq3A_28, %broadcast_in_dim3A_31, %broadcast_in_dim3A_32 : vector<48x1024xi1>, vector<48x1024xf32>
    %mul3A = vector.broadcast %slice3A_21 : vector<48x1xf32> to vector<48x1024xf32>
    %mul3A_34 = arith.mulf %select_n3A, %mul3A : vector<48x1024xf32>
    %mul3A_35 = vector.broadcast %slice3A_22 : vector<48x1xf32> to vector<48x1024xf32>
    %mul3A_36 = arith.mulf %select_n3A_33, %mul3A_35 : vector<48x1024xf32>
    %iota3A_37 = tpu.iota {dimensions = array<i32: 0>} : vector<48x384xi32>
    %iota3A_38 = tpu.iota {dimensions = array<i32: 1>} : vector<48x384xi32>
    %jit3A_39 = arith.constant 12 : i32
    %eq3A_40 = arith.constant 0 : i32
    %eq3A_41 = arith.cmpi eq, %jit3A_39, %eq3A_40 : i32
    %jit3A_42 = arith.constant 1 : i32
    %select_n3A_43 = arith.select %eq3A_41, %jit3A_42, %jit3A_39 : i32
    %rem3A = vector.broadcast %select_n3A_43 : i32 to vector<48x384xi32>
    %rem3A_44 = arith.remsi %iota3A_37, %rem3A : vector<48x384xi32>
    %ne3A = arith.constant 0 : i32
    %ne3A_45 = vector.broadcast %ne3A : i32 to vector<48x384xi32>
    %ne3A_46 = arith.cmpi ne, %rem3A_44, %ne3A_45 : vector<48x384xi32>
    %lt3A = arith.constant 0 : i32
    %lt3A_47 = vector.broadcast %lt3A : i32 to vector<48x384xi32>
    %lt3A_48 = arith.cmpi slt, %rem3A_44, %lt3A_47 : vector<48x384xi32>
    %lt3A_49 = arith.constant 0 : i32
    %lt3A_50 = arith.cmpi slt, %select_n3A_43, %lt3A_49 : i32
    %ne3A_51 = vector.broadcast %lt3A_50 : i1 to vector<48x384xi1>
    %ne3A_52 = vector.broadcast %ne3A_51 : vector<48x384xi1> to vector<48x384xi1>
    %ne3A_53 = arith.xori %lt3A_48, %ne3A_52 : vector<48x384xi1>
    %and3A = arith.andi %ne3A_53, %ne3A_46 : vector<48x384xi1>
    %add3A = vector.broadcast %select_n3A_43 : i32 to vector<48x384xi32>
    %add3A_54 = arith.addi %rem3A_44, %add3A : vector<48x384xi32>
    %select_n3A_55 = arith.select %and3A, %add3A_54, %rem3A_44 : vector<48x384xi1>, vector<48x384xi32>
    %jit3A_56 = arith.constant 32 : i32
    %div3A = vector.broadcast %jit3A_56 : i32 to vector<48x384xi32>
    %div3A_57 = arith.divsi %iota3A_38, %div3A : vector<48x384xi32>
    %sign3A = arith.constant 0 : i32
    %sign3A_58 = vector.broadcast %sign3A : i32 to vector<48x384xi32>
    %sign3A_59 = arith.cmpi sgt, %iota3A_38, %sign3A_58 : vector<48x384xi32>
    %sign3A_60 = arith.extui %sign3A_59 : vector<48x384xi1> to vector<48x384xi32>
    %sign3A_61 = arith.constant 0 : i32
    %sign3A_62 = vector.broadcast %sign3A_61 : i32 to vector<48x384xi32>
    %sign3A_63 = arith.cmpi slt, %iota3A_38, %sign3A_62 : vector<48x384xi32>
    %sign3A_64 = arith.extui %sign3A_63 : vector<48x384xi1> to vector<48x384xi32>
    %sign3A_65 = arith.subi %sign3A_60, %sign3A_64 : vector<48x384xi32>
    %sign3A_66 = arith.constant 0 : i32
    %sign3A_67 = arith.cmpi sgt, %jit3A_56, %sign3A_66 : i32
    %sign3A_68 = arith.extui %sign3A_67 : i1 to i32
    %sign3A_69 = arith.constant 0 : i32
    %sign3A_70 = arith.cmpi slt, %jit3A_56, %sign3A_69 : i32
    %sign3A_71 = arith.extui %sign3A_70 : i1 to i32
    %sign3A_72 = arith.subi %sign3A_68, %sign3A_71 : i32
    %ne3A_73 = vector.broadcast %sign3A_72 : i32 to vector<48x384xi32>
    %ne3A_74 = arith.cmpi ne, %sign3A_65, %ne3A_73 : vector<48x384xi32>
    %rem3A_75 = vector.broadcast %jit3A_56 : i32 to vector<48x384xi32>
    %rem3A_76 = arith.remsi %iota3A_38, %rem3A_75 : vector<48x384xi32>
    %ne3A_77 = arith.constant 0 : i32
    %ne3A_78 = vector.broadcast %ne3A_77 : i32 to vector<48x384xi32>
    %ne3A_79 = arith.cmpi ne, %rem3A_76, %ne3A_78 : vector<48x384xi32>
    %and3A_80 = arith.andi %ne3A_74, %ne3A_79 : vector<48x384xi1>
    %sub3A = arith.constant 1 : i32
    %sub3A_81 = vector.broadcast %sub3A : i32 to vector<48x384xi32>
    %sub3A_82 = arith.subi %div3A_57, %sub3A_81 : vector<48x384xi32>
    %select_n3A_83 = arith.select %and3A_80, %sub3A_82, %div3A_57 : vector<48x384xi1>, vector<48x384xi32>
    %eq3A_84 = arith.cmpi eq, %select_n3A_55, %select_n3A_83 : vector<48x384xi32>
    %dot_general3A = arith.constant dense<0.000000e+00> : vector<48x384xf32>
    %dot_general3A_85 = tpu.matmul %mul3A_34, %slice3A, %dot_general3A {dimension_numbers = #tpu.dot_dimension_numbers<[1], [0], [0], [1], [0, 0, 1, 1], [], []>, transpose_lhs_hint = false} : vector<48x1024xf32>, vector<1024x384xf32>, vector<48x384xf32> -> vector<48x384xf32>
    %dot_general3A_86 = arith.constant dense<0.000000e+00> : vector<48x384xf32>
    %dot_general3A_87 = tpu.matmul %mul3A_36, %slice3A, %dot_general3A_86 {dimension_numbers = #tpu.dot_dimension_numbers<[1], [0], [0], [1], [0, 0, 1, 1], [], []>, transpose_lhs_hint = false} : vector<48x1024xf32>, vector<1024x384xf32>, vector<48x384xf32> -> vector<48x384xf32>
    %jit3A_88 = arith.constant 0.000000e+00 : f32
    %broadcast_in_dim3A_89 = vector.broadcast %jit3A_88 : f32 to vector<48x384xf32>
    %select_n3A_90 = arith.select %eq3A_84, %dot_general3A_85, %broadcast_in_dim3A_89 : vector<48x384xi1>, vector<48x384xf32>
    %jit3A_91 = arith.constant 0.000000e+00 : f32
    %broadcast_in_dim3A_92 = vector.broadcast %jit3A_91 : f32 to vector<48x384xf32>
    %select_n3A_93 = arith.select %eq3A_84, %dot_general3A_87, %broadcast_in_dim3A_92 : vector<48x384xi1>, vector<48x384xf32>
    %add3A_94 = arith.addf %dot_general3A_85, %dot_general3A_87 : vector<48x384xf32>
    %dot_general3A_95 = arith.constant dense<0.000000e+00> : vector<48x384xf32>
    %dot_general3A_96 = tpu.matmul %add3A_94, %get3A_18, %dot_general3A_95 {dimension_numbers = #tpu.dot_dimension_numbers<[1], [1], [0], [0], [0, 0, 1, 0], [], []>, transpose_lhs_hint = false} : vector<48x384xf32>, vector<384x384xf32>, vector<48x384xf32> -> vector<48x384xf32>
    %jit3A_97 = arith.constant 0.000000e+00 : f32
    %broadcast_in_dim3A_98 = vector.broadcast %jit3A_97 : f32 to vector<48x384xf32>
    %select_n3A_99 = arith.select %eq3A_84, %dot_general3A_96, %broadcast_in_dim3A_98 : vector<48x384xi1>, vector<48x384xf32>
    %reshape3A = vector.shape_cast %select_n3A_99 : vector<48x384xf32> to vector<4x12x384xf32>
    %reduce_sum3A = arith.constant dense<0.000000e+00> : vector<4x384xf32>
    %reduce_sum3A_100 = vector.multi_reduction <add>, %reshape3A, %reduce_sum3A [1] : vector<4x12x384xf32> to vector<4x384xf32>
    %get3A_101 = arith.constant 0 : index
    %get3A_102 = arith.constant 0 : index
    %get3A_103 = arith.constant 0 : index
    %get3A_104 = vector.load %arg8[%get3A_101, %get3A_102, %get3A_103] : memref<4x384x384xf32, #tpu.memory_space<vmem>>, vector<1x384x384xf32>
    %get3A_105 = vector.shape_cast %get3A_104 : vector<1x384x384xf32> to vector<384x384xf32>
    %slice3A_106 = vector.extract_strided_slice %reduce_sum3A_100 {offsets = [0, 0], sizes = [1, 384], strides = [1, 1]} : vector<4x384xf32> to vector<1x384xf32>
    %dot_general3A_107 = arith.constant dense<0.000000e+00> : vector<1x384xf32>
    %dot_general3A_108 = tpu.matmul %slice3A_106, %get3A_105, %dot_general3A_107 {dimension_numbers = #tpu.dot_dimension_numbers<[1], [1], [0], [0], [0, 0, 1, 0], [], []>, transpose_lhs_hint = false} : vector<1x384xf32>, vector<384x384xf32>, vector<1x384xf32> -> vector<1x384xf32>
    %slice3A_109 = vector.extract_strided_slice %select_n3A_90 {offsets = [0, 0], sizes = [12, 384], strides = [1, 1]} : vector<48x384xf32> to vector<12x384xf32>
    %slice3A_110 = vector.extract_strided_slice %select_n3A_93 {offsets = [0, 0], sizes = [12, 384], strides = [1, 1]} : vector<48x384xf32> to vector<12x384xf32>
    %concatenate3A = tpu.concatenate %slice3A_109, %slice3A_110 in 0 : vector<12x384xf32>, vector<12x384xf32> -> vector<24x384xf32>
    %dot_general3A_111 = arith.constant dense<0.000000e+00> : vector<24x384xf32>
    %dot_general3A_112 = tpu.matmul %concatenate3A, %get3A_105, %dot_general3A_111 {dimension_numbers = #tpu.dot_dimension_numbers<[1], [1], [0], [0], [0, 0, 1, 0], [], []>, transpose_lhs_hint = false} : vector<24x384xf32>, vector<384x384xf32>, vector<24x384xf32> -> vector<24x384xf32>
    %slice3A_113 = vector.extract_strided_slice %dot_general3A_112 {offsets = [0, 0], sizes = [12, 384], strides = [1, 1]} : vector<24x384xf32> to vector<12x384xf32>
    %slice3A_114 = vector.extract_strided_slice %dot_general3A_112 {offsets = [12, 0], sizes = [12, 384], strides = [1, 1]} : vector<24x384xf32> to vector<12x384xf32>
    %get3A_115 = arith.constant 1 : index
    %get3A_116 = arith.constant 0 : index
    %get3A_117 = arith.constant 0 : index
    %get3A_118 = vector.load %arg8[%get3A_115, %get3A_116, %get3A_117] : memref<4x384x384xf32, #tpu.memory_space<vmem>>, vector<1x384x384xf32>
    %get3A_119 = vector.shape_cast %get3A_118 : vector<1x384x384xf32> to vector<384x384xf32>
    %slice3A_120 = vector.extract_strided_slice %reduce_sum3A_100 {offsets = [1, 0], sizes = [1, 384], strides = [1, 1]} : vector<4x384xf32> to vector<1x384xf32>
    %dot_general3A_121 = arith.constant dense<0.000000e+00> : vector<1x384xf32>
    %dot_general3A_122 = tpu.matmul %slice3A_120, %get3A_119, %dot_general3A_121 {dimension_numbers = #tpu.dot_dimension_numbers<[1], [1], [0], [0], [0, 0, 1, 0], [], []>, transpose_lhs_hint = false} : vector<1x384xf32>, vector<384x384xf32>, vector<1x384xf32> -> vector<1x384xf32>
    %slice3A_123 = vector.extract_strided_slice %select_n3A_90 {offsets = [12, 0], sizes = [12, 384], strides = [1, 1]} : vector<48x384xf32> to vector<12x384xf32>
    %slice3A_124 = vector.extract_strided_slice %select_n3A_93 {offsets = [12, 0], sizes = [12, 384], strides = [1, 1]} : vector<48x384xf32> to vector<12x384xf32>
    %concatenate3A_125 = tpu.concatenate %slice3A_123, %slice3A_124 in 0 : vector<12x384xf32>, vector<12x384xf32> -> vector<24x384xf32>
    %dot_general3A_126 = arith.constant dense<0.000000e+00> : vector<24x384xf32>
    %dot_general3A_127 = tpu.matmul %concatenate3A_125, %get3A_119, %dot_general3A_126 {dimension_numbers = #tpu.dot_dimension_numbers<[1], [1], [0], [0], [0, 0, 1, 0], [], []>, transpose_lhs_hint = false} : vector<24x384xf32>, vector<384x384xf32>, vector<24x384xf32> -> vector<24x384xf32>
    %slice3A_128 = vector.extract_strided_slice %dot_general3A_127 {offsets = [0, 0], sizes = [12, 384], strides = [1, 1]} : vector<24x384xf32> to vector<12x384xf32>
    %slice3A_129 = vector.extract_strided_slice %dot_general3A_127 {offsets = [12, 0], sizes = [12, 384], strides = [1, 1]} : vector<24x384xf32> to vector<12x384xf32>
    %get3A_130 = arith.constant 2 : index
    %get3A_131 = arith.constant 0 : index
    %get3A_132 = arith.constant 0 : index
    %get3A_133 = vector.load %arg8[%get3A_130, %get3A_131, %get3A_132] : memref<4x384x384xf32, #tpu.memory_space<vmem>>, vector<1x384x384xf32>
    %get3A_134 = vector.shape_cast %get3A_133 : vector<1x384x384xf32> to vector<384x384xf32>
    %slice3A_135 = vector.extract_strided_slice %reduce_sum3A_100 {offsets = [2, 0], sizes = [1, 384], strides = [1, 1]} : vector<4x384xf32> to vector<1x384xf32>
    %dot_general3A_136 = arith.constant dense<0.000000e+00> : vector<1x384xf32>
    %dot_general3A_137 = tpu.matmul %slice3A_135, %get3A_134, %dot_general3A_136 {dimension_numbers = #tpu.dot_dimension_numbers<[1], [1], [0], [0], [0, 0, 1, 0], [], []>, transpose_lhs_hint = false} : vector<1x384xf32>, vector<384x384xf32>, vector<1x384xf32> -> vector<1x384xf32>
    %slice3A_138 = vector.extract_strided_slice %select_n3A_90 {offsets = [24, 0], sizes = [12, 384], strides = [1, 1]} : vector<48x384xf32> to vector<12x384xf32>
    %slice3A_139 = vector.extract_strided_slice %select_n3A_93 {offsets = [24, 0], sizes = [12, 384], strides = [1, 1]} : vector<48x384xf32> to vector<12x384xf32>
    %concatenate3A_140 = tpu.concatenate %slice3A_138, %slice3A_139 in 0 : vector<12x384xf32>, vector<12x384xf32> -> vector<24x384xf32>
    %dot_general3A_141 = arith.constant dense<0.000000e+00> : vector<24x384xf32>
    %dot_general3A_142 = tpu.matmul %concatenate3A_140, %get3A_134, %dot_general3A_141 {dimension_numbers = #tpu.dot_dimension_numbers<[1], [1], [0], [0], [0, 0, 1, 0], [], []>, transpose_lhs_hint = false} : vector<24x384xf32>, vector<384x384xf32>, vector<24x384xf32> -> vector<24x384xf32>
    %slice3A_143 = vector.extract_strided_slice %dot_general3A_142 {offsets = [0, 0], sizes = [12, 384], strides = [1, 1]} : vector<24x384xf32> to vector<12x384xf32>
    %slice3A_144 = vector.extract_strided_slice %dot_general3A_142 {offsets = [12, 0], sizes = [12, 384], strides = [1, 1]} : vector<24x384xf32> to vector<12x384xf32>
    %get3A_145 = arith.constant 3 : index
    %get3A_146 = arith.constant 0 : index
    %get3A_147 = arith.constant 0 : index
    %get3A_148 = vector.load %arg8[%get3A_145, %get3A_146, %get3A_147] : memref<4x384x384xf32, #tpu.memory_space<vmem>>, vector<1x384x384xf32>
    %get3A_149 = vector.shape_cast %get3A_148 : vector<1x384x384xf32> to vector<384x384xf32>
    %slice3A_150 = vector.extract_strided_slice %reduce_sum3A_100 {offsets = [3, 0], sizes = [1, 384], strides = [1, 1]} : vector<4x384xf32> to vector<1x384xf32>
    %dot_general3A_151 = arith.constant dense<0.000000e+00> : vector<1x384xf32>
    %dot_general3A_152 = tpu.matmul %slice3A_150, %get3A_149, %dot_general3A_151 {dimension_numbers = #tpu.dot_dimension_numbers<[1], [1], [0], [0], [0, 0, 1, 0], [], []>, transpose_lhs_hint = false} : vector<1x384xf32>, vector<384x384xf32>, vector<1x384xf32> -> vector<1x384xf32>
    %slice3A_153 = vector.extract_strided_slice %select_n3A_90 {offsets = [36, 0], sizes = [12, 384], strides = [1, 1]} : vector<48x384xf32> to vector<12x384xf32>
    %slice3A_154 = vector.extract_strided_slice %select_n3A_93 {offsets = [36, 0], sizes = [12, 384], strides = [1, 1]} : vector<48x384xf32> to vector<12x384xf32>
    %concatenate3A_155 = tpu.concatenate %slice3A_153, %slice3A_154 in 0 : vector<12x384xf32>, vector<12x384xf32> -> vector<24x384xf32>
    %dot_general3A_156 = arith.constant dense<0.000000e+00> : vector<24x384xf32>
    %dot_general3A_157 = tpu.matmul %concatenate3A_155, %get3A_149, %dot_general3A_156 {dimension_numbers = #tpu.dot_dimension_numbers<[1], [1], [0], [0], [0, 0, 1, 0], [], []>, transpose_lhs_hint = false} : vector<24x384xf32>, vector<384x384xf32>, vector<24x384xf32> -> vector<24x384xf32>
    %slice3A_158 = vector.extract_strided_slice %dot_general3A_157 {offsets = [0, 0], sizes = [12, 384], strides = [1, 1]} : vector<24x384xf32> to vector<12x384xf32>
    %slice3A_159 = vector.extract_strided_slice %dot_general3A_157 {offsets = [12, 0], sizes = [12, 384], strides = [1, 1]} : vector<24x384xf32> to vector<12x384xf32>
    %concatenate3A_160 = tpu.concatenate %dot_general3A_108, %dot_general3A_122, %dot_general3A_137, %dot_general3A_152 in 0 : vector<1x384xf32>, vector<1x384xf32>, vector<1x384xf32>, vector<1x384xf32> -> vector<4x384xf32>
    %concatenate3A_161 = tpu.concatenate %slice3A_113, %slice3A_128, %slice3A_143, %slice3A_158 in 0 : vector<12x384xf32>, vector<12x384xf32>, vector<12x384xf32>, vector<12x384xf32> -> vector<48x384xf32>
    %concatenate3A_162 = tpu.concatenate %slice3A_114, %slice3A_129, %slice3A_144, %slice3A_159 in 0 : vector<12x384xf32>, vector<12x384xf32>, vector<12x384xf32>, vector<12x384xf32> -> vector<48x384xf32>
    %dot_general3A_163 = arith.constant dense<0.000000e+00> : vector<1024x384xf32>
    %dot_general3A_164 = tpu.matmul %select_n3A, %concatenate3A_161, %dot_general3A_163 {dimension_numbers = #tpu.dot_dimension_numbers<[0], [0], [1], [1], [0, 1, 1, 1], [], []>, transpose_lhs_hint = false} : vector<48x1024xf32>, vector<48x384xf32>, vector<1024x384xf32> -> vector<1024x384xf32>
    %dot_general3A_165 = arith.constant dense<0.000000e+00> : vector<1024x384xf32>
    %dot_general3A_166 = tpu.matmul %select_n3A_33, %concatenate3A_162, %dot_general3A_165 {dimension_numbers = #tpu.dot_dimension_numbers<[0], [0], [1], [1], [0, 1, 1, 1], [], []>, transpose_lhs_hint = false} : vector<48x1024xf32>, vector<48x384xf32>, vector<1024x384xf32> -> vector<1024x384xf32>
    %add3A_167 = arith.addf %dot_general3A_164, %dot_general3A_166 : vector<1024x384xf32>
    %concatenate3A_168 = tpu.concatenate %concatenate3A_160, %add3A_167 in 0 : vector<4x384xf32>, vector<1024x384xf32> -> vector<1028x384xf32>
    %swap3A = arith.constant 0 : index
    %swap3A_169 = arith.constant 0 : index
    %swap3A_170 = arith.constant 0 : index
    %swap3A_171 = vector.load %arg6[%swap3A, %swap3A_169, %swap3A_170] : memref<1x1028x384xf32, #tpu.memory_space<vmem>>, vector<1x1028x384xf32>
    %swap3A_172 = vector.shape_cast %swap3A_171 : vector<1x1028x384xf32> to vector<1028x384xf32>
    %swap3A_173 = vector.shape_cast %concatenate3A_168 : vector<1028x384xf32> to vector<1x1028x384xf32>
    tpu.vector_store %arg6[%swap3A, %swap3A_169, %swap3A_170], %swap3A_173 {strides = array<i32>} : memref<1x1028x384xf32, #tpu.memory_space<vmem>>, vector<1x1028x384xf32>,
    return
  }
  func.func @transform_0(%arg0: i32) -> (i32, i32, i32) {
    %c0_i32 = arith.constant 0 : i32
    %c0_i32_0 = arith.constant 0 : i32
    %c0_i32_1 = arith.constant 0 : i32
    return %arg0, %c0_i32, %c0_i32_0 : i32, i32, i32
  }
  func.func @transform_1(%arg0: i32) -> (i32, i32, i32) {
    %c0_i32 = arith.constant 0 : i32
    %c0_i32_0 = arith.constant 0 : i32
    %c0_i32_1 = arith.constant 0 : i32
    return %arg0, %c0_i32, %c0_i32_0 : i32, i32, i32
  }
  func.func @transform_2(%arg0: i32) -> (i32, i32, i32) {
    %c0_i32 = arith.constant 0 : i32
    %c0_i32_0 = arith.constant 0 : i32
    %c0_i32_1 = arith.constant 0 : i32
    return %arg0, %c0_i32, %c0_i32_0 : i32, i32, i32
  }
  func.func @transform_5(%arg0: i32) -> (i32, i32, i32) {
    %c0_i32 = arith.constant 0 : i32
    %c0_i32_0 = arith.constant 0 : i32
    %c0_i32_1 = arith.constant 0 : i32
    return %arg0, %c0_i32, %c0_i32_0 : i32, i32, i32
  }
}

</mosaic_0001>

<sc_bundles>
// kernel: kernel.5.cloned.1.call-start
scs
__scs_entry_jumppad:
0x0: {  	(pc) =	sbr.rel $0x88, $3  }
0x1: {  	(tag) =	ssettag $0x0;
	lr =	simm.s32 $0x1  }
0x2: {  	[smem:$0x3F9D] =	sst lr;
	_ =	strace $0xD0000000  }
0x3: {  	_ = 	snop  }
0x4: {  	_ = 	snop  }
0x5: {  	_ = 	snop  }
0x6: {  	_ = 	snop  }
0x7: {  	_ = 	snop  }
__scs_overlays_trampoline_lowered:
0x8: {  	[smem:$0x3FAC] =	sst s0  }
0x9: {  	[smem:$0x3FAD] =	sst s1  }
0xa: {  	[smem:$0x3FAE] =	sst s2  }
0xb: {  	[smem:$0x3FAF] =	sst s3  }
0xc: {  	[smem:$0x3FB0] =	sst s4  }
0xd: {  	[smem:$0x3FB1] =	sst s5  }
0xe: {  	[smem:$0x3FB2] =	sst s6  }
0xf: {  	[smem:$0x3FB3] =	sst s7  }
0x10: {  	[smem:$0x3FB4] =	sst s8  }
0x11: {  	[smem:$0x3FB5] =	sst s9;
	s0 =	simm.s32 @!p0 $0x0  }
0x12: {  	s1 =	sld [smem:$0x3F9B];
	s0 =	simm.s32 @p0 $0x1  }
0x13: {  	[smem:$0x3FB6] =	sst s0;
	s0 =	simm.s32 @!p1 $0x0  }
0x14: {  	s2 =	sld [smem:$0x3F9A];
	s0 =	simm.s32 @p1 $0x1  }
0x15: {  	[smem:$0x3FB7] =	sst s0;
	s0 =	simm.s32 @!p2 $0x0  }
0x16: {  	s3 =	sld [smem:$0x3FDB];
	s0 =	simm.s32 @p2 $0x1  }
0x17: {  	s4 =	simm.s32 $0x1BF5;
	[smem:$0x3FB9] =	sst s0  }
0x18: {  	s0 =	sld [smem:$0x3F9C];
	_ =	swait.ge [sflag:s4], $0x0  }
0x19: {  	s7 =	sld [smem:$0x3F9D]  }
0x1a: {  	s8 =	sadd.s32 $0xFFFFE003, lr  }
0x1b: {  	s9 =	sadd.s32 $0xFFFFFEF7, lr;
	s5 =	simm.s32 $0xFFFFFFFF;
	p2 =	slt.u32 s8, $0xFFFFF086  }
0x1c: {  	p1 =	slt.u32 s9, $0xF7A;
	s5 =	simm.s32 @!p2 $0x0  }
0x1d: {  	s5 =	simm.s32 @p1 $0x1;
	p0 =	seq.s32 s7, s2  }
0x1e: {  	s7 =	smul.u32 @!p0 $0xF7A, s2;
	p2 =	seq.s32 @!p0 s5, $0x0  }
0x1f: {  	s9 =	smul.u32 $0xF7A, s1;
	s8 =	simm.s32 @!p0 $0x1BF5;
	p2 =	por !p2, p0  }
0x20: {  	[sflag:s8] =	ssyncset.s32 @!p0 $0xFFFFF086;
	s6 =	sadd.s32 @!p0 s3, s7;
	s7 =	simm.s32 @!p0 $0x108  }
0x21: {  	s3 =	sadd.s32 s3, s9;
	s6 =	sadd.s32 @!p0 $0x88, s6;
	s7 =	simm.s32 @p2 $0x1082  }
0x22: {  	[simem:s7], [sflag:s8] =	dma.local @!p0 [hbm:s6], $0xF7A  }
0x23: {  	s9 =	sor.u32 $0xD0000000, s2;
	s6 =	simm.s32 $0x108;
	_ =	swait.ge @!p0 [sflag:s8], $0x0  }
0x24: {  	s3 =	sadd.s32 $0x88, s3;
	s6 =	simm.s32 @!p1 $0x1082;
	[sflag:s4] =	ssyncset.s32 $0xFFFFF086  }
0x25: {  	[simem:s6], [sflag:s4] =	dma.local [hbm:s3], $0xF7A  }
0x26: {  	[smem:$0x3F9D] =	sst s1;
	(tag) =	ssettag s2;
	_ =	strace s9  }
0x27: {  	s1 =	sld [smem:$0x3FAD]  }
0x28: {  	s2 =	sld [smem:$0x3FAE]  }
0x29: {  	s4 =	sld [smem:$0x3FB0]  }
0x2a: {  	p0 =	seq.s32 s5, $0x0;
	s5 =	sld [smem:$0x3FB1]  }
0x2b: {  	s6 =	sld [smem:$0x3FB2]  }
0x2c: {  	s7 =	sld [smem:$0x3FB3]  }
0x2d: {  	s3 =	simm.s32 $0x108;
	s8 =	sld [smem:$0x3FB4]  }
0x2e: {  	s3 =	simm.s32 @!p0 $0x1082;
	s9 =	sld [smem:$0x3FB5]  }
0x2f: {  	lr =	sadd.s32 s0, s3;
	s0 =	sld [smem:$0x3FAC]  }
0x30: {  	s3 =	sld [smem:$0x3FAF]  }
0x31: {  	[smem:$0x3FB8] =	sst s10  }
0x32: {  	s10 =	sld [smem:$0x3FB6];
	_ =	sdelay $0x3  }
0x33: {  	p0 =	seq.s32 s10, $0x1;
	s10 =	sld [smem:$0x3FB8];
	_ =	sdelay $0x3  }
0x34: {  	[smem:$0x3FB8] =	sst s10  }
0x35: {  	s10 =	sld [smem:$0x3FB7];
	_ =	sdelay $0x3  }
0x36: {  	p1 =	seq.s32 s10, $0x1;
	s10 =	sld [smem:$0x3FB8];
	_ =	sdelay $0x3  }
0x37: {  	[smem:$0x3FB8] =	sst s10  }
0x38: {  	s10 =	sld [smem:$0x3FB9]  }
0x39: {  	_ = 	snop;
	(pc) =	sbr.ind lr, $3  }
0x3a: {  	_ = 	snop  }
0x3b: {  	_ = 	snop  }
0x3c: {  	p2 =	seq.s32 s10, $0x1;
	s10 =	sld [smem:$0x3FB8]  }
0x3d: {  	_ =	shalt  }
0x3e: {  	_ =	shalt  }
0x3f: {  	_ =	shalt  }
0x40: {  	_ =	shalt  }
0x41: {  	_ =	shalt  }
0x42: {  	_ =	shalt  }
0x43: {  	_ =	shalt  }
0x44: {  	_ =	shalt  }
0x45: {  	_ =	shalt  }
0x46: {  	_ =	shalt  }
0x47: {  	_ =	shalt  }
0x48: {  	_ =	shalt  }
0x49: {  	_ =	shalt  }
0x4a: {  	_ =	shalt  }
0x4b: {  	_ =	shalt  }
0x4c: {  	_ =	shalt  }
0x4d: {  	_ =	shalt  }
0x4e: {  	_ =	shalt  }
0x4f: {  	_ =	shalt  }
0x50: {  	_ =	shalt  }
0x51: {  	_ =	shalt  }
0x52: {  	_ =	shalt  }
0x53: {  	_ =	shalt  }
0x54: {  	_ =	shalt  }
0x55: {  	_ =	shalt  }
0x56: {  	_ =	shalt  }
0x57: {  	_ =	shalt  }
0x58: {  	_ =	shalt  }
0x59: {  	_ =	shalt  }
0x5a: {  	_ =	shalt  }
0x5b: {  	_ =	shalt  }
0x5c: {  	_ =	shalt  }
0x5d: {  	_ =	shalt  }
0x5e: {  	_ =	shalt  }
0x5f: {  	_ =	shalt  }
0x60: {  	_ =	shalt  }
0x61: {  	_ =	shalt  }
0x62: {  	_ =	shalt  }
0x63: {  	_ =	shalt  }
0x64: {  	_ =	shalt  }
0x65: {  	_ =	shalt  }
0x66: {  	_ =	shalt  }
0x67: {  	_ =	shalt  }
0x68: {  	_ =	shalt  }
0x69: {  	_ =	shalt  }
0x6a: {  	_ =	shalt  }
0x6b: {  	_ =	shalt  }
0x6c: {  	_ =	shalt  }
0x6d: {  	_ =	shalt  }
0x6e: {  	_ =	shalt  }
0x6f: {  	_ =	shalt  }
0x70: {  	_ =	shalt  }
0x71: {  	_ =	shalt  }
0x72: {  	_ =	shalt  }
0x73: {  	_ =	shalt  }
0x74: {  	_ =	shalt  }
0x75: {  	_ =	shalt  }
0x76: {  	_ =	shalt  }
0x77: {  	_ =	shalt  }
0x78: {  	_ =	shalt  }
0x79: {  	_ =	shalt  }
0x7a: {  	_ =	shalt  }
0x7b: {  	_ =	shalt  }
0x7c: {  	_ =	shalt  }
0x7d: {  	_ =	shalt  }
0x7e: {  	_ =	shalt  }
0x7f: {  	_ =	shalt  }
0x80: {  	_ =	shalt  }
0x81: {  	_ =	shalt  }
0x82: {  	_ =	shalt  }
0x83: {  	_ =	shalt  }
0x84: {  	_ =	shalt  }
0x85: {  	_ =	shalt  }
0x86: {  	_ =	shalt  }
0x87: {  	_ =	shalt  }
.Lfunc_end0:
.L_simem_size_0:
called_computation_lowered:
.L_overlay_start_0:
0x88: {  	s2 =	sld [smem:$0x3FD9]  }
0x89: {  	s3 =	sld [smem:$0x3FFE];
	_ =	sdelay $0x1  }
0x8a: {  	s1 =	srdreg.scid  }
0x8b: {  	s0 =	sand.u32 $0x1, s1  }
0x8c: {  	s17 =	sshll.u32 s0, $0xA;
	s2 =	sadd.s32 s3, s2  }
0x8d: {  	s2 =	sadd.s32 s2, s17  }
0x8e: {  	[smem:$0x3FC4] =	sst s2  }
0x8f: {  	_ = 	snop  }
0x90: {  	s2 =	sld [smem:$0x3FD0];
	(tm) =	ssettm $0x1  }
0x91: {  	s18 =	sld [smem:$0x3FFB];
	_ =	sdelay $0x3  }
0x92: {  	_ =	strace s18  }
0x93: {  	s3 =	sld [smem:$0x3FFC];
	_ =	sdelay $0x3  }
0x94: {  	_ =	strace s3  }
0x95: {  	s3 =	sld [smem:$0x3FFD];
	_ =	sdelay $0x3  }
0x96: {  	_ =	strace s3  }
0x97: {  	_ =	strace $0x8FFFFFFF  }
0x98: {  	s19 =	sld [smem:$0x3FDB];
	_ =	sdelay $0x1  }
0x99: {  	s4 =	simm.s32 $_scs_section_size  }
0x9a: {  	s5 =	simm.s32 $_size__tile_overlayer_lowered;
	s6 =	simm.s32 $_tile_overlayer_lowered  }
0x9b: {  	s22 =	simm.s32 $0x1BFF;
	s21 =	sshll.u32 s6, $0x1;
	s3 =	sadd.s32 s4, s19  }
0x9c: {  	s7 =	simm.s32 $0x0;
	s20 =	sshll.u32 s5, $0x1;
	s5 =	sadd.s32 s21, s3  }
0x9d: {  	[timem:s7], [sflag:s22] =	dma.local [hbm:s5], s20  }
0x9e: {  	_ =	swait.ge [sflag:s22], s20  }
0x9f: {  	s4 =	ssub.s32 $0x0, s20;
	[sflag:s22] =	ssyncset.done $0x0  }
0xa0: {  	[sflag:s22] =	ssyncadd.s32 s4;
	_ =	sdelay $0x1  }
0xa1: {  	s23 =	simm.s32 $0x1B8B  }
0xa2: {  	_ =	swait.ge [sflag:s23], $0x1  }
0xa3: {  	[sflag:s23] =	ssyncset.done $0x0  }
0xa4: {  	s25 =	simm.s32 $0x1B8E;
	s24 =	sld [smem:$0x3FFE];
	[sflag:s23] =	ssyncadd.s32 $0xFFFFFFFF  }
0xa5: {  	s26 =	simm.s32 $execute0_lowered;
	[smem:$0x3FD2] =	sst s25  }
0xa6: {  	s5 =	sshll.u32 s26, $0x1;
	_ =	strace $0x80000046;
	[dreg:$0x1] =	wrdreg $0xFFFFFFFF  }
0xa7: {  	s28 =	simm.s32 $_size_execute0_lowered;
	s3 =	sadd.s32 s3, s5;
	[dreg:$0x0] =	wrdreg $0x0  }
0xa8: {  	s5 =	sshll.u32 s28, $0x1;
	[dreg:$0x2] =	wrdreg s3  }
0xa9: {  	[dreg:$0x3] =	wrdreg s5  }
0xaa: {  	[dreg:$0x4] =	wrdreg $0xC0  }
0xab: {  	_ =	task [dreg:s7], $0x5FFFF  }
0xac: {  	[dreg:$0x1] =	wrdreg $0xFFFFFFFF  }
0xad: {  	[dreg:$0x0] =	wrdreg $0x60  }
0xae: {  	[dreg:$0x2] =	wrdreg s2  }
0xaf: {  	[dreg:$0x3] =	wrdreg s24  }
0xb0: {  	[dreg:$0x4] =	wrdreg $0x9  }
0xb1: {  	_ =	task.clear_ibuf [dreg:s7], $0x5FFFF;
	_ =	strace $0x90000046  }
0xb2: {  	s29 =	simm.s32 $0x9;
	_ =	strace $0x80000048  }
0xb3: {  	_ =	swait.ge [sflag:s29], $0x1  }
0xb4: {  	[sflag:s29] =	ssyncadd.s32 $0xFFFFFFFF  }
0xb5: {  	_ =	strace $0x90000048  }
0xb6: {  	_ =	sfence  }
0xb7: {  	s30 =	sld [smem:$0x0];
	_ =	sdelay $0x2  }
0xb8: {  	s31 =	sshll.u32 s1, $0xD;
	s1 =	sshrl.u32 s1, $0x2  }
0xb9: {  	s3 =	sand.u32 $0x4000, s31;
	s1 =	sadd.s32 s1, s30  }
0xba: {  	s0 =	sor.u32 s3, s0;
	s1 =	sshll.u32 s1, $0x11  }
0xbb: {  	s0 =	sor.u32 s1, s0  }
0xbc: {  	s0 =	sadd.s32 $0x8F2B, s0  }
0xbd: {  	[sflag:s0] =	ssyncadd.remote.s32 $0x1  }
0xbe: {  	_ =	sfence.sel $0xFFFF  }
0xbf: {  	[dreg:$0x0] =	wrdreg $0xFFFFFFFF;
	(pc) =	sbr.abs _section_cstart, $3  }
0xc0: {  	[dreg:$0x1] =	wrdreg $0xFFFFFFFF  }
0xc1: {  	_ =	task.clear_ibuf [dreg:s7], $0x2FFFF;
	_ =	strace $0x9FFFFFFF  }
0xc2: {  	(tm) =	ssettm $0x7FFFFFFF  }
0xc3: {  	_ =	shalt  }
tec
execute0_lowered:
.L_overlay_start_1:
0x0: {  	(tag) =	ssettag $0x1  }
0x1: {  	v0 =	vimm.s32 $0x76543210;
	v1 =	vimm.s32 $0xFEDCBA98  }
0x2: {  	s4 =	rddreg [dreg:$0x0];
	v2 =	vimm.s32 $0xBA98FEDC;
	v3 =	vimm.s32 $0x32107654;
	v4 =	vimm.s32 $0xDCFE98BA  }
0x3: {  	s5 =	rddreg [dreg:$0x1];
	v5 =	vimm.s32 $0x54761032;
	v6 =	vimm.s32 $0xEFCDAB89;
	v7 =	vimm.s32 $0x67452301  }
0x4: {  	s0 =	rddreg [dreg:$0x2];
	v0 =	vunpack.c.l.s4.s8 v0;
	v1 =	vunpack.c.l.s4.s8 v1;
	v2 =	vunpack.c.l.s4.s8 v2  }
0x5: {  	s2 =	simm.s32 $0x0;
	s3 =	srdreg.scid;
	s1 =	stileid.u32;
	v3 =	vunpack.c.l.s4.s8 v3;
	v4 =	vunpack.c.l.s4.s8 v4;
	v5 =	vunpack.c.l.s4.s8 v5  }
0x6: {  	s10 =	simm.s32 $0x4000;
	s11 =	simm.s32 $0x4800;
	s12 =	simm.s32 $0x0;
	v6 =	vunpack.c.l.s4.s8 v6;
	v7 =	vunpack.c.l.s4.s8 v7;
	v2 =	vunpack.c.0.s8.s32 v2  }
0x7: {  	[smem:$0x7FF] =	sst s2;
	s3 =	sand.u32 $0x1, s3;
	s6 =	sshll.u32 s1, $0x1;
	v3 =	vunpack.c.0.s8.s32 v3;
	v4 =	vunpack.c.0.s8.s32 v4;
	v5 =	vunpack.c.0.s8.s32 v5  }
0x8: {  	_ =	strace $0x80000047;
	s6 =	sor.u32 s3, s6;
	s7 =	ssub.s32 $0x2, s3;
	v1 =	vunpack.c.0.s8.s32 v1;
	v6 =	vunpack.c.0.s8.s32 v6;
	v7 =	vunpack.c.0.s8.s32 v7  }
0x9: {  	s3 =	sadd.s32 $0x61C00, s5;
	s8 =	sshll.u32 s6, $0x8;
	s9 =	sshrl.u32 s7, $0x1;
	v2 =	vcombine.low v3, v2;
	v3 =	vcombine.low v5, v4;
	v4 =	vunpack.c.0.s8.s32 v0  }
0xa: {  	vm0 =	vcmask $0x3F08;
	s31 =	sshll.u32 s6, $0xB;
	s8 =	sadd.s32 s8, s5;
	s7 =	ssub.s32 s7, s9;
	v5 =	vcombine.low v7, v6;
	v1 =	vand.u32 $0xF, v1  }
0xb: {  	vm1 =	vmmov $0x1;
	s4 =	sadd.s32 s4, s31;
	s9 =	simm.s32 $0x1;
	s5 =	sadd.s32 $0x61E00, s8;
	v0 =	vlaneseq.u32;
	v1 =	vcombine.low v1, v4  }
0xc: {  	s6 =	sadd.s32 $0x63E00, s8;
	s7 =	smax.u32 s7, $0x1;
	s8 =	simm.s32 $0x5000;
	v2 =	vand.u32 $0xF, v2;
	v3 =	vand.u32 $0xF, v3;
	v4 =	vand.u32 $0xF, v5  }
.LBB2_1:
0xd: {  	[tilespmem:s8], [sflag:$0x1] =	stream.linear.gather [hbm4b:s3+s2], $0x1, $0x38;
	[tilespmem:$0x5080] =	vst v63  }
0xe: {  	_ =	swait.ge [sflag:s9], $0x1  }
0xf: {  	[sflag:s9] =	ssyncset.done $0x0  }
0x10: {  	[sflag:s9] =	ssyncadd.s32 $0xFFFFFFFF  }
0x11: {  	v5 =	vld.msk [tilespmem:$0x5000 ss:$0x0], $0xffff;
	[tilespmem:s2], [sflag:$0x1] =	stream.linear.gather [hbm4b:s4+s2], $0x4000, $0x38  }
0x12: {  	_ =	swait.ge [sflag:s9], $0x4000  }
0x13: {  	s13 =	sand.u32 $0x70, s2;
	s14 =	sand.u32 $0x1C00, s2;
	[sflag:s9] =	ssyncset.done $0x0  }
0x14: {  	s13 =	sor.u32 s13, s14;
	[sflag:s9] =	ssyncadd.s32 $0xFFFFC000  }
0x15: {  	v9 =	vld [tilespmem:s13+$0x0]  }
0x16: {  	v6 =	vimm.s32 $0x400;
	s15 =	simm.s32 $0x0;
	v7 =	vimm.s32 $0x400;
	s14 =	simm.s32 $0x10;
	s13 =	simm.s32 $0x0;
	v10 =	vmovc v5;
	v8 =	vmov v5  }
.LBB2_2:
0x17: {  	s16 =	sand.u32 $0x70, s14  }
0x18: {  	s15 =	sadd.s32 $0x80, s15;
	s17 =	smov.u32 s14;
	p0 =	sne.s32 s14, $0x3F0  }
.Ltmp0:
0x19: {  	s14 =	sadd.s32 $0x10, s14;
	s18 =	sand.u32 $0x1C00, s15;
	(pc) =	sbr.rel @p0 .LBB2_2-.Ltmp0, $4  }
0x1a: {  	v11 =	vor.u32 s13, v0;
	s13 =	smov.u32 s17;
	s16 =	sor.u32 s16, s18;
	vm2 =	vgt.f32 v9, v10;
	v12 =	vmov v9  }
0x1b: {  	v9 =	vld [tilespmem:s16+$0x0];
	vm3 =	vgt.f32 v12, v8;
	v10 =	vsel vm2, v12, v10;
	v6 =	vsel vm2, v11, v6  }
0x1c: {  	v10 =	vsel vm3, v8, v10;
	v6 =	vsel vm3, v7, v6;
	v8 =	vsel vm3, v12, v8  }
0x1d: {  	v7 =	vsel vm3, v11, v7  }
0x1e: {  	_ =	sdelay $0x1  }
0x1f: {  	vm2 =	vgt.f32 v9, v8  }
0x20: {  	v11 =	vsel vm2, v9, v8  }
0x21: {  	v12 =	vperm.xlane v11, v1;
	_ =	sdelay $0x1  }
0x22: {  	v12 =	vmax.f32 v11, v12  }
0x23: {  	v13 =	vperm.xlane v12, v2;
	_ =	sdelay $0x1  }
0x24: {  	v12 =	vmax.f32 v12, v13  }
0x25: {  	v13 =	vperm.xlane v12, v3;
	_ =	sdelay $0x1  }
0x26: {  	v12 =	vmax.f32 v12, v13  }
0x27: {  	v13 =	vperm.xlane v12, v4;
	_ =	sdelay $0x1  }
0x28: {  	v14 =	vor.u32 s13, v0;
	v12 =	vmax.f32 v12, v13  }
0x29: {  	v63 =	vsel vm2, v14, v7;
	vm3 =	veq.f32 v11, v12  }
0x2a: {  	v15 =	vnsel vm3, $0x400, v63  }
0x2b: {  	v16 =	vperm.xlane v15, v1;
	_ =	sdelay $0x1  }
0x2c: {  	vm4 =	vlt.s32 v15, v16  }
0x2d: {  	v15 =	vsel vm4, v15, v16  }
0x2e: {  	v16 =	vperm.xlane v15, v2;
	_ =	sdelay $0x1  }
0x2f: {  	vm4 =	vlt.s32 v15, v16  }
0x30: {  	v15 =	vsel vm4, v15, v16  }
0x31: {  	v16 =	vperm.xlane v15, v3;
	_ =	sdelay $0x1  }
0x32: {  	vm4 =	vlt.s32 v15, v16  }
0x33: {  	v15 =	vsel vm4, v15, v16  }
0x34: {  	v16 =	vperm.xlane v15, v4;
	_ =	sdelay $0x1  }
0x35: {  	vm4 =	vlt.s32 v15, v16  }
0x36: {  	vm15 =	vgt.f32 v9, v10;
	v15 =	vsel vm4, v15, v16  }
0x37: {  	v9 =	vsel vm15, v9, v10;
	vm5 =	veq.s32 v63, v15  }
0x38: {  	v8 =	vsel vm2, v8, v9;
	vm3 =	vmand vm3, vm5  }
0x39: {  	v8 =	vsel vm3, v8, v11  }
0x3a: {  	v9 =	vperm.xlane v8, v1;
	_ =	sdelay $0x1  }
0x3b: {  	v9 =	vmax.f32 v8, v9  }
0x3c: {  	v10 =	vperm.xlane v9, v2;
	_ =	sdelay $0x1  }
0x3d: {  	v9 =	vmax.f32 v9, v10  }
0x3e: {  	v10 =	vperm.xlane v9, v3;
	_ =	sdelay $0x1  }
0x3f: {  	v9 =	vmax.f32 v9, v10  }
0x40: {  	v10 =	vperm.xlane v9, v4;
	_ =	sdelay $0x1  }
0x41: {  	v9 =	vmax.f32 v9, v10  }
0x42: {  	v10 =	vsub.f32 v9, v12;
	_ =	sdelay $0x1  }
0x43: {  	v10 =	vmul.f32 $1.442695020e+00, v10;
	_ =	sdelay $0x1  }
0x44: {  	(erf) = vpow2.f32 v10;
	_ =	sdelay $0x2  }
0x45: {  	v6 =	vsel vm15, v14, v6  }
0x46: {  	v6 =	vsel vm2, v7, v6  }
0x47: {  	v6 =	vsel vm3, v6, v63;
	vm2 =	veq.f32 v8, v9  }
0x48: {  	v6 =	vnsel vm2, $0x400, v6  }
0x49: {  	v7 =	vperm.xlane v6, v1;
	_ =	sdelay $0x1  }
0x4a: {  	vm2 =	vlt.s32 v6, v7;
	v8 =	vpop (erf)  }
0x4b: {  	v6 =	vsel vm2, v6, v7;
	v7 =	vadd.f32 $1.000000000e+00, v8  }
0x4c: {  	v9 =	vperm.xlane v6, v2  }
0x4d: {  	(erf) = vrcp.f32 v7  }
0x4e: {  	vm2 =	vlt.s32 v6, v9  }
0x4f: {  	v6 =	vsel vm2, v6, v9  }
0x50: {  	v7 =	vperm.xlane v6, v3;
	_ =	sdelay $0x1  }
0x51: {  	vm2 =	vlt.s32 v6, v7  }
0x52: {  	v6 =	vsel vm2, v6, v7  }
0x53: {  	v7 =	vperm.xlane v6, v4;
	_ =	sdelay $0x1  }
0x54: {  	vm2 =	vlt.s32 v6, v7;
	v9 =	vpop (erf)  }
0x55: {  	v6 =	vsel vm2, v6, v7;
	v7 =	vmul.f32 v9, v8  }
0x56: {  	v6 =	vsel vm0, $0x0, v6  }
0x57: {  	s13 =	simm.s32 $0x0;
	v6 =	vsel vm1, v15, v6;
	v7 =	vsel vm0, $0x0, v7  }
0x58: {  	s14 =	sand.u32 $0x70, s13;
	s15 =	sand.u32 $0x1C00, s13;
	[tilespmem:$0x4000] =	vst v6;
	v7 =	vsel vm1, v9, v7  }
0x59: {  	s14 =	sor.u32 s14, s15;
	[tilespmem:$0x4800] =	vst v7  }
0x5a: {  	v9 =	vld [tilespmem:s14+$0x80]  }
0x5b: {  	s15 =	simm.s32 $0x10;
	v10 =	vmovc v5;
	v6 =	vimm.s32 $0x400;
	v8 =	vmov v5;
	v7 =	vimm.s32 $0x400;
	s14 =	simm.s32 $0x0  }
.LBB2_4:
0x5c: {  	s16 =	sand.u32 $0x70, s15  }
0x5d: {  	s13 =	sadd.s32 $0x80, s13;
	s17 =	smov.u32 s15;
	p0 =	sne.s32 s15, $0x3F0  }
.Ltmp1:
0x5e: {  	s15 =	sadd.s32 $0x10, s15;
	s18 =	sand.u32 $0x1C00, s13;
	(pc) =	sbr.rel @p0 .LBB2_4-.Ltmp1, $4  }
0x5f: {  	v11 =	vor.u32 s14, v0;
	s14 =	smov.u32 s17;
	s16 =	sor.u32 s16, s18;
	vm2 =	vgt.f32 v9, v10;
	v12 =	vmov v9  }
0x60: {  	v9 =	vld [tilespmem:s16+$0x80];
	vm3 =	vgt.f32 v12, v8;
	v10 =	vsel vm2, v12, v10;
	v6 =	vsel vm2, v11, v6  }
0x61: {  	v10 =	vsel vm3, v8, v10;
	v6 =	vsel vm3, v7, v6;
	v8 =	vsel vm3, v12, v8  }
0x62: {  	v7 =	vsel vm3, v11, v7  }
0x63: {  	_ =	sdelay $0x1  }
0x64: {  	vm2 =	vgt.f32 v9, v8  }
0x65: {  	v11 =	vsel vm2, v9, v8  }
0x66: {  	v12 =	vperm.xlane v11, v1;
	_ =	sdelay $0x1  }
0x67: {  	v12 =	vmax.f32 v11, v12  }
0x68: {  	v13 =	vperm.xlane v12, v2;
	_ =	sdelay $0x1  }
0x69: {  	v12 =	vmax.f32 v12, v13  }
0x6a: {  	v13 =	vperm.xlane v12, v3;
	_ =	sdelay $0x1  }
0x6b: {  	v12 =	vmax.f32 v12, v13  }
0x6c: {  	v13 =	vperm.xlane v12, v4;
	_ =	sdelay $0x1  }
0x6d: {  	v14 =	vor.u32 s14, v0;
	v12 =	vmax.f32 v12, v13  }
0x6e: {  	v63 =	vsel vm2, v14, v7;
	vm3 =	veq.f32 v11, v12  }
0x6f: {  	v15 =	vnsel vm3, $0x400, v63  }
0x70: {  	v16 =	vperm.xlane v15, v1;
	_ =	sdelay $0x1  }
0x71: {  	vm4 =	vlt.s32 v15, v16  }
0x72: {  	v15 =	vsel vm4, v15, v16  }
0x73: {  	v16 =	vperm.xlane v15, v2;
	_ =	sdelay $0x1  }
0x74: {  	vm4 =	vlt.s32 v15, v16  }
0x75: {  	v15 =	vsel vm4, v15, v16  }
0x76: {  	v16 =	vperm.xlane v15, v3;
	_ =	sdelay $0x1  }
0x77: {  	vm4 =	vlt.s32 v15, v16  }
0x78: {  	v15 =	vsel vm4, v15, v16  }
0x79: {  	v16 =	vperm.xlane v15, v4;
	_ =	sdelay $0x1  }
0x7a: {  	vm4 =	vlt.s32 v15, v16  }
0x7b: {  	vm15 =	vgt.f32 v9, v10;
	v15 =	vsel vm4, v15, v16  }
0x7c: {  	v9 =	vsel vm15, v9, v10;
	vm5 =	veq.s32 v63, v15  }
0x7d: {  	v8 =	vsel vm2, v8, v9;
	vm3 =	vmand vm3, vm5  }
0x7e: {  	v8 =	vsel vm3, v8, v11  }
0x7f: {  	v9 =	vperm.xlane v8, v1;
	_ =	sdelay $0x1  }
0x80: {  	v9 =	vmax.f32 v8, v9  }
0x81: {  	v10 =	vperm.xlane v9, v2;
	_ =	sdelay $0x1  }
0x82: {  	v9 =	vmax.f32 v9, v10  }
0x83: {  	v10 =	vperm.xlane v9, v3;
	_ =	sdelay $0x1  }
0x84: {  	v9 =	vmax.f32 v9, v10  }
0x85: {  	v10 =	vperm.xlane v9, v4;
	_ =	sdelay $0x1  }
0x86: {  	v9 =	vmax.f32 v9, v10  }
0x87: {  	v10 =	vsub.f32 v9, v12;
	_ =	sdelay $0x1  }
0x88: {  	v10 =	vmul.f32 $1.442695020e+00, v10;
	_ =	sdelay $0x1  }
0x89: {  	(erf) = vpow2.f32 v10;
	_ =	sdelay $0x2  }
0x8a: {  	v6 =	vsel vm15, v14, v6  }
0x8b: {  	v6 =	vsel vm2, v7, v6  }
0x8c: {  	v6 =	vsel vm3, v6, v63;
	vm2 =	veq.f32 v8, v9  }
0x8d: {  	v6 =	vnsel vm2, $0x400, v6  }
0x8e: {  	v7 =	vperm.xlane v6, v1;
	_ =	sdelay $0x1  }
0x8f: {  	vm2 =	vlt.s32 v6, v7;
	v8 =	vpop (erf)  }
0x90: {  	v6 =	vsel vm2, v6, v7;
	v7 =	vadd.f32 $1.000000000e+00, v8  }
0x91: {  	v9 =	vperm.xlane v6, v2  }
0x92: {  	(erf) = vrcp.f32 v7  }
0x93: {  	vm2 =	vlt.s32 v6, v9  }
0x94: {  	v6 =	vsel vm2, v6, v9  }
0x95: {  	v7 =	vperm.xlane v6, v3;
	_ =	sdelay $0x1  }
0x96: {  	vm2 =	vlt.s32 v6, v7  }
0x97: {  	v6 =	vsel vm2, v6, v7  }
0x98: {  	v7 =	vperm.xlane v6, v4;
	_ =	sdelay $0x1  }
0x99: {  	vm2 =	vlt.s32 v6, v7;
	v9 =	vpop (erf)  }
0x9a: {  	v6 =	vsel vm2, v6, v7;
	v7 =	vmul.f32 v9, v8  }
0x9b: {  	v6 =	vsel vm0, $0x0, v6  }
0x9c: {  	s13 =	simm.s32 $0x0;
	v6 =	vsel vm1, v15, v6;
	v7 =	vsel vm0, $0x0, v7  }
0x9d: {  	s31 =	sand.u32 $0x70, s13;
	s15 =	sand.u32 $0x1C00, s13;
	[tilespmem:$0x4080] =	vst v6;
	v7 =	vsel vm1, v9, v7  }
0x9e: {  	s14 =	sor.u32 s31, s15;
	[tilespmem:$0x4880] =	vst v7  }
0x9f: {  	v9 =	vld [tilespmem:s14+$0x100]  }
0xa0: {  	s15 =	simm.s32 $0x10;
	v10 =	vmovc v5;
	v6 =	vimm.s32 $0x400;
	v8 =	vmov v5;
	v7 =	vimm.s32 $0x400;
	s14 =	simm.s32 $0x0  }
.LBB2_6:
0xa1: {  	s16 =	sand.u32 $0x70, s15  }
0xa2: {  	s13 =	sadd.s32 $0x80, s13;
	s17 =	smov.u32 s15;
	p0 =	sne.s32 s15, $0x3F0  }
.Ltmp2:
0xa3: {  	s15 =	sadd.s32 $0x10, s15;
	s18 =	sand.u32 $0x1C00, s13;
	(pc) =	sbr.rel @p0 .LBB2_6-.Ltmp2, $4  }
0xa4: {  	v11 =	vor.u32 s14, v0;
	s14 =	smov.u32 s17;
	s16 =	sor.u32 s16, s18;
	vm2 =	vgt.f32 v9, v10;
	v12 =	vmov v9  }
0xa5: {  	v9 =	vld [tilespmem:s16+$0x100];
	vm3 =	vgt.f32 v12, v8;
	v10 =	vsel vm2, v12, v10;
	v6 =	vsel vm2, v11, v6  }
0xa6: {  	v10 =	vsel vm3, v8, v10;
	v6 =	vsel vm3, v7, v6;
	v8 =	vsel vm3, v12, v8  }
0xa7: {  	v7 =	vsel vm3, v11, v7  }
0xa8: {  	_ =	sdelay $0x1  }
0xa9: {  	vm2 =	vgt.f32 v9, v8  }
0xaa: {  	v11 =	vsel vm2, v9, v8  }
0xab: {  	v12 =	vperm.xlane v11, v1;
	_ =	sdelay $0x1  }
0xac: {  	v12 =	vmax.f32 v11, v12  }
0xad: {  	v13 =	vperm.xlane v12, v2;
	_ =	sdelay $0x1  }
0xae: {  	v12 =	vmax.f32 v12, v13  }
0xaf: {  	v13 =	vperm.xlane v12, v3;
	_ =	sdelay $0x1  }
0xb0: {  	v12 =	vmax.f32 v12, v13  }
0xb1: {  	v13 =	vperm.xlane v12, v4;
	_ =	sdelay $0x1  }
0xb2: {  	v14 =	vor.u32 s14, v0;
	v12 =	vmax.f32 v12, v13  }
0xb3: {  	v63 =	vsel vm2, v14, v7;
	vm3 =	veq.f32 v11, v12  }
0xb4: {  	v15 =	vnsel vm3, $0x400, v63  }
0xb5: {  	v16 =	vperm.xlane v15, v1;
	_ =	sdelay $0x1  }
0xb6: {  	vm4 =	vlt.s32 v15, v16  }
0xb7: {  	v15 =	vsel vm4, v15, v16  }
0xb8: {  	v16 =	vperm.xlane v15, v2;
	_ =	sdelay $0x1  }
0xb9: {  	vm4 =	vlt.s32 v15, v16  }
0xba: {  	v15 =	vsel vm4, v15, v16  }
0xbb: {  	v16 =	vperm.xlane v15, v3;
	_ =	sdelay $0x1  }
0xbc: {  	vm4 =	vlt.s32 v15, v16  }
0xbd: {  	v15 =	vsel vm4, v15, v16  }
0xbe: {  	v16 =	vperm.xlane v15, v4;
	_ =	sdelay $0x1  }
0xbf: {  	vm4 =	vlt.s32 v15, v16  }
0xc0: {  	vm15 =	vgt.f32 v9, v10;
	v15 =	vsel vm4, v15, v16  }
0xc1: {  	v9 =	vsel vm15, v9, v10;
	vm5 =	veq.s32 v63, v15  }
0xc2: {  	v8 =	vsel vm2, v8, v9;
	vm3 =	vmand vm3, vm5  }
0xc3: {  	v8 =	vsel vm3, v8, v11  }
0xc4: {  	v9 =	vperm.xlane v8, v1;
	_ =	sdelay $0x1  }
0xc5: {  	v9 =	vmax.f32 v8, v9  }
0xc6: {  	v10 =	vperm.xlane v9, v2;
	_ =	sdelay $0x1  }
0xc7: {  	v9 =	vmax.f32 v9, v10  }
0xc8: {  	v10 =	vperm.xlane v9, v3;
	_ =	sdelay $0x1  }
0xc9: {  	v9 =	vmax.f32 v9, v10  }
0xca: {  	v10 =	vperm.xlane v9, v4;
	_ =	sdelay $0x1  }
0xcb: {  	v9 =	vmax.f32 v9, v10  }
0xcc: {  	v10 =	vsub.f32 v9, v12;
	_ =	sdelay $0x1  }
0xcd: {  	v10 =	vmul.f32 $1.442695020e+00, v10;
	_ =	sdelay $0x1  }
0xce: {  	(erf) = vpow2.f32 v10;
	_ =	sdelay $0x2  }
0xcf: {  	v6 =	vsel vm15, v14, v6  }
0xd0: {  	v6 =	vsel vm2, v7, v6  }
0xd1: {  	v6 =	vsel vm3, v6, v63;
	vm2 =	veq.f32 v8, v9  }
0xd2: {  	v6 =	vnsel vm2, $0x400, v6  }
0xd3: {  	v7 =	vperm.xlane v6, v1;
	_ =	sdelay $0x1  }
0xd4: {  	vm2 =	vlt.s32 v6, v7;
	v8 =	vpop (erf)  }
0xd5: {  	v6 =	vsel vm2, v6, v7;
	v7 =	vadd.f32 $1.000000000e+00, v8  }
0xd6: {  	v9 =	vperm.xlane v6, v2  }
0xd7: {  	(erf) = vrcp.f32 v7  }
0xd8: {  	vm2 =	vlt.s32 v6, v9  }
0xd9: {  	v6 =	vsel vm2, v6, v9  }
0xda: {  	v7 =	vperm.xlane v6, v3;
	_ =	sdelay $0x1  }
0xdb: {  	vm2 =	vlt.s32 v6, v7  }
0xdc: {  	v6 =	vsel vm2, v6, v7  }
0xdd: {  	v7 =	vperm.xlane v6, v4;
	_ =	sdelay $0x1  }
0xde: {  	vm2 =	vlt.s32 v6, v7;
	v9 =	vpop (erf)  }
0xdf: {  	v6 =	vsel vm2, v6, v7;
	v7 =	vmul.f32 v9, v8  }
0xe0: {  	v6 =	vsel vm0, $0x0, v6  }
0xe1: {  	s13 =	simm.s32 $0x0;
	v6 =	vsel vm1, v15, v6;
	v7 =	vsel vm0, $0x0, v7  }
0xe2: {  	s31 =	sand.u32 $0x70, s13;
	s15 =	sand.u32 $0x1C00, s13;
	[tilespmem:$0x4100] =	vst v6;
	v7 =	vsel vm1, v9, v7  }
0xe3: {  	s14 =	sor.u32 s31, s15;
	[tilespmem:$0x4900] =	vst v7  }
0xe4: {  	v9 =	vld [tilespmem:s14+$0x180]  }
0xe5: {  	s15 =	simm.s32 $0x10;
	v10 =	vmovc v5;
	v6 =	vimm.s32 $0x400;
	v8 =	vmov v5;
	v7 =	vimm.s32 $0x400;
	s14 =	simm.s32 $0x0  }
.LBB2_8:
0xe6: {  	s16 =	sand.u32 $0x70, s15  }
0xe7: {  	s13 =	sadd.s32 $0x80, s13;
	s17 =	smov.u32 s15;
	p0 =	sne.s32 s15, $0x3F0  }
.Ltmp3:
0xe8: {  	s15 =	sadd.s32 $0x10, s15;
	s18 =	sand.u32 $0x1C00, s13;
	(pc) =	sbr.rel @p0 .LBB2_8-.Ltmp3, $4  }
0xe9: {  	v11 =	vor.u32 s14, v0;
	s14 =	smov.u32 s17;
	s16 =	sor.u32 s16, s18;
	vm2 =	vgt.f32 v9, v10;
	v12 =	vmov v9  }
0xea: {  	v9 =	vld [tilespmem:s16+$0x180];
	vm3 =	vgt.f32 v12, v8;
	v10 =	vsel vm2, v12, v10;
	v6 =	vsel vm2, v11, v6  }
0xeb: {  	v10 =	vsel vm3, v8, v10;
	v6 =	vsel vm3, v7, v6;
	v8 =	vsel vm3, v12, v8  }
0xec: {  	v7 =	vsel vm3, v11, v7  }
0xed: {  	_ =	sdelay $0x1  }
0xee: {  	vm2 =	vgt.f32 v9, v8  }
0xef: {  	v11 =	vsel vm2, v9, v8  }
0xf0: {  	v12 =	vperm.xlane v11, v1;
	_ =	sdelay $0x1  }
0xf1: {  	v12 =	vmax.f32 v11, v12  }
0xf2: {  	v13 =	vperm.xlane v12, v2;
	_ =	sdelay $0x1  }
0xf3: {  	v12 =	vmax.f32 v12, v13  }
0xf4: {  	v13 =	vperm.xlane v12, v3;
	_ =	sdelay $0x1  }
0xf5: {  	v12 =	vmax.f32 v12, v13  }
0xf6: {  	v13 =	vperm.xlane v12, v4;
	_ =	sdelay $0x1  }
0xf7: {  	v14 =	vor.u32 s14, v0;
	v12 =	vmax.f32 v12, v13  }
0xf8: {  	v63 =	vsel vm2, v14, v7;
	vm3 =	veq.f32 v11, v12  }
0xf9: {  	v15 =	vnsel vm3, $0x400, v63  }
0xfa: {  	v16 =	vperm.xlane v15, v1;
	_ =	sdelay $0x1  }
0xfb: {  	vm4 =	vlt.s32 v15, v16  }
0xfc: {  	v15 =	vsel vm4, v15, v16  }
0xfd: {  	v16 =	vperm.xlane v15, v2;
	_ =	sdelay $0x1  }
0xfe: {  	vm4 =	vlt.s32 v15, v16  }
0xff: {  	v15 =	vsel vm4, v15, v16  }
0x100: {  	v16 =	vperm.xlane v15, v3;
	_ =	sdelay $0x1  }
0x101: {  	vm4 =	vlt.s32 v15, v16  }
0x102: {  	v15 =	vsel vm4, v15, v16  }
0x103: {  	v16 =	vperm.xlane v15, v4;
	_ =	sdelay $0x1  }
0x104: {  	vm4 =	vlt.s32 v15, v16  }
0x105: {  	vm15 =	vgt.f32 v9, v10;
	v15 =	vsel vm4, v15, v16  }
0x106: {  	v9 =	vsel vm15, v9, v10;
	vm5 =	veq.s32 v63, v15  }
0x107: {  	v8 =	vsel vm2, v8, v9;
	vm3 =	vmand vm3, vm5  }
0x108: {  	v8 =	vsel vm3, v8, v11  }
0x109: {  	v9 =	vperm.xlane v8, v1;
	_ =	sdelay $0x1  }
0x10a: {  	v9 =	vmax.f32 v8, v9  }
0x10b: {  	v10 =	vperm.xlane v9, v2;
	_ =	sdelay $0x1  }
0x10c: {  	v9 =	vmax.f32 v9, v10  }
0x10d: {  	v10 =	vperm.xlane v9, v3;
	_ =	sdelay $0x1  }
0x10e: {  	v9 =	vmax.f32 v9, v10  }
0x10f: {  	v10 =	vperm.xlane v9, v4;
	_ =	sdelay $0x1  }
0x110: {  	v9 =	vmax.f32 v9, v10  }
0x111: {  	v10 =	vsub.f32 v9, v12;
	_ =	sdelay $0x1  }
0x112: {  	v10 =	vmul.f32 $1.442695020e+00, v10;
	_ =	sdelay $0x1  }
0x113: {  	(erf) = vpow2.f32 v10;
	_ =	sdelay $0x2  }
0x114: {  	v6 =	vsel vm15, v14, v6  }
0x115: {  	v6 =	vsel vm2, v7, v6  }
0x116: {  	v6 =	vsel vm3, v6, v63;
	vm2 =	veq.f32 v8, v9  }
0x117: {  	v6 =	vnsel vm2, $0x400, v6  }
0x118: {  	v7 =	vperm.xlane v6, v1;
	_ =	sdelay $0x1  }
0x119: {  	vm2 =	vlt.s32 v6, v7;
	v8 =	vpop (erf)  }
0x11a: {  	v6 =	vsel vm2, v6, v7;
	v7 =	vadd.f32 $1.000000000e+00, v8  }
0x11b: {  	v9 =	vperm.xlane v6, v2  }
0x11c: {  	(erf) = vrcp.f32 v7  }
0x11d: {  	vm2 =	vlt.s32 v6, v9  }
0x11e: {  	v6 =	vsel vm2, v6, v9  }
0x11f: {  	v7 =	vperm.xlane v6, v3;
	_ =	sdelay $0x1  }
0x120: {  	vm2 =	vlt.s32 v6, v7  }
0x121: {  	v6 =	vsel vm2, v6, v7  }
0x122: {  	v7 =	vperm.xlane v6, v4;
	_ =	sdelay $0x1  }
0x123: {  	vm2 =	vlt.s32 v6, v7;
	v9 =	vpop (erf)  }
0x124: {  	v6 =	vsel vm2, v6, v7;
	v7 =	vmul.f32 v9, v8  }
0x125: {  	v6 =	vsel vm0, $0x0, v6  }
0x126: {  	s13 =	simm.s32 $0x0;
	v6 =	vsel vm1, v15, v6;
	v7 =	vsel vm0, $0x0, v7  }
0x127: {  	s31 =	sand.u32 $0x70, s13;
	s15 =	sand.u32 $0x1C00, s13;
	[tilespmem:$0x4180] =	vst v6;
	v7 =	vsel vm1, v9, v7  }
0x128: {  	s14 =	sor.u32 s31, s15;
	[tilespmem:$0x4980] =	vst v7  }
0x129: {  	v9 =	vld [tilespmem:s14+$0x200]  }
0x12a: {  	s15 =	simm.s32 $0x10;
	v10 =	vmovc v5;
	v6 =	vimm.s32 $0x400;
	v8 =	vmov v5;
	v7 =	vimm.s32 $0x400;
	s14 =	simm.s32 $0x0  }
.LBB2_10:
0x12b: {  	s16 =	sand.u32 $0x70, s15  }
0x12c: {  	s13 =	sadd.s32 $0x80, s13;
	s17 =	smov.u32 s15;
	p0 =	sne.s32 s15, $0x3F0  }
.Ltmp4:
0x12d: {  	s15 =	sadd.s32 $0x10, s15;
	s18 =	sand.u32 $0x1C00, s13;
	(pc) =	sbr.rel @p0 .LBB2_10-.Ltmp4, $4  }
0x12e: {  	v11 =	vor.u32 s14, v0;
	s14 =	smov.u32 s17;
	s16 =	sor.u32 s16, s18;
	vm2 =	vgt.f32 v9, v10;
	v12 =	vmov v9  }
0x12f: {  	v9 =	vld [tilespmem:s16+$0x200];
	vm3 =	vgt.f32 v12, v8;
	v10 =	vsel vm2, v12, v10;
	v6 =	vsel vm2, v11, v6  }
0x130: {  	v10 =	vsel vm3, v8, v10;
	v6 =	vsel vm3, v7, v6;
	v8 =	vsel vm3, v12, v8  }
0x131: {  	v7 =	vsel vm3, v11, v7  }
0x132: {  	_ =	sdelay $0x1  }
0x133: {  	vm2 =	vgt.f32 v9, v8  }
0x134: {  	v11 =	vsel vm2, v9, v8  }
0x135: {  	v12 =	vperm.xlane v11, v1;
	_ =	sdelay $0x1  }
0x136: {  	v12 =	vmax.f32 v11, v12  }
0x137: {  	v13 =	vperm.xlane v12, v2;
	_ =	sdelay $0x1  }
0x138: {  	v12 =	vmax.f32 v12, v13  }
0x139: {  	v13 =	vperm.xlane v12, v3;
	_ =	sdelay $0x1  }
0x13a: {  	v12 =	vmax.f32 v12, v13  }
0x13b: {  	v13 =	vperm.xlane v12, v4;
	_ =	sdelay $0x1  }
0x13c: {  	v14 =	vor.u32 s14, v0;
	v12 =	vmax.f32 v12, v13  }
0x13d: {  	v63 =	vsel vm2, v14, v7;
	vm3 =	veq.f32 v11, v12  }
0x13e: {  	v15 =	vnsel vm3, $0x400, v63  }
0x13f: {  	v16 =	vperm.xlane v15, v1;
	_ =	sdelay $0x1  }
0x140: {  	vm4 =	vlt.s32 v15, v16  }
0x141: {  	v15 =	vsel vm4, v15, v16  }
0x142: {  	v16 =	vperm.xlane v15, v2;
	_ =	sdelay $0x1  }
0x143: {  	vm4 =	vlt.s32 v15, v16  }
0x144: {  	v15 =	vsel vm4, v15, v16  }
0x145: {  	v16 =	vperm.xlane v15, v3;
	_ =	sdelay $0x1  }
0x146: {  	vm4 =	vlt.s32 v15, v16  }
0x147: {  	v15 =	vsel vm4, v15, v16  }
0x148: {  	v16 =	vperm.xlane v15, v4;
	_ =	sdelay $0x1  }
0x149: {  	vm4 =	vlt.s32 v15, v16  }
0x14a: {  	vm15 =	vgt.f32 v9, v10;
	v15 =	vsel vm4, v15, v16  }
0x14b: {  	v9 =	vsel vm15, v9, v10;
	vm5 =	veq.s32 v63, v15  }
0x14c: {  	v8 =	vsel vm2, v8, v9;
	vm3 =	vmand vm3, vm5  }
0x14d: {  	v8 =	vsel vm3, v8, v11  }
0x14e: {  	v9 =	vperm.xlane v8, v1;
	_ =	sdelay $0x1  }
0x14f: {  	v9 =	vmax.f32 v8, v9  }
0x150: {  	v10 =	vperm.xlane v9, v2;
	_ =	sdelay $0x1  }
0x151: {  	v9 =	vmax.f32 v9, v10  }
0x152: {  	v10 =	vperm.xlane v9, v3;
	_ =	sdelay $0x1  }
0x153: {  	v9 =	vmax.f32 v9, v10  }
0x154: {  	v10 =	vperm.xlane v9, v4;
	_ =	sdelay $0x1  }
0x155: {  	v9 =	vmax.f32 v9, v10  }
0x156: {  	v10 =	vsub.f32 v9, v12;
	_ =	sdelay $0x1  }
0x157: {  	v10 =	vmul.f32 $1.442695020e+00, v10;
	_ =	sdelay $0x1  }
0x158: {  	(erf) = vpow2.f32 v10;
	_ =	sdelay $0x2  }
0x159: {  	v6 =	vsel vm15, v14, v6  }
0x15a: {  	v6 =	vsel vm2, v7, v6  }
0x15b: {  	v6 =	vsel vm3, v6, v63;
	vm2 =	veq.f32 v8, v9  }
0x15c: {  	v6 =	vnsel vm2, $0x400, v6  }
0x15d: {  	v7 =	vperm.xlane v6, v1;
	_ =	sdelay $0x1  }
0x15e: {  	vm2 =	vlt.s32 v6, v7;
	v8 =	vpop (erf)  }
0x15f: {  	v6 =	vsel vm2, v6, v7;
	v7 =	vadd.f32 $1.000000000e+00, v8  }
0x160: {  	v9 =	vperm.xlane v6, v2  }
0x161: {  	(erf) = vrcp.f32 v7  }
0x162: {  	vm2 =	vlt.s32 v6, v9  }
0x163: {  	v6 =	vsel vm2, v6, v9  }
0x164: {  	v7 =	vperm.xlane v6, v3;
	_ =	sdelay $0x1  }
0x165: {  	vm2 =	vlt.s32 v6, v7  }
0x166: {  	v6 =	vsel vm2, v6, v7  }
0x167: {  	v7 =	vperm.xlane v6, v4;
	_ =	sdelay $0x1  }
0x168: {  	vm2 =	vlt.s32 v6, v7;
	v9 =	vpop (erf)  }
0x169: {  	v6 =	vsel vm2, v6, v7;
	v7 =	vmul.f32 v9, v8  }
0x16a: {  	v6 =	vsel vm0, $0x0, v6  }
0x16b: {  	s13 =	simm.s32 $0x0;
	v6 =	vsel vm1, v15, v6;
	v7 =	vsel vm0, $0x0, v7  }
0x16c: {  	s31 =	sand.u32 $0x70, s13;
	s15 =	sand.u32 $0x1C00, s13;
	[tilespmem:$0x4200] =	vst v6;
	v7 =	vsel vm1, v9, v7  }
0x16d: {  	s14 =	sor.u32 s31, s15;
	[tilespmem:$0x4A00] =	vst v7  }
0x16e: {  	v9 =	vld [tilespmem:s14+$0x280]  }
0x16f: {  	s15 =	simm.s32 $0x10;
	v10 =	vmovc v5;
	v6 =	vimm.s32 $0x400;
	v8 =	vmov v5;
	v7 =	vimm.s32 $0x400;
	s14 =	simm.s32 $0x0  }
.LBB2_12:
0x170: {  	s16 =	sand.u32 $0x70, s15  }
0x171: {  	s13 =	sadd.s32 $0x80, s13;
	s17 =	smov.u32 s15;
	p0 =	sne.s32 s15, $0x3F0  }
.Ltmp5:
0x172: {  	s15 =	sadd.s32 $0x10, s15;
	s18 =	sand.u32 $0x1C00, s13;
	(pc) =	sbr.rel @p0 .LBB2_12-.Ltmp5, $4  }
0x173: {  	v11 =	vor.u32 s14, v0;
	s14 =	smov.u32 s17;
	s16 =	sor.u32 s16, s18;
	vm2 =	vgt.f32 v9, v10;
	v12 =	vmov v9  }
0x174: {  	v9 =	vld [tilespmem:s16+$0x280];
	vm3 =	vgt.f32 v12, v8;
	v10 =	vsel vm2, v12, v10;
	v6 =	vsel vm2, v11, v6  }
0x175: {  	v10 =	vsel vm3, v8, v10;
	v6 =	vsel vm3, v7, v6;
	v8 =	vsel vm3, v12, v8  }
0x176: {  	v7 =	vsel vm3, v11, v7  }
0x177: {  	_ =	sdelay $0x1  }
0x178: {  	vm2 =	vgt.f32 v9, v8  }
0x179: {  	v11 =	vsel vm2, v9, v8  }
0x17a: {  	v12 =	vperm.xlane v11, v1;
	_ =	sdelay $0x1  }
0x17b: {  	v12 =	vmax.f32 v11, v12  }
0x17c: {  	v13 =	vperm.xlane v12, v2;
	_ =	sdelay $0x1  }
0x17d: {  	v12 =	vmax.f32 v12, v13  }
0x17e: {  	v13 =	vperm.xlane v12, v3;
	_ =	sdelay $0x1  }
0x17f: {  	v12 =	vmax.f32 v12, v13  }
0x180: {  	v13 =	vperm.xlane v12, v4;
	_ =	sdelay $0x1  }
0x181: {  	v14 =	vor.u32 s14, v0;
	v12 =	vmax.f32 v12, v13  }
0x182: {  	v63 =	vsel vm2, v14, v7;
	vm3 =	veq.f32 v11, v12  }
0x183: {  	v15 =	vnsel vm3, $0x400, v63  }
0x184: {  	v16 =	vperm.xlane v15, v1;
	_ =	sdelay $0x1  }
0x185: {  	vm4 =	vlt.s32 v15, v16  }
0x186: {  	v15 =	vsel vm4, v15, v16  }
0x187: {  	v16 =	vperm.xlane v15, v2;
	_ =	sdelay $0x1  }
0x188: {  	vm4 =	vlt.s32 v15, v16  }
0x189: {  	v15 =	vsel vm4, v15, v16  }
0x18a: {  	v16 =	vperm.xlane v15, v3;
	_ =	sdelay $0x1  }
0x18b: {  	vm4 =	vlt.s32 v15, v16  }
0x18c: {  	v15 =	vsel vm4, v15, v16  }
0x18d: {  	v16 =	vperm.xlane v15, v4;
	_ =	sdelay $0x1  }
0x18e: {  	vm4 =	vlt.s32 v15, v16  }
0x18f: {  	vm15 =	vgt.f32 v9, v10;
	v15 =	vsel vm4, v15, v16  }
0x190: {  	v9 =	vsel vm15, v9, v10;
	vm5 =	veq.s32 v63, v15  }
0x191: {  	v8 =	vsel vm2, v8, v9;
	vm3 =	vmand vm3, vm5  }
0x192: {  	v8 =	vsel vm3, v8, v11  }
0x193: {  	v9 =	vperm.xlane v8, v1;
	_ =	sdelay $0x1  }
0x194: {  	v9 =	vmax.f32 v8, v9  }
0x195: {  	v10 =	vperm.xlane v9, v2;
	_ =	sdelay $0x1  }
0x196: {  	v9 =	vmax.f32 v9, v10  }
0x197: {  	v10 =	vperm.xlane v9, v3;
	_ =	sdelay $0x1  }
0x198: {  	v9 =	vmax.f32 v9, v10  }
0x199: {  	v10 =	vperm.xlane v9, v4;
	_ =	sdelay $0x1  }
0x19a: {  	v9 =	vmax.f32 v9, v10  }
0x19b: {  	v10 =	vsub.f32 v9, v12;
	_ =	sdelay $0x1  }
0x19c: {  	v10 =	vmul.f32 $1.442695020e+00, v10;
	_ =	sdelay $0x1  }
0x19d: {  	(erf) = vpow2.f32 v10;
	_ =	sdelay $0x2  }
0x19e: {  	v6 =	vsel vm15, v14, v6  }
0x19f: {  	v6 =	vsel vm2, v7, v6  }
0x1a0: {  	v6 =	vsel vm3, v6, v63;
	vm2 =	veq.f32 v8, v9  }
0x1a1: {  	v6 =	vnsel vm2, $0x400, v6  }
0x1a2: {  	v7 =	vperm.xlane v6, v1;
	_ =	sdelay $0x1  }
0x1a3: {  	vm2 =	vlt.s32 v6, v7;
	v8 =	vpop (erf)  }
0x1a4: {  	v6 =	vsel vm2, v6, v7;
	v7 =	vadd.f32 $1.000000000e+00, v8  }
0x1a5: {  	v9 =	vperm.xlane v6, v2  }
0x1a6: {  	(erf) = vrcp.f32 v7  }
0x1a7: {  	vm2 =	vlt.s32 v6, v9  }
0x1a8: {  	v6 =	vsel vm2, v6, v9  }
0x1a9: {  	v7 =	vperm.xlane v6, v3;
	_ =	sdelay $0x1  }
0x1aa: {  	vm2 =	vlt.s32 v6, v7  }
0x1ab: {  	v6 =	vsel vm2, v6, v7  }
0x1ac: {  	v7 =	vperm.xlane v6, v4;
	_ =	sdelay $0x1  }
0x1ad: {  	vm2 =	vlt.s32 v6, v7;
	v9 =	vpop (erf)  }
0x1ae: {  	v6 =	vsel vm2, v6, v7;
	v7 =	vmul.f32 v9, v8  }
0x1af: {  	v6 =	vsel vm0, $0x0, v6  }
0x1b0: {  	s13 =	simm.s32 $0x0;
	v6 =	vsel vm1, v15, v6;
	v7 =	vsel vm0, $0x0, v7  }
0x1b1: {  	s31 =	sand.u32 $0x70, s13;
	s15 =	sand.u32 $0x1C00, s13;
	[tilespmem:$0x4280] =	vst v6;
	v7 =	vsel vm1, v9, v7  }
0x1b2: {  	s14 =	sor.u32 s31, s15;
	[tilespmem:$0x4A80] =	vst v7  }
0x1b3: {  	v9 =	vld [tilespmem:s14+$0x300]  }
0x1b4: {  	s15 =	simm.s32 $0x10;
	v10 =	vmovc v5;
	v6 =	vimm.s32 $0x400;
	v8 =	vmov v5;
	v7 =	vimm.s32 $0x400;
	s14 =	simm.s32 $0x0  }
.LBB2_14:
0x1b5: {  	s16 =	sand.u32 $0x70, s15  }
0x1b6: {  	s13 =	sadd.s32 $0x80, s13;
	s17 =	smov.u32 s15;
	p0 =	sne.s32 s15, $0x3F0  }
.Ltmp6:
0x1b7: {  	s15 =	sadd.s32 $0x10, s15;
	s18 =	sand.u32 $0x1C00, s13;
	(pc) =	sbr.rel @p0 .LBB2_14-.Ltmp6, $4  }
0x1b8: {  	v11 =	vor.u32 s14, v0;
	s14 =	smov.u32 s17;
	s16 =	sor.u32 s16, s18;
	vm2 =	vgt.f32 v9, v10;
	v12 =	vmov v9  }
0x1b9: {  	v9 =	vld [tilespmem:s16+$0x300];
	vm3 =	vgt.f32 v12, v8;
	v10 =	vsel vm2, v12, v10;
	v6 =	vsel vm2, v11, v6  }
0x1ba: {  	v10 =	vsel vm3, v8, v10;
	v6 =	vsel vm3, v7, v6;
	v8 =	vsel vm3, v12, v8  }
0x1bb: {  	v7 =	vsel vm3, v11, v7  }
0x1bc: {  	_ =	sdelay $0x1  }
0x1bd: {  	vm2 =	vgt.f32 v9, v8  }
0x1be: {  	v11 =	vsel vm2, v9, v8  }
0x1bf: {  	v12 =	vperm.xlane v11, v1;
	_ =	sdelay $0x1  }
0x1c0: {  	v12 =	vmax.f32 v11, v12  }
0x1c1: {  	v13 =	vperm.xlane v12, v2;
	_ =	sdelay $0x1  }
0x1c2: {  	v12 =	vmax.f32 v12, v13  }
0x1c3: {  	v13 =	vperm.xlane v12, v3;
	_ =	sdelay $0x1  }
0x1c4: {  	v12 =	vmax.f32 v12, v13  }
0x1c5: {  	v13 =	vperm.xlane v12, v4;
	_ =	sdelay $0x1  }
0x1c6: {  	v14 =	vor.u32 s14, v0;
	v12 =	vmax.f32 v12, v13  }
0x1c7: {  	v63 =	vsel vm2, v14, v7;
	vm3 =	veq.f32 v11, v12  }
0x1c8: {  	v15 =	vnsel vm3, $0x400, v63  }
0x1c9: {  	v16 =	vperm.xlane v15, v1;
	_ =	sdelay $0x1  }
0x1ca: {  	vm4 =	vlt.s32 v15, v16  }
0x1cb: {  	v15 =	vsel vm4, v15, v16  }
0x1cc: {  	v16 =	vperm.xlane v15, v2;
	_ =	sdelay $0x1  }
0x1cd: {  	vm4 =	vlt.s32 v15, v16  }
0x1ce: {  	v15 =	vsel vm4, v15, v16  }
0x1cf: {  	v16 =	vperm.xlane v15, v3;
	_ =	sdelay $0x1  }
0x1d0: {  	vm4 =	vlt.s32 v15, v16  }
0x1d1: {  	v15 =	vsel vm4, v15, v16  }
0x1d2: {  	v16 =	vperm.xlane v15, v4;
	_ =	sdelay $0x1  }
0x1d3: {  	vm4 =	vlt.s32 v15, v16  }
0x1d4: {  	vm15 =	vgt.f32 v9, v10;
	v15 =	vsel vm4, v15, v16  }
0x1d5: {  	v9 =	vsel vm15, v9, v10;
	vm5 =	veq.s32 v63, v15  }
0x1d6: {  	v8 =	vsel vm2, v8, v9;
	vm3 =	vmand vm3, vm5  }
0x1d7: {  	v8 =	vsel vm3, v8, v11  }
0x1d8: {  	v9 =	vperm.xlane v8, v1;
	_ =	sdelay $0x1  }
0x1d9: {  	v9 =	vmax.f32 v8, v9  }
0x1da: {  	v10 =	vperm.xlane v9, v2;
	_ =	sdelay $0x1  }
0x1db: {  	v9 =	vmax.f32 v9, v10  }
0x1dc: {  	v10 =	vperm.xlane v9, v3;
	_ =	sdelay $0x1  }
0x1dd: {  	v9 =	vmax.f32 v9, v10  }
0x1de: {  	v10 =	vperm.xlane v9, v4;
	_ =	sdelay $0x1  }
0x1df: {  	v9 =	vmax.f32 v9, v10  }
0x1e0: {  	v10 =	vsub.f32 v9, v12;
	_ =	sdelay $0x1  }
0x1e1: {  	v10 =	vmul.f32 $1.442695020e+00, v10;
	_ =	sdelay $0x1  }
0x1e2: {  	(erf) = vpow2.f32 v10;
	_ =	sdelay $0x2  }
0x1e3: {  	v6 =	vsel vm15, v14, v6  }
0x1e4: {  	v6 =	vsel vm2, v7, v6  }
0x1e5: {  	v6 =	vsel vm3, v6, v63;
	vm2 =	veq.f32 v8, v9  }
0x1e6: {  	v6 =	vnsel vm2, $0x400, v6  }
0x1e7: {  	v7 =	vperm.xlane v6, v1;
	_ =	sdelay $0x1  }
0x1e8: {  	vm2 =	vlt.s32 v6, v7;
	v8 =	vpop (erf)  }
0x1e9: {  	v6 =	vsel vm2, v6, v7;
	v7 =	vadd.f32 $1.000000000e+00, v8  }
0x1ea: {  	v9 =	vperm.xlane v6, v2  }
0x1eb: {  	(erf) = vrcp.f32 v7  }
0x1ec: {  	vm2 =	vlt.s32 v6, v9  }
0x1ed: {  	v6 =	vsel vm2, v6, v9  }
0x1ee: {  	v7 =	vperm.xlane v6, v3;
	_ =	sdelay $0x1  }
0x1ef: {  	vm2 =	vlt.s32 v6, v7  }
0x1f0: {  	v6 =	vsel vm2, v6, v7  }
0x1f1: {  	v7 =	vperm.xlane v6, v4;
	_ =	sdelay $0x1  }
0x1f2: {  	vm2 =	vlt.s32 v6, v7;
	v9 =	vpop (erf)  }
0x1f3: {  	v6 =	vsel vm2, v6, v7;
	v7 =	vmul.f32 v9, v8  }
0x1f4: {  	v6 =	vsel vm0, $0x0, v6  }
0x1f5: {  	s13 =	simm.s32 $0x0;
	v6 =	vsel vm1, v15, v6;
	v7 =	vsel vm0, $0x0, v7  }
0x1f6: {  	s31 =	sor.u32 s13, s13;
	[tilespmem:$0x4300] =	vst v6;
	v7 =	vsel vm1, v9, v7  }
0x1f7: {  	s15 =	sor.u32 $0x380, s31;
	[tilespmem:$0x4B00] =	vst v7  }
0x1f8: {  	v9 =	vld [tilespmem:s15+$0x0];
	_ =	sdelay $0x1  }
0x1f9: {  	s14 =	simm.s32 $0x10;
	v10 =	vmovc v5;
	v6 =	vimm.s32 $0x400;
	v8 =	vmov v5;
	v7 =	vimm.s32 $0x400;
	s15 =	simm.s32 $0x80  }
.LBB2_16:
0x1fa: {  	s16 =	sor.u32 s15, s14  }
0x1fb: {  	p0 =	sne.s32 s14, $0x3F0;
	s17 =	smov.u32 s14;
	s14 =	sadd.s32 $0x10, s14  }
.Ltmp7:
0x1fc: {  	v11 =	vor.u32 s13, v0;
	s16 =	sor.u32 $0x380, s16;
	vm2 =	vgt.f32 v9, v10;
	v12 =	vmov v9;
	s13 =	smov.u32 s17;
	(pc) =	sbr.rel @p0 .LBB2_16-.Ltmp7, $4  }
0x1fd: {  	v9 =	vld [tilespmem:s16+$0x0];
	vm3 =	vgt.f32 v12, v8;
	v10 =	vsel vm2, v12, v10;
	v6 =	vsel vm2, v11, v6  }
0x1fe: {  	v10 =	vsel vm3, v8, v10;
	v6 =	vsel vm3, v7, v6;
	v8 =	vsel vm3, v12, v8  }
0x1ff: {  	v7 =	vsel vm3, v11, v7  }
0x200: {  	s15 =	sadd.s32 $0x80, s15  }
0x201: {  	_ = 	snop  }
0x202: {  	vm2 =	vgt.f32 v9, v8  }
0x203: {  	v11 =	vsel vm2, v9, v8  }
0x204: {  	v12 =	vperm.xlane v11, v1;
	_ =	sdelay $0x1  }
0x205: {  	v12 =	vmax.f32 v11, v12  }
0x206: {  	v13 =	vperm.xlane v12, v2;
	_ =	sdelay $0x1  }
0x207: {  	v12 =	vmax.f32 v12, v13  }
0x208: {  	v13 =	vperm.xlane v12, v3;
	_ =	sdelay $0x1  }
0x209: {  	v12 =	vmax.f32 v12, v13  }
0x20a: {  	v13 =	vperm.xlane v12, v4;
	_ =	sdelay $0x1  }
0x20b: {  	v14 =	vor.u32 s13, v0;
	v12 =	vmax.f32 v12, v13  }
0x20c: {  	v63 =	vsel vm2, v14, v7;
	vm3 =	veq.f32 v11, v12  }
0x20d: {  	v15 =	vnsel vm3, $0x400, v63  }
0x20e: {  	v16 =	vperm.xlane v15, v1;
	_ =	sdelay $0x1  }
0x20f: {  	vm4 =	vlt.s32 v15, v16  }
0x210: {  	v15 =	vsel vm4, v15, v16  }
0x211: {  	v16 =	vperm.xlane v15, v2;
	_ =	sdelay $0x1  }
0x212: {  	vm4 =	vlt.s32 v15, v16  }
0x213: {  	v15 =	vsel vm4, v15, v16  }
0x214: {  	v16 =	vperm.xlane v15, v3;
	_ =	sdelay $0x1  }
0x215: {  	vm4 =	vlt.s32 v15, v16  }
0x216: {  	v15 =	vsel vm4, v15, v16  }
0x217: {  	v16 =	vperm.xlane v15, v4;
	_ =	sdelay $0x1  }
0x218: {  	vm4 =	vlt.s32 v15, v16  }
0x219: {  	vm15 =	vgt.f32 v9, v10;
	v15 =	vsel vm4, v15, v16  }
0x21a: {  	v9 =	vsel vm15, v9, v10;
	vm5 =	veq.s32 v63, v15  }
0x21b: {  	v8 =	vsel vm2, v8, v9;
	vm3 =	vmand vm3, vm5  }
0x21c: {  	v8 =	vsel vm3, v8, v11  }
0x21d: {  	v9 =	vperm.xlane v8, v1;
	_ =	sdelay $0x1  }
0x21e: {  	v9 =	vmax.f32 v8, v9  }
0x21f: {  	v10 =	vperm.xlane v9, v2;
	_ =	sdelay $0x1  }
0x220: {  	v9 =	vmax.f32 v9, v10  }
0x221: {  	v10 =	vperm.xlane v9, v3;
	_ =	sdelay $0x1  }
0x222: {  	v9 =	vmax.f32 v9, v10  }
0x223: {  	v10 =	vperm.xlane v9, v4;
	_ =	sdelay $0x1  }
0x224: {  	v9 =	vmax.f32 v9, v10  }
0x225: {  	v10 =	vsub.f32 v9, v12;
	_ =	sdelay $0x1  }
0x226: {  	v10 =	vmul.f32 $1.442695020e+00, v10;
	_ =	sdelay $0x1  }
0x227: {  	(erf) = vpow2.f32 v10;
	_ =	sdelay $0x2  }
0x228: {  	v6 =	vsel vm15, v14, v6  }
0x229: {  	v6 =	vsel vm2, v7, v6  }
0x22a: {  	v6 =	vsel vm3, v6, v63;
	vm2 =	veq.f32 v8, v9  }
0x22b: {  	v6 =	vnsel vm2, $0x400, v6  }
0x22c: {  	v7 =	vperm.xlane v6, v1;
	_ =	sdelay $0x1  }
0x22d: {  	vm2 =	vlt.s32 v6, v7;
	v8 =	vpop (erf)  }
0x22e: {  	v6 =	vsel vm2, v6, v7;
	v7 =	vadd.f32 $1.000000000e+00, v8  }
0x22f: {  	v9 =	vperm.xlane v6, v2  }
0x230: {  	(erf) = vrcp.f32 v7  }
0x231: {  	vm2 =	vlt.s32 v6, v9  }
0x232: {  	v6 =	vsel vm2, v6, v9  }
0x233: {  	v7 =	vperm.xlane v6, v3;
	_ =	sdelay $0x1  }
0x234: {  	vm2 =	vlt.s32 v6, v7  }
0x235: {  	v6 =	vsel vm2, v6, v7  }
0x236: {  	v7 =	vperm.xlane v6, v4;
	_ =	sdelay $0x1  }
0x237: {  	vm2 =	vlt.s32 v6, v7;
	v9 =	vpop (erf)  }
0x238: {  	v6 =	vsel vm2, v6, v7;
	v7 =	vmul.f32 v9, v8  }
0x239: {  	v6 =	vsel vm0, $0x0, v6  }
0x23a: {  	s13 =	simm.s32 $0x0;
	v6 =	vsel vm1, v15, v6;
	v7 =	vsel vm0, $0x0, v7  }
0x23b: {  	s14 =	sand.u32 $0x70, s13;
	s15 =	sand.u32 $0x1C00, s13;
	[tilespmem:$0x4380] =	vst v6;
	v7 =	vsel vm1, v9, v7  }
0x23c: {  	s14 =	sor.u32 s14, s15;
	[tilespmem:$0x4B80] =	vst v7  }
0x23d: {  	v9 =	vld [tilespmem:s14+$0x2000]  }
0x23e: {  	s15 =	simm.s32 $0x10;
	v10 =	vmovc v5;
	v6 =	vimm.s32 $0x400;
	v8 =	vmov v5;
	v7 =	vimm.s32 $0x400;
	s14 =	simm.s32 $0x0  }
.LBB2_18:
0x23f: {  	s16 =	sand.u32 $0x70, s15  }
0x240: {  	s13 =	sadd.s32 $0x80, s13;
	s17 =	smov.u32 s15;
	p0 =	sne.s32 s15, $0x3F0  }
.Ltmp8:
0x241: {  	s15 =	sadd.s32 $0x10, s15;
	s18 =	sand.u32 $0x1C00, s13;
	(pc) =	sbr.rel @p0 .LBB2_18-.Ltmp8, $4  }
0x242: {  	v11 =	vor.u32 s14, v0;
	s14 =	smov.u32 s17;
	s16 =	sor.u32 s16, s18;
	vm2 =	vgt.f32 v9, v10;
	v12 =	vmov v9  }
0x243: {  	v9 =	vld [tilespmem:s16+$0x2000];
	vm3 =	vgt.f32 v12, v8;
	v10 =	vsel vm2, v12, v10;
	v6 =	vsel vm2, v11, v6  }
0x244: {  	v10 =	vsel vm3, v8, v10;
	v6 =	vsel vm3, v7, v6;
	v8 =	vsel vm3, v12, v8  }
0x245: {  	v7 =	vsel vm3, v11, v7  }
0x246: {  	_ =	sdelay $0x1  }
0x247: {  	vm2 =	vgt.f32 v9, v8  }
0x248: {  	v11 =	vsel vm2, v9, v8  }
0x249: {  	v12 =	vperm.xlane v11, v1;
	_ =	sdelay $0x1  }
0x24a: {  	v12 =	vmax.f32 v11, v12  }
0x24b: {  	v13 =	vperm.xlane v12, v2;
	_ =	sdelay $0x1  }
0x24c: {  	v12 =	vmax.f32 v12, v13  }
0x24d: {  	v13 =	vperm.xlane v12, v3;
	_ =	sdelay $0x1  }
0x24e: {  	v12 =	vmax.f32 v12, v13  }
0x24f: {  	v13 =	vperm.xlane v12, v4;
	_ =	sdelay $0x1  }
0x250: {  	v14 =	vor.u32 s14, v0;
	v12 =	vmax.f32 v12, v13  }
0x251: {  	v63 =	vsel vm2, v14, v7;
	vm3 =	veq.f32 v11, v12  }
0x252: {  	v15 =	vnsel vm3, $0x400, v63  }
0x253: {  	v16 =	vperm.xlane v15, v1;
	_ =	sdelay $0x1  }
0x254: {  	vm4 =	vlt.s32 v15, v16  }
0x255: {  	v15 =	vsel vm4, v15, v16  }
0x256: {  	v16 =	vperm.xlane v15, v2;
	_ =	sdelay $0x1  }
0x257: {  	vm4 =	vlt.s32 v15, v16  }
0x258: {  	v15 =	vsel vm4, v15, v16  }
0x259: {  	v16 =	vperm.xlane v15, v3;
	_ =	sdelay $0x1  }
0x25a: {  	vm4 =	vlt.s32 v15, v16  }
0x25b: {  	v15 =	vsel vm4, v15, v16  }
0x25c: {  	v16 =	vperm.xlane v15, v4;
	_ =	sdelay $0x1  }
0x25d: {  	vm4 =	vlt.s32 v15, v16  }
0x25e: {  	vm15 =	vgt.f32 v9, v10;
	v15 =	vsel vm4, v15, v16  }
0x25f: {  	v9 =	vsel vm15, v9, v10;
	vm5 =	veq.s32 v63, v15  }
0x260: {  	v8 =	vsel vm2, v8, v9;
	vm3 =	vmand vm3, vm5  }
0x261: {  	v8 =	vsel vm3, v8, v11  }
0x262: {  	v9 =	vperm.xlane v8, v1;
	_ =	sdelay $0x1  }
0x263: {  	v9 =	vmax.f32 v8, v9  }
0x264: {  	v10 =	vperm.xlane v9, v2;
	_ =	sdelay $0x1  }
0x265: {  	v9 =	vmax.f32 v9, v10  }
0x266: {  	v10 =	vperm.xlane v9, v3;
	_ =	sdelay $0x1  }
0x267: {  	v9 =	vmax.f32 v9, v10  }
0x268: {  	v10 =	vperm.xlane v9, v4;
	_ =	sdelay $0x1  }
0x269: {  	v9 =	vmax.f32 v9, v10  }
0x26a: {  	v10 =	vsub.f32 v9, v12;
	_ =	sdelay $0x1  }
0x26b: {  	v10 =	vmul.f32 $1.442695020e+00, v10;
	_ =	sdelay $0x1  }
0x26c: {  	(erf) = vpow2.f32 v10;
	_ =	sdelay $0x2  }
0x26d: {  	v6 =	vsel vm15, v14, v6  }
0x26e: {  	v6 =	vsel vm2, v7, v6  }
0x26f: {  	v6 =	vsel vm3, v6, v63;
	vm2 =	veq.f32 v8, v9  }
0x270: {  	v6 =	vnsel vm2, $0x400, v6  }
0x271: {  	v7 =	vperm.xlane v6, v1;
	_ =	sdelay $0x1  }
0x272: {  	vm2 =	vlt.s32 v6, v7;
	v8 =	vpop (erf)  }
0x273: {  	v6 =	vsel vm2, v6, v7;
	v7 =	vadd.f32 $1.000000000e+00, v8  }
0x274: {  	v9 =	vperm.xlane v6, v2  }
0x275: {  	(erf) = vrcp.f32 v7  }
0x276: {  	vm2 =	vlt.s32 v6, v9  }
0x277: {  	v6 =	vsel vm2, v6, v9  }
0x278: {  	v7 =	vperm.xlane v6, v3;
	_ =	sdelay $0x1  }
0x279: {  	vm2 =	vlt.s32 v6, v7  }
0x27a: {  	v6 =	vsel vm2, v6, v7  }
0x27b: {  	v7 =	vperm.xlane v6, v4;
	_ =	sdelay $0x1  }
0x27c: {  	vm2 =	vlt.s32 v6, v7;
	v9 =	vpop (erf)  }
0x27d: {  	v6 =	vsel vm2, v6, v7;
	v7 =	vmul.f32 v9, v8  }
0x27e: {  	v6 =	vsel vm0, $0x0, v6  }
0x27f: {  	s13 =	simm.s32 $0x0;
	v6 =	vsel vm1, v15, v6;
	v7 =	vsel vm0, $0x0, v7  }
0x280: {  	s31 =	sand.u32 $0x70, s13;
	s15 =	sand.u32 $0x1C00, s13;
	[tilespmem:$0x4400] =	vst v6;
	v7 =	vsel vm1, v9, v7  }
0x281: {  	s14 =	sor.u32 s31, s15;
	[tilespmem:$0x4C00] =	vst v7  }
0x282: {  	v9 =	vld [tilespmem:s14+$0x2080]  }
0x283: {  	s15 =	simm.s32 $0x10;
	v10 =	vmovc v5;
	v6 =	vimm.s32 $0x400;
	v8 =	vmov v5;
	v7 =	vimm.s32 $0x400;
	s14 =	simm.s32 $0x0  }
.LBB2_20:
0x284: {  	s16 =	sand.u32 $0x70, s15  }
0x285: {  	s13 =	sadd.s32 $0x80, s13;
	s17 =	smov.u32 s15;
	p0 =	sne.s32 s15, $0x3F0  }
.Ltmp9:
0x286: {  	s15 =	sadd.s32 $0x10, s15;
	s18 =	sand.u32 $0x1C00, s13;
	(pc) =	sbr.rel @p0 .LBB2_20-.Ltmp9, $4  }
0x287: {  	v11 =	vor.u32 s14, v0;
	s14 =	smov.u32 s17;
	s16 =	sor.u32 s16, s18;
	vm2 =	vgt.f32 v9, v10;
	v12 =	vmov v9  }
0x288: {  	v9 =	vld [tilespmem:s16+$0x2080];
	vm3 =	vgt.f32 v12, v8;
	v10 =	vsel vm2, v12, v10;
	v6 =	vsel vm2, v11, v6  }
0x289: {  	v10 =	vsel vm3, v8, v10;
	v6 =	vsel vm3, v7, v6;
	v8 =	vsel vm3, v12, v8  }
0x28a: {  	v7 =	vsel vm3, v11, v7  }
0x28b: {  	_ =	sdelay $0x1  }
0x28c: {  	vm2 =	vgt.f32 v9, v8  }
0x28d: {  	v11 =	vsel vm2, v9, v8  }
0x28e: {  	v12 =	vperm.xlane v11, v1;
	_ =	sdelay $0x1  }
0x28f: {  	v12 =	vmax.f32 v11, v12  }
0x290: {  	v13 =	vperm.xlane v12, v2;
	_ =	sdelay $0x1  }
0x291: {  	v12 =	vmax.f32 v12, v13  }
0x292: {  	v13 =	vperm.xlane v12, v3;
	_ =	sdelay $0x1  }
0x293: {  	v12 =	vmax.f32 v12, v13  }
0x294: {  	v13 =	vperm.xlane v12, v4;
	_ =	sdelay $0x1  }
0x295: {  	v14 =	vor.u32 s14, v0;
	v12 =	vmax.f32 v12, v13  }
0x296: {  	v63 =	vsel vm2, v14, v7;
	vm3 =	veq.f32 v11, v12  }
0x297: {  	v15 =	vnsel vm3, $0x400, v63  }
0x298: {  	v16 =	vperm.xlane v15, v1;
	_ =	sdelay $0x1  }
0x299: {  	vm4 =	vlt.s32 v15, v16  }
0x29a: {  	v15 =	vsel vm4, v15, v16  }
0x29b: {  	v16 =	vperm.xlane v15, v2;
	_ =	sdelay $0x1  }
0x29c: {  	vm4 =	vlt.s32 v15, v16  }
0x29d: {  	v15 =	vsel vm4, v15, v16  }
0x29e: {  	v16 =	vperm.xlane v15, v3;
	_ =	sdelay $0x1  }
0x29f: {  	vm4 =	vlt.s32 v15, v16  }
0x2a0: {  	v15 =	vsel vm4, v15, v16  }
0x2a1: {  	v16 =	vperm.xlane v15, v4;
	_ =	sdelay $0x1  }
0x2a2: {  	vm4 =	vlt.s32 v15, v16  }
0x2a3: {  	vm15 =	vgt.f32 v9, v10;
	v15 =	vsel vm4, v15, v16  }
0x2a4: {  	v9 =	vsel vm15, v9, v10;
	vm5 =	veq.s32 v63, v15  }
0x2a5: {  	v8 =	vsel vm2, v8, v9;
	vm3 =	vmand vm3, vm5  }
0x2a6: {  	v8 =	vsel vm3, v8, v11  }
0x2a7: {  	v9 =	vperm.xlane v8, v1;
	_ =	sdelay $0x1  }
0x2a8: {  	v9 =	vmax.f32 v8, v9  }
0x2a9: {  	v10 =	vperm.xlane v9, v2;
	_ =	sdelay $0x1  }
0x2aa: {  	v9 =	vmax.f32 v9, v10  }
0x2ab: {  	v10 =	vperm.xlane v9, v3;
	_ =	sdelay $0x1  }
0x2ac: {  	v9 =	vmax.f32 v9, v10  }
0x2ad: {  	v10 =	vperm.xlane v9, v4;
	_ =	sdelay $0x1  }
0x2ae: {  	v9 =	vmax.f32 v9, v10  }
0x2af: {  	v10 =	vsub.f32 v9, v12;
	_ =	sdelay $0x1  }
0x2b0: {  	v10 =	vmul.f32 $1.442695020e+00, v10;
	_ =	sdelay $0x1  }
0x2b1: {  	(erf) = vpow2.f32 v10;
	_ =	sdelay $0x2  }
0x2b2: {  	v6 =	vsel vm15, v14, v6  }
0x2b3: {  	v6 =	vsel vm2, v7, v6  }
0x2b4: {  	v6 =	vsel vm3, v6, v63;
	vm2 =	veq.f32 v8, v9  }
0x2b5: {  	v6 =	vnsel vm2, $0x400, v6  }
0x2b6: {  	v7 =	vperm.xlane v6, v1;
	_ =	sdelay $0x1  }
0x2b7: {  	vm2 =	vlt.s32 v6, v7;
	v8 =	vpop (erf)  }
0x2b8: {  	v6 =	vsel vm2, v6, v7;
	v7 =	vadd.f32 $1.000000000e+00, v8  }
0x2b9: {  	v9 =	vperm.xlane v6, v2  }
0x2ba: {  	(erf) = vrcp.f32 v7  }
0x2bb: {  	vm2 =	vlt.s32 v6, v9  }
0x2bc: {  	v6 =	vsel vm2, v6, v9  }
0x2bd: {  	v7 =	vperm.xlane v6, v3;
	_ =	sdelay $0x1  }
0x2be: {  	vm2 =	vlt.s32 v6, v7  }
0x2bf: {  	v6 =	vsel vm2, v6, v7  }
0x2c0: {  	v7 =	vperm.xlane v6, v4;
	_ =	sdelay $0x1  }
0x2c1: {  	vm2 =	vlt.s32 v6, v7;
	v9 =	vpop (erf)  }
0x2c2: {  	v6 =	vsel vm2, v6, v7;
	v7 =	vmul.f32 v9, v8  }
0x2c3: {  	v6 =	vsel vm0, $0x0, v6  }
0x2c4: {  	s13 =	simm.s32 $0x0;
	v6 =	vsel vm1, v15, v6;
	v7 =	vsel vm0, $0x0, v7  }
0x2c5: {  	s31 =	sand.u32 $0x70, s13;
	s15 =	sand.u32 $0x1C00, s13;
	[tilespmem:$0x4480] =	vst v6;
	v7 =	vsel vm1, v9, v7  }
0x2c6: {  	s14 =	sor.u32 s31, s15;
	[tilespmem:$0x4C80] =	vst v7  }
0x2c7: {  	v9 =	vld [tilespmem:s14+$0x2100]  }
0x2c8: {  	s15 =	simm.s32 $0x10;
	v10 =	vmovc v5;
	v6 =	vimm.s32 $0x400;
	v8 =	vmov v5;
	v7 =	vimm.s32 $0x400;
	s14 =	simm.s32 $0x0  }
.LBB2_22:
0x2c9: {  	s16 =	sand.u32 $0x70, s15  }
0x2ca: {  	s13 =	sadd.s32 $0x80, s13;
	s17 =	smov.u32 s15;
	p0 =	sne.s32 s15, $0x3F0  }
.Ltmp10:
0x2cb: {  	s15 =	sadd.s32 $0x10, s15;
	s18 =	sand.u32 $0x1C00, s13;
	(pc) =	sbr.rel @p0 .LBB2_22-.Ltmp10, $4  }
0x2cc: {  	v11 =	vor.u32 s14, v0;
	s14 =	smov.u32 s17;
	s16 =	sor.u32 s16, s18;
	vm2 =	vgt.f32 v9, v10;
	v12 =	vmov v9  }
0x2cd: {  	v9 =	vld [tilespmem:s16+$0x2100];
	vm3 =	vgt.f32 v12, v8;
	v10 =	vsel vm2, v12, v10;
	v6 =	vsel vm2, v11, v6  }
0x2ce: {  	v10 =	vsel vm3, v8, v10;
	v6 =	vsel vm3, v7, v6;
	v8 =	vsel vm3, v12, v8  }
0x2cf: {  	v7 =	vsel vm3, v11, v7  }
0x2d0: {  	_ =	sdelay $0x1  }
0x2d1: {  	vm2 =	vgt.f32 v9, v8  }
0x2d2: {  	v11 =	vsel vm2, v9, v8  }
0x2d3: {  	v12 =	vperm.xlane v11, v1;
	_ =	sdelay $0x1  }
0x2d4: {  	v12 =	vmax.f32 v11, v12  }
0x2d5: {  	v13 =	vperm.xlane v12, v2;
	_ =	sdelay $0x1  }
0x2d6: {  	v12 =	vmax.f32 v12, v13  }
0x2d7: {  	v13 =	vperm.xlane v12, v3;
	_ =	sdelay $0x1  }
0x2d8: {  	v12 =	vmax.f32 v12, v13  }
0x2d9: {  	v13 =	vperm.xlane v12, v4;
	_ =	sdelay $0x1  }
0x2da: {  	v14 =	vor.u32 s14, v0;
	v12 =	vmax.f32 v12, v13  }
0x2db: {  	v63 =	vsel vm2, v14, v7;
	vm3 =	veq.f32 v11, v12  }
0x2dc: {  	v15 =	vnsel vm3, $0x400, v63  }
0x2dd: {  	v16 =	vperm.xlane v15, v1;
	_ =	sdelay $0x1  }
0x2de: {  	vm4 =	vlt.s32 v15, v16  }
0x2df: {  	v15 =	vsel vm4, v15, v16  }
0x2e0: {  	v16 =	vperm.xlane v15, v2;
	_ =	sdelay $0x1  }
0x2e1: {  	vm4 =	vlt.s32 v15, v16  }
0x2e2: {  	v15 =	vsel vm4, v15, v16  }
0x2e3: {  	v16 =	vperm.xlane v15, v3;
	_ =	sdelay $0x1  }
0x2e4: {  	vm4 =	vlt.s32 v15, v16  }
0x2e5: {  	v15 =	vsel vm4, v15, v16  }
0x2e6: {  	v16 =	vperm.xlane v15, v4;
	_ =	sdelay $0x1  }
0x2e7: {  	vm4 =	vlt.s32 v15, v16  }
0x2e8: {  	vm15 =	vgt.f32 v9, v10;
	v15 =	vsel vm4, v15, v16  }
0x2e9: {  	v9 =	vsel vm15, v9, v10;
	vm5 =	veq.s32 v63, v15  }
0x2ea: {  	v8 =	vsel vm2, v8, v9;
	vm3 =	vmand vm3, vm5  }
0x2eb: {  	v8 =	vsel vm3, v8, v11  }
0x2ec: {  	v9 =	vperm.xlane v8, v1;
	_ =	sdelay $0x1  }
0x2ed: {  	v9 =	vmax.f32 v8, v9  }
0x2ee: {  	v10 =	vperm.xlane v9, v2;
	_ =	sdelay $0x1  }
0x2ef: {  	v9 =	vmax.f32 v9, v10  }
0x2f0: {  	v10 =	vperm.xlane v9, v3;
	_ =	sdelay $0x1  }
0x2f1: {  	v9 =	vmax.f32 v9, v10  }
0x2f2: {  	v10 =	vperm.xlane v9, v4;
	_ =	sdelay $0x1  }
0x2f3: {  	v9 =	vmax.f32 v9, v10  }
0x2f4: {  	v10 =	vsub.f32 v9, v12;
	_ =	sdelay $0x1  }
0x2f5: {  	v10 =	vmul.f32 $1.442695020e+00, v10;
	_ =	sdelay $0x1  }
0x2f6: {  	(erf) = vpow2.f32 v10;
	_ =	sdelay $0x2  }
0x2f7: {  	v6 =	vsel vm15, v14, v6  }
0x2f8: {  	v6 =	vsel vm2, v7, v6  }
0x2f9: {  	v6 =	vsel vm3, v6, v63;
	vm2 =	veq.f32 v8, v9  }
0x2fa: {  	v6 =	vnsel vm2, $0x400, v6  }
0x2fb: {  	v7 =	vperm.xlane v6, v1;
	_ =	sdelay $0x1  }
0x2fc: {  	vm2 =	vlt.s32 v6, v7;
	v8 =	vpop (erf)  }
0x2fd: {  	v6 =	vsel vm2, v6, v7;
	v7 =	vadd.f32 $1.000000000e+00, v8  }
0x2fe: {  	v9 =	vperm.xlane v6, v2  }
0x2ff: {  	(erf) = vrcp.f32 v7  }
0x300: {  	vm2 =	vlt.s32 v6, v9  }
0x301: {  	v6 =	vsel vm2, v6, v9  }
0x302: {  	v7 =	vperm.xlane v6, v3;
	_ =	sdelay $0x1  }
0x303: {  	vm2 =	vlt.s32 v6, v7  }
0x304: {  	v6 =	vsel vm2, v6, v7  }
0x305: {  	v7 =	vperm.xlane v6, v4;
	_ =	sdelay $0x1  }
0x306: {  	vm2 =	vlt.s32 v6, v7;
	v9 =	vpop (erf)  }
0x307: {  	v6 =	vsel vm2, v6, v7;
	v7 =	vmul.f32 v9, v8  }
0x308: {  	v6 =	vsel vm0, $0x0, v6  }
0x309: {  	s13 =	simm.s32 $0x0;
	v6 =	vsel vm1, v15, v6;
	v7 =	vsel vm0, $0x0, v7  }
0x30a: {  	s31 =	sand.u32 $0x70, s13;
	s15 =	sand.u32 $0x1C00, s13;
	[tilespmem:$0x4500] =	vst v6;
	v7 =	vsel vm1, v9, v7  }
0x30b: {  	s14 =	sor.u32 s31, s15;
	[tilespmem:$0x4D00] =	vst v7  }
0x30c: {  	v9 =	vld [tilespmem:s14+$0x2180]  }
0x30d: {  	s15 =	simm.s32 $0x10;
	v6 =	vimm.s32 $0x400;
	v8 =	vmov v5;
	v7 =	vimm.s32 $0x400;
	s14 =	simm.s32 $0x0  }
.LBB2_24:
0x30e: {  	s16 =	sand.u32 $0x70, s15  }
0x30f: {  	s13 =	sadd.s32 $0x80, s13;
	s17 =	smov.u32 s15;
	p0 =	sne.s32 s15, $0x3F0  }
.Ltmp11:
0x310: {  	s15 =	sadd.s32 $0x10, s15;
	s18 =	sand.u32 $0x1C00, s13;
	(pc) =	sbr.rel @p0 .LBB2_24-.Ltmp11, $4  }
0x311: {  	v10 =	vor.u32 s14, v0;
	s14 =	smov.u32 s17;
	s16 =	sor.u32 s16, s18;
	vm2 =	vgt.f32 v9, v5;
	v11 =	vmov v9  }
0x312: {  	v9 =	vld [tilespmem:s16+$0x2180];
	vm3 =	vgt.f32 v11, v8;
	v5 =	vsel vm2, v11, v5;
	v6 =	vsel vm2, v10, v6  }
0x313: {  	v5 =	vsel vm3, v8, v5;
	v6 =	vsel vm3, v7, v6;
	v8 =	vsel vm3, v11, v8  }
0x314: {  	v7 =	vsel vm3, v10, v7  }
0x315: {  	_ =	sdelay $0x1  }
0x316: {  	vm2 =	vgt.f32 v9, v8  }
0x317: {  	v10 =	vsel vm2, v9, v8  }
0x318: {  	v11 =	vperm.xlane v10, v1;
	_ =	sdelay $0x1  }
0x319: {  	v11 =	vmax.f32 v10, v11  }
0x31a: {  	v12 =	vperm.xlane v11, v2;
	_ =	sdelay $0x1  }
0x31b: {  	v11 =	vmax.f32 v11, v12  }
0x31c: {  	v12 =	vperm.xlane v11, v3;
	_ =	sdelay $0x1  }
0x31d: {  	v11 =	vmax.f32 v11, v12  }
0x31e: {  	v12 =	vperm.xlane v11, v4;
	_ =	sdelay $0x1  }
0x31f: {  	v13 =	vor.u32 s14, v0;
	v11 =	vmax.f32 v11, v12  }
0x320: {  	v59 =	vsel vm2, v13, v7;
	vm3 =	veq.f32 v10, v11  }
0x321: {  	v14 =	vnsel vm3, $0x400, v59  }
0x322: {  	v15 =	vperm.xlane v14, v1;
	_ =	sdelay $0x1  }
0x323: {  	vm4 =	vlt.s32 v14, v15  }
0x324: {  	v14 =	vsel vm4, v14, v15  }
0x325: {  	v15 =	vperm.xlane v14, v2;
	_ =	sdelay $0x1  }
0x326: {  	vm4 =	vlt.s32 v14, v15  }
0x327: {  	v14 =	vsel vm4, v14, v15  }
0x328: {  	v15 =	vperm.xlane v14, v3;
	_ =	sdelay $0x1  }
0x329: {  	vm4 =	vlt.s32 v14, v15  }
0x32a: {  	v14 =	vsel vm4, v14, v15  }
0x32b: {  	v15 =	vperm.xlane v14, v4;
	_ =	sdelay $0x1  }
0x32c: {  	vm4 =	vlt.s32 v14, v15  }
0x32d: {  	vm15 =	vgt.f32 v9, v5;
	v14 =	vsel vm4, v14, v15  }
0x32e: {  	v5 =	vsel vm15, v9, v5;
	vm5 =	veq.s32 v59, v14  }
0x32f: {  	v5 =	vsel vm2, v8, v5;
	vm3 =	vmand vm3, vm5  }
0x330: {  	v5 =	vsel vm3, v5, v10  }
0x331: {  	v60 =	vperm.xlane v5, v1;
	_ =	sdelay $0x1  }
0x332: {  	v8 =	vmax.f32 v5, v60  }
0x333: {  	v61 =	vperm.xlane v8, v2;
	_ =	sdelay $0x1  }
0x334: {  	v8 =	vmax.f32 v8, v61  }
0x335: {  	v9 =	vperm.xlane v8, v3;
	_ =	sdelay $0x1  }
0x336: {  	v8 =	vmax.f32 v8, v9  }
0x337: {  	v9 =	vperm.xlane v8, v4;
	_ =	sdelay $0x1  }
0x338: {  	v8 =	vmax.f32 v8, v9  }
0x339: {  	v9 =	vsub.f32 v8, v11;
	_ =	sdelay $0x1  }
0x33a: {  	v9 =	vmul.f32 $1.442695020e+00, v9;
	_ =	sdelay $0x1  }
0x33b: {  	(erf) = vpow2.f32 v9;
	_ =	sdelay $0x2  }
0x33c: {  	v6 =	vsel vm15, v13, v6  }
0x33d: {  	v6 =	vsel vm2, v7, v6  }
0x33e: {  	v6 =	vsel vm3, v6, v59;
	vm2 =	veq.f32 v5, v8  }
0x33f: {  	v5 =	vnsel vm2, $0x400, v6  }
0x340: {  	v6 =	vperm.xlane v5, v1;
	_ =	sdelay $0x1  }
0x341: {  	vm2 =	vlt.s32 v5, v6;
	v7 =	vpop (erf)  }
0x342: {  	v5 =	vsel vm2, v5, v6;
	v6 =	vadd.f32 $1.000000000e+00, v7  }
0x343: {  	v62 =	vperm.xlane v5, v2  }
0x344: {  	(erf) = vrcp.f32 v6  }
0x345: {  	vm2 =	vlt.s32 v5, v62  }
0x346: {  	v5 =	vsel vm2, v5, v62  }
0x347: {  	v6 =	vperm.xlane v5, v3;
	_ =	sdelay $0x1  }
0x348: {  	vm2 =	vlt.s32 v5, v6  }
0x349: {  	v5 =	vsel vm2, v5, v6  }
0x34a: {  	v6 =	vperm.xlane v5, v4;
	_ =	sdelay $0x1  }
0x34b: {  	vm2 =	vlt.s32 v5, v6;
	v63 =	vpop (erf)  }
0x34c: {  	v5 =	vsel vm2, v5, v6;
	v6 =	vmul.f32 v63, v7  }
0x34d: {  	v5 =	vsel vm0, $0x0, v5  }
0x34e: {  	v5 =	vsel vm1, v14, v5;
	v6 =	vsel vm0, $0x0, v6  }
0x34f: {  	[tilespmem:$0x4580] =	vst v5;
	v6 =	vsel vm1, v63, v6  }
0x350: {  	[tilespmem:$0x4D80] =	vst v6  }
0x351: {  	[hbm4b:s5+s2] =	stream.linear.scatter [tilespmem:s10], [sflag:$0x1], $0x600, $0x38;
	[tilespmem:$0x5080] =	vst v63  }
0x352: {  	s12 =	sadd.s32 $0x1, s12;
	_ =	swait.ge [sflag:s9], $0x600  }
0x353: {  	p0 =	sne.s32 s12, s7;
	[sflag:s9] =	ssyncset.done $0x0  }
.Ltmp12:
0x354: {  	[sflag:s9] =	ssyncadd.s32 $0xFFFFFA00;
	(pc) =	sbr.rel @p0 .LBB2_1-.Ltmp12, $4  }
0x355: {  	[hbm4b:s6+s2] =	stream.linear.scatter [tilespmem:s11], [sflag:$0x1], $0x600, $0x38;
	[tilespmem:$0x5080] =	vst v63  }
0x356: {  	_ =	swait.ge [sflag:s9], $0x600  }
0x357: {  	[sflag:s9] =	ssyncset.done $0x0  }
0x358: {  	[sflag:s9] =	ssyncadd.s32 $0xFFFFFA00  }
0x359: {  	_ =	sfence.sel $0x180000  }
0x35a: {  	[bflag:$0x0] =	sbarrier.arrive $0xFFFF  }
0x35b: {  	p0 =	sne.s32 s1, $0x0;
	_ =	strace $0x90000047  }
0x35c: {  	s0 =	sadd.s32 @!p0 $0x100000, s0;
	[bflag:$0x2] =	sbarrier.arrive $0xFFFF  }
0x35d: {  	[sflag:s0] =	ssyncadd.tile.s32 @!p0 $0x1;
	_ =	shalt  }
.Lfunc_end2:
_tile_overlayer_lowered:
.L_overlay_start_2:
0x35e: {  	(tag) =	ssettag $0x2  }
0x35f: {  	s0 =	rddreg [dreg:$0x0];
	s2 =	stileid.u32  }
0x360: {  	s1 =	rddreg [dreg:$0x1];
	p0 =	sne.s32 s2, $0x0  }
0x361: {  	s3 =	rddreg [dreg:$0x2];
	[bflag:$0x3] =	sbarrier.arrive $0xFFFF;
	s2 =	simm.s32 @!p0 $0x1C01  }
0x362: {  	[timem:s3], [sflag:s2] =	dma.local @!p0 [hbm:s0], s1  }
0x363: {  	s0 =	simm.s32 @!p0 $0x1  }
0x364: {  	_ =	swait.ge @!p0 [sflag:s0], s1  }
0x365: {  	s1 =	ssub.s32 @!p0 $0x0, s1;
	[sflag:s0] =	ssyncset.done @!p0 $0x0  }
0x366: {  	[sflag:s0] =	ssyncadd.s32 @!p0 s1  }
0x367: {  	[bflag:$0x3] =	sbarrier.arrive $0xFFFF  }
0x368: {  	_ =	shalt  }

</sc_bundles>
